<compile_context>
chip_gen: v7x
topology: tpu7x:2x2x1
jax: 0.10.2.dev20260603
libtpu: 0.0.44.dev20260713+nightly
codegen_flags: <defaults>
</compile_context>

<pallas_src>
import jax
import jax.numpy as jnp
from jax import lax
from jax.experimental import pallas as pl
from jax.experimental.pallas import tpu as pltpu
from jax.experimental.pallas import tpu_sc as plsc

N = 10000
E = 320000
D = 128
OUT = 128
J = 2

NC = 2
NS = 16
NW = NC * NS
EPW = E // NW
CH = 40
NCH = EPW // CH
NCH_P = 252
N_PAD = 10240
RPS = N_PAD // NS

MM_BLOCK = 1000
BN_BLOCK = 1000


def _mm_body(x_ref, w_ref, y_ref):
    y_ref[...] = jnp.dot(x_ref[...], w_ref[...],
                         preferred_element_type=jnp.float32)


def _edge_body(y_hbm, src_hbm, dst_hbm, w_hbm, out_hbm,
               src2, dst4, w2, rows2, msg, acc_sh, sem_g, sem_s, sem_c):
    c = lax.axis_index("c")
    s = lax.axis_index("s")
    wid = s * NC + c

    zeros16 = jnp.zeros((16,), jnp.float32)

    def _zrow(r, carry):
        for j in range(OUT // 16):
            msg[r, pl.ds(16 * j, 16)] = zeros16
        return carry
    lax.fori_loop(0, CH, _zrow, 0)
    for b in range(RPS // CH):
        pltpu.sync_copy(msg, acc_sh.at[pl.ds(s * RPS + b * CH, CH), :])
    plsc.subcore_barrier()

    def _fire_gather(buf):
        pltpu.async_copy(y_hbm.at[src2.at[buf, pl.ds(0, 24)]],
                         rows2.at[buf, pl.ds(0, 24)], sem_g)
        pltpu.async_copy(y_hbm.at[src2.at[buf, pl.ds(24, 16)]],
                         rows2.at[buf, pl.ds(24, 16)], sem_g)

    def _wait_gather(buf):
        pltpu.make_async_copy(y_hbm.at[src2.at[buf, pl.ds(0, 24)]],
                              rows2.at[buf, pl.ds(0, 24)], sem_g).wait()
        pltpu.make_async_copy(y_hbm.at[src2.at[buf, pl.ds(24, 16)]],
                              rows2.at[buf, pl.ds(24, 16)], sem_g).wait()

    def _body(q, b, db, wait_scatter):
        nb = 1 - b
        pltpu.make_async_copy(src_hbm.at[wid, q + 1], src2.at[nb],
                              sem_s).wait()
        pltpu.make_async_copy(dst_hbm.at[wid, q + 1], dst4.at[(db + 1) % 4],
                              sem_s).wait()
        pltpu.make_async_copy(w_hbm.at[wid, q + 1], w2.at[nb], sem_s).wait()
        _fire_gather(nb)

        _wait_gather(b)

        if wait_scatter:
            pltpu.make_async_copy(out_hbm.at[c, pl.ds(0, CH), :], msg,
                                  sem_c).wait()

        rv = rows2.at[b]
        wv = w2.at[b]

        def _edge(m, kcarry):
            w0 = wv[m]
            w1 = wv[CH + m]
            for j in range(OUT // 16):
                a = rv[m, pl.ds(16 * j, 16)]
                bb = rv[m, pl.ds(OUT + 16 * j, 16)]
                msg[m, pl.ds(16 * j, 16)] = w0 * a + w1 * bb
            return kcarry
        lax.fori_loop(0, CH, _edge, 0)

        pltpu.async_copy(msg, acc_sh.at[dst4.at[db]], sem_c, add=True)
        pltpu.async_copy(src_hbm.at[wid, q + 2], src2.at[b], sem_s)
        pltpu.async_copy(dst_hbm.at[wid, q + 2], dst4.at[(db + 2) % 4], sem_s)
        pltpu.async_copy(w_hbm.at[wid, q + 2], w2.at[b], sem_s)

    pltpu.sync_copy(src_hbm.at[wid, 0], src2.at[0])
    pltpu.sync_copy(dst_hbm.at[wid, 0], dst4.at[0])
    pltpu.sync_copy(w_hbm.at[wid, 0], w2.at[0])
    _fire_gather(0)
    pltpu.async_copy(src_hbm.at[wid, 1], src2.at[1], sem_s)
    pltpu.async_copy(dst_hbm.at[wid, 1], dst4.at[1], sem_s)
    pltpu.async_copy(w_hbm.at[wid, 1], w2.at[1], sem_s)

    for u in range(4):
        _body(u, u % 2, u % 4, u >= 1)

    def _group(i, carry):
        for u in range(4):
            _body(4 * i + u, u % 2, u % 4, True)
        return carry
    lax.fori_loop(1, NCH_P // 4, _group, 0)

    _wait_gather(0)
    pltpu.make_async_copy(src_hbm.at[wid, NCH_P + 1], src2.at[1],
                          sem_s).wait()
    pltpu.make_async_copy(dst_hbm.at[wid, NCH_P + 1], dst4.at[1],
                          sem_s).wait()
    pltpu.make_async_copy(w_hbm.at[wid, NCH_P + 1], w2.at[1], sem_s).wait()
    pltpu.make_async_copy(out_hbm.at[c, pl.ds(0, CH), :], msg,
                          sem_c).wait()

    plsc.subcore_barrier()
    pltpu.sync_copy(acc_sh.at[pl.ds(s * RPS, RPS), :],
                    out_hbm.at[c, pl.ds(s * RPS, RPS), :])


def _bn_stats_body(p_ref, b_ref, lin_ref, st_ref, acc_ref):
    i = pl.program_id(0)
    sm = jnp.sum(p_ref[...], axis=0) + b_ref[0]
    lin_ref[...] = sm
    blk = jnp.stack([jnp.sum(sm, axis=0), jnp.sum(sm * sm, axis=0)])

    @pl.when(i == 0)
    def _():
        acc_ref[...] = blk

    @pl.when(i > 0)
    def _():
        acc_ref[...] = acc_ref[...] + blk

    @pl.when(i == pl.num_programs(0) - 1)
    def _():
        st_ref[...] = acc_ref[...]


def _bn_norm_body(lin_ref, st_ref, g_ref, bb_ref, o_ref):
    inv_n = jnp.float32(1.0 / N)
    mean = st_ref[0] * inv_n
    var = st_ref[1] * inv_n - mean * mean
    scale = lax.rsqrt(var + jnp.float32(1e-5)) * g_ref[0]
    o_ref[...] = (lin_ref[...] - mean) * scale + bb_ref[0]


def kernel(x, W, edge_index, fc_w, fc_b, bn_gamma, bn_beta):
    wm = fc_w.reshape(OUT, J, D).transpose(2, 1, 0).reshape(D, J * OUT)
    npad = NCH_P + 2 - NCH
    src_r = jnp.pad(edge_index[0].reshape(NW, NCH, CH),
                    ((0, 0), (0, npad), (0, 0)))
    dst_r = jnp.pad(edge_index[1].reshape(NW, NCH, CH),
                    ((0, 0), (0, npad), (0, 0)))
    w_r = jnp.pad(jnp.broadcast_to(
        W.reshape(NW, NCH, CH, J).transpose(0, 1, 3, 2)
         .reshape(NW, NCH, J * CH, 1),
        (NW, NCH, J * CH, 16)).astype(jnp.float32),
        ((0, 0), (0, npad), (0, 0), (0, 0)))

    y = pl.pallas_call(
        _mm_body,
        grid=(N // MM_BLOCK,),
        in_specs=[
            pl.BlockSpec((MM_BLOCK, D), lambda i: (i, 0)),
            pl.BlockSpec((D, J * OUT), lambda i: (0, 0)),
        ],
        out_specs=pl.BlockSpec((MM_BLOCK, J * OUT), lambda i: (i, 0)),
        out_shape=jax.ShapeDtypeStruct((N, J * OUT), jnp.float32),
    )(x, wm)

    mesh = plsc.VectorSubcoreMesh(core_axis_name="c", subcore_axis_name="s",
                                  num_cores=NC)
    partials = pl.kernel(
        _edge_body,
        out_type=jax.ShapeDtypeStruct((NC, N_PAD, OUT), jnp.float32),
        mesh=mesh,
        scratch_types=[
            pltpu.VMEM((2, CH), jnp.int32),
            pltpu.VMEM((4, CH), jnp.int32),
            pltpu.VMEM((2, J * CH, 16), jnp.float32),
            pltpu.VMEM((2, CH, J * OUT), jnp.float32),
            pltpu.VMEM((CH, OUT), jnp.float32),
            pltpu.VMEM_SHARED((N_PAD, OUT), jnp.float32),
            pltpu.SemaphoreType.DMA,
            pltpu.SemaphoreType.DMA,
            pltpu.SemaphoreType.DMA,
        ],
    )(y, src_r, dst_r, w_r)

    lin, stats = pl.pallas_call(
        _bn_stats_body,
        grid=(N // BN_BLOCK,),
        in_specs=[
            pl.BlockSpec((NC, BN_BLOCK, OUT), lambda i: (0, i, 0)),
            pl.BlockSpec((1, OUT), lambda i: (0, 0)),
        ],
        out_specs=[
            pl.BlockSpec((BN_BLOCK, OUT), lambda i: (i, 0)),
            pl.BlockSpec((2, OUT), lambda i: (0, 0)),
        ],
        out_shape=[
            jax.ShapeDtypeStruct((N, OUT), jnp.float32),
            jax.ShapeDtypeStruct((2, OUT), jnp.float32),
        ],
        scratch_shapes=[pltpu.VMEM((2, OUT), jnp.float32)],
    )(partials[:, :N, :], fc_b.reshape(1, OUT))

    out = pl.pallas_call(
        _bn_norm_body,
        grid=(N // BN_BLOCK,),
        in_specs=[
            pl.BlockSpec((BN_BLOCK, OUT), lambda i: (i, 0)),
            pl.BlockSpec((2, OUT), lambda i: (0, 0)),
            pl.BlockSpec((1, OUT), lambda i: (0, 0)),
            pl.BlockSpec((1, OUT), lambda i: (0, 0)),
        ],
        out_specs=pl.BlockSpec((BN_BLOCK, OUT), lambda i: (i, 0)),
        out_shape=jax.ShapeDtypeStruct((N, OUT), jnp.float32),
    )(lin, stats, bn_gamma.reshape(1, OUT), bn_beta.reshape(1, OUT))
    return out

# --- scband reference (transcript-rebuilt; emitter-appended) ---
"""Pipeline reference for scband-gconv-85126251807217 (READ-ONLY COPY).

The authoritative reference and input builder live on the scoring server;
editing this copy changes nothing except your own understanding.
"""

import jax, jax.numpy as jnp
import numpy as np

N = 10000
E = 320000
D = 128
J = 2
OUT = 128


def setup_inputs(seed: int = 0) -> dict:
    key = jax.random.key(seed)
    ks = jax.random.split(key, 8)
    x = jax.random.normal(ks[0], (N, D), dtype=jnp.float32)
    W = jax.random.normal(ks[1], (E, J), dtype=jnp.float32)
    edge_index = jax.random.randint(ks[2], (2, E), 0, N, dtype=jnp.int32)
    fc_w = jax.random.normal(ks[3], (OUT, J * D), dtype=jnp.float32) * (1.0 / np.sqrt(J * D))
    fc_b = jnp.zeros((OUT,), dtype=jnp.float32)
    bn_gamma = jnp.ones((OUT,), dtype=jnp.float32)
    bn_beta = jnp.zeros((OUT,), dtype=jnp.float32)
    return {"x": x, "W": W, "edge_index": edge_index, "fc_w": fc_w, "fc_b": fc_b, "bn_gamma": bn_gamma, "bn_beta": bn_beta}


def reference(x, W, edge_index, fc_w, fc_b, bn_gamma, bn_beta):
    # DGL update_all with reduce_fc: per-edge messages m0 = w0 * h_src, m1 = w1 * h_src,
    # concatenated along feature dim, then fn.sum reduced onto destination nodes.
    src = edge_index[0]
    dst = edge_index[1]
    h_src = jnp.take(x, src, axis=0)              # gather: [E, D]
    w0 = W[:, 0:1]                                 # [E, 1]
    w1 = W[:, 1:2]                                 # [E, 1]
    m = jnp.concatenate([w0 * h_src, w1 * h_src], axis=1)  # [E, J*D]
    h = jax.ops.segment_sum(m, dst, num_segments=N)         # scatter-add: [N, J*D]
    # node_fc: Linear(J*D -> OUT) + BatchNorm1d (training-mode batch stats)
    out = h @ fc_w.T + fc_b                        # [N, OUT]
    mean = jnp.mean(out, axis=0)
    var = jnp.var(out, axis=0)
    out = (out - mean) / jnp.sqrt(var + 1e-5) * bn_gamma + bn_beta
    return out

if __name__ == "__main__":
    import jax
    _d = setup_inputs()
    print(jax.jit(kernel)(*tuple(_d.values())))

</pallas_src>

<mosaic_0001>
#map = affine_map<(d0, d1) -> (0, 0)>
#map1 = affine_map<(d0, d1) -> (0, 0, 0)>
#map2 = affine_map<(d0, d1) -> (0, 0, 0, 0)>
module attributes {stable_mosaic.version = 14 : i64} {
  func.func @_edge_body(%arg0: i32, %arg1: i32, %arg2: memref<10000x256xf32, #tpu.memory_space<hbm>>, %arg3: memref<32x254x40xi32, #tpu.memory_space<hbm>>, %arg4: memref<32x254x40xi32, #tpu.memory_space<hbm>>, %arg5: memref<32x254x80x16xf32, #tpu.memory_space<hbm>>, %arg6: memref<2x10240x128xf32, #tpu.memory_space<hbm>>, %arg7: memref<2x40xi32, #tpu.memory_space<vmem>>, %arg8: memref<4x40xi32, #tpu.memory_space<vmem>>, %arg9: memref<2x80x16xf32, #tpu.memory_space<vmem>>, %arg10: memref<2x40x256xf32, #tpu.memory_space<vmem>>, %arg11: memref<40x128xf32, #tpu.memory_space<vmem>>, %arg12: memref<10240x128xf32, #tpu.memory_space<vmem_shared>>, %arg13: memref<!tpu.dma_semaphore, #tpu.memory_space<semaphore_mem>>, %arg14: memref<!tpu.dma_semaphore, #tpu.memory_space<semaphore_mem>>, %arg15: memref<!tpu.dma_semaphore, #tpu.memory_space<semaphore_mem>>) attributes {dimension_semantics = [#tpu.dimension_semantics<core_parallel>, #tpu.dimension_semantics<subcore_parallel>], iteration_bounds = array<i64: 2, 16>, scalar_prefetch = 0 : i64, scratch_operands = 9 : i64, tpu.core_type = #tpu.core_type<sc_vector_subcore>, window_params = [{transform_indices = #map}, {transform_indices = #map1}, {transform_indices = #map1}, {transform_indices = #map2}, {transform_indices = #map1}]} {
    %mul3A = arith.constant 2 : i32
    %mul3A_0 = arith.muli %arg1, %mul3A : i32
    %add3A = arith.addi %mul3A_0, %arg0 : i32
    %broadcast_in_dim3A = arith.constant 0.000000e+00 : f32
    %broadcast_in_dim3A_1 = vector.broadcast %broadcast_in_dim3A : f32 to vector<16xf32>
    %scan3A = arith.constant 0 : i32
    %scan3A_2 = arith.constant 0 : i32
    %scan3A_3 = arith.constant 40 : i32
    %scan3A_4 = arith.addi %scan3A_2, %scan3A_3 : i32
    %scan3A_5 = arith.constant 1 : i32
    scf.for %scan3A_877 = %scan3A_2 to %scan3A_4 step %scan3A_5  : i32 {
      %swap3A = arith.index_cast %scan3A_877 : i32 to index
      %swap3A_878 = arith.constant 0 : index
      %swap3A_879 = tpu.vector_load %arg11[%swap3A, %swap3A_878] {strides = array<i32>} : memref<40x128xf32, #tpu.memory_space<vmem>>, vector<1x16xf32>,
      %swap3A_880 = vector.shape_cast %swap3A_879 : vector<1x16xf32> to vector<16xf32>
      %swap3A_881 = vector.shape_cast %broadcast_in_dim3A_1 : vector<16xf32> to vector<1x16xf32>
      tpu.vector_store %arg11[%swap3A, %swap3A_878], %swap3A_881 {strides = array<i32>} : memref<40x128xf32, #tpu.memory_space<vmem>>, vector<1x16xf32>,
      %swap3A_882 = arith.index_cast %scan3A_877 : i32 to index
      %swap3A_883 = arith.constant 16 : index
      %swap3A_884 = tpu.vector_load %arg11[%swap3A_882, %swap3A_883] {strides = array<i32>} : memref<40x128xf32, #tpu.memory_space<vmem>>, vector<1x16xf32>,
      %swap3A_885 = vector.shape_cast %swap3A_884 : vector<1x16xf32> to vector<16xf32>
      %swap3A_886 = vector.shape_cast %broadcast_in_dim3A_1 : vector<16xf32> to vector<1x16xf32>
      tpu.vector_store %arg11[%swap3A_882, %swap3A_883], %swap3A_886 {strides = array<i32>} : memref<40x128xf32, #tpu.memory_space<vmem>>, vector<1x16xf32>,
      %swap3A_887 = arith.index_cast %scan3A_877 : i32 to index
      %swap3A_888 = arith.constant 32 : index
      %swap3A_889 = tpu.vector_load %arg11[%swap3A_887, %swap3A_888] {strides = array<i32>} : memref<40x128xf32, #tpu.memory_space<vmem>>, vector<1x16xf32>,
      %swap3A_890 = vector.shape_cast %swap3A_889 : vector<1x16xf32> to vector<16xf32>
      %swap3A_891 = vector.shape_cast %broadcast_in_dim3A_1 : vector<16xf32> to vector<1x16xf32>
      tpu.vector_store %arg11[%swap3A_887, %swap3A_888], %swap3A_891 {strides = array<i32>} : memref<40x128xf32, #tpu.memory_space<vmem>>, vector<1x16xf32>,
      %swap3A_892 = arith.index_cast %scan3A_877 : i32 to index
      %swap3A_893 = arith.constant 48 : index
      %swap3A_894 = tpu.vector_load %arg11[%swap3A_892, %swap3A_893] {strides = array<i32>} : memref<40x128xf32, #tpu.memory_space<vmem>>, vector<1x16xf32>,
      %swap3A_895 = vector.shape_cast %swap3A_894 : vector<1x16xf32> to vector<16xf32>
      %swap3A_896 = vector.shape_cast %broadcast_in_dim3A_1 : vector<16xf32> to vector<1x16xf32>
      tpu.vector_store %arg11[%swap3A_892, %swap3A_893], %swap3A_896 {strides = array<i32>} : memref<40x128xf32, #tpu.memory_space<vmem>>, vector<1x16xf32>,
      %swap3A_897 = arith.index_cast %scan3A_877 : i32 to index
      %swap3A_898 = arith.constant 64 : index
      %swap3A_899 = tpu.vector_load %arg11[%swap3A_897, %swap3A_898] {strides = array<i32>} : memref<40x128xf32, #tpu.memory_space<vmem>>, vector<1x16xf32>,
      %swap3A_900 = vector.shape_cast %swap3A_899 : vector<1x16xf32> to vector<16xf32>
      %swap3A_901 = vector.shape_cast %broadcast_in_dim3A_1 : vector<16xf32> to vector<1x16xf32>
      tpu.vector_store %arg11[%swap3A_897, %swap3A_898], %swap3A_901 {strides = array<i32>} : memref<40x128xf32, #tpu.memory_space<vmem>>, vector<1x16xf32>,
      %swap3A_902 = arith.index_cast %scan3A_877 : i32 to index
      %swap3A_903 = arith.constant 80 : index
      %swap3A_904 = tpu.vector_load %arg11[%swap3A_902, %swap3A_903] {strides = array<i32>} : memref<40x128xf32, #tpu.memory_space<vmem>>, vector<1x16xf32>,
      %swap3A_905 = vector.shape_cast %swap3A_904 : vector<1x16xf32> to vector<16xf32>
      %swap3A_906 = vector.shape_cast %broadcast_in_dim3A_1 : vector<16xf32> to vector<1x16xf32>
      tpu.vector_store %arg11[%swap3A_902, %swap3A_903], %swap3A_906 {strides = array<i32>} : memref<40x128xf32, #tpu.memory_space<vmem>>, vector<1x16xf32>,
      %swap3A_907 = arith.index_cast %scan3A_877 : i32 to index
      %swap3A_908 = arith.constant 96 : index
      %swap3A_909 = tpu.vector_load %arg11[%swap3A_907, %swap3A_908] {strides = array<i32>} : memref<40x128xf32, #tpu.memory_space<vmem>>, vector<1x16xf32>,
      %swap3A_910 = vector.shape_cast %swap3A_909 : vector<1x16xf32> to vector<16xf32>
      %swap3A_911 = vector.shape_cast %broadcast_in_dim3A_1 : vector<16xf32> to vector<1x16xf32>
      tpu.vector_store %arg11[%swap3A_907, %swap3A_908], %swap3A_911 {strides = array<i32>} : memref<40x128xf32, #tpu.memory_space<vmem>>, vector<1x16xf32>,
      %swap3A_912 = arith.index_cast %scan3A_877 : i32 to index
      %swap3A_913 = arith.constant 112 : index
      %swap3A_914 = tpu.vector_load %arg11[%swap3A_912, %swap3A_913] {strides = array<i32>} : memref<40x128xf32, #tpu.memory_space<vmem>>, vector<1x16xf32>,
      %swap3A_915 = vector.shape_cast %swap3A_914 : vector<1x16xf32> to vector<16xf32>
      %swap3A_916 = vector.shape_cast %broadcast_in_dim3A_1 : vector<16xf32> to vector<1x16xf32>
      tpu.vector_store %arg11[%swap3A_912, %swap3A_913], %swap3A_916 {strides = array<i32>} : memref<40x128xf32, #tpu.memory_space<vmem>>, vector<1x16xf32>,
    }
    %scan3A_6 = arith.constant 40 : i32
    %mul3A_7 = arith.constant 640 : i32
    %mul3A_8 = arith.muli %arg1, %mul3A_7 : i32
    %add3A_9 = arith.constant 0 : i32
    %add3A_10 = arith.addi %mul3A_8, %add3A_9 : i32
    "tpu.region"() ({
      %run_scoped3A_877 = tpu.sem_alloc : memref<!tpu.dma_semaphore, #tpu.memory_space<semaphore_mem>>
      %dma_start3A_878 = arith.constant 0 : i32
      %dma_start3A_879 = tpu.memref_slice %arg12[%add3A_10, %dma_start3A_878] : memref<10240x128xf32, #tpu.memory_space<vmem_shared>> -> memref<40x128xf32, #tpu.memory_space<vmem_shared>>
      %dma_start3A_880 = arith.constant 0 : i32
      %dma_start3A_881 = tpu.memref_slice %arg12[%add3A_10, %dma_start3A_880] : memref<10240x128xf32, #tpu.memory_space<vmem_shared>> -> memref<40x128xf32, #tpu.memory_space<vmem_shared>>
      tpu.enqueue_dma source(%arg11 : memref<40x128xf32, #tpu.memory_space<vmem>>) target(%dma_start3A_881 : memref<40x128xf32, #tpu.memory_space<vmem_shared>>) target_semaphore(%run_scoped3A_877 : memref<!tpu.dma_semaphore, #tpu.memory_space<semaphore_mem>>)
      %dma_wait3A_882 = arith.constant 0 : i32
      %dma_wait3A_883 = tpu.memref_slice %arg12[%add3A_10, %dma_wait3A_882] : memref<10240x128xf32, #tpu.memory_space<vmem_shared>> -> memref<40x128xf32, #tpu.memory_space<vmem_shared>>
      %dma_wait3A_884 = arith.constant 0 : i32
      %dma_wait3A_885 = tpu.memref_slice %arg12[%add3A_10, %dma_wait3A_884] : memref<10240x128xf32, #tpu.memory_space<vmem_shared>> -> memref<40x128xf32, #tpu.memory_space<vmem_shared>>
      tpu.wait_dma2 semaphore(%run_scoped3A_877 : memref<!tpu.dma_semaphore, #tpu.memory_space<semaphore_mem>>) src(%arg11 : memref<40x128xf32, #tpu.memory_space<vmem>>) dst(%dma_wait3A_885 : memref<40x128xf32, #tpu.memory_space<vmem_shared>>)
      tpu.yield
    }) : () -> ()
    %mul3A_11 = arith.constant 640 : i32
    %mul3A_12 = arith.muli %arg1, %mul3A_11 : i32
    %add3A_13 = arith.constant 40 : i32
    %add3A_14 = arith.addi %mul3A_12, %add3A_13 : i32
    "tpu.region"() ({
      %run_scoped3A_877 = tpu.sem_alloc : memref<!tpu.dma_semaphore, #tpu.memory_space<semaphore_mem>>
      %dma_start3A_878 = arith.constant 0 : i32
      %dma_start3A_879 = tpu.memref_slice %arg12[%add3A_14, %dma_start3A_878] : memref<10240x128xf32, #tpu.memory_space<vmem_shared>> -> memref<40x128xf32, #tpu.memory_space<vmem_shared>>
      %dma_start3A_880 = arith.constant 0 : i32
      %dma_start3A_881 = tpu.memref_slice %arg12[%add3A_14, %dma_start3A_880] : memref<10240x128xf32, #tpu.memory_space<vmem_shared>> -> memref<40x128xf32, #tpu.memory_space<vmem_shared>>
      tpu.enqueue_dma source(%arg11 : memref<40x128xf32, #tpu.memory_space<vmem>>) target(%dma_start3A_881 : memref<40x128xf32, #tpu.memory_space<vmem_shared>>) target_semaphore(%run_scoped3A_877 : memref<!tpu.dma_semaphore, #tpu.memory_space<semaphore_mem>>)
      %dma_wait3A_882 = arith.constant 0 : i32
      %dma_wait3A_883 = tpu.memref_slice %arg12[%add3A_14, %dma_wait3A_882] : memref<10240x128xf32, #tpu.memory_space<vmem_shared>> -> memref<40x128xf32, #tpu.memory_space<vmem_shared>>
      %dma_wait3A_884 = arith.constant 0 : i32
      %dma_wait3A_885 = tpu.memref_slice %arg12[%add3A_14, %dma_wait3A_884] : memref<10240x128xf32, #tpu.memory_space<vmem_shared>> -> memref<40x128xf32, #tpu.memory_space<vmem_shared>>
      tpu.wait_dma2 semaphore(%run_scoped3A_877 : memref<!tpu.dma_semaphore, #tpu.memory_space<semaphore_mem>>) src(%arg11 : memref<40x128xf32, #tpu.memory_space<vmem>>) dst(%dma_wait3A_885 : memref<40x128xf32, #tpu.memory_space<vmem_shared>>)
      tpu.yield
    }) : () -> ()
    %mul3A_15 = arith.constant 640 : i32
    %mul3A_16 = arith.muli %arg1, %mul3A_15 : i32
    %add3A_17 = arith.constant 80 : i32
    %add3A_18 = arith.addi %mul3A_16, %add3A_17 : i32
    "tpu.region"() ({
      %run_scoped3A_877 = tpu.sem_alloc : memref<!tpu.dma_semaphore, #tpu.memory_space<semaphore_mem>>
      %dma_start3A_878 = arith.constant 0 : i32
      %dma_start3A_879 = tpu.memref_slice %arg12[%add3A_18, %dma_start3A_878] : memref<10240x128xf32, #tpu.memory_space<vmem_shared>> -> memref<40x128xf32, #tpu.memory_space<vmem_shared>>
      %dma_start3A_880 = arith.constant 0 : i32
      %dma_start3A_881 = tpu.memref_slice %arg12[%add3A_18, %dma_start3A_880] : memref<10240x128xf32, #tpu.memory_space<vmem_shared>> -> memref<40x128xf32, #tpu.memory_space<vmem_shared>>
      tpu.enqueue_dma source(%arg11 : memref<40x128xf32, #tpu.memory_space<vmem>>) target(%dma_start3A_881 : memref<40x128xf32, #tpu.memory_space<vmem_shared>>) target_semaphore(%run_scoped3A_877 : memref<!tpu.dma_semaphore, #tpu.memory_space<semaphore_mem>>)
      %dma_wait3A_882 = arith.constant 0 : i32
      %dma_wait3A_883 = tpu.memref_slice %arg12[%add3A_18, %dma_wait3A_882] : memref<10240x128xf32, #tpu.memory_space<vmem_shared>> -> memref<40x128xf32, #tpu.memory_space<vmem_shared>>
      %dma_wait3A_884 = arith.constant 0 : i32
      %dma_wait3A_885 = tpu.memref_slice %arg12[%add3A_18, %dma_wait3A_884] : memref<10240x128xf32, #tpu.memory_space<vmem_shared>> -> memref<40x128xf32, #tpu.memory_space<vmem_shared>>
      tpu.wait_dma2 semaphore(%run_scoped3A_877 : memref<!tpu.dma_semaphore, #tpu.memory_space<semaphore_mem>>) src(%arg11 : memref<40x128xf32, #tpu.memory_space<vmem>>) dst(%dma_wait3A_885 : memref<40x128xf32, #tpu.memory_space<vmem_shared>>)
      tpu.yield
    }) : () -> ()
    %mul3A_19 = arith.constant 640 : i32
    %mul3A_20 = arith.muli %arg1, %mul3A_19 : i32
    %add3A_21 = arith.constant 120 : i32
    %add3A_22 = arith.addi %mul3A_20, %add3A_21 : i32
    "tpu.region"() ({
      %run_scoped3A_877 = tpu.sem_alloc : memref<!tpu.dma_semaphore, #tpu.memory_space<semaphore_mem>>
      %dma_start3A_878 = arith.constant 0 : i32
      %dma_start3A_879 = tpu.memref_slice %arg12[%add3A_22, %dma_start3A_878] : memref<10240x128xf32, #tpu.memory_space<vmem_shared>> -> memref<40x128xf32, #tpu.memory_space<vmem_shared>>
      %dma_start3A_880 = arith.constant 0 : i32
      %dma_start3A_881 = tpu.memref_slice %arg12[%add3A_22, %dma_start3A_880] : memref<10240x128xf32, #tpu.memory_space<vmem_shared>> -> memref<40x128xf32, #tpu.memory_space<vmem_shared>>
      tpu.enqueue_dma source(%arg11 : memref<40x128xf32, #tpu.memory_space<vmem>>) target(%dma_start3A_881 : memref<40x128xf32, #tpu.memory_space<vmem_shared>>) target_semaphore(%run_scoped3A_877 : memref<!tpu.dma_semaphore, #tpu.memory_space<semaphore_mem>>)
      %dma_wait3A_882 = arith.constant 0 : i32
      %dma_wait3A_883 = tpu.memref_slice %arg12[%add3A_22, %dma_wait3A_882] : memref<10240x128xf32, #tpu.memory_space<vmem_shared>> -> memref<40x128xf32, #tpu.memory_space<vmem_shared>>
      %dma_wait3A_884 = arith.constant 0 : i32
      %dma_wait3A_885 = tpu.memref_slice %arg12[%add3A_22, %dma_wait3A_884] : memref<10240x128xf32, #tpu.memory_space<vmem_shared>> -> memref<40x128xf32, #tpu.memory_space<vmem_shared>>
      tpu.wait_dma2 semaphore(%run_scoped3A_877 : memref<!tpu.dma_semaphore, #tpu.memory_space<semaphore_mem>>) src(%arg11 : memref<40x128xf32, #tpu.memory_space<vmem>>) dst(%dma_wait3A_885 : memref<40x128xf32, #tpu.memory_space<vmem_shared>>)
      tpu.yield
    }) : () -> ()
    %mul3A_23 = arith.constant 640 : i32
    %mul3A_24 = arith.muli %arg1, %mul3A_23 : i32
    %add3A_25 = arith.constant 160 : i32
    %add3A_26 = arith.addi %mul3A_24, %add3A_25 : i32
    "tpu.region"() ({
      %run_scoped3A_877 = tpu.sem_alloc : memref<!tpu.dma_semaphore, #tpu.memory_space<semaphore_mem>>
      %dma_start3A_878 = arith.constant 0 : i32
      %dma_start3A_879 = tpu.memref_slice %arg12[%add3A_26, %dma_start3A_878] : memref<10240x128xf32, #tpu.memory_space<vmem_shared>> -> memref<40x128xf32, #tpu.memory_space<vmem_shared>>
      %dma_start3A_880 = arith.constant 0 : i32
      %dma_start3A_881 = tpu.memref_slice %arg12[%add3A_26, %dma_start3A_880] : memref<10240x128xf32, #tpu.memory_space<vmem_shared>> -> memref<40x128xf32, #tpu.memory_space<vmem_shared>>
      tpu.enqueue_dma source(%arg11 : memref<40x128xf32, #tpu.memory_space<vmem>>) target(%dma_start3A_881 : memref<40x128xf32, #tpu.memory_space<vmem_shared>>) target_semaphore(%run_scoped3A_877 : memref<!tpu.dma_semaphore, #tpu.memory_space<semaphore_mem>>)
      %dma_wait3A_882 = arith.constant 0 : i32
      %dma_wait3A_883 = tpu.memref_slice %arg12[%add3A_26, %dma_wait3A_882] : memref<10240x128xf32, #tpu.memory_space<vmem_shared>> -> memref<40x128xf32, #tpu.memory_space<vmem_shared>>
      %dma_wait3A_884 = arith.constant 0 : i32
      %dma_wait3A_885 = tpu.memref_slice %arg12[%add3A_26, %dma_wait3A_884] : memref<10240x128xf32, #tpu.memory_space<vmem_shared>> -> memref<40x128xf32, #tpu.memory_space<vmem_shared>>
      tpu.wait_dma2 semaphore(%run_scoped3A_877 : memref<!tpu.dma_semaphore, #tpu.memory_space<semaphore_mem>>) src(%arg11 : memref<40x128xf32, #tpu.memory_space<vmem>>) dst(%dma_wait3A_885 : memref<40x128xf32, #tpu.memory_space<vmem_shared>>)
      tpu.yield
    }) : () -> ()
    %mul3A_27 = arith.constant 640 : i32
    %mul3A_28 = arith.muli %arg1, %mul3A_27 : i32
    %add3A_29 = arith.constant 200 : i32
    %add3A_30 = arith.addi %mul3A_28, %add3A_29 : i32
    "tpu.region"() ({
      %run_scoped3A_877 = tpu.sem_alloc : memref<!tpu.dma_semaphore, #tpu.memory_space<semaphore_mem>>
      %dma_start3A_878 = arith.constant 0 : i32
      %dma_start3A_879 = tpu.memref_slice %arg12[%add3A_30, %dma_start3A_878] : memref<10240x128xf32, #tpu.memory_space<vmem_shared>> -> memref<40x128xf32, #tpu.memory_space<vmem_shared>>
      %dma_start3A_880 = arith.constant 0 : i32
      %dma_start3A_881 = tpu.memref_slice %arg12[%add3A_30, %dma_start3A_880] : memref<10240x128xf32, #tpu.memory_space<vmem_shared>> -> memref<40x128xf32, #tpu.memory_space<vmem_shared>>
      tpu.enqueue_dma source(%arg11 : memref<40x128xf32, #tpu.memory_space<vmem>>) target(%dma_start3A_881 : memref<40x128xf32, #tpu.memory_space<vmem_shared>>) target_semaphore(%run_scoped3A_877 : memref<!tpu.dma_semaphore, #tpu.memory_space<semaphore_mem>>)
      %dma_wait3A_882 = arith.constant 0 : i32
      %dma_wait3A_883 = tpu.memref_slice %arg12[%add3A_30, %dma_wait3A_882] : memref<10240x128xf32, #tpu.memory_space<vmem_shared>> -> memref<40x128xf32, #tpu.memory_space<vmem_shared>>
      %dma_wait3A_884 = arith.constant 0 : i32
      %dma_wait3A_885 = tpu.memref_slice %arg12[%add3A_30, %dma_wait3A_884] : memref<10240x128xf32, #tpu.memory_space<vmem_shared>> -> memref<40x128xf32, #tpu.memory_space<vmem_shared>>
      tpu.wait_dma2 semaphore(%run_scoped3A_877 : memref<!tpu.dma_semaphore, #tpu.memory_space<semaphore_mem>>) src(%arg11 : memref<40x128xf32, #tpu.memory_space<vmem>>) dst(%dma_wait3A_885 : memref<40x128xf32, #tpu.memory_space<vmem_shared>>)
      tpu.yield
    }) : () -> ()
    %mul3A_31 = arith.constant 640 : i32
    %mul3A_32 = arith.muli %arg1, %mul3A_31 : i32
    %add3A_33 = arith.constant 240 : i32
    %add3A_34 = arith.addi %mul3A_32, %add3A_33 : i32
    "tpu.region"() ({
      %run_scoped3A_877 = tpu.sem_alloc : memref<!tpu.dma_semaphore, #tpu.memory_space<semaphore_mem>>
      %dma_start3A_878 = arith.constant 0 : i32
      %dma_start3A_879 = tpu.memref_slice %arg12[%add3A_34, %dma_start3A_878] : memref<10240x128xf32, #tpu.memory_space<vmem_shared>> -> memref<40x128xf32, #tpu.memory_space<vmem_shared>>
      %dma_start3A_880 = arith.constant 0 : i32
      %dma_start3A_881 = tpu.memref_slice %arg12[%add3A_34, %dma_start3A_880] : memref<10240x128xf32, #tpu.memory_space<vmem_shared>> -> memref<40x128xf32, #tpu.memory_space<vmem_shared>>
      tpu.enqueue_dma source(%arg11 : memref<40x128xf32, #tpu.memory_space<vmem>>) target(%dma_start3A_881 : memref<40x128xf32, #tpu.memory_space<vmem_shared>>) target_semaphore(%run_scoped3A_877 : memref<!tpu.dma_semaphore, #tpu.memory_space<semaphore_mem>>)
      %dma_wait3A_882 = arith.constant 0 : i32
      %dma_wait3A_883 = tpu.memref_slice %arg12[%add3A_34, %dma_wait3A_882] : memref<10240x128xf32, #tpu.memory_space<vmem_shared>> -> memref<40x128xf32, #tpu.memory_space<vmem_shared>>
      %dma_wait3A_884 = arith.constant 0 : i32
      %dma_wait3A_885 = tpu.memref_slice %arg12[%add3A_34, %dma_wait3A_884] : memref<10240x128xf32, #tpu.memory_space<vmem_shared>> -> memref<40x128xf32, #tpu.memory_space<vmem_shared>>
      tpu.wait_dma2 semaphore(%run_scoped3A_877 : memref<!tpu.dma_semaphore, #tpu.memory_space<semaphore_mem>>) src(%arg11 : memref<40x128xf32, #tpu.memory_space<vmem>>) dst(%dma_wait3A_885 : memref<40x128xf32, #tpu.memory_space<vmem_shared>>)
      tpu.yield
    }) : () -> ()
    %mul3A_35 = arith.constant 640 : i32
    %mul3A_36 = arith.muli %arg1, %mul3A_35 : i32
    %add3A_37 = arith.constant 280 : i32
    %add3A_38 = arith.addi %mul3A_36, %add3A_37 : i32
    "tpu.region"() ({
      %run_scoped3A_877 = tpu.sem_alloc : memref<!tpu.dma_semaphore, #tpu.memory_space<semaphore_mem>>
      %dma_start3A_878 = arith.constant 0 : i32
      %dma_start3A_879 = tpu.memref_slice %arg12[%add3A_38, %dma_start3A_878] : memref<10240x128xf32, #tpu.memory_space<vmem_shared>> -> memref<40x128xf32, #tpu.memory_space<vmem_shared>>
      %dma_start3A_880 = arith.constant 0 : i32
      %dma_start3A_881 = tpu.memref_slice %arg12[%add3A_38, %dma_start3A_880] : memref<10240x128xf32, #tpu.memory_space<vmem_shared>> -> memref<40x128xf32, #tpu.memory_space<vmem_shared>>
      tpu.enqueue_dma source(%arg11 : memref<40x128xf32, #tpu.memory_space<vmem>>) target(%dma_start3A_881 : memref<40x128xf32, #tpu.memory_space<vmem_shared>>) target_semaphore(%run_scoped3A_877 : memref<!tpu.dma_semaphore, #tpu.memory_space<semaphore_mem>>)
      %dma_wait3A_882 = arith.constant 0 : i32
      %dma_wait3A_883 = tpu.memref_slice %arg12[%add3A_38, %dma_wait3A_882] : memref<10240x128xf32, #tpu.memory_space<vmem_shared>> -> memref<40x128xf32, #tpu.memory_space<vmem_shared>>
      %dma_wait3A_884 = arith.constant 0 : i32
      %dma_wait3A_885 = tpu.memref_slice %arg12[%add3A_38, %dma_wait3A_884] : memref<10240x128xf32, #tpu.memory_space<vmem_shared>> -> memref<40x128xf32, #tpu.memory_space<vmem_shared>>
      tpu.wait_dma2 semaphore(%run_scoped3A_877 : memref<!tpu.dma_semaphore, #tpu.memory_space<semaphore_mem>>) src(%arg11 : memref<40x128xf32, #tpu.memory_space<vmem>>) dst(%dma_wait3A_885 : memref<40x128xf32, #tpu.memory_space<vmem_shared>>)
      tpu.yield
    }) : () -> ()
    %mul3A_39 = arith.constant 640 : i32
    %mul3A_40 = arith.muli %arg1, %mul3A_39 : i32
    %add3A_41 = arith.constant 320 : i32
    %add3A_42 = arith.addi %mul3A_40, %add3A_41 : i32
    "tpu.region"() ({
      %run_scoped3A_877 = tpu.sem_alloc : memref<!tpu.dma_semaphore, #tpu.memory_space<semaphore_mem>>
      %dma_start3A_878 = arith.constant 0 : i32
      %dma_start3A_879 = tpu.memref_slice %arg12[%add3A_42, %dma_start3A_878] : memref<10240x128xf32, #tpu.memory_space<vmem_shared>> -> memref<40x128xf32, #tpu.memory_space<vmem_shared>>
      %dma_start3A_880 = arith.constant 0 : i32
      %dma_start3A_881 = tpu.memref_slice %arg12[%add3A_42, %dma_start3A_880] : memref<10240x128xf32, #tpu.memory_space<vmem_shared>> -> memref<40x128xf32, #tpu.memory_space<vmem_shared>>
      tpu.enqueue_dma source(%arg11 : memref<40x128xf32, #tpu.memory_space<vmem>>) target(%dma_start3A_881 : memref<40x128xf32, #tpu.memory_space<vmem_shared>>) target_semaphore(%run_scoped3A_877 : memref<!tpu.dma_semaphore, #tpu.memory_space<semaphore_mem>>)
      %dma_wait3A_882 = arith.constant 0 : i32
      %dma_wait3A_883 = tpu.memref_slice %arg12[%add3A_42, %dma_wait3A_882] : memref<10240x128xf32, #tpu.memory_space<vmem_shared>> -> memref<40x128xf32, #tpu.memory_space<vmem_shared>>
      %dma_wait3A_884 = arith.constant 0 : i32
      %dma_wait3A_885 = tpu.memref_slice %arg12[%add3A_42, %dma_wait3A_884] : memref<10240x128xf32, #tpu.memory_space<vmem_shared>> -> memref<40x128xf32, #tpu.memory_space<vmem_shared>>
      tpu.wait_dma2 semaphore(%run_scoped3A_877 : memref<!tpu.dma_semaphore, #tpu.memory_space<semaphore_mem>>) src(%arg11 : memref<40x128xf32, #tpu.memory_space<vmem>>) dst(%dma_wait3A_885 : memref<40x128xf32, #tpu.memory_space<vmem_shared>>)
      tpu.yield
    }) : () -> ()
    %mul3A_43 = arith.constant 640 : i32
    %mul3A_44 = arith.muli %arg1, %mul3A_43 : i32
    %add3A_45 = arith.constant 360 : i32
    %add3A_46 = arith.addi %mul3A_44, %add3A_45 : i32
    "tpu.region"() ({
      %run_scoped3A_877 = tpu.sem_alloc : memref<!tpu.dma_semaphore, #tpu.memory_space<semaphore_mem>>
      %dma_start3A_878 = arith.constant 0 : i32
      %dma_start3A_879 = tpu.memref_slice %arg12[%add3A_46, %dma_start3A_878] : memref<10240x128xf32, #tpu.memory_space<vmem_shared>> -> memref<40x128xf32, #tpu.memory_space<vmem_shared>>
      %dma_start3A_880 = arith.constant 0 : i32
      %dma_start3A_881 = tpu.memref_slice %arg12[%add3A_46, %dma_start3A_880] : memref<10240x128xf32, #tpu.memory_space<vmem_shared>> -> memref<40x128xf32, #tpu.memory_space<vmem_shared>>
      tpu.enqueue_dma source(%arg11 : memref<40x128xf32, #tpu.memory_space<vmem>>) target(%dma_start3A_881 : memref<40x128xf32, #tpu.memory_space<vmem_shared>>) target_semaphore(%run_scoped3A_877 : memref<!tpu.dma_semaphore, #tpu.memory_space<semaphore_mem>>)
      %dma_wait3A_882 = arith.constant 0 : i32
      %dma_wait3A_883 = tpu.memref_slice %arg12[%add3A_46, %dma_wait3A_882] : memref<10240x128xf32, #tpu.memory_space<vmem_shared>> -> memref<40x128xf32, #tpu.memory_space<vmem_shared>>
      %dma_wait3A_884 = arith.constant 0 : i32
      %dma_wait3A_885 = tpu.memref_slice %arg12[%add3A_46, %dma_wait3A_884] : memref<10240x128xf32, #tpu.memory_space<vmem_shared>> -> memref<40x128xf32, #tpu.memory_space<vmem_shared>>
      tpu.wait_dma2 semaphore(%run_scoped3A_877 : memref<!tpu.dma_semaphore, #tpu.memory_space<semaphore_mem>>) src(%arg11 : memref<40x128xf32, #tpu.memory_space<vmem>>) dst(%dma_wait3A_885 : memref<40x128xf32, #tpu.memory_space<vmem_shared>>)
      tpu.yield
    }) : () -> ()
    %mul3A_47 = arith.constant 640 : i32
    %mul3A_48 = arith.muli %arg1, %mul3A_47 : i32
    %add3A_49 = arith.constant 400 : i32
    %add3A_50 = arith.addi %mul3A_48, %add3A_49 : i32
    "tpu.region"() ({
      %run_scoped3A_877 = tpu.sem_alloc : memref<!tpu.dma_semaphore, #tpu.memory_space<semaphore_mem>>
      %dma_start3A_878 = arith.constant 0 : i32
      %dma_start3A_879 = tpu.memref_slice %arg12[%add3A_50, %dma_start3A_878] : memref<10240x128xf32, #tpu.memory_space<vmem_shared>> -> memref<40x128xf32, #tpu.memory_space<vmem_shared>>
      %dma_start3A_880 = arith.constant 0 : i32
      %dma_start3A_881 = tpu.memref_slice %arg12[%add3A_50, %dma_start3A_880] : memref<10240x128xf32, #tpu.memory_space<vmem_shared>> -> memref<40x128xf32, #tpu.memory_space<vmem_shared>>
      tpu.enqueue_dma source(%arg11 : memref<40x128xf32, #tpu.memory_space<vmem>>) target(%dma_start3A_881 : memref<40x128xf32, #tpu.memory_space<vmem_shared>>) target_semaphore(%run_scoped3A_877 : memref<!tpu.dma_semaphore, #tpu.memory_space<semaphore_mem>>)
      %dma_wait3A_882 = arith.constant 0 : i32
      %dma_wait3A_883 = tpu.memref_slice %arg12[%add3A_50, %dma_wait3A_882] : memref<10240x128xf32, #tpu.memory_space<vmem_shared>> -> memref<40x128xf32, #tpu.memory_space<vmem_shared>>
      %dma_wait3A_884 = arith.constant 0 : i32
      %dma_wait3A_885 = tpu.memref_slice %arg12[%add3A_50, %dma_wait3A_884] : memref<10240x128xf32, #tpu.memory_space<vmem_shared>> -> memref<40x128xf32, #tpu.memory_space<vmem_shared>>
      tpu.wait_dma2 semaphore(%run_scoped3A_877 : memref<!tpu.dma_semaphore, #tpu.memory_space<semaphore_mem>>) src(%arg11 : memref<40x128xf32, #tpu.memory_space<vmem>>) dst(%dma_wait3A_885 : memref<40x128xf32, #tpu.memory_space<vmem_shared>>)
      tpu.yield
    }) : () -> ()
    %mul3A_51 = arith.constant 640 : i32
    %mul3A_52 = arith.muli %arg1, %mul3A_51 : i32
    %add3A_53 = arith.constant 440 : i32
    %add3A_54 = arith.addi %mul3A_52, %add3A_53 : i32
    "tpu.region"() ({
      %run_scoped3A_877 = tpu.sem_alloc : memref<!tpu.dma_semaphore, #tpu.memory_space<semaphore_mem>>
      %dma_start3A_878 = arith.constant 0 : i32
      %dma_start3A_879 = tpu.memref_slice %arg12[%add3A_54, %dma_start3A_878] : memref<10240x128xf32, #tpu.memory_space<vmem_shared>> -> memref<40x128xf32, #tpu.memory_space<vmem_shared>>
      %dma_start3A_880 = arith.constant 0 : i32
      %dma_start3A_881 = tpu.memref_slice %arg12[%add3A_54, %dma_start3A_880] : memref<10240x128xf32, #tpu.memory_space<vmem_shared>> -> memref<40x128xf32, #tpu.memory_space<vmem_shared>>
      tpu.enqueue_dma source(%arg11 : memref<40x128xf32, #tpu.memory_space<vmem>>) target(%dma_start3A_881 : memref<40x128xf32, #tpu.memory_space<vmem_shared>>) target_semaphore(%run_scoped3A_877 : memref<!tpu.dma_semaphore, #tpu.memory_space<semaphore_mem>>)
      %dma_wait3A_882 = arith.constant 0 : i32
      %dma_wait3A_883 = tpu.memref_slice %arg12[%add3A_54, %dma_wait3A_882] : memref<10240x128xf32, #tpu.memory_space<vmem_shared>> -> memref<40x128xf32, #tpu.memory_space<vmem_shared>>
      %dma_wait3A_884 = arith.constant 0 : i32
      %dma_wait3A_885 = tpu.memref_slice %arg12[%add3A_54, %dma_wait3A_884] : memref<10240x128xf32, #tpu.memory_space<vmem_shared>> -> memref<40x128xf32, #tpu.memory_space<vmem_shared>>
      tpu.wait_dma2 semaphore(%run_scoped3A_877 : memref<!tpu.dma_semaphore, #tpu.memory_space<semaphore_mem>>) src(%arg11 : memref<40x128xf32, #tpu.memory_space<vmem>>) dst(%dma_wait3A_885 : memref<40x128xf32, #tpu.memory_space<vmem_shared>>)
      tpu.yield
    }) : () -> ()
    %mul3A_55 = arith.constant 640 : i32
    %mul3A_56 = arith.muli %arg1, %mul3A_55 : i32
    %add3A_57 = arith.constant 480 : i32
    %add3A_58 = arith.addi %mul3A_56, %add3A_57 : i32
    "tpu.region"() ({
      %run_scoped3A_877 = tpu.sem_alloc : memref<!tpu.dma_semaphore, #tpu.memory_space<semaphore_mem>>
      %dma_start3A_878 = arith.constant 0 : i32
      %dma_start3A_879 = tpu.memref_slice %arg12[%add3A_58, %dma_start3A_878] : memref<10240x128xf32, #tpu.memory_space<vmem_shared>> -> memref<40x128xf32, #tpu.memory_space<vmem_shared>>
      %dma_start3A_880 = arith.constant 0 : i32
      %dma_start3A_881 = tpu.memref_slice %arg12[%add3A_58, %dma_start3A_880] : memref<10240x128xf32, #tpu.memory_space<vmem_shared>> -> memref<40x128xf32, #tpu.memory_space<vmem_shared>>
      tpu.enqueue_dma source(%arg11 : memref<40x128xf32, #tpu.memory_space<vmem>>) target(%dma_start3A_881 : memref<40x128xf32, #tpu.memory_space<vmem_shared>>) target_semaphore(%run_scoped3A_877 : memref<!tpu.dma_semaphore, #tpu.memory_space<semaphore_mem>>)
      %dma_wait3A_882 = arith.constant 0 : i32
      %dma_wait3A_883 = tpu.memref_slice %arg12[%add3A_58, %dma_wait3A_882] : memref<10240x128xf32, #tpu.memory_space<vmem_shared>> -> memref<40x128xf32, #tpu.memory_space<vmem_shared>>
      %dma_wait3A_884 = arith.constant 0 : i32
      %dma_wait3A_885 = tpu.memref_slice %arg12[%add3A_58, %dma_wait3A_884] : memref<10240x128xf32, #tpu.memory_space<vmem_shared>> -> memref<40x128xf32, #tpu.memory_space<vmem_shared>>
      tpu.wait_dma2 semaphore(%run_scoped3A_877 : memref<!tpu.dma_semaphore, #tpu.memory_space<semaphore_mem>>) src(%arg11 : memref<40x128xf32, #tpu.memory_space<vmem>>) dst(%dma_wait3A_885 : memref<40x128xf32, #tpu.memory_space<vmem_shared>>)
      tpu.yield
    }) : () -> ()
    %mul3A_59 = arith.constant 640 : i32
    %mul3A_60 = arith.muli %arg1, %mul3A_59 : i32
    %add3A_61 = arith.constant 520 : i32
    %add3A_62 = arith.addi %mul3A_60, %add3A_61 : i32
    "tpu.region"() ({
      %run_scoped3A_877 = tpu.sem_alloc : memref<!tpu.dma_semaphore, #tpu.memory_space<semaphore_mem>>
      %dma_start3A_878 = arith.constant 0 : i32
      %dma_start3A_879 = tpu.memref_slice %arg12[%add3A_62, %dma_start3A_878] : memref<10240x128xf32, #tpu.memory_space<vmem_shared>> -> memref<40x128xf32, #tpu.memory_space<vmem_shared>>
      %dma_start3A_880 = arith.constant 0 : i32
      %dma_start3A_881 = tpu.memref_slice %arg12[%add3A_62, %dma_start3A_880] : memref<10240x128xf32, #tpu.memory_space<vmem_shared>> -> memref<40x128xf32, #tpu.memory_space<vmem_shared>>
      tpu.enqueue_dma source(%arg11 : memref<40x128xf32, #tpu.memory_space<vmem>>) target(%dma_start3A_881 : memref<40x128xf32, #tpu.memory_space<vmem_shared>>) target_semaphore(%run_scoped3A_877 : memref<!tpu.dma_semaphore, #tpu.memory_space<semaphore_mem>>)
      %dma_wait3A_882 = arith.constant 0 : i32
      %dma_wait3A_883 = tpu.memref_slice %arg12[%add3A_62, %dma_wait3A_882] : memref<10240x128xf32, #tpu.memory_space<vmem_shared>> -> memref<40x128xf32, #tpu.memory_space<vmem_shared>>
      %dma_wait3A_884 = arith.constant 0 : i32
      %dma_wait3A_885 = tpu.memref_slice %arg12[%add3A_62, %dma_wait3A_884] : memref<10240x128xf32, #tpu.memory_space<vmem_shared>> -> memref<40x128xf32, #tpu.memory_space<vmem_shared>>
      tpu.wait_dma2 semaphore(%run_scoped3A_877 : memref<!tpu.dma_semaphore, #tpu.memory_space<semaphore_mem>>) src(%arg11 : memref<40x128xf32, #tpu.memory_space<vmem>>) dst(%dma_wait3A_885 : memref<40x128xf32, #tpu.memory_space<vmem_shared>>)
      tpu.yield
    }) : () -> ()
    %mul3A_63 = arith.constant 640 : i32
    %mul3A_64 = arith.muli %arg1, %mul3A_63 : i32
    %add3A_65 = arith.constant 560 : i32
    %add3A_66 = arith.addi %mul3A_64, %add3A_65 : i32
    "tpu.region"() ({
      %run_scoped3A_877 = tpu.sem_alloc : memref<!tpu.dma_semaphore, #tpu.memory_space<semaphore_mem>>
      %dma_start3A_878 = arith.constant 0 : i32
      %dma_start3A_879 = tpu.memref_slice %arg12[%add3A_66, %dma_start3A_878] : memref<10240x128xf32, #tpu.memory_space<vmem_shared>> -> memref<40x128xf32, #tpu.memory_space<vmem_shared>>
      %dma_start3A_880 = arith.constant 0 : i32
      %dma_start3A_881 = tpu.memref_slice %arg12[%add3A_66, %dma_start3A_880] : memref<10240x128xf32, #tpu.memory_space<vmem_shared>> -> memref<40x128xf32, #tpu.memory_space<vmem_shared>>
      tpu.enqueue_dma source(%arg11 : memref<40x128xf32, #tpu.memory_space<vmem>>) target(%dma_start3A_881 : memref<40x128xf32, #tpu.memory_space<vmem_shared>>) target_semaphore(%run_scoped3A_877 : memref<!tpu.dma_semaphore, #tpu.memory_space<semaphore_mem>>)
      %dma_wait3A_882 = arith.constant 0 : i32
      %dma_wait3A_883 = tpu.memref_slice %arg12[%add3A_66, %dma_wait3A_882] : memref<10240x128xf32, #tpu.memory_space<vmem_shared>> -> memref<40x128xf32, #tpu.memory_space<vmem_shared>>
      %dma_wait3A_884 = arith.constant 0 : i32
      %dma_wait3A_885 = tpu.memref_slice %arg12[%add3A_66, %dma_wait3A_884] : memref<10240x128xf32, #tpu.memory_space<vmem_shared>> -> memref<40x128xf32, #tpu.memory_space<vmem_shared>>
      tpu.wait_dma2 semaphore(%run_scoped3A_877 : memref<!tpu.dma_semaphore, #tpu.memory_space<semaphore_mem>>) src(%arg11 : memref<40x128xf32, #tpu.memory_space<vmem>>) dst(%dma_wait3A_885 : memref<40x128xf32, #tpu.memory_space<vmem_shared>>)
      tpu.yield
    }) : () -> ()
    %mul3A_67 = arith.constant 640 : i32
    %mul3A_68 = arith.muli %arg1, %mul3A_67 : i32
    %add3A_69 = arith.constant 600 : i32
    %add3A_70 = arith.addi %mul3A_68, %add3A_69 : i32
    "tpu.region"() ({
      %run_scoped3A_877 = tpu.sem_alloc : memref<!tpu.dma_semaphore, #tpu.memory_space<semaphore_mem>>
      %dma_start3A_878 = arith.constant 0 : i32
      %dma_start3A_879 = tpu.memref_slice %arg12[%add3A_70, %dma_start3A_878] : memref<10240x128xf32, #tpu.memory_space<vmem_shared>> -> memref<40x128xf32, #tpu.memory_space<vmem_shared>>
      %dma_start3A_880 = arith.constant 0 : i32
      %dma_start3A_881 = tpu.memref_slice %arg12[%add3A_70, %dma_start3A_880] : memref<10240x128xf32, #tpu.memory_space<vmem_shared>> -> memref<40x128xf32, #tpu.memory_space<vmem_shared>>
      tpu.enqueue_dma source(%arg11 : memref<40x128xf32, #tpu.memory_space<vmem>>) target(%dma_start3A_881 : memref<40x128xf32, #tpu.memory_space<vmem_shared>>) target_semaphore(%run_scoped3A_877 : memref<!tpu.dma_semaphore, #tpu.memory_space<semaphore_mem>>)
      %dma_wait3A_882 = arith.constant 0 : i32
      %dma_wait3A_883 = tpu.memref_slice %arg12[%add3A_70, %dma_wait3A_882] : memref<10240x128xf32, #tpu.memory_space<vmem_shared>> -> memref<40x128xf32, #tpu.memory_space<vmem_shared>>
      %dma_wait3A_884 = arith.constant 0 : i32
      %dma_wait3A_885 = tpu.memref_slice %arg12[%add3A_70, %dma_wait3A_884] : memref<10240x128xf32, #tpu.memory_space<vmem_shared>> -> memref<40x128xf32, #tpu.memory_space<vmem_shared>>
      tpu.wait_dma2 semaphore(%run_scoped3A_877 : memref<!tpu.dma_semaphore, #tpu.memory_space<semaphore_mem>>) src(%arg11 : memref<40x128xf32, #tpu.memory_space<vmem>>) dst(%dma_wait3A_885 : memref<40x128xf32, #tpu.memory_space<vmem_shared>>)
      tpu.yield
    }) : () -> ()
    %barrier3A = arith.constant 0 : index
    tpu.barrier barrier_id(%barrier3A)
    %run_scoped3A = arith.constant 0 : i32
    %run_scoped3A_71 = arith.constant 0 : i32
    "tpu.region"() ({
      %run_scoped3A_877 = tpu.sem_alloc : memref<!tpu.dma_semaphore, #tpu.memory_space<semaphore_mem>>
      %dma_start3A_878 = arith.constant 0 : i32
      %dma_start3A_879 = tpu.memref_slice %arg7[%run_scoped3A_71, %dma_start3A_878] : memref<2x40xi32, #tpu.memory_space<vmem>> -> memref<1x40xi32, #tpu.memory_space<vmem>>
      %dma_start3A_880 = tpu.memref_squeeze %dma_start3A_879 : memref<1x40xi32, #tpu.memory_space<vmem>> -> memref<40xi32, #tpu.memory_space<vmem>>
      %dma_start3A_881 = arith.constant 0 : i32
      %dma_start3A_882 = tpu.memref_slice %arg3[%add3A, %run_scoped3A, %dma_start3A_881] : memref<32x254x40xi32, #tpu.memory_space<hbm>> -> memref<1x1x40xi32, #tpu.memory_space<hbm>>
      %dma_start3A_883 = tpu.memref_squeeze %dma_start3A_882 : memref<1x1x40xi32, #tpu.memory_space<hbm>> -> memref<40xi32, #tpu.memory_space<hbm>>
      %dma_start3A_884 = arith.constant 0 : i32
      %dma_start3A_885 = tpu.memref_slice %arg7[%run_scoped3A_71, %dma_start3A_884] : memref<2x40xi32, #tpu.memory_space<vmem>> -> memref<1x40xi32, #tpu.memory_space<vmem>>
      %dma_start3A_886 = tpu.memref_squeeze %dma_start3A_885 : memref<1x40xi32, #tpu.memory_space<vmem>> -> memref<40xi32, #tpu.memory_space<vmem>>
      %dma_start3A_887 = arith.constant 0 : i32
      %dma_start3A_888 = tpu.memref_slice %arg3[%add3A, %run_scoped3A, %dma_start3A_887] : memref<32x254x40xi32, #tpu.memory_space<hbm>> -> memref<1x1x40xi32, #tpu.memory_space<hbm>>
      %dma_start3A_889 = tpu.memref_squeeze %dma_start3A_888 : memref<1x1x40xi32, #tpu.memory_space<hbm>> -> memref<40xi32, #tpu.memory_space<hbm>>
      tpu.enqueue_dma source(%dma_start3A_889 : memref<40xi32, #tpu.memory_space<hbm>>) target(%dma_start3A_886 : memref<40xi32, #tpu.memory_space<vmem>>) target_semaphore(%run_scoped3A_877 : memref<!tpu.dma_semaphore, #tpu.memory_space<semaphore_mem>>)
      %dma_wait3A_890 = arith.constant 0 : i32
      %dma_wait3A_891 = tpu.memref_slice %arg7[%run_scoped3A_71, %dma_wait3A_890] : memref<2x40xi32, #tpu.memory_space<vmem>> -> memref<1x40xi32, #tpu.memory_space<vmem>>
      %dma_wait3A_892 = tpu.memref_squeeze %dma_wait3A_891 : memref<1x40xi32, #tpu.memory_space<vmem>> -> memref<40xi32, #tpu.memory_space<vmem>>
      %dma_wait3A_893 = arith.constant 0 : i32
      %dma_wait3A_894 = tpu.memref_slice %arg3[%add3A, %run_scoped3A, %dma_wait3A_893] : memref<32x254x40xi32, #tpu.memory_space<hbm>> -> memref<1x1x40xi32, #tpu.memory_space<hbm>>
      %dma_wait3A_895 = tpu.memref_squeeze %dma_wait3A_894 : memref<1x1x40xi32, #tpu.memory_space<hbm>> -> memref<40xi32, #tpu.memory_space<hbm>>
      %dma_wait3A_896 = arith.constant 0 : i32
      %dma_wait3A_897 = tpu.memref_slice %arg7[%run_scoped3A_71, %dma_wait3A_896] : memref<2x40xi32, #tpu.memory_space<vmem>> -> memref<1x40xi32, #tpu.memory_space<vmem>>
      %dma_wait3A_898 = tpu.memref_squeeze %dma_wait3A_897 : memref<1x40xi32, #tpu.memory_space<vmem>> -> memref<40xi32, #tpu.memory_space<vmem>>
      %dma_wait3A_899 = arith.constant 0 : i32
      %dma_wait3A_900 = tpu.memref_slice %arg3[%add3A, %run_scoped3A, %dma_wait3A_899] : memref<32x254x40xi32, #tpu.memory_space<hbm>> -> memref<1x1x40xi32, #tpu.memory_space<hbm>>
      %dma_wait3A_901 = tpu.memref_squeeze %dma_wait3A_900 : memref<1x1x40xi32, #tpu.memory_space<hbm>> -> memref<40xi32, #tpu.memory_space<hbm>>
      tpu.wait_dma2 semaphore(%run_scoped3A_877 : memref<!tpu.dma_semaphore, #tpu.memory_space<semaphore_mem>>) src(%dma_wait3A_901 : memref<40xi32, #tpu.memory_space<hbm>>) dst(%dma_wait3A_898 : memref<40xi32, #tpu.memory_space<vmem>>)
      tpu.yield
    }) : () -> ()
    %run_scoped3A_72 = arith.constant 0 : i32
    %run_scoped3A_73 = arith.constant 0 : i32
    "tpu.region"() ({
      %run_scoped3A_877 = tpu.sem_alloc : memref<!tpu.dma_semaphore, #tpu.memory_space<semaphore_mem>>
      %dma_start3A_878 = arith.constant 0 : i32
      %dma_start3A_879 = tpu.memref_slice %arg8[%run_scoped3A_73, %dma_start3A_878] : memref<4x40xi32, #tpu.memory_space<vmem>> -> memref<1x40xi32, #tpu.memory_space<vmem>>
      %dma_start3A_880 = tpu.memref_squeeze %dma_start3A_879 : memref<1x40xi32, #tpu.memory_space<vmem>> -> memref<40xi32, #tpu.memory_space<vmem>>
      %dma_start3A_881 = arith.constant 0 : i32
      %dma_start3A_882 = tpu.memref_slice %arg4[%add3A, %run_scoped3A_72, %dma_start3A_881] : memref<32x254x40xi32, #tpu.memory_space<hbm>> -> memref<1x1x40xi32, #tpu.memory_space<hbm>>
      %dma_start3A_883 = tpu.memref_squeeze %dma_start3A_882 : memref<1x1x40xi32, #tpu.memory_space<hbm>> -> memref<40xi32, #tpu.memory_space<hbm>>
      %dma_start3A_884 = arith.constant 0 : i32
      %dma_start3A_885 = tpu.memref_slice %arg8[%run_scoped3A_73, %dma_start3A_884] : memref<4x40xi32, #tpu.memory_space<vmem>> -> memref<1x40xi32, #tpu.memory_space<vmem>>
      %dma_start3A_886 = tpu.memref_squeeze %dma_start3A_885 : memref<1x40xi32, #tpu.memory_space<vmem>> -> memref<40xi32, #tpu.memory_space<vmem>>
      %dma_start3A_887 = arith.constant 0 : i32
      %dma_start3A_888 = tpu.memref_slice %arg4[%add3A, %run_scoped3A_72, %dma_start3A_887] : memref<32x254x40xi32, #tpu.memory_space<hbm>> -> memref<1x1x40xi32, #tpu.memory_space<hbm>>
      %dma_start3A_889 = tpu.memref_squeeze %dma_start3A_888 : memref<1x1x40xi32, #tpu.memory_space<hbm>> -> memref<40xi32, #tpu.memory_space<hbm>>
      tpu.enqueue_dma source(%dma_start3A_889 : memref<40xi32, #tpu.memory_space<hbm>>) target(%dma_start3A_886 : memref<40xi32, #tpu.memory_space<vmem>>) target_semaphore(%run_scoped3A_877 : memref<!tpu.dma_semaphore, #tpu.memory_space<semaphore_mem>>)
      %dma_wait3A_890 = arith.constant 0 : i32
      %dma_wait3A_891 = tpu.memref_slice %arg8[%run_scoped3A_73, %dma_wait3A_890] : memref<4x40xi32, #tpu.memory_space<vmem>> -> memref<1x40xi32, #tpu.memory_space<vmem>>
      %dma_wait3A_892 = tpu.memref_squeeze %dma_wait3A_891 : memref<1x40xi32, #tpu.memory_space<vmem>> -> memref<40xi32, #tpu.memory_space<vmem>>
      %dma_wait3A_893 = arith.constant 0 : i32
      %dma_wait3A_894 = tpu.memref_slice %arg4[%add3A, %run_scoped3A_72, %dma_wait3A_893] : memref<32x254x40xi32, #tpu.memory_space<hbm>> -> memref<1x1x40xi32, #tpu.memory_space<hbm>>
      %dma_wait3A_895 = tpu.memref_squeeze %dma_wait3A_894 : memref<1x1x40xi32, #tpu.memory_space<hbm>> -> memref<40xi32, #tpu.memory_space<hbm>>
      %dma_wait3A_896 = arith.constant 0 : i32
      %dma_wait3A_897 = tpu.memref_slice %arg8[%run_scoped3A_73, %dma_wait3A_896] : memref<4x40xi32, #tpu.memory_space<vmem>> -> memref<1x40xi32, #tpu.memory_space<vmem>>
      %dma_wait3A_898 = tpu.memref_squeeze %dma_wait3A_897 : memref<1x40xi32, #tpu.memory_space<vmem>> -> memref<40xi32, #tpu.memory_space<vmem>>
      %dma_wait3A_899 = arith.constant 0 : i32
      %dma_wait3A_900 = tpu.memref_slice %arg4[%add3A, %run_scoped3A_72, %dma_wait3A_899] : memref<32x254x40xi32, #tpu.memory_space<hbm>> -> memref<1x1x40xi32, #tpu.memory_space<hbm>>
      %dma_wait3A_901 = tpu.memref_squeeze %dma_wait3A_900 : memref<1x1x40xi32, #tpu.memory_space<hbm>> -> memref<40xi32, #tpu.memory_space<hbm>>
      tpu.wait_dma2 semaphore(%run_scoped3A_877 : memref<!tpu.dma_semaphore, #tpu.memory_space<semaphore_mem>>) src(%dma_wait3A_901 : memref<40xi32, #tpu.memory_space<hbm>>) dst(%dma_wait3A_898 : memref<40xi32, #tpu.memory_space<vmem>>)
      tpu.yield
    }) : () -> ()
    %run_scoped3A_74 = arith.constant 0 : i32
    %run_scoped3A_75 = arith.constant 0 : i32
    "tpu.region"() ({
      %run_scoped3A_877 = tpu.sem_alloc : memref<!tpu.dma_semaphore, #tpu.memory_space<semaphore_mem>>
      %dma_start3A_878 = arith.constant 0 : i32
      %dma_start3A_879 = arith.constant 0 : i32
      %dma_start3A_880 = tpu.memref_slice %arg9[%run_scoped3A_75, %dma_start3A_878, %dma_start3A_879] : memref<2x80x16xf32, #tpu.memory_space<vmem>> -> memref<1x80x16xf32, #tpu.memory_space<vmem>>
      %dma_start3A_881 = tpu.memref_squeeze %dma_start3A_880 : memref<1x80x16xf32, #tpu.memory_space<vmem>> -> memref<80x16xf32, #tpu.memory_space<vmem>>
      %dma_start3A_882 = arith.constant 0 : i32
      %dma_start3A_883 = arith.constant 0 : i32
      %dma_start3A_884 = tpu.memref_slice %arg5[%add3A, %run_scoped3A_74, %dma_start3A_882, %dma_start3A_883] : memref<32x254x80x16xf32, #tpu.memory_space<hbm>> -> memref<1x1x80x16xf32, #tpu.memory_space<hbm>>
      %dma_start3A_885 = tpu.memref_squeeze %dma_start3A_884 : memref<1x1x80x16xf32, #tpu.memory_space<hbm>> -> memref<80x16xf32, #tpu.memory_space<hbm>>
      %dma_start3A_886 = arith.constant 0 : i32
      %dma_start3A_887 = arith.constant 0 : i32
      %dma_start3A_888 = tpu.memref_slice %arg9[%run_scoped3A_75, %dma_start3A_886, %dma_start3A_887] : memref<2x80x16xf32, #tpu.memory_space<vmem>> -> memref<1x80x16xf32, #tpu.memory_space<vmem>>
      %dma_start3A_889 = tpu.memref_squeeze %dma_start3A_888 : memref<1x80x16xf32, #tpu.memory_space<vmem>> -> memref<80x16xf32, #tpu.memory_space<vmem>>
      %dma_start3A_890 = arith.constant 0 : i32
      %dma_start3A_891 = arith.constant 0 : i32
      %dma_start3A_892 = tpu.memref_slice %arg5[%add3A, %run_scoped3A_74, %dma_start3A_890, %dma_start3A_891] : memref<32x254x80x16xf32, #tpu.memory_space<hbm>> -> memref<1x1x80x16xf32, #tpu.memory_space<hbm>>
      %dma_start3A_893 = tpu.memref_squeeze %dma_start3A_892 : memref<1x1x80x16xf32, #tpu.memory_space<hbm>> -> memref<80x16xf32, #tpu.memory_space<hbm>>
      tpu.enqueue_dma source(%dma_start3A_893 : memref<80x16xf32, #tpu.memory_space<hbm>>) target(%dma_start3A_889 : memref<80x16xf32, #tpu.memory_space<vmem>>) target_semaphore(%run_scoped3A_877 : memref<!tpu.dma_semaphore, #tpu.memory_space<semaphore_mem>>)
      %dma_wait3A_894 = arith.constant 0 : i32
      %dma_wait3A_895 = arith.constant 0 : i32
      %dma_wait3A_896 = tpu.memref_slice %arg9[%run_scoped3A_75, %dma_wait3A_894, %dma_wait3A_895] : memref<2x80x16xf32, #tpu.memory_space<vmem>> -> memref<1x80x16xf32, #tpu.memory_space<vmem>>
      %dma_wait3A_897 = tpu.memref_squeeze %dma_wait3A_896 : memref<1x80x16xf32, #tpu.memory_space<vmem>> -> memref<80x16xf32, #tpu.memory_space<vmem>>
      %dma_wait3A_898 = arith.constant 0 : i32
      %dma_wait3A_899 = arith.constant 0 : i32
      %dma_wait3A_900 = tpu.memref_slice %arg5[%add3A, %run_scoped3A_74, %dma_wait3A_898, %dma_wait3A_899] : memref<32x254x80x16xf32, #tpu.memory_space<hbm>> -> memref<1x1x80x16xf32, #tpu.memory_space<hbm>>
      %dma_wait3A_901 = tpu.memref_squeeze %dma_wait3A_900 : memref<1x1x80x16xf32, #tpu.memory_space<hbm>> -> memref<80x16xf32, #tpu.memory_space<hbm>>
      %dma_wait3A_902 = arith.constant 0 : i32
      %dma_wait3A_903 = arith.constant 0 : i32
      %dma_wait3A_904 = tpu.memref_slice %arg9[%run_scoped3A_75, %dma_wait3A_902, %dma_wait3A_903] : memref<2x80x16xf32, #tpu.memory_space<vmem>> -> memref<1x80x16xf32, #tpu.memory_space<vmem>>
      %dma_wait3A_905 = tpu.memref_squeeze %dma_wait3A_904 : memref<1x80x16xf32, #tpu.memory_space<vmem>> -> memref<80x16xf32, #tpu.memory_space<vmem>>
      %dma_wait3A_906 = arith.constant 0 : i32
      %dma_wait3A_907 = arith.constant 0 : i32
      %dma_wait3A_908 = tpu.memref_slice %arg5[%add3A, %run_scoped3A_74, %dma_wait3A_906, %dma_wait3A_907] : memref<32x254x80x16xf32, #tpu.memory_space<hbm>> -> memref<1x1x80x16xf32, #tpu.memory_space<hbm>>
      %dma_wait3A_909 = tpu.memref_squeeze %dma_wait3A_908 : memref<1x1x80x16xf32, #tpu.memory_space<hbm>> -> memref<80x16xf32, #tpu.memory_space<hbm>>
      tpu.wait_dma2 semaphore(%run_scoped3A_877 : memref<!tpu.dma_semaphore, #tpu.memory_space<semaphore_mem>>) src(%dma_wait3A_909 : memref<80x16xf32, #tpu.memory_space<hbm>>) dst(%dma_wait3A_905 : memref<80x16xf32, #tpu.memory_space<vmem>>)
      tpu.yield
    }) : () -> ()
    %dma_start3A = arith.constant 0 : i32
    %dma_start3A_76 = arith.constant 0 : i32
    %dma_start3A_77 = arith.constant 0 : i32
    %dma_start3A_78 = arith.constant 0 : i32
    %dma_start3A_79 = tpu.memref_slice %arg10[%dma_start3A_76, %dma_start3A_77, %dma_start3A_78] : memref<2x40x256xf32, #tpu.memory_space<vmem>> -> memref<1x24x256xf32, #tpu.memory_space<vmem>>
    %dma_start3A_80 = tpu.memref_squeeze %dma_start3A_79 : memref<1x24x256xf32, #tpu.memory_space<vmem>> -> memref<24x256xf32, #tpu.memory_space<vmem>>
    %dma_start3A_81 = arith.constant 0 : i32
    %dma_start3A_82 = tpu.memref_slice %arg7[%dma_start3A, %dma_start3A_81] : memref<2x40xi32, #tpu.memory_space<vmem>> -> memref<1x24xi32, #tpu.memory_space<vmem>>
    %dma_start3A_83 = tpu.memref_squeeze %dma_start3A_82 : memref<1x24xi32, #tpu.memory_space<vmem>> -> memref<24xi32, #tpu.memory_space<vmem>>
    %dma_start3A_84 = arith.constant 0 : i32
    %dma_start3A_85 = arith.constant 0 : i32
    %dma_start3A_86 = tpu.memref_slice %arg2[%dma_start3A_84, %dma_start3A_85] : memref<10000x256xf32, #tpu.memory_space<hbm>> -> memref<10000x256xf32, #tpu.memory_space<hbm>>
    tpu.enqueue_indirect_dma source(%dma_start3A_86 : memref<10000x256xf32, #tpu.memory_space<hbm>>) target(%dma_start3A_80 : memref<24x256xf32, #tpu.memory_space<vmem>>) offsets(%dma_start3A_83 : memref<24xi32, #tpu.memory_space<vmem>>) semaphore(%arg13 : memref<!tpu.dma_semaphore, #tpu.memory_space<semaphore_mem>>)
    %dma_start3A_87 = arith.constant 0 : i32
    %dma_start3A_88 = arith.constant 0 : i32
    %dma_start3A_89 = arith.constant 24 : i32
    %dma_start3A_90 = arith.constant 0 : i32
    %dma_start3A_91 = tpu.memref_slice %arg10[%dma_start3A_88, %dma_start3A_89, %dma_start3A_90] : memref<2x40x256xf32, #tpu.memory_space<vmem>> -> memref<1x16x256xf32, #tpu.memory_space<vmem>>
    %dma_start3A_92 = tpu.memref_squeeze %dma_start3A_91 : memref<1x16x256xf32, #tpu.memory_space<vmem>> -> memref<16x256xf32, #tpu.memory_space<vmem>>
    %dma_start3A_93 = arith.constant 24 : i32
    %dma_start3A_94 = tpu.memref_slice %arg7[%dma_start3A_87, %dma_start3A_93] : memref<2x40xi32, #tpu.memory_space<vmem>> -> memref<1x16xi32, #tpu.memory_space<vmem>>
    %dma_start3A_95 = tpu.memref_squeeze %dma_start3A_94 : memref<1x16xi32, #tpu.memory_space<vmem>> -> memref<16xi32, #tpu.memory_space<vmem>>
    %dma_start3A_96 = arith.constant 0 : i32
    %dma_start3A_97 = arith.constant 0 : i32
    %dma_start3A_98 = tpu.memref_slice %arg2[%dma_start3A_96, %dma_start3A_97] : memref<10000x256xf32, #tpu.memory_space<hbm>> -> memref<10000x256xf32, #tpu.memory_space<hbm>>
    tpu.enqueue_indirect_dma source(%dma_start3A_98 : memref<10000x256xf32, #tpu.memory_space<hbm>>) target(%dma_start3A_92 : memref<16x256xf32, #tpu.memory_space<vmem>>) offsets(%dma_start3A_95 : memref<16xi32, #tpu.memory_space<vmem>>) semaphore(%arg13 : memref<!tpu.dma_semaphore, #tpu.memory_space<semaphore_mem>>)
    %dma_start3A_99 = arith.constant 1 : i32
    %dma_start3A_100 = arith.constant 1 : i32
    %dma_start3A_101 = arith.constant 0 : i32
    %dma_start3A_102 = tpu.memref_slice %arg7[%dma_start3A_100, %dma_start3A_101] : memref<2x40xi32, #tpu.memory_space<vmem>> -> memref<1x40xi32, #tpu.memory_space<vmem>>
    %dma_start3A_103 = tpu.memref_squeeze %dma_start3A_102 : memref<1x40xi32, #tpu.memory_space<vmem>> -> memref<40xi32, #tpu.memory_space<vmem>>
    %dma_start3A_104 = arith.constant 0 : i32
    %dma_start3A_105 = tpu.memref_slice %arg3[%add3A, %dma_start3A_99, %dma_start3A_104] : memref<32x254x40xi32, #tpu.memory_space<hbm>> -> memref<1x1x40xi32, #tpu.memory_space<hbm>>
    %dma_start3A_106 = tpu.memref_squeeze %dma_start3A_105 : memref<1x1x40xi32, #tpu.memory_space<hbm>> -> memref<40xi32, #tpu.memory_space<hbm>>
    %dma_start3A_107 = arith.constant 0 : i32
    %dma_start3A_108 = tpu.memref_slice %arg7[%dma_start3A_100, %dma_start3A_107] : memref<2x40xi32, #tpu.memory_space<vmem>> -> memref<1x40xi32, #tpu.memory_space<vmem>>
    %dma_start3A_109 = tpu.memref_squeeze %dma_start3A_108 : memref<1x40xi32, #tpu.memory_space<vmem>> -> memref<40xi32, #tpu.memory_space<vmem>>
    %dma_start3A_110 = arith.constant 0 : i32
    %dma_start3A_111 = tpu.memref_slice %arg3[%add3A, %dma_start3A_99, %dma_start3A_110] : memref<32x254x40xi32, #tpu.memory_space<hbm>> -> memref<1x1x40xi32, #tpu.memory_space<hbm>>
    %dma_start3A_112 = tpu.memref_squeeze %dma_start3A_111 : memref<1x1x40xi32, #tpu.memory_space<hbm>> -> memref<40xi32, #tpu.memory_space<hbm>>
    tpu.enqueue_dma source(%dma_start3A_112 : memref<40xi32, #tpu.memory_space<hbm>>) target(%dma_start3A_109 : memref<40xi32, #tpu.memory_space<vmem>>) target_semaphore(%arg14 : memref<!tpu.dma_semaphore, #tpu.memory_space<semaphore_mem>>)
    %dma_start3A_113 = arith.constant 1 : i32
    %dma_start3A_114 = arith.constant 1 : i32
    %dma_start3A_115 = arith.constant 0 : i32
    %dma_start3A_116 = tpu.memref_slice %arg8[%dma_start3A_114, %dma_start3A_115] : memref<4x40xi32, #tpu.memory_space<vmem>> -> memref<1x40xi32, #tpu.memory_space<vmem>>
    %dma_start3A_117 = tpu.memref_squeeze %dma_start3A_116 : memref<1x40xi32, #tpu.memory_space<vmem>> -> memref<40xi32, #tpu.memory_space<vmem>>
    %dma_start3A_118 = arith.constant 0 : i32
    %dma_start3A_119 = tpu.memref_slice %arg4[%add3A, %dma_start3A_113, %dma_start3A_118] : memref<32x254x40xi32, #tpu.memory_space<hbm>> -> memref<1x1x40xi32, #tpu.memory_space<hbm>>
    %dma_start3A_120 = tpu.memref_squeeze %dma_start3A_119 : memref<1x1x40xi32, #tpu.memory_space<hbm>> -> memref<40xi32, #tpu.memory_space<hbm>>
    %dma_start3A_121 = arith.constant 0 : i32
    %dma_start3A_122 = tpu.memref_slice %arg8[%dma_start3A_114, %dma_start3A_121] : memref<4x40xi32, #tpu.memory_space<vmem>> -> memref<1x40xi32, #tpu.memory_space<vmem>>
    %dma_start3A_123 = tpu.memref_squeeze %dma_start3A_122 : memref<1x40xi32, #tpu.memory_space<vmem>> -> memref<40xi32, #tpu.memory_space<vmem>>
    %dma_start3A_124 = arith.constant 0 : i32
    %dma_start3A_125 = tpu.memref_slice %arg4[%add3A, %dma_start3A_113, %dma_start3A_124] : memref<32x254x40xi32, #tpu.memory_space<hbm>> -> memref<1x1x40xi32, #tpu.memory_space<hbm>>
    %dma_start3A_126 = tpu.memref_squeeze %dma_start3A_125 : memref<1x1x40xi32, #tpu.memory_space<hbm>> -> memref<40xi32, #tpu.memory_space<hbm>>
    tpu.enqueue_dma source(%dma_start3A_126 : memref<40xi32, #tpu.memory_space<hbm>>) target(%dma_start3A_123 : memref<40xi32, #tpu.memory_space<vmem>>) target_semaphore(%arg14 : memref<!tpu.dma_semaphore, #tpu.memory_space<semaphore_mem>>)
    %dma_start3A_127 = arith.constant 1 : i32
    %dma_start3A_128 = arith.constant 1 : i32
    %dma_start3A_129 = arith.constant 0 : i32
    %dma_start3A_130 = arith.constant 0 : i32
    %dma_start3A_131 = tpu.memref_slice %arg9[%dma_start3A_128, %dma_start3A_129, %dma_start3A_130] : memref<2x80x16xf32, #tpu.memory_space<vmem>> -> memref<1x80x16xf32, #tpu.memory_space<vmem>>
    %dma_start3A_132 = tpu.memref_squeeze %dma_start3A_131 : memref<1x80x16xf32, #tpu.memory_space<vmem>> -> memref<80x16xf32, #tpu.memory_space<vmem>>
    %dma_start3A_133 = arith.constant 0 : i32
    %dma_start3A_134 = arith.constant 0 : i32
    %dma_start3A_135 = tpu.memref_slice %arg5[%add3A, %dma_start3A_127, %dma_start3A_133, %dma_start3A_134] : memref<32x254x80x16xf32, #tpu.memory_space<hbm>> -> memref<1x1x80x16xf32, #tpu.memory_space<hbm>>
    %dma_start3A_136 = tpu.memref_squeeze %dma_start3A_135 : memref<1x1x80x16xf32, #tpu.memory_space<hbm>> -> memref<80x16xf32, #tpu.memory_space<hbm>>
    %dma_start3A_137 = arith.constant 0 : i32
    %dma_start3A_138 = arith.constant 0 : i32
    %dma_start3A_139 = tpu.memref_slice %arg9[%dma_start3A_128, %dma_start3A_137, %dma_start3A_138] : memref<2x80x16xf32, #tpu.memory_space<vmem>> -> memref<1x80x16xf32, #tpu.memory_space<vmem>>
    %dma_start3A_140 = tpu.memref_squeeze %dma_start3A_139 : memref<1x80x16xf32, #tpu.memory_space<vmem>> -> memref<80x16xf32, #tpu.memory_space<vmem>>
    %dma_start3A_141 = arith.constant 0 : i32
    %dma_start3A_142 = arith.constant 0 : i32
    %dma_start3A_143 = tpu.memref_slice %arg5[%add3A, %dma_start3A_127, %dma_start3A_141, %dma_start3A_142] : memref<32x254x80x16xf32, #tpu.memory_space<hbm>> -> memref<1x1x80x16xf32, #tpu.memory_space<hbm>>
    %dma_start3A_144 = tpu.memref_squeeze %dma_start3A_143 : memref<1x1x80x16xf32, #tpu.memory_space<hbm>> -> memref<80x16xf32, #tpu.memory_space<hbm>>
    tpu.enqueue_dma source(%dma_start3A_144 : memref<80x16xf32, #tpu.memory_space<hbm>>) target(%dma_start3A_140 : memref<80x16xf32, #tpu.memory_space<vmem>>) target_semaphore(%arg14 : memref<!tpu.dma_semaphore, #tpu.memory_space<semaphore_mem>>)
    %dma_wait3A = arith.constant 1 : i32
    %dma_wait3A_145 = arith.constant 1 : i32
    %dma_wait3A_146 = arith.constant 0 : i32
    %dma_wait3A_147 = tpu.memref_slice %arg7[%dma_wait3A_145, %dma_wait3A_146] : memref<2x40xi32, #tpu.memory_space<vmem>> -> memref<1x40xi32, #tpu.memory_space<vmem>>
    %dma_wait3A_148 = tpu.memref_squeeze %dma_wait3A_147 : memref<1x40xi32, #tpu.memory_space<vmem>> -> memref<40xi32, #tpu.memory_space<vmem>>
    %dma_wait3A_149 = arith.constant 0 : i32
    %dma_wait3A_150 = tpu.memref_slice %arg3[%add3A, %dma_wait3A, %dma_wait3A_149] : memref<32x254x40xi32, #tpu.memory_space<hbm>> -> memref<1x1x40xi32, #tpu.memory_space<hbm>>
    %dma_wait3A_151 = tpu.memref_squeeze %dma_wait3A_150 : memref<1x1x40xi32, #tpu.memory_space<hbm>> -> memref<40xi32, #tpu.memory_space<hbm>>
    %dma_wait3A_152 = arith.constant 0 : i32
    %dma_wait3A_153 = tpu.memref_slice %arg7[%dma_wait3A_145, %dma_wait3A_152] : memref<2x40xi32, #tpu.memory_space<vmem>> -> memref<1x40xi32, #tpu.memory_space<vmem>>
    %dma_wait3A_154 = tpu.memref_squeeze %dma_wait3A_153 : memref<1x40xi32, #tpu.memory_space<vmem>> -> memref<40xi32, #tpu.memory_space<vmem>>
    %dma_wait3A_155 = arith.constant 0 : i32
    %dma_wait3A_156 = tpu.memref_slice %arg3[%add3A, %dma_wait3A, %dma_wait3A_155] : memref<32x254x40xi32, #tpu.memory_space<hbm>> -> memref<1x1x40xi32, #tpu.memory_space<hbm>>
    %dma_wait3A_157 = tpu.memref_squeeze %dma_wait3A_156 : memref<1x1x40xi32, #tpu.memory_space<hbm>> -> memref<40xi32, #tpu.memory_space<hbm>>
    tpu.wait_dma2 semaphore(%arg14 : memref<!tpu.dma_semaphore, #tpu.memory_space<semaphore_mem>>) src(%dma_wait3A_157 : memref<40xi32, #tpu.memory_space<hbm>>) dst(%dma_wait3A_154 : memref<40xi32, #tpu.memory_space<vmem>>)
    %dma_wait3A_158 = arith.constant 1 : i32
    %dma_wait3A_159 = arith.constant 1 : i32
    %dma_wait3A_160 = arith.constant 0 : i32
    %dma_wait3A_161 = tpu.memref_slice %arg8[%dma_wait3A_159, %dma_wait3A_160] : memref<4x40xi32, #tpu.memory_space<vmem>> -> memref<1x40xi32, #tpu.memory_space<vmem>>
    %dma_wait3A_162 = tpu.memref_squeeze %dma_wait3A_161 : memref<1x40xi32, #tpu.memory_space<vmem>> -> memref<40xi32, #tpu.memory_space<vmem>>
    %dma_wait3A_163 = arith.constant 0 : i32
    %dma_wait3A_164 = tpu.memref_slice %arg4[%add3A, %dma_wait3A_158, %dma_wait3A_163] : memref<32x254x40xi32, #tpu.memory_space<hbm>> -> memref<1x1x40xi32, #tpu.memory_space<hbm>>
    %dma_wait3A_165 = tpu.memref_squeeze %dma_wait3A_164 : memref<1x1x40xi32, #tpu.memory_space<hbm>> -> memref<40xi32, #tpu.memory_space<hbm>>
    %dma_wait3A_166 = arith.constant 0 : i32
    %dma_wait3A_167 = tpu.memref_slice %arg8[%dma_wait3A_159, %dma_wait3A_166] : memref<4x40xi32, #tpu.memory_space<vmem>> -> memref<1x40xi32, #tpu.memory_space<vmem>>
    %dma_wait3A_168 = tpu.memref_squeeze %dma_wait3A_167 : memref<1x40xi32, #tpu.memory_space<vmem>> -> memref<40xi32, #tpu.memory_space<vmem>>
    %dma_wait3A_169 = arith.constant 0 : i32
    %dma_wait3A_170 = tpu.memref_slice %arg4[%add3A, %dma_wait3A_158, %dma_wait3A_169] : memref<32x254x40xi32, #tpu.memory_space<hbm>> -> memref<1x1x40xi32, #tpu.memory_space<hbm>>
    %dma_wait3A_171 = tpu.memref_squeeze %dma_wait3A_170 : memref<1x1x40xi32, #tpu.memory_space<hbm>> -> memref<40xi32, #tpu.memory_space<hbm>>
    tpu.wait_dma2 semaphore(%arg14 : memref<!tpu.dma_semaphore, #tpu.memory_space<semaphore_mem>>) src(%dma_wait3A_171 : memref<40xi32, #tpu.memory_space<hbm>>) dst(%dma_wait3A_168 : memref<40xi32, #tpu.memory_space<vmem>>)
    %dma_wait3A_172 = arith.constant 1 : i32
    %dma_wait3A_173 = arith.constant 1 : i32
    %dma_wait3A_174 = arith.constant 0 : i32
    %dma_wait3A_175 = arith.constant 0 : i32
    %dma_wait3A_176 = tpu.memref_slice %arg9[%dma_wait3A_173, %dma_wait3A_174, %dma_wait3A_175] : memref<2x80x16xf32, #tpu.memory_space<vmem>> -> memref<1x80x16xf32, #tpu.memory_space<vmem>>
    %dma_wait3A_177 = tpu.memref_squeeze %dma_wait3A_176 : memref<1x80x16xf32, #tpu.memory_space<vmem>> -> memref<80x16xf32, #tpu.memory_space<vmem>>
    %dma_wait3A_178 = arith.constant 0 : i32
    %dma_wait3A_179 = arith.constant 0 : i32
    %dma_wait3A_180 = tpu.memref_slice %arg5[%add3A, %dma_wait3A_172, %dma_wait3A_178, %dma_wait3A_179] : memref<32x254x80x16xf32, #tpu.memory_space<hbm>> -> memref<1x1x80x16xf32, #tpu.memory_space<hbm>>
    %dma_wait3A_181 = tpu.memref_squeeze %dma_wait3A_180 : memref<1x1x80x16xf32, #tpu.memory_space<hbm>> -> memref<80x16xf32, #tpu.memory_space<hbm>>
    %dma_wait3A_182 = arith.constant 0 : i32
    %dma_wait3A_183 = arith.constant 0 : i32
    %dma_wait3A_184 = tpu.memref_slice %arg9[%dma_wait3A_173, %dma_wait3A_182, %dma_wait3A_183] : memref<2x80x16xf32, #tpu.memory_space<vmem>> -> memref<1x80x16xf32, #tpu.memory_space<vmem>>
    %dma_wait3A_185 = tpu.memref_squeeze %dma_wait3A_184 : memref<1x80x16xf32, #tpu.memory_space<vmem>> -> memref<80x16xf32, #tpu.memory_space<vmem>>
    %dma_wait3A_186 = arith.constant 0 : i32
    %dma_wait3A_187 = arith.constant 0 : i32
    %dma_wait3A_188 = tpu.memref_slice %arg5[%add3A, %dma_wait3A_172, %dma_wait3A_186, %dma_wait3A_187] : memref<32x254x80x16xf32, #tpu.memory_space<hbm>> -> memref<1x1x80x16xf32, #tpu.memory_space<hbm>>
    %dma_wait3A_189 = tpu.memref_squeeze %dma_wait3A_188 : memref<1x1x80x16xf32, #tpu.memory_space<hbm>> -> memref<80x16xf32, #tpu.memory_space<hbm>>
    tpu.wait_dma2 semaphore(%arg14 : memref<!tpu.dma_semaphore, #tpu.memory_space<semaphore_mem>>) src(%dma_wait3A_189 : memref<80x16xf32, #tpu.memory_space<hbm>>) dst(%dma_wait3A_185 : memref<80x16xf32, #tpu.memory_space<vmem>>)
    %dma_start3A_190 = arith.constant 1 : i32
    %dma_start3A_191 = arith.constant 1 : i32
    %dma_start3A_192 = arith.constant 0 : i32
    %dma_start3A_193 = arith.constant 0 : i32
    %dma_start3A_194 = tpu.memref_slice %arg10[%dma_start3A_191, %dma_start3A_192, %dma_start3A_193] : memref<2x40x256xf32, #tpu.memory_space<vmem>> -> memref<1x24x256xf32, #tpu.memory_space<vmem>>
    %dma_start3A_195 = tpu.memref_squeeze %dma_start3A_194 : memref<1x24x256xf32, #tpu.memory_space<vmem>> -> memref<24x256xf32, #tpu.memory_space<vmem>>
    %dma_start3A_196 = arith.constant 0 : i32
    %dma_start3A_197 = tpu.memref_slice %arg7[%dma_start3A_190, %dma_start3A_196] : memref<2x40xi32, #tpu.memory_space<vmem>> -> memref<1x24xi32, #tpu.memory_space<vmem>>
    %dma_start3A_198 = tpu.memref_squeeze %dma_start3A_197 : memref<1x24xi32, #tpu.memory_space<vmem>> -> memref<24xi32, #tpu.memory_space<vmem>>
    %dma_start3A_199 = arith.constant 0 : i32
    %dma_start3A_200 = arith.constant 0 : i32
    %dma_start3A_201 = tpu.memref_slice %arg2[%dma_start3A_199, %dma_start3A_200] : memref<10000x256xf32, #tpu.memory_space<hbm>> -> memref<10000x256xf32, #tpu.memory_space<hbm>>
    tpu.enqueue_indirect_dma source(%dma_start3A_201 : memref<10000x256xf32, #tpu.memory_space<hbm>>) target(%dma_start3A_195 : memref<24x256xf32, #tpu.memory_space<vmem>>) offsets(%dma_start3A_198 : memref<24xi32, #tpu.memory_space<vmem>>) semaphore(%arg13 : memref<!tpu.dma_semaphore, #tpu.memory_space<semaphore_mem>>)
    %dma_start3A_202 = arith.constant 1 : i32
    %dma_start3A_203 = arith.constant 1 : i32
    %dma_start3A_204 = arith.constant 24 : i32
    %dma_start3A_205 = arith.constant 0 : i32
    %dma_start3A_206 = tpu.memref_slice %arg10[%dma_start3A_203, %dma_start3A_204, %dma_start3A_205] : memref<2x40x256xf32, #tpu.memory_space<vmem>> -> memref<1x16x256xf32, #tpu.memory_space<vmem>>
    %dma_start3A_207 = tpu.memref_squeeze %dma_start3A_206 : memref<1x16x256xf32, #tpu.memory_space<vmem>> -> memref<16x256xf32, #tpu.memory_space<vmem>>
    %dma_start3A_208 = arith.constant 24 : i32
    %dma_start3A_209 = tpu.memref_slice %arg7[%dma_start3A_202, %dma_start3A_208] : memref<2x40xi32, #tpu.memory_space<vmem>> -> memref<1x16xi32, #tpu.memory_space<vmem>>
    %dma_start3A_210 = tpu.memref_squeeze %dma_start3A_209 : memref<1x16xi32, #tpu.memory_space<vmem>> -> memref<16xi32, #tpu.memory_space<vmem>>
    %dma_start3A_211 = arith.constant 0 : i32
    %dma_start3A_212 = arith.constant 0 : i32
    %dma_start3A_213 = tpu.memref_slice %arg2[%dma_start3A_211, %dma_start3A_212] : memref<10000x256xf32, #tpu.memory_space<hbm>> -> memref<10000x256xf32, #tpu.memory_space<hbm>>
    tpu.enqueue_indirect_dma source(%dma_start3A_213 : memref<10000x256xf32, #tpu.memory_space<hbm>>) target(%dma_start3A_207 : memref<16x256xf32, #tpu.memory_space<vmem>>) offsets(%dma_start3A_210 : memref<16xi32, #tpu.memory_space<vmem>>) semaphore(%arg13 : memref<!tpu.dma_semaphore, #tpu.memory_space<semaphore_mem>>)
    %dma_wait3A_214 = arith.constant 0 : i32
    %dma_wait3A_215 = arith.constant 0 : i32
    %dma_wait3A_216 = arith.constant 0 : i32
    %dma_wait3A_217 = arith.constant 0 : i32
    %dma_wait3A_218 = tpu.memref_slice %arg10[%dma_wait3A_215, %dma_wait3A_216, %dma_wait3A_217] : memref<2x40x256xf32, #tpu.memory_space<vmem>> -> memref<1x24x256xf32, #tpu.memory_space<vmem>>
    %dma_wait3A_219 = tpu.memref_squeeze %dma_wait3A_218 : memref<1x24x256xf32, #tpu.memory_space<vmem>> -> memref<24x256xf32, #tpu.memory_space<vmem>>
    %dma_wait3A_220 = arith.constant 0 : i32
    %dma_wait3A_221 = tpu.memref_slice %arg7[%dma_wait3A_214, %dma_wait3A_220] : memref<2x40xi32, #tpu.memory_space<vmem>> -> memref<1x24xi32, #tpu.memory_space<vmem>>
    %dma_wait3A_222 = tpu.memref_squeeze %dma_wait3A_221 : memref<1x24xi32, #tpu.memory_space<vmem>> -> memref<24xi32, #tpu.memory_space<vmem>>
    %dma_wait3A_223 = arith.constant 0 : i32
    %dma_wait3A_224 = arith.constant 0 : i32
    %dma_wait3A_225 = tpu.memref_slice %arg2[%dma_wait3A_223, %dma_wait3A_224] : memref<10000x256xf32, #tpu.memory_space<hbm>> -> memref<10000x256xf32, #tpu.memory_space<hbm>>
    tpu.wait_indirect_dma semaphore(%arg13 : memref<!tpu.dma_semaphore, #tpu.memory_space<semaphore_mem>>) src(%dma_wait3A_225 : memref<10000x256xf32, #tpu.memory_space<hbm>>) dst(%dma_wait3A_219 : memref<24x256xf32, #tpu.memory_space<vmem>>)
    %dma_wait3A_226 = arith.constant 0 : i32
    %dma_wait3A_227 = arith.constant 0 : i32
    %dma_wait3A_228 = arith.constant 24 : i32
    %dma_wait3A_229 = arith.constant 0 : i32
    %dma_wait3A_230 = tpu.memref_slice %arg10[%dma_wait3A_227, %dma_wait3A_228, %dma_wait3A_229] : memref<2x40x256xf32, #tpu.memory_space<vmem>> -> memref<1x16x256xf32, #tpu.memory_space<vmem>>
    %dma_wait3A_231 = tpu.memref_squeeze %dma_wait3A_230 : memref<1x16x256xf32, #tpu.memory_space<vmem>> -> memref<16x256xf32, #tpu.memory_space<vmem>>
    %dma_wait3A_232 = arith.constant 24 : i32
    %dma_wait3A_233 = tpu.memref_slice %arg7[%dma_wait3A_226, %dma_wait3A_232] : memref<2x40xi32, #tpu.memory_space<vmem>> -> memref<1x16xi32, #tpu.memory_space<vmem>>
    %dma_wait3A_234 = tpu.memref_squeeze %dma_wait3A_233 : memref<1x16xi32, #tpu.memory_space<vmem>> -> memref<16xi32, #tpu.memory_space<vmem>>
    %dma_wait3A_235 = arith.constant 0 : i32
    %dma_wait3A_236 = arith.constant 0 : i32
    %dma_wait3A_237 = tpu.memref_slice %arg2[%dma_wait3A_235, %dma_wait3A_236] : memref<10000x256xf32, #tpu.memory_space<hbm>> -> memref<10000x256xf32, #tpu.memory_space<hbm>>
    tpu.wait_indirect_dma semaphore(%arg13 : memref<!tpu.dma_semaphore, #tpu.memory_space<semaphore_mem>>) src(%dma_wait3A_237 : memref<10000x256xf32, #tpu.memory_space<hbm>>) dst(%dma_wait3A_231 : memref<16x256xf32, #tpu.memory_space<vmem>>)
    %scan3A_238 = arith.constant 0 : i32
    %scan3A_239 = arith.constant 0 : i32
    %scan3A_240 = arith.constant 0 : i32
    %scan3A_241 = arith.constant 0 : i32
    %scan3A_242 = arith.constant 40 : i32
    %scan3A_243 = arith.addi %scan3A_241, %scan3A_242 : i32
    %scan3A_244 = arith.constant 1 : i32
    scf.for %scan3A_877 = %scan3A_241 to %scan3A_243 step %scan3A_244  : i32 {
      %get3A = arith.constant 0 : i32
      %get3A_878 = arith.constant 0 : i32
      %get3A_879 = tpu.memref_slice %arg9[%scan3A_239, %get3A, %get3A_878] : memref<2x80x16xf32, #tpu.memory_space<vmem>> -> memref<1x80x16xf32, #tpu.memory_space<vmem>>
      %get3A_880 = tpu.memref_squeeze %get3A_879 : memref<1x80x16xf32, #tpu.memory_space<vmem>> -> memref<80x16xf32, #tpu.memory_space<vmem>>
      %get3A_881 = arith.index_cast %scan3A_877 : i32 to index
      %get3A_882 = arith.constant 0 : index
      %get3A_883 = tpu.vector_load %get3A_880[%get3A_881, %get3A_882] {strides = array<i32>} : memref<80x16xf32, #tpu.memory_space<vmem>>, vector<1x16xf32>,
      %get3A_884 = vector.shape_cast %get3A_883 : vector<1x16xf32> to vector<16xf32>
      %add3A_885 = arith.constant 40 : i32
      %add3A_886 = arith.addi %add3A_885, %scan3A_877 : i32
      %get3A_887 = arith.constant 0 : i32
      %get3A_888 = arith.constant 0 : i32
      %get3A_889 = tpu.memref_slice %arg9[%scan3A_239, %get3A_887, %get3A_888] : memref<2x80x16xf32, #tpu.memory_space<vmem>> -> memref<1x80x16xf32, #tpu.memory_space<vmem>>
      %get3A_890 = tpu.memref_squeeze %get3A_889 : memref<1x80x16xf32, #tpu.memory_space<vmem>> -> memref<80x16xf32, #tpu.memory_space<vmem>>
      %get3A_891 = arith.index_cast %add3A_886 : i32 to index
      %get3A_892 = arith.constant 0 : index
      %get3A_893 = tpu.vector_load %get3A_890[%get3A_891, %get3A_892] {strides = array<i32>} : memref<80x16xf32, #tpu.memory_space<vmem>>, vector<1x16xf32>,
      %get3A_894 = vector.shape_cast %get3A_893 : vector<1x16xf32> to vector<16xf32>
      %get3A_895 = arith.constant 0 : i32
      %get3A_896 = arith.constant 0 : i32
      %get3A_897 = tpu.memref_slice %arg10[%scan3A_240, %get3A_895, %get3A_896] : memref<2x40x256xf32, #tpu.memory_space<vmem>> -> memref<1x40x256xf32, #tpu.memory_space<vmem>>
      %get3A_898 = tpu.memref_squeeze %get3A_897 : memref<1x40x256xf32, #tpu.memory_space<vmem>> -> memref<40x256xf32, #tpu.memory_space<vmem>>
      %get3A_899 = arith.index_cast %scan3A_877 : i32 to index
      %get3A_900 = arith.constant 0 : index
      %get3A_901 = tpu.vector_load %get3A_898[%get3A_899, %get3A_900] {strides = array<i32>} : memref<40x256xf32, #tpu.memory_space<vmem>>, vector<1x16xf32>,
      %get3A_902 = vector.shape_cast %get3A_901 : vector<1x16xf32> to vector<16xf32>
      %get3A_903 = arith.constant 0 : i32
      %get3A_904 = arith.constant 0 : i32
      %get3A_905 = tpu.memref_slice %arg10[%scan3A_240, %get3A_903, %get3A_904] : memref<2x40x256xf32, #tpu.memory_space<vmem>> -> memref<1x40x256xf32, #tpu.memory_space<vmem>>
      %get3A_906 = tpu.memref_squeeze %get3A_905 : memref<1x40x256xf32, #tpu.memory_space<vmem>> -> memref<40x256xf32, #tpu.memory_space<vmem>>
      %get3A_907 = arith.index_cast %scan3A_877 : i32 to index
      %get3A_908 = arith.constant 128 : index
      %get3A_909 = tpu.vector_load %get3A_906[%get3A_907, %get3A_908] {strides = array<i32>} : memref<40x256xf32, #tpu.memory_space<vmem>>, vector<1x16xf32>,
      %get3A_910 = vector.shape_cast %get3A_909 : vector<1x16xf32> to vector<16xf32>
      %mul3A_911 = arith.mulf %get3A_884, %get3A_902 : vector<16xf32>
      %mul3A_912 = arith.mulf %get3A_894, %get3A_910 : vector<16xf32>
      %add3A_913 = arith.addf %mul3A_911, %mul3A_912 : vector<16xf32>
      %swap3A = arith.index_cast %scan3A_877 : i32 to index
      %swap3A_914 = arith.constant 0 : index
      %swap3A_915 = tpu.vector_load %arg11[%swap3A, %swap3A_914] {strides = array<i32>} : memref<40x128xf32, #tpu.memory_space<vmem>>, vector<1x16xf32>,
      %swap3A_916 = vector.shape_cast %swap3A_915 : vector<1x16xf32> to vector<16xf32>
      %swap3A_917 = vector.shape_cast %add3A_913 : vector<16xf32> to vector<1x16xf32>
      tpu.vector_store %arg11[%swap3A, %swap3A_914], %swap3A_917 {strides = array<i32>} : memref<40x128xf32, #tpu.memory_space<vmem>>, vector<1x16xf32>,
      %get3A_918 = arith.constant 0 : i32
      %get3A_919 = arith.constant 0 : i32
      %get3A_920 = tpu.memref_slice %arg10[%scan3A_240, %get3A_918, %get3A_919] : memref<2x40x256xf32, #tpu.memory_space<vmem>> -> memref<1x40x256xf32, #tpu.memory_space<vmem>>
      %get3A_921 = tpu.memref_squeeze %get3A_920 : memref<1x40x256xf32, #tpu.memory_space<vmem>> -> memref<40x256xf32, #tpu.memory_space<vmem>>
      %get3A_922 = arith.index_cast %scan3A_877 : i32 to index
      %get3A_923 = arith.constant 16 : index
      %get3A_924 = tpu.vector_load %get3A_921[%get3A_922, %get3A_923] {strides = array<i32>} : memref<40x256xf32, #tpu.memory_space<vmem>>, vector<1x16xf32>,
      %get3A_925 = vector.shape_cast %get3A_924 : vector<1x16xf32> to vector<16xf32>
      %get3A_926 = arith.constant 0 : i32
      %get3A_927 = arith.constant 0 : i32
      %get3A_928 = tpu.memref_slice %arg10[%scan3A_240, %get3A_926, %get3A_927] : memref<2x40x256xf32, #tpu.memory_space<vmem>> -> memref<1x40x256xf32, #tpu.memory_space<vmem>>
      %get3A_929 = tpu.memref_squeeze %get3A_928 : memref<1x40x256xf32, #tpu.memory_space<vmem>> -> memref<40x256xf32, #tpu.memory_space<vmem>>
      %get3A_930 = arith.index_cast %scan3A_877 : i32 to index
      %get3A_931 = arith.constant 144 : index
      %get3A_932 = tpu.vector_load %get3A_929[%get3A_930, %get3A_931] {strides = array<i32>} : memref<40x256xf32, #tpu.memory_space<vmem>>, vector<1x16xf32>,
      %get3A_933 = vector.shape_cast %get3A_932 : vector<1x16xf32> to vector<16xf32>
      %mul3A_934 = arith.mulf %get3A_884, %get3A_925 : vector<16xf32>
      %mul3A_935 = arith.mulf %get3A_894, %get3A_933 : vector<16xf32>
      %add3A_936 = arith.addf %mul3A_934, %mul3A_935 : vector<16xf32>
      %swap3A_937 = arith.index_cast %scan3A_877 : i32 to index
      %swap3A_938 = arith.constant 16 : index
      %swap3A_939 = tpu.vector_load %arg11[%swap3A_937, %swap3A_938] {strides = array<i32>} : memref<40x128xf32, #tpu.memory_space<vmem>>, vector<1x16xf32>,
      %swap3A_940 = vector.shape_cast %swap3A_939 : vector<1x16xf32> to vector<16xf32>
      %swap3A_941 = vector.shape_cast %add3A_936 : vector<16xf32> to vector<1x16xf32>
      tpu.vector_store %arg11[%swap3A_937, %swap3A_938], %swap3A_941 {strides = array<i32>} : memref<40x128xf32, #tpu.memory_space<vmem>>, vector<1x16xf32>,
      %get3A_942 = arith.constant 0 : i32
      %get3A_943 = arith.constant 0 : i32
      %get3A_944 = tpu.memref_slice %arg10[%scan3A_240, %get3A_942, %get3A_943] : memref<2x40x256xf32, #tpu.memory_space<vmem>> -> memref<1x40x256xf32, #tpu.memory_space<vmem>>
      %get3A_945 = tpu.memref_squeeze %get3A_944 : memref<1x40x256xf32, #tpu.memory_space<vmem>> -> memref<40x256xf32, #tpu.memory_space<vmem>>
      %get3A_946 = arith.index_cast %scan3A_877 : i32 to index
      %get3A_947 = arith.constant 32 : index
      %get3A_948 = tpu.vector_load %get3A_945[%get3A_946, %get3A_947] {strides = array<i32>} : memref<40x256xf32, #tpu.memory_space<vmem>>, vector<1x16xf32>,
      %get3A_949 = vector.shape_cast %get3A_948 : vector<1x16xf32> to vector<16xf32>
      %get3A_950 = arith.constant 0 : i32
      %get3A_951 = arith.constant 0 : i32
      %get3A_952 = tpu.memref_slice %arg10[%scan3A_240, %get3A_950, %get3A_951] : memref<2x40x256xf32, #tpu.memory_space<vmem>> -> memref<1x40x256xf32, #tpu.memory_space<vmem>>
      %get3A_953 = tpu.memref_squeeze %get3A_952 : memref<1x40x256xf32, #tpu.memory_space<vmem>> -> memref<40x256xf32, #tpu.memory_space<vmem>>
      %get3A_954 = arith.index_cast %scan3A_877 : i32 to index
      %get3A_955 = arith.constant 160 : index
      %get3A_956 = tpu.vector_load %get3A_953[%get3A_954, %get3A_955] {strides = array<i32>} : memref<40x256xf32, #tpu.memory_space<vmem>>, vector<1x16xf32>,
      %get3A_957 = vector.shape_cast %get3A_956 : vector<1x16xf32> to vector<16xf32>
      %mul3A_958 = arith.mulf %get3A_884, %get3A_949 : vector<16xf32>
      %mul3A_959 = arith.mulf %get3A_894, %get3A_957 : vector<16xf32>
      %add3A_960 = arith.addf %mul3A_958, %mul3A_959 : vector<16xf32>
      %swap3A_961 = arith.index_cast %scan3A_877 : i32 to index
      %swap3A_962 = arith.constant 32 : index
      %swap3A_963 = tpu.vector_load %arg11[%swap3A_961, %swap3A_962] {strides = array<i32>} : memref<40x128xf32, #tpu.memory_space<vmem>>, vector<1x16xf32>,
      %swap3A_964 = vector.shape_cast %swap3A_963 : vector<1x16xf32> to vector<16xf32>
      %swap3A_965 = vector.shape_cast %add3A_960 : vector<16xf32> to vector<1x16xf32>
      tpu.vector_store %arg11[%swap3A_961, %swap3A_962], %swap3A_965 {strides = array<i32>} : memref<40x128xf32, #tpu.memory_space<vmem>>, vector<1x16xf32>,
      %get3A_966 = arith.constant 0 : i32
      %get3A_967 = arith.constant 0 : i32
      %get3A_968 = tpu.memref_slice %arg10[%scan3A_240, %get3A_966, %get3A_967] : memref<2x40x256xf32, #tpu.memory_space<vmem>> -> memref<1x40x256xf32, #tpu.memory_space<vmem>>
      %get3A_969 = tpu.memref_squeeze %get3A_968 : memref<1x40x256xf32, #tpu.memory_space<vmem>> -> memref<40x256xf32, #tpu.memory_space<vmem>>
      %get3A_970 = arith.index_cast %scan3A_877 : i32 to index
      %get3A_971 = arith.constant 48 : index
      %get3A_972 = tpu.vector_load %get3A_969[%get3A_970, %get3A_971] {strides = array<i32>} : memref<40x256xf32, #tpu.memory_space<vmem>>, vector<1x16xf32>,
      %get3A_973 = vector.shape_cast %get3A_972 : vector<1x16xf32> to vector<16xf32>
      %get3A_974 = arith.constant 0 : i32
      %get3A_975 = arith.constant 0 : i32
      %get3A_976 = tpu.memref_slice %arg10[%scan3A_240, %get3A_974, %get3A_975] : memref<2x40x256xf32, #tpu.memory_space<vmem>> -> memref<1x40x256xf32, #tpu.memory_space<vmem>>
      %get3A_977 = tpu.memref_squeeze %get3A_976 : memref<1x40x256xf32, #tpu.memory_space<vmem>> -> memref<40x256xf32, #tpu.memory_space<vmem>>
      %get3A_978 = arith.index_cast %scan3A_877 : i32 to index
      %get3A_979 = arith.constant 176 : index
      %get3A_980 = tpu.vector_load %get3A_977[%get3A_978, %get3A_979] {strides = array<i32>} : memref<40x256xf32, #tpu.memory_space<vmem>>, vector<1x16xf32>,
      %get3A_981 = vector.shape_cast %get3A_980 : vector<1x16xf32> to vector<16xf32>
      %mul3A_982 = arith.mulf %get3A_884, %get3A_973 : vector<16xf32>
      %mul3A_983 = arith.mulf %get3A_894, %get3A_981 : vector<16xf32>
      %add3A_984 = arith.addf %mul3A_982, %mul3A_983 : vector<16xf32>
      %swap3A_985 = arith.index_cast %scan3A_877 : i32 to index
      %swap3A_986 = arith.constant 48 : index
      %swap3A_987 = tpu.vector_load %arg11[%swap3A_985, %swap3A_986] {strides = array<i32>} : memref<40x128xf32, #tpu.memory_space<vmem>>, vector<1x16xf32>,
      %swap3A_988 = vector.shape_cast %swap3A_987 : vector<1x16xf32> to vector<16xf32>
      %swap3A_989 = vector.shape_cast %add3A_984 : vector<16xf32> to vector<1x16xf32>
      tpu.vector_store %arg11[%swap3A_985, %swap3A_986], %swap3A_989 {strides = array<i32>} : memref<40x128xf32, #tpu.memory_space<vmem>>, vector<1x16xf32>,
      %get3A_990 = arith.constant 0 : i32
      %get3A_991 = arith.constant 0 : i32
      %get3A_992 = tpu.memref_slice %arg10[%scan3A_240, %get3A_990, %get3A_991] : memref<2x40x256xf32, #tpu.memory_space<vmem>> -> memref<1x40x256xf32, #tpu.memory_space<vmem>>
      %get3A_993 = tpu.memref_squeeze %get3A_992 : memref<1x40x256xf32, #tpu.memory_space<vmem>> -> memref<40x256xf32, #tpu.memory_space<vmem>>
      %get3A_994 = arith.index_cast %scan3A_877 : i32 to index
      %get3A_995 = arith.constant 64 : index
      %get3A_996 = tpu.vector_load %get3A_993[%get3A_994, %get3A_995] {strides = array<i32>} : memref<40x256xf32, #tpu.memory_space<vmem>>, vector<1x16xf32>,
      %get3A_997 = vector.shape_cast %get3A_996 : vector<1x16xf32> to vector<16xf32>
      %get3A_998 = arith.constant 0 : i32
      %get3A_999 = arith.constant 0 : i32
      %get3A_1000 = tpu.memref_slice %arg10[%scan3A_240, %get3A_998, %get3A_999] : memref<2x40x256xf32, #tpu.memory_space<vmem>> -> memref<1x40x256xf32, #tpu.memory_space<vmem>>
      %get3A_1001 = tpu.memref_squeeze %get3A_1000 : memref<1x40x256xf32, #tpu.memory_space<vmem>> -> memref<40x256xf32, #tpu.memory_space<vmem>>
      %get3A_1002 = arith.index_cast %scan3A_877 : i32 to index
      %get3A_1003 = arith.constant 192 : index
      %get3A_1004 = tpu.vector_load %get3A_1001[%get3A_1002, %get3A_1003] {strides = array<i32>} : memref<40x256xf32, #tpu.memory_space<vmem>>, vector<1x16xf32>,
      %get3A_1005 = vector.shape_cast %get3A_1004 : vector<1x16xf32> to vector<16xf32>
      %mul3A_1006 = arith.mulf %get3A_884, %get3A_997 : vector<16xf32>
      %mul3A_1007 = arith.mulf %get3A_894, %get3A_1005 : vector<16xf32>
      %add3A_1008 = arith.addf %mul3A_1006, %mul3A_1007 : vector<16xf32>
      %swap3A_1009 = arith.index_cast %scan3A_877 : i32 to index
      %swap3A_1010 = arith.constant 64 : index
      %swap3A_1011 = tpu.vector_load %arg11[%swap3A_1009, %swap3A_1010] {strides = array<i32>} : memref<40x128xf32, #tpu.memory_space<vmem>>, vector<1x16xf32>,
      %swap3A_1012 = vector.shape_cast %swap3A_1011 : vector<1x16xf32> to vector<16xf32>
      %swap3A_1013 = vector.shape_cast %add3A_1008 : vector<16xf32> to vector<1x16xf32>
      tpu.vector_store %arg11[%swap3A_1009, %swap3A_1010], %swap3A_1013 {strides = array<i32>} : memref<40x128xf32, #tpu.memory_space<vmem>>, vector<1x16xf32>,
      %get3A_1014 = arith.constant 0 : i32
      %get3A_1015 = arith.constant 0 : i32
      %get3A_1016 = tpu.memref_slice %arg10[%scan3A_240, %get3A_1014, %get3A_1015] : memref<2x40x256xf32, #tpu.memory_space<vmem>> -> memref<1x40x256xf32, #tpu.memory_space<vmem>>
      %get3A_1017 = tpu.memref_squeeze %get3A_1016 : memref<1x40x256xf32, #tpu.memory_space<vmem>> -> memref<40x256xf32, #tpu.memory_space<vmem>>
      %get3A_1018 = arith.index_cast %scan3A_877 : i32 to index
      %get3A_1019 = arith.constant 80 : index
      %get3A_1020 = tpu.vector_load %get3A_1017[%get3A_1018, %get3A_1019] {strides = array<i32>} : memref<40x256xf32, #tpu.memory_space<vmem>>, vector<1x16xf32>,
      %get3A_1021 = vector.shape_cast %get3A_1020 : vector<1x16xf32> to vector<16xf32>
      %get3A_1022 = arith.constant 0 : i32
      %get3A_1023 = arith.constant 0 : i32
      %get3A_1024 = tpu.memref_slice %arg10[%scan3A_240, %get3A_1022, %get3A_1023] : memref<2x40x256xf32, #tpu.memory_space<vmem>> -> memref<1x40x256xf32, #tpu.memory_space<vmem>>
      %get3A_1025 = tpu.memref_squeeze %get3A_1024 : memref<1x40x256xf32, #tpu.memory_space<vmem>> -> memref<40x256xf32, #tpu.memory_space<vmem>>
      %get3A_1026 = arith.index_cast %scan3A_877 : i32 to index
      %get3A_1027 = arith.constant 208 : index
      %get3A_1028 = tpu.vector_load %get3A_1025[%get3A_1026, %get3A_1027] {strides = array<i32>} : memref<40x256xf32, #tpu.memory_space<vmem>>, vector<1x16xf32>,
      %get3A_1029 = vector.shape_cast %get3A_1028 : vector<1x16xf32> to vector<16xf32>
      %mul3A_1030 = arith.mulf %get3A_884, %get3A_1021 : vector<16xf32>
      %mul3A_1031 = arith.mulf %get3A_894, %get3A_1029 : vector<16xf32>
      %add3A_1032 = arith.addf %mul3A_1030, %mul3A_1031 : vector<16xf32>
      %swap3A_1033 = arith.index_cast %scan3A_877 : i32 to index
      %swap3A_1034 = arith.constant 80 : index
      %swap3A_1035 = tpu.vector_load %arg11[%swap3A_1033, %swap3A_1034] {strides = array<i32>} : memref<40x128xf32, #tpu.memory_space<vmem>>, vector<1x16xf32>,
      %swap3A_1036 = vector.shape_cast %swap3A_1035 : vector<1x16xf32> to vector<16xf32>
      %swap3A_1037 = vector.shape_cast %add3A_1032 : vector<16xf32> to vector<1x16xf32>
      tpu.vector_store %arg11[%swap3A_1033, %swap3A_1034], %swap3A_1037 {strides = array<i32>} : memref<40x128xf32, #tpu.memory_space<vmem>>, vector<1x16xf32>,
      %get3A_1038 = arith.constant 0 : i32
      %get3A_1039 = arith.constant 0 : i32
      %get3A_1040 = tpu.memref_slice %arg10[%scan3A_240, %get3A_1038, %get3A_1039] : memref<2x40x256xf32, #tpu.memory_space<vmem>> -> memref<1x40x256xf32, #tpu.memory_space<vmem>>
      %get3A_1041 = tpu.memref_squeeze %get3A_1040 : memref<1x40x256xf32, #tpu.memory_space<vmem>> -> memref<40x256xf32, #tpu.memory_space<vmem>>
      %get3A_1042 = arith.index_cast %scan3A_877 : i32 to index
      %get3A_1043 = arith.constant 96 : index
      %get3A_1044 = tpu.vector_load %get3A_1041[%get3A_1042, %get3A_1043] {strides = array<i32>} : memref<40x256xf32, #tpu.memory_space<vmem>>, vector<1x16xf32>,
      %get3A_1045 = vector.shape_cast %get3A_1044 : vector<1x16xf32> to vector<16xf32>
      %get3A_1046 = arith.constant 0 : i32
      %get3A_1047 = arith.constant 0 : i32
      %get3A_1048 = tpu.memref_slice %arg10[%scan3A_240, %get3A_1046, %get3A_1047] : memref<2x40x256xf32, #tpu.memory_space<vmem>> -> memref<1x40x256xf32, #tpu.memory_space<vmem>>
      %get3A_1049 = tpu.memref_squeeze %get3A_1048 : memref<1x40x256xf32, #tpu.memory_space<vmem>> -> memref<40x256xf32, #tpu.memory_space<vmem>>
      %get3A_1050 = arith.index_cast %scan3A_877 : i32 to index
      %get3A_1051 = arith.constant 224 : index
      %get3A_1052 = tpu.vector_load %get3A_1049[%get3A_1050, %get3A_1051] {strides = array<i32>} : memref<40x256xf32, #tpu.memory_space<vmem>>, vector<1x16xf32>,
      %get3A_1053 = vector.shape_cast %get3A_1052 : vector<1x16xf32> to vector<16xf32>
      %mul3A_1054 = arith.mulf %get3A_884, %get3A_1045 : vector<16xf32>
      %mul3A_1055 = arith.mulf %get3A_894, %get3A_1053 : vector<16xf32>
      %add3A_1056 = arith.addf %mul3A_1054, %mul3A_1055 : vector<16xf32>
      %swap3A_1057 = arith.index_cast %scan3A_877 : i32 to index
      %swap3A_1058 = arith.constant 96 : index
      %swap3A_1059 = tpu.vector_load %arg11[%swap3A_1057, %swap3A_1058] {strides = array<i32>} : memref<40x128xf32, #tpu.memory_space<vmem>>, vector<1x16xf32>,
      %swap3A_1060 = vector.shape_cast %swap3A_1059 : vector<1x16xf32> to vector<16xf32>
      %swap3A_1061 = vector.shape_cast %add3A_1056 : vector<16xf32> to vector<1x16xf32>
      tpu.vector_store %arg11[%swap3A_1057, %swap3A_1058], %swap3A_1061 {strides = array<i32>} : memref<40x128xf32, #tpu.memory_space<vmem>>, vector<1x16xf32>,
      %get3A_1062 = arith.constant 0 : i32
      %get3A_1063 = arith.constant 0 : i32
      %get3A_1064 = tpu.memref_slice %arg10[%scan3A_240, %get3A_1062, %get3A_1063] : memref<2x40x256xf32, #tpu.memory_space<vmem>> -> memref<1x40x256xf32, #tpu.memory_space<vmem>>
      %get3A_1065 = tpu.memref_squeeze %get3A_1064 : memref<1x40x256xf32, #tpu.memory_space<vmem>> -> memref<40x256xf32, #tpu.memory_space<vmem>>
      %get3A_1066 = arith.index_cast %scan3A_877 : i32 to index
      %get3A_1067 = arith.constant 112 : index
      %get3A_1068 = tpu.vector_load %get3A_1065[%get3A_1066, %get3A_1067] {strides = array<i32>} : memref<40x256xf32, #tpu.memory_space<vmem>>, vector<1x16xf32>,
      %get3A_1069 = vector.shape_cast %get3A_1068 : vector<1x16xf32> to vector<16xf32>
      %get3A_1070 = arith.constant 0 : i32
      %get3A_1071 = arith.constant 0 : i32
      %get3A_1072 = tpu.memref_slice %arg10[%scan3A_240, %get3A_1070, %get3A_1071] : memref<2x40x256xf32, #tpu.memory_space<vmem>> -> memref<1x40x256xf32, #tpu.memory_space<vmem>>
      %get3A_1073 = tpu.memref_squeeze %get3A_1072 : memref<1x40x256xf32, #tpu.memory_space<vmem>> -> memref<40x256xf32, #tpu.memory_space<vmem>>
      %get3A_1074 = arith.index_cast %scan3A_877 : i32 to index
      %get3A_1075 = arith.constant 240 : index
      %get3A_1076 = tpu.vector_load %get3A_1073[%get3A_1074, %get3A_1075] {strides = array<i32>} : memref<40x256xf32, #tpu.memory_space<vmem>>, vector<1x16xf32>,
      %get3A_1077 = vector.shape_cast %get3A_1076 : vector<1x16xf32> to vector<16xf32>
      %mul3A_1078 = arith.mulf %get3A_884, %get3A_1069 : vector<16xf32>
      %mul3A_1079 = arith.mulf %get3A_894, %get3A_1077 : vector<16xf32>
      %add3A_1080 = arith.addf %mul3A_1078, %mul3A_1079 : vector<16xf32>
      %swap3A_1081 = arith.index_cast %scan3A_877 : i32 to index
      %swap3A_1082 = arith.constant 112 : index
      %swap3A_1083 = tpu.vector_load %arg11[%swap3A_1081, %swap3A_1082] {strides = array<i32>} : memref<40x128xf32, #tpu.memory_space<vmem>>, vector<1x16xf32>,
      %swap3A_1084 = vector.shape_cast %swap3A_1083 : vector<1x16xf32> to vector<16xf32>
      %swap3A_1085 = vector.shape_cast %add3A_1080 : vector<16xf32> to vector<1x16xf32>
      tpu.vector_store %arg11[%swap3A_1081, %swap3A_1082], %swap3A_1085 {strides = array<i32>} : memref<40x128xf32, #tpu.memory_space<vmem>>, vector<1x16xf32>,
    }
    %scan3A_245 = arith.constant 40 : i32
    %dma_start3A_246 = arith.constant 0 : i32
    %dma_start3A_247 = arith.constant 0 : i32
    %dma_start3A_248 = tpu.memref_slice %arg8[%dma_start3A_246, %dma_start3A_247] : memref<4x40xi32, #tpu.memory_space<vmem>> -> memref<1x40xi32, #tpu.memory_space<vmem>>
    %dma_start3A_249 = tpu.memref_squeeze %dma_start3A_248 : memref<1x40xi32, #tpu.memory_space<vmem>> -> memref<40xi32, #tpu.memory_space<vmem>>
    %dma_start3A_250 = arith.constant 0 : i32
    %dma_start3A_251 = arith.constant 0 : i32
    %dma_start3A_252 = tpu.memref_slice %arg12[%dma_start3A_250, %dma_start3A_251] : memref<10240x128xf32, #tpu.memory_space<vmem_shared>> -> memref<10240x128xf32, #tpu.memory_space<vmem_shared>>
    tpu.enqueue_indirect_dma source(%arg11 : memref<40x128xf32, #tpu.memory_space<vmem>>) target(%dma_start3A_252 : memref<10240x128xf32, #tpu.memory_space<vmem_shared>>) offsets(%dma_start3A_249 : memref<40xi32, #tpu.memory_space<vmem>>) semaphore(%arg15 : memref<!tpu.dma_semaphore, #tpu.memory_space<semaphore_mem>>) {add = true}
    %dma_start3A_253 = arith.constant 2 : i32
    %dma_start3A_254 = arith.constant 0 : i32
    %dma_start3A_255 = arith.constant 0 : i32
    %dma_start3A_256 = tpu.memref_slice %arg7[%dma_start3A_254, %dma_start3A_255] : memref<2x40xi32, #tpu.memory_space<vmem>> -> memref<1x40xi32, #tpu.memory_space<vmem>>
    %dma_start3A_257 = tpu.memref_squeeze %dma_start3A_256 : memref<1x40xi32, #tpu.memory_space<vmem>> -> memref<40xi32, #tpu.memory_space<vmem>>
    %dma_start3A_258 = arith.constant 0 : i32
    %dma_start3A_259 = tpu.memref_slice %arg3[%add3A, %dma_start3A_253, %dma_start3A_258] : memref<32x254x40xi32, #tpu.memory_space<hbm>> -> memref<1x1x40xi32, #tpu.memory_space<hbm>>
    %dma_start3A_260 = tpu.memref_squeeze %dma_start3A_259 : memref<1x1x40xi32, #tpu.memory_space<hbm>> -> memref<40xi32, #tpu.memory_space<hbm>>
    %dma_start3A_261 = arith.constant 0 : i32
    %dma_start3A_262 = tpu.memref_slice %arg7[%dma_start3A_254, %dma_start3A_261] : memref<2x40xi32, #tpu.memory_space<vmem>> -> memref<1x40xi32, #tpu.memory_space<vmem>>
    %dma_start3A_263 = tpu.memref_squeeze %dma_start3A_262 : memref<1x40xi32, #tpu.memory_space<vmem>> -> memref<40xi32, #tpu.memory_space<vmem>>
    %dma_start3A_264 = arith.constant 0 : i32
    %dma_start3A_265 = tpu.memref_slice %arg3[%add3A, %dma_start3A_253, %dma_start3A_264] : memref<32x254x40xi32, #tpu.memory_space<hbm>> -> memref<1x1x40xi32, #tpu.memory_space<hbm>>
    %dma_start3A_266 = tpu.memref_squeeze %dma_start3A_265 : memref<1x1x40xi32, #tpu.memory_space<hbm>> -> memref<40xi32, #tpu.memory_space<hbm>>
    tpu.enqueue_dma source(%dma_start3A_266 : memref<40xi32, #tpu.memory_space<hbm>>) target(%dma_start3A_263 : memref<40xi32, #tpu.memory_space<vmem>>) target_semaphore(%arg14 : memref<!tpu.dma_semaphore, #tpu.memory_space<semaphore_mem>>)
    %dma_start3A_267 = arith.constant 2 : i32
    %dma_start3A_268 = arith.constant 2 : i32
    %dma_start3A_269 = arith.constant 0 : i32
    %dma_start3A_270 = tpu.memref_slice %arg8[%dma_start3A_268, %dma_start3A_269] : memref<4x40xi32, #tpu.memory_space<vmem>> -> memref<1x40xi32, #tpu.memory_space<vmem>>
    %dma_start3A_271 = tpu.memref_squeeze %dma_start3A_270 : memref<1x40xi32, #tpu.memory_space<vmem>> -> memref<40xi32, #tpu.memory_space<vmem>>
    %dma_start3A_272 = arith.constant 0 : i32
    %dma_start3A_273 = tpu.memref_slice %arg4[%add3A, %dma_start3A_267, %dma_start3A_272] : memref<32x254x40xi32, #tpu.memory_space<hbm>> -> memref<1x1x40xi32, #tpu.memory_space<hbm>>
    %dma_start3A_274 = tpu.memref_squeeze %dma_start3A_273 : memref<1x1x40xi32, #tpu.memory_space<hbm>> -> memref<40xi32, #tpu.memory_space<hbm>>
    %dma_start3A_275 = arith.constant 0 : i32
    %dma_start3A_276 = tpu.memref_slice %arg8[%dma_start3A_268, %dma_start3A_275] : memref<4x40xi32, #tpu.memory_space<vmem>> -> memref<1x40xi32, #tpu.memory_space<vmem>>
    %dma_start3A_277 = tpu.memref_squeeze %dma_start3A_276 : memref<1x40xi32, #tpu.memory_space<vmem>> -> memref<40xi32, #tpu.memory_space<vmem>>
    %dma_start3A_278 = arith.constant 0 : i32
    %dma_start3A_279 = tpu.memref_slice %arg4[%add3A, %dma_start3A_267, %dma_start3A_278] : memref<32x254x40xi32, #tpu.memory_space<hbm>> -> memref<1x1x40xi32, #tpu.memory_space<hbm>>
    %dma_start3A_280 = tpu.memref_squeeze %dma_start3A_279 : memref<1x1x40xi32, #tpu.memory_space<hbm>> -> memref<40xi32, #tpu.memory_space<hbm>>
    tpu.enqueue_dma source(%dma_start3A_280 : memref<40xi32, #tpu.memory_space<hbm>>) target(%dma_start3A_277 : memref<40xi32, #tpu.memory_space<vmem>>) target_semaphore(%arg14 : memref<!tpu.dma_semaphore, #tpu.memory_space<semaphore_mem>>)
    %dma_start3A_281 = arith.constant 2 : i32
    %dma_start3A_282 = arith.constant 0 : i32
    %dma_start3A_283 = arith.constant 0 : i32
    %dma_start3A_284 = arith.constant 0 : i32
    %dma_start3A_285 = tpu.memref_slice %arg9[%dma_start3A_282, %dma_start3A_283, %dma_start3A_284] : memref<2x80x16xf32, #tpu.memory_space<vmem>> -> memref<1x80x16xf32, #tpu.memory_space<vmem>>
    %dma_start3A_286 = tpu.memref_squeeze %dma_start3A_285 : memref<1x80x16xf32, #tpu.memory_space<vmem>> -> memref<80x16xf32, #tpu.memory_space<vmem>>
    %dma_start3A_287 = arith.constant 0 : i32
    %dma_start3A_288 = arith.constant 0 : i32
    %dma_start3A_289 = tpu.memref_slice %arg5[%add3A, %dma_start3A_281, %dma_start3A_287, %dma_start3A_288] : memref<32x254x80x16xf32, #tpu.memory_space<hbm>> -> memref<1x1x80x16xf32, #tpu.memory_space<hbm>>
    %dma_start3A_290 = tpu.memref_squeeze %dma_start3A_289 : memref<1x1x80x16xf32, #tpu.memory_space<hbm>> -> memref<80x16xf32, #tpu.memory_space<hbm>>
    %dma_start3A_291 = arith.constant 0 : i32
    %dma_start3A_292 = arith.constant 0 : i32
    %dma_start3A_293 = tpu.memref_slice %arg9[%dma_start3A_282, %dma_start3A_291, %dma_start3A_292] : memref<2x80x16xf32, #tpu.memory_space<vmem>> -> memref<1x80x16xf32, #tpu.memory_space<vmem>>
    %dma_start3A_294 = tpu.memref_squeeze %dma_start3A_293 : memref<1x80x16xf32, #tpu.memory_space<vmem>> -> memref<80x16xf32, #tpu.memory_space<vmem>>
    %dma_start3A_295 = arith.constant 0 : i32
    %dma_start3A_296 = arith.constant 0 : i32
    %dma_start3A_297 = tpu.memref_slice %arg5[%add3A, %dma_start3A_281, %dma_start3A_295, %dma_start3A_296] : memref<32x254x80x16xf32, #tpu.memory_space<hbm>> -> memref<1x1x80x16xf32, #tpu.memory_space<hbm>>
    %dma_start3A_298 = tpu.memref_squeeze %dma_start3A_297 : memref<1x1x80x16xf32, #tpu.memory_space<hbm>> -> memref<80x16xf32, #tpu.memory_space<hbm>>
    tpu.enqueue_dma source(%dma_start3A_298 : memref<80x16xf32, #tpu.memory_space<hbm>>) target(%dma_start3A_294 : memref<80x16xf32, #tpu.memory_space<vmem>>) target_semaphore(%arg14 : memref<!tpu.dma_semaphore, #tpu.memory_space<semaphore_mem>>)
    %dma_wait3A_299 = arith.constant 2 : i32
    %dma_wait3A_300 = arith.constant 0 : i32
    %dma_wait3A_301 = arith.constant 0 : i32
    %dma_wait3A_302 = tpu.memref_slice %arg7[%dma_wait3A_300, %dma_wait3A_301] : memref<2x40xi32, #tpu.memory_space<vmem>> -> memref<1x40xi32, #tpu.memory_space<vmem>>
    %dma_wait3A_303 = tpu.memref_squeeze %dma_wait3A_302 : memref<1x40xi32, #tpu.memory_space<vmem>> -> memref<40xi32, #tpu.memory_space<vmem>>
    %dma_wait3A_304 = arith.constant 0 : i32
    %dma_wait3A_305 = tpu.memref_slice %arg3[%add3A, %dma_wait3A_299, %dma_wait3A_304] : memref<32x254x40xi32, #tpu.memory_space<hbm>> -> memref<1x1x40xi32, #tpu.memory_space<hbm>>
    %dma_wait3A_306 = tpu.memref_squeeze %dma_wait3A_305 : memref<1x1x40xi32, #tpu.memory_space<hbm>> -> memref<40xi32, #tpu.memory_space<hbm>>
    %dma_wait3A_307 = arith.constant 0 : i32
    %dma_wait3A_308 = tpu.memref_slice %arg7[%dma_wait3A_300, %dma_wait3A_307] : memref<2x40xi32, #tpu.memory_space<vmem>> -> memref<1x40xi32, #tpu.memory_space<vmem>>
    %dma_wait3A_309 = tpu.memref_squeeze %dma_wait3A_308 : memref<1x40xi32, #tpu.memory_space<vmem>> -> memref<40xi32, #tpu.memory_space<vmem>>
    %dma_wait3A_310 = arith.constant 0 : i32
    %dma_wait3A_311 = tpu.memref_slice %arg3[%add3A, %dma_wait3A_299, %dma_wait3A_310] : memref<32x254x40xi32, #tpu.memory_space<hbm>> -> memref<1x1x40xi32, #tpu.memory_space<hbm>>
    %dma_wait3A_312 = tpu.memref_squeeze %dma_wait3A_311 : memref<1x1x40xi32, #tpu.memory_space<hbm>> -> memref<40xi32, #tpu.memory_space<hbm>>
    tpu.wait_dma2 semaphore(%arg14 : memref<!tpu.dma_semaphore, #tpu.memory_space<semaphore_mem>>) src(%dma_wait3A_312 : memref<40xi32, #tpu.memory_space<hbm>>) dst(%dma_wait3A_309 : memref<40xi32, #tpu.memory_space<vmem>>)
    %dma_wait3A_313 = arith.constant 2 : i32
    %dma_wait3A_314 = arith.constant 2 : i32
    %dma_wait3A_315 = arith.constant 0 : i32
    %dma_wait3A_316 = tpu.memref_slice %arg8[%dma_wait3A_314, %dma_wait3A_315] : memref<4x40xi32, #tpu.memory_space<vmem>> -> memref<1x40xi32, #tpu.memory_space<vmem>>
    %dma_wait3A_317 = tpu.memref_squeeze %dma_wait3A_316 : memref<1x40xi32, #tpu.memory_space<vmem>> -> memref<40xi32, #tpu.memory_space<vmem>>
    %dma_wait3A_318 = arith.constant 0 : i32
    %dma_wait3A_319 = tpu.memref_slice %arg4[%add3A, %dma_wait3A_313, %dma_wait3A_318] : memref<32x254x40xi32, #tpu.memory_space<hbm>> -> memref<1x1x40xi32, #tpu.memory_space<hbm>>
    %dma_wait3A_320 = tpu.memref_squeeze %dma_wait3A_319 : memref<1x1x40xi32, #tpu.memory_space<hbm>> -> memref<40xi32, #tpu.memory_space<hbm>>
    %dma_wait3A_321 = arith.constant 0 : i32
    %dma_wait3A_322 = tpu.memref_slice %arg8[%dma_wait3A_314, %dma_wait3A_321] : memref<4x40xi32, #tpu.memory_space<vmem>> -> memref<1x40xi32, #tpu.memory_space<vmem>>
    %dma_wait3A_323 = tpu.memref_squeeze %dma_wait3A_322 : memref<1x40xi32, #tpu.memory_space<vmem>> -> memref<40xi32, #tpu.memory_space<vmem>>
    %dma_wait3A_324 = arith.constant 0 : i32
    %dma_wait3A_325 = tpu.memref_slice %arg4[%add3A, %dma_wait3A_313, %dma_wait3A_324] : memref<32x254x40xi32, #tpu.memory_space<hbm>> -> memref<1x1x40xi32, #tpu.memory_space<hbm>>
    %dma_wait3A_326 = tpu.memref_squeeze %dma_wait3A_325 : memref<1x1x40xi32, #tpu.memory_space<hbm>> -> memref<40xi32, #tpu.memory_space<hbm>>
    tpu.wait_dma2 semaphore(%arg14 : memref<!tpu.dma_semaphore, #tpu.memory_space<semaphore_mem>>) src(%dma_wait3A_326 : memref<40xi32, #tpu.memory_space<hbm>>) dst(%dma_wait3A_323 : memref<40xi32, #tpu.memory_space<vmem>>)
    %dma_wait3A_327 = arith.constant 2 : i32
    %dma_wait3A_328 = arith.constant 0 : i32
    %dma_wait3A_329 = arith.constant 0 : i32
    %dma_wait3A_330 = arith.constant 0 : i32
    %dma_wait3A_331 = tpu.memref_slice %arg9[%dma_wait3A_328, %dma_wait3A_329, %dma_wait3A_330] : memref<2x80x16xf32, #tpu.memory_space<vmem>> -> memref<1x80x16xf32, #tpu.memory_space<vmem>>
    %dma_wait3A_332 = tpu.memref_squeeze %dma_wait3A_331 : memref<1x80x16xf32, #tpu.memory_space<vmem>> -> memref<80x16xf32, #tpu.memory_space<vmem>>
    %dma_wait3A_333 = arith.constant 0 : i32
    %dma_wait3A_334 = arith.constant 0 : i32
    %dma_wait3A_335 = tpu.memref_slice %arg5[%add3A, %dma_wait3A_327, %dma_wait3A_333, %dma_wait3A_334] : memref<32x254x80x16xf32, #tpu.memory_space<hbm>> -> memref<1x1x80x16xf32, #tpu.memory_space<hbm>>
    %dma_wait3A_336 = tpu.memref_squeeze %dma_wait3A_335 : memref<1x1x80x16xf32, #tpu.memory_space<hbm>> -> memref<80x16xf32, #tpu.memory_space<hbm>>
    %dma_wait3A_337 = arith.constant 0 : i32
    %dma_wait3A_338 = arith.constant 0 : i32
    %dma_wait3A_339 = tpu.memref_slice %arg9[%dma_wait3A_328, %dma_wait3A_337, %dma_wait3A_338] : memref<2x80x16xf32, #tpu.memory_space<vmem>> -> memref<1x80x16xf32, #tpu.memory_space<vmem>>
    %dma_wait3A_340 = tpu.memref_squeeze %dma_wait3A_339 : memref<1x80x16xf32, #tpu.memory_space<vmem>> -> memref<80x16xf32, #tpu.memory_space<vmem>>
    %dma_wait3A_341 = arith.constant 0 : i32
    %dma_wait3A_342 = arith.constant 0 : i32
    %dma_wait3A_343 = tpu.memref_slice %arg5[%add3A, %dma_wait3A_327, %dma_wait3A_341, %dma_wait3A_342] : memref<32x254x80x16xf32, #tpu.memory_space<hbm>> -> memref<1x1x80x16xf32, #tpu.memory_space<hbm>>
    %dma_wait3A_344 = tpu.memref_squeeze %dma_wait3A_343 : memref<1x1x80x16xf32, #tpu.memory_space<hbm>> -> memref<80x16xf32, #tpu.memory_space<hbm>>
    tpu.wait_dma2 semaphore(%arg14 : memref<!tpu.dma_semaphore, #tpu.memory_space<semaphore_mem>>) src(%dma_wait3A_344 : memref<80x16xf32, #tpu.memory_space<hbm>>) dst(%dma_wait3A_340 : memref<80x16xf32, #tpu.memory_space<vmem>>)
    %dma_start3A_345 = arith.constant 0 : i32
    %dma_start3A_346 = arith.constant 0 : i32
    %dma_start3A_347 = arith.constant 0 : i32
    %dma_start3A_348 = arith.constant 0 : i32
    %dma_start3A_349 = tpu.memref_slice %arg10[%dma_start3A_346, %dma_start3A_347, %dma_start3A_348] : memref<2x40x256xf32, #tpu.memory_space<vmem>> -> memref<1x24x256xf32, #tpu.memory_space<vmem>>
    %dma_start3A_350 = tpu.memref_squeeze %dma_start3A_349 : memref<1x24x256xf32, #tpu.memory_space<vmem>> -> memref<24x256xf32, #tpu.memory_space<vmem>>
    %dma_start3A_351 = arith.constant 0 : i32
    %dma_start3A_352 = tpu.memref_slice %arg7[%dma_start3A_345, %dma_start3A_351] : memref<2x40xi32, #tpu.memory_space<vmem>> -> memref<1x24xi32, #tpu.memory_space<vmem>>
    %dma_start3A_353 = tpu.memref_squeeze %dma_start3A_352 : memref<1x24xi32, #tpu.memory_space<vmem>> -> memref<24xi32, #tpu.memory_space<vmem>>
    %dma_start3A_354 = arith.constant 0 : i32
    %dma_start3A_355 = arith.constant 0 : i32
    %dma_start3A_356 = tpu.memref_slice %arg2[%dma_start3A_354, %dma_start3A_355] : memref<10000x256xf32, #tpu.memory_space<hbm>> -> memref<10000x256xf32, #tpu.memory_space<hbm>>
    tpu.enqueue_indirect_dma source(%dma_start3A_356 : memref<10000x256xf32, #tpu.memory_space<hbm>>) target(%dma_start3A_350 : memref<24x256xf32, #tpu.memory_space<vmem>>) offsets(%dma_start3A_353 : memref<24xi32, #tpu.memory_space<vmem>>) semaphore(%arg13 : memref<!tpu.dma_semaphore, #tpu.memory_space<semaphore_mem>>)
    %dma_start3A_357 = arith.constant 0 : i32
    %dma_start3A_358 = arith.constant 0 : i32
    %dma_start3A_359 = arith.constant 24 : i32
    %dma_start3A_360 = arith.constant 0 : i32
    %dma_start3A_361 = tpu.memref_slice %arg10[%dma_start3A_358, %dma_start3A_359, %dma_start3A_360] : memref<2x40x256xf32, #tpu.memory_space<vmem>> -> memref<1x16x256xf32, #tpu.memory_space<vmem>>
    %dma_start3A_362 = tpu.memref_squeeze %dma_start3A_361 : memref<1x16x256xf32, #tpu.memory_space<vmem>> -> memref<16x256xf32, #tpu.memory_space<vmem>>
    %dma_start3A_363 = arith.constant 24 : i32
    %dma_start3A_364 = tpu.memref_slice %arg7[%dma_start3A_357, %dma_start3A_363] : memref<2x40xi32, #tpu.memory_space<vmem>> -> memref<1x16xi32, #tpu.memory_space<vmem>>
    %dma_start3A_365 = tpu.memref_squeeze %dma_start3A_364 : memref<1x16xi32, #tpu.memory_space<vmem>> -> memref<16xi32, #tpu.memory_space<vmem>>
    %dma_start3A_366 = arith.constant 0 : i32
    %dma_start3A_367 = arith.constant 0 : i32
    %dma_start3A_368 = tpu.memref_slice %arg2[%dma_start3A_366, %dma_start3A_367] : memref<10000x256xf32, #tpu.memory_space<hbm>> -> memref<10000x256xf32, #tpu.memory_space<hbm>>
    tpu.enqueue_indirect_dma source(%dma_start3A_368 : memref<10000x256xf32, #tpu.memory_space<hbm>>) target(%dma_start3A_362 : memref<16x256xf32, #tpu.memory_space<vmem>>) offsets(%dma_start3A_365 : memref<16xi32, #tpu.memory_space<vmem>>) semaphore(%arg13 : memref<!tpu.dma_semaphore, #tpu.memory_space<semaphore_mem>>)
    %dma_wait3A_369 = arith.constant 1 : i32
    %dma_wait3A_370 = arith.constant 1 : i32
    %dma_wait3A_371 = arith.constant 0 : i32
    %dma_wait3A_372 = arith.constant 0 : i32
    %dma_wait3A_373 = tpu.memref_slice %arg10[%dma_wait3A_370, %dma_wait3A_371, %dma_wait3A_372] : memref<2x40x256xf32, #tpu.memory_space<vmem>> -> memref<1x24x256xf32, #tpu.memory_space<vmem>>
    %dma_wait3A_374 = tpu.memref_squeeze %dma_wait3A_373 : memref<1x24x256xf32, #tpu.memory_space<vmem>> -> memref<24x256xf32, #tpu.memory_space<vmem>>
    %dma_wait3A_375 = arith.constant 0 : i32
    %dma_wait3A_376 = tpu.memref_slice %arg7[%dma_wait3A_369, %dma_wait3A_375] : memref<2x40xi32, #tpu.memory_space<vmem>> -> memref<1x24xi32, #tpu.memory_space<vmem>>
    %dma_wait3A_377 = tpu.memref_squeeze %dma_wait3A_376 : memref<1x24xi32, #tpu.memory_space<vmem>> -> memref<24xi32, #tpu.memory_space<vmem>>
    %dma_wait3A_378 = arith.constant 0 : i32
    %dma_wait3A_379 = arith.constant 0 : i32
    %dma_wait3A_380 = tpu.memref_slice %arg2[%dma_wait3A_378, %dma_wait3A_379] : memref<10000x256xf32, #tpu.memory_space<hbm>> -> memref<10000x256xf32, #tpu.memory_space<hbm>>
    tpu.wait_indirect_dma semaphore(%arg13 : memref<!tpu.dma_semaphore, #tpu.memory_space<semaphore_mem>>) src(%dma_wait3A_380 : memref<10000x256xf32, #tpu.memory_space<hbm>>) dst(%dma_wait3A_374 : memref<24x256xf32, #tpu.memory_space<vmem>>)
    %dma_wait3A_381 = arith.constant 1 : i32
    %dma_wait3A_382 = arith.constant 1 : i32
    %dma_wait3A_383 = arith.constant 24 : i32
    %dma_wait3A_384 = arith.constant 0 : i32
    %dma_wait3A_385 = tpu.memref_slice %arg10[%dma_wait3A_382, %dma_wait3A_383, %dma_wait3A_384] : memref<2x40x256xf32, #tpu.memory_space<vmem>> -> memref<1x16x256xf32, #tpu.memory_space<vmem>>
    %dma_wait3A_386 = tpu.memref_squeeze %dma_wait3A_385 : memref<1x16x256xf32, #tpu.memory_space<vmem>> -> memref<16x256xf32, #tpu.memory_space<vmem>>
    %dma_wait3A_387 = arith.constant 24 : i32
    %dma_wait3A_388 = tpu.memref_slice %arg7[%dma_wait3A_381, %dma_wait3A_387] : memref<2x40xi32, #tpu.memory_space<vmem>> -> memref<1x16xi32, #tpu.memory_space<vmem>>
    %dma_wait3A_389 = tpu.memref_squeeze %dma_wait3A_388 : memref<1x16xi32, #tpu.memory_space<vmem>> -> memref<16xi32, #tpu.memory_space<vmem>>
    %dma_wait3A_390 = arith.constant 0 : i32
    %dma_wait3A_391 = arith.constant 0 : i32
    %dma_wait3A_392 = tpu.memref_slice %arg2[%dma_wait3A_390, %dma_wait3A_391] : memref<10000x256xf32, #tpu.memory_space<hbm>> -> memref<10000x256xf32, #tpu.memory_space<hbm>>
    tpu.wait_indirect_dma semaphore(%arg13 : memref<!tpu.dma_semaphore, #tpu.memory_space<semaphore_mem>>) src(%dma_wait3A_392 : memref<10000x256xf32, #tpu.memory_space<hbm>>) dst(%dma_wait3A_386 : memref<16x256xf32, #tpu.memory_space<vmem>>)
    %dma_wait3A_393 = arith.constant 0 : i32
    %dma_wait3A_394 = arith.constant 0 : i32
    %dma_wait3A_395 = tpu.memref_slice %arg6[%arg0, %dma_wait3A_393, %dma_wait3A_394] : memref<2x10240x128xf32, #tpu.memory_space<hbm>> -> memref<1x40x128xf32, #tpu.memory_space<hbm>>
    %dma_wait3A_396 = tpu.memref_squeeze %dma_wait3A_395 : memref<1x40x128xf32, #tpu.memory_space<hbm>> -> memref<40x128xf32, #tpu.memory_space<hbm>>
    %dma_wait3A_397 = arith.constant 0 : i32
    %dma_wait3A_398 = arith.constant 0 : i32
    %dma_wait3A_399 = tpu.memref_slice %arg6[%arg0, %dma_wait3A_397, %dma_wait3A_398] : memref<2x10240x128xf32, #tpu.memory_space<hbm>> -> memref<1x40x128xf32, #tpu.memory_space<hbm>>
    %dma_wait3A_400 = tpu.memref_squeeze %dma_wait3A_399 : memref<1x40x128xf32, #tpu.memory_space<hbm>> -> memref<40x128xf32, #tpu.memory_space<hbm>>
    tpu.wait_dma2 semaphore(%arg15 : memref<!tpu.dma_semaphore, #tpu.memory_space<semaphore_mem>>) src(%dma_wait3A_400 : memref<40x128xf32, #tpu.memory_space<hbm>>) dst(%arg11 : memref<40x128xf32, #tpu.memory_space<vmem>>)
    %scan3A_401 = arith.constant 0 : i32
    %scan3A_402 = arith.constant 1 : i32
    %scan3A_403 = arith.constant 1 : i32
    %scan3A_404 = arith.constant 0 : i32
    %scan3A_405 = arith.constant 40 : i32
    %scan3A_406 = arith.addi %scan3A_404, %scan3A_405 : i32
    %scan3A_407 = arith.constant 1 : i32
    scf.for %scan3A_877 = %scan3A_404 to %scan3A_406 step %scan3A_407  : i32 {
      %get3A = arith.constant 0 : i32
      %get3A_878 = arith.constant 0 : i32
      %get3A_879 = tpu.memref_slice %arg9[%scan3A_402, %get3A, %get3A_878] : memref<2x80x16xf32, #tpu.memory_space<vmem>> -> memref<1x80x16xf32, #tpu.memory_space<vmem>>
      %get3A_880 = tpu.memref_squeeze %get3A_879 : memref<1x80x16xf32, #tpu.memory_space<vmem>> -> memref<80x16xf32, #tpu.memory_space<vmem>>
      %get3A_881 = arith.index_cast %scan3A_877 : i32 to index
      %get3A_882 = arith.constant 0 : index
      %get3A_883 = tpu.vector_load %get3A_880[%get3A_881, %get3A_882] {strides = array<i32>} : memref<80x16xf32, #tpu.memory_space<vmem>>, vector<1x16xf32>,
      %get3A_884 = vector.shape_cast %get3A_883 : vector<1x16xf32> to vector<16xf32>
      %add3A_885 = arith.constant 40 : i32
      %add3A_886 = arith.addi %add3A_885, %scan3A_877 : i32
      %get3A_887 = arith.constant 0 : i32
      %get3A_888 = arith.constant 0 : i32
      %get3A_889 = tpu.memref_slice %arg9[%scan3A_402, %get3A_887, %get3A_888] : memref<2x80x16xf32, #tpu.memory_space<vmem>> -> memref<1x80x16xf32, #tpu.memory_space<vmem>>
      %get3A_890 = tpu.memref_squeeze %get3A_889 : memref<1x80x16xf32, #tpu.memory_space<vmem>> -> memref<80x16xf32, #tpu.memory_space<vmem>>
      %get3A_891 = arith.index_cast %add3A_886 : i32 to index
      %get3A_892 = arith.constant 0 : index
      %get3A_893 = tpu.vector_load %get3A_890[%get3A_891, %get3A_892] {strides = array<i32>} : memref<80x16xf32, #tpu.memory_space<vmem>>, vector<1x16xf32>,
      %get3A_894 = vector.shape_cast %get3A_893 : vector<1x16xf32> to vector<16xf32>
      %get3A_895 = arith.constant 0 : i32
      %get3A_896 = arith.constant 0 : i32
      %get3A_897 = tpu.memref_slice %arg10[%scan3A_403, %get3A_895, %get3A_896] : memref<2x40x256xf32, #tpu.memory_space<vmem>> -> memref<1x40x256xf32, #tpu.memory_space<vmem>>
      %get3A_898 = tpu.memref_squeeze %get3A_897 : memref<1x40x256xf32, #tpu.memory_space<vmem>> -> memref<40x256xf32, #tpu.memory_space<vmem>>
      %get3A_899 = arith.index_cast %scan3A_877 : i32 to index
      %get3A_900 = arith.constant 0 : index
      %get3A_901 = tpu.vector_load %get3A_898[%get3A_899, %get3A_900] {strides = array<i32>} : memref<40x256xf32, #tpu.memory_space<vmem>>, vector<1x16xf32>,
      %get3A_902 = vector.shape_cast %get3A_901 : vector<1x16xf32> to vector<16xf32>
      %get3A_903 = arith.constant 0 : i32
      %get3A_904 = arith.constant 0 : i32
      %get3A_905 = tpu.memref_slice %arg10[%scan3A_403, %get3A_903, %get3A_904] : memref<2x40x256xf32, #tpu.memory_space<vmem>> -> memref<1x40x256xf32, #tpu.memory_space<vmem>>
      %get3A_906 = tpu.memref_squeeze %get3A_905 : memref<1x40x256xf32, #tpu.memory_space<vmem>> -> memref<40x256xf32, #tpu.memory_space<vmem>>
      %get3A_907 = arith.index_cast %scan3A_877 : i32 to index
      %get3A_908 = arith.constant 128 : index
      %get3A_909 = tpu.vector_load %get3A_906[%get3A_907, %get3A_908] {strides = array<i32>} : memref<40x256xf32, #tpu.memory_space<vmem>>, vector<1x16xf32>,
      %get3A_910 = vector.shape_cast %get3A_909 : vector<1x16xf32> to vector<16xf32>
      %mul3A_911 = arith.mulf %get3A_884, %get3A_902 : vector<16xf32>
      %mul3A_912 = arith.mulf %get3A_894, %get3A_910 : vector<16xf32>
      %add3A_913 = arith.addf %mul3A_911, %mul3A_912 : vector<16xf32>
      %swap3A = arith.index_cast %scan3A_877 : i32 to index
      %swap3A_914 = arith.constant 0 : index
      %swap3A_915 = tpu.vector_load %arg11[%swap3A, %swap3A_914] {strides = array<i32>} : memref<40x128xf32, #tpu.memory_space<vmem>>, vector<1x16xf32>,
      %swap3A_916 = vector.shape_cast %swap3A_915 : vector<1x16xf32> to vector<16xf32>
      %swap3A_917 = vector.shape_cast %add3A_913 : vector<16xf32> to vector<1x16xf32>
      tpu.vector_store %arg11[%swap3A, %swap3A_914], %swap3A_917 {strides = array<i32>} : memref<40x128xf32, #tpu.memory_space<vmem>>, vector<1x16xf32>,
      %get3A_918 = arith.constant 0 : i32
      %get3A_919 = arith.constant 0 : i32
      %get3A_920 = tpu.memref_slice %arg10[%scan3A_403, %get3A_918, %get3A_919] : memref<2x40x256xf32, #tpu.memory_space<vmem>> -> memref<1x40x256xf32, #tpu.memory_space<vmem>>
      %get3A_921 = tpu.memref_squeeze %get3A_920 : memref<1x40x256xf32, #tpu.memory_space<vmem>> -> memref<40x256xf32, #tpu.memory_space<vmem>>
      %get3A_922 = arith.index_cast %scan3A_877 : i32 to index
      %get3A_923 = arith.constant 16 : index
      %get3A_924 = tpu.vector_load %get3A_921[%get3A_922, %get3A_923] {strides = array<i32>} : memref<40x256xf32, #tpu.memory_space<vmem>>, vector<1x16xf32>,
      %get3A_925 = vector.shape_cast %get3A_924 : vector<1x16xf32> to vector<16xf32>
      %get3A_926 = arith.constant 0 : i32
      %get3A_927 = arith.constant 0 : i32
      %get3A_928 = tpu.memref_slice %arg10[%scan3A_403, %get3A_926, %get3A_927] : memref<2x40x256xf32, #tpu.memory_space<vmem>> -> memref<1x40x256xf32, #tpu.memory_space<vmem>>
      %get3A_929 = tpu.memref_squeeze %get3A_928 : memref<1x40x256xf32, #tpu.memory_space<vmem>> -> memref<40x256xf32, #tpu.memory_space<vmem>>
      %get3A_930 = arith.index_cast %scan3A_877 : i32 to index
      %get3A_931 = arith.constant 144 : index
      %get3A_932 = tpu.vector_load %get3A_929[%get3A_930, %get3A_931] {strides = array<i32>} : memref<40x256xf32, #tpu.memory_space<vmem>>, vector<1x16xf32>,
      %get3A_933 = vector.shape_cast %get3A_932 : vector<1x16xf32> to vector<16xf32>
      %mul3A_934 = arith.mulf %get3A_884, %get3A_925 : vector<16xf32>
      %mul3A_935 = arith.mulf %get3A_894, %get3A_933 : vector<16xf32>
      %add3A_936 = arith.addf %mul3A_934, %mul3A_935 : vector<16xf32>
      %swap3A_937 = arith.index_cast %scan3A_877 : i32 to index
      %swap3A_938 = arith.constant 16 : index
      %swap3A_939 = tpu.vector_load %arg11[%swap3A_937, %swap3A_938] {strides = array<i32>} : memref<40x128xf32, #tpu.memory_space<vmem>>, vector<1x16xf32>,
      %swap3A_940 = vector.shape_cast %swap3A_939 : vector<1x16xf32> to vector<16xf32>
      %swap3A_941 = vector.shape_cast %add3A_936 : vector<16xf32> to vector<1x16xf32>
      tpu.vector_store %arg11[%swap3A_937, %swap3A_938], %swap3A_941 {strides = array<i32>} : memref<40x128xf32, #tpu.memory_space<vmem>>, vector<1x16xf32>,
      %get3A_942 = arith.constant 0 : i32
      %get3A_943 = arith.constant 0 : i32
      %get3A_944 = tpu.memref_slice %arg10[%scan3A_403, %get3A_942, %get3A_943] : memref<2x40x256xf32, #tpu.memory_space<vmem>> -> memref<1x40x256xf32, #tpu.memory_space<vmem>>
      %get3A_945 = tpu.memref_squeeze %get3A_944 : memref<1x40x256xf32, #tpu.memory_space<vmem>> -> memref<40x256xf32, #tpu.memory_space<vmem>>
      %get3A_946 = arith.index_cast %scan3A_877 : i32 to index
      %get3A_947 = arith.constant 32 : index
      %get3A_948 = tpu.vector_load %get3A_945[%get3A_946, %get3A_947] {strides = array<i32>} : memref<40x256xf32, #tpu.memory_space<vmem>>, vector<1x16xf32>,
      %get3A_949 = vector.shape_cast %get3A_948 : vector<1x16xf32> to vector<16xf32>
      %get3A_950 = arith.constant 0 : i32
      %get3A_951 = arith.constant 0 : i32
      %get3A_952 = tpu.memref_slice %arg10[%scan3A_403, %get3A_950, %get3A_951] : memref<2x40x256xf32, #tpu.memory_space<vmem>> -> memref<1x40x256xf32, #tpu.memory_space<vmem>>
      %get3A_953 = tpu.memref_squeeze %get3A_952 : memref<1x40x256xf32, #tpu.memory_space<vmem>> -> memref<40x256xf32, #tpu.memory_space<vmem>>
      %get3A_954 = arith.index_cast %scan3A_877 : i32 to index
      %get3A_955 = arith.constant 160 : index
      %get3A_956 = tpu.vector_load %get3A_953[%get3A_954, %get3A_955] {strides = array<i32>} : memref<40x256xf32, #tpu.memory_space<vmem>>, vector<1x16xf32>,
      %get3A_957 = vector.shape_cast %get3A_956 : vector<1x16xf32> to vector<16xf32>
      %mul3A_958 = arith.mulf %get3A_884, %get3A_949 : vector<16xf32>
      %mul3A_959 = arith.mulf %get3A_894, %get3A_957 : vector<16xf32>
      %add3A_960 = arith.addf %mul3A_958, %mul3A_959 : vector<16xf32>
      %swap3A_961 = arith.index_cast %scan3A_877 : i32 to index
      %swap3A_962 = arith.constant 32 : index
      %swap3A_963 = tpu.vector_load %arg11[%swap3A_961, %swap3A_962] {strides = array<i32>} : memref<40x128xf32, #tpu.memory_space<vmem>>, vector<1x16xf32>,
      %swap3A_964 = vector.shape_cast %swap3A_963 : vector<1x16xf32> to vector<16xf32>
      %swap3A_965 = vector.shape_cast %add3A_960 : vector<16xf32> to vector<1x16xf32>
      tpu.vector_store %arg11[%swap3A_961, %swap3A_962], %swap3A_965 {strides = array<i32>} : memref<40x128xf32, #tpu.memory_space<vmem>>, vector<1x16xf32>,
      %get3A_966 = arith.constant 0 : i32
      %get3A_967 = arith.constant 0 : i32
      %get3A_968 = tpu.memref_slice %arg10[%scan3A_403, %get3A_966, %get3A_967] : memref<2x40x256xf32, #tpu.memory_space<vmem>> -> memref<1x40x256xf32, #tpu.memory_space<vmem>>
      %get3A_969 = tpu.memref_squeeze %get3A_968 : memref<1x40x256xf32, #tpu.memory_space<vmem>> -> memref<40x256xf32, #tpu.memory_space<vmem>>
      %get3A_970 = arith.index_cast %scan3A_877 : i32 to index
      %get3A_971 = arith.constant 48 : index
      %get3A_972 = tpu.vector_load %get3A_969[%get3A_970, %get3A_971] {strides = array<i32>} : memref<40x256xf32, #tpu.memory_space<vmem>>, vector<1x16xf32>,
      %get3A_973 = vector.shape_cast %get3A_972 : vector<1x16xf32> to vector<16xf32>
      %get3A_974 = arith.constant 0 : i32
      %get3A_975 = arith.constant 0 : i32
      %get3A_976 = tpu.memref_slice %arg10[%scan3A_403, %get3A_974, %get3A_975] : memref<2x40x256xf32, #tpu.memory_space<vmem>> -> memref<1x40x256xf32, #tpu.memory_space<vmem>>
      %get3A_977 = tpu.memref_squeeze %get3A_976 : memref<1x40x256xf32, #tpu.memory_space<vmem>> -> memref<40x256xf32, #tpu.memory_space<vmem>>
      %get3A_978 = arith.index_cast %scan3A_877 : i32 to index
      %get3A_979 = arith.constant 176 : index
      %get3A_980 = tpu.vector_load %get3A_977[%get3A_978, %get3A_979] {strides = array<i32>} : memref<40x256xf32, #tpu.memory_space<vmem>>, vector<1x16xf32>,
      %get3A_981 = vector.shape_cast %get3A_980 : vector<1x16xf32> to vector<16xf32>
      %mul3A_982 = arith.mulf %get3A_884, %get3A_973 : vector<16xf32>
      %mul3A_983 = arith.mulf %get3A_894, %get3A_981 : vector<16xf32>
      %add3A_984 = arith.addf %mul3A_982, %mul3A_983 : vector<16xf32>
      %swap3A_985 = arith.index_cast %scan3A_877 : i32 to index
      %swap3A_986 = arith.constant 48 : index
      %swap3A_987 = tpu.vector_load %arg11[%swap3A_985, %swap3A_986] {strides = array<i32>} : memref<40x128xf32, #tpu.memory_space<vmem>>, vector<1x16xf32>,
      %swap3A_988 = vector.shape_cast %swap3A_987 : vector<1x16xf32> to vector<16xf32>
      %swap3A_989 = vector.shape_cast %add3A_984 : vector<16xf32> to vector<1x16xf32>
      tpu.vector_store %arg11[%swap3A_985, %swap3A_986], %swap3A_989 {strides = array<i32>} : memref<40x128xf32, #tpu.memory_space<vmem>>, vector<1x16xf32>,
      %get3A_990 = arith.constant 0 : i32
      %get3A_991 = arith.constant 0 : i32
      %get3A_992 = tpu.memref_slice %arg10[%scan3A_403, %get3A_990, %get3A_991] : memref<2x40x256xf32, #tpu.memory_space<vmem>> -> memref<1x40x256xf32, #tpu.memory_space<vmem>>
      %get3A_993 = tpu.memref_squeeze %get3A_992 : memref<1x40x256xf32, #tpu.memory_space<vmem>> -> memref<40x256xf32, #tpu.memory_space<vmem>>
      %get3A_994 = arith.index_cast %scan3A_877 : i32 to index
      %get3A_995 = arith.constant 64 : index
      %get3A_996 = tpu.vector_load %get3A_993[%get3A_994, %get3A_995] {strides = array<i32>} : memref<40x256xf32, #tpu.memory_space<vmem>>, vector<1x16xf32>,
      %get3A_997 = vector.shape_cast %get3A_996 : vector<1x16xf32> to vector<16xf32>
      %get3A_998 = arith.constant 0 : i32
      %get3A_999 = arith.constant 0 : i32
      %get3A_1000 = tpu.memref_slice %arg10[%scan3A_403, %get3A_998, %get3A_999] : memref<2x40x256xf32, #tpu.memory_space<vmem>> -> memref<1x40x256xf32, #tpu.memory_space<vmem>>
      %get3A_1001 = tpu.memref_squeeze %get3A_1000 : memref<1x40x256xf32, #tpu.memory_space<vmem>> -> memref<40x256xf32, #tpu.memory_space<vmem>>
      %get3A_1002 = arith.index_cast %scan3A_877 : i32 to index
      %get3A_1003 = arith.constant 192 : index
      %get3A_1004 = tpu.vector_load %get3A_1001[%get3A_1002, %get3A_1003] {strides = array<i32>} : memref<40x256xf32, #tpu.memory_space<vmem>>, vector<1x16xf32>,
      %get3A_1005 = vector.shape_cast %get3A_1004 : vector<1x16xf32> to vector<16xf32>
      %mul3A_1006 = arith.mulf %get3A_884, %get3A_997 : vector<16xf32>
      %mul3A_1007 = arith.mulf %get3A_894, %get3A_1005 : vector<16xf32>
      %add3A_1008 = arith.addf %mul3A_1006, %mul3A_1007 : vector<16xf32>
      %swap3A_1009 = arith.index_cast %scan3A_877 : i32 to index
      %swap3A_1010 = arith.constant 64 : index
      %swap3A_1011 = tpu.vector_load %arg11[%swap3A_1009, %swap3A_1010] {strides = array<i32>} : memref<40x128xf32, #tpu.memory_space<vmem>>, vector<1x16xf32>,
      %swap3A_1012 = vector.shape_cast %swap3A_1011 : vector<1x16xf32> to vector<16xf32>
      %swap3A_1013 = vector.shape_cast %add3A_1008 : vector<16xf32> to vector<1x16xf32>
      tpu.vector_store %arg11[%swap3A_1009, %swap3A_1010], %swap3A_1013 {strides = array<i32>} : memref<40x128xf32, #tpu.memory_space<vmem>>, vector<1x16xf32>,
      %get3A_1014 = arith.constant 0 : i32
      %get3A_1015 = arith.constant 0 : i32
      %get3A_1016 = tpu.memref_slice %arg10[%scan3A_403, %get3A_1014, %get3A_1015] : memref<2x40x256xf32, #tpu.memory_space<vmem>> -> memref<1x40x256xf32, #tpu.memory_space<vmem>>
      %get3A_1017 = tpu.memref_squeeze %get3A_1016 : memref<1x40x256xf32, #tpu.memory_space<vmem>> -> memref<40x256xf32, #tpu.memory_space<vmem>>
      %get3A_1018 = arith.index_cast %scan3A_877 : i32 to index
      %get3A_1019 = arith.constant 80 : index
      %get3A_1020 = tpu.vector_load %get3A_1017[%get3A_1018, %get3A_1019] {strides = array<i32>} : memref<40x256xf32, #tpu.memory_space<vmem>>, vector<1x16xf32>,
      %get3A_1021 = vector.shape_cast %get3A_1020 : vector<1x16xf32> to vector<16xf32>
      %get3A_1022 = arith.constant 0 : i32
      %get3A_1023 = arith.constant 0 : i32
      %get3A_1024 = tpu.memref_slice %arg10[%scan3A_403, %get3A_1022, %get3A_1023] : memref<2x40x256xf32, #tpu.memory_space<vmem>> -> memref<1x40x256xf32, #tpu.memory_space<vmem>>
      %get3A_1025 = tpu.memref_squeeze %get3A_1024 : memref<1x40x256xf32, #tpu.memory_space<vmem>> -> memref<40x256xf32, #tpu.memory_space<vmem>>
      %get3A_1026 = arith.index_cast %scan3A_877 : i32 to index
      %get3A_1027 = arith.constant 208 : index
      %get3A_1028 = tpu.vector_load %get3A_1025[%get3A_1026, %get3A_1027] {strides = array<i32>} : memref<40x256xf32, #tpu.memory_space<vmem>>, vector<1x16xf32>,
      %get3A_1029 = vector.shape_cast %get3A_1028 : vector<1x16xf32> to vector<16xf32>
      %mul3A_1030 = arith.mulf %get3A_884, %get3A_1021 : vector<16xf32>
      %mul3A_1031 = arith.mulf %get3A_894, %get3A_1029 : vector<16xf32>
      %add3A_1032 = arith.addf %mul3A_1030, %mul3A_1031 : vector<16xf32>
      %swap3A_1033 = arith.index_cast %scan3A_877 : i32 to index
      %swap3A_1034 = arith.constant 80 : index
      %swap3A_1035 = tpu.vector_load %arg11[%swap3A_1033, %swap3A_1034] {strides = array<i32>} : memref<40x128xf32, #tpu.memory_space<vmem>>, vector<1x16xf32>,
      %swap3A_1036 = vector.shape_cast %swap3A_1035 : vector<1x16xf32> to vector<16xf32>
      %swap3A_1037 = vector.shape_cast %add3A_1032 : vector<16xf32> to vector<1x16xf32>
      tpu.vector_store %arg11[%swap3A_1033, %swap3A_1034], %swap3A_1037 {strides = array<i32>} : memref<40x128xf32, #tpu.memory_space<vmem>>, vector<1x16xf32>,
      %get3A_1038 = arith.constant 0 : i32
      %get3A_1039 = arith.constant 0 : i32
      %get3A_1040 = tpu.memref_slice %arg10[%scan3A_403, %get3A_1038, %get3A_1039] : memref<2x40x256xf32, #tpu.memory_space<vmem>> -> memref<1x40x256xf32, #tpu.memory_space<vmem>>
      %get3A_1041 = tpu.memref_squeeze %get3A_1040 : memref<1x40x256xf32, #tpu.memory_space<vmem>> -> memref<40x256xf32, #tpu.memory_space<vmem>>
      %get3A_1042 = arith.index_cast %scan3A_877 : i32 to index
      %get3A_1043 = arith.constant 96 : index
      %get3A_1044 = tpu.vector_load %get3A_1041[%get3A_1042, %get3A_1043] {strides = array<i32>} : memref<40x256xf32, #tpu.memory_space<vmem>>, vector<1x16xf32>,
      %get3A_1045 = vector.shape_cast %get3A_1044 : vector<1x16xf32> to vector<16xf32>
      %get3A_1046 = arith.constant 0 : i32
      %get3A_1047 = arith.constant 0 : i32
      %get3A_1048 = tpu.memref_slice %arg10[%scan3A_403, %get3A_1046, %get3A_1047] : memref<2x40x256xf32, #tpu.memory_space<vmem>> -> memref<1x40x256xf32, #tpu.memory_space<vmem>>
      %get3A_1049 = tpu.memref_squeeze %get3A_1048 : memref<1x40x256xf32, #tpu.memory_space<vmem>> -> memref<40x256xf32, #tpu.memory_space<vmem>>
      %get3A_1050 = arith.index_cast %scan3A_877 : i32 to index
      %get3A_1051 = arith.constant 224 : index
      %get3A_1052 = tpu.vector_load %get3A_1049[%get3A_1050, %get3A_1051] {strides = array<i32>} : memref<40x256xf32, #tpu.memory_space<vmem>>, vector<1x16xf32>,
      %get3A_1053 = vector.shape_cast %get3A_1052 : vector<1x16xf32> to vector<16xf32>
      %mul3A_1054 = arith.mulf %get3A_884, %get3A_1045 : vector<16xf32>
      %mul3A_1055 = arith.mulf %get3A_894, %get3A_1053 : vector<16xf32>
      %add3A_1056 = arith.addf %mul3A_1054, %mul3A_1055 : vector<16xf32>
      %swap3A_1057 = arith.index_cast %scan3A_877 : i32 to index
      %swap3A_1058 = arith.constant 96 : index
      %swap3A_1059 = tpu.vector_load %arg11[%swap3A_1057, %swap3A_1058] {strides = array<i32>} : memref<40x128xf32, #tpu.memory_space<vmem>>, vector<1x16xf32>,
      %swap3A_1060 = vector.shape_cast %swap3A_1059 : vector<1x16xf32> to vector<16xf32>
      %swap3A_1061 = vector.shape_cast %add3A_1056 : vector<16xf32> to vector<1x16xf32>
      tpu.vector_store %arg11[%swap3A_1057, %swap3A_1058], %swap3A_1061 {strides = array<i32>} : memref<40x128xf32, #tpu.memory_space<vmem>>, vector<1x16xf32>,
      %get3A_1062 = arith.constant 0 : i32
      %get3A_1063 = arith.constant 0 : i32
      %get3A_1064 = tpu.memref_slice %arg10[%scan3A_403, %get3A_1062, %get3A_1063] : memref<2x40x256xf32, #tpu.memory_space<vmem>> -> memref<1x40x256xf32, #tpu.memory_space<vmem>>
      %get3A_1065 = tpu.memref_squeeze %get3A_1064 : memref<1x40x256xf32, #tpu.memory_space<vmem>> -> memref<40x256xf32, #tpu.memory_space<vmem>>
      %get3A_1066 = arith.index_cast %scan3A_877 : i32 to index
      %get3A_1067 = arith.constant 112 : index
      %get3A_1068 = tpu.vector_load %get3A_1065[%get3A_1066, %get3A_1067] {strides = array<i32>} : memref<40x256xf32, #tpu.memory_space<vmem>>, vector<1x16xf32>,
      %get3A_1069 = vector.shape_cast %get3A_1068 : vector<1x16xf32> to vector<16xf32>
      %get3A_1070 = arith.constant 0 : i32
      %get3A_1071 = arith.constant 0 : i32
      %get3A_1072 = tpu.memref_slice %arg10[%scan3A_403, %get3A_1070, %get3A_1071] : memref<2x40x256xf32, #tpu.memory_space<vmem>> -> memref<1x40x256xf32, #tpu.memory_space<vmem>>
      %get3A_1073 = tpu.memref_squeeze %get3A_1072 : memref<1x40x256xf32, #tpu.memory_space<vmem>> -> memref<40x256xf32, #tpu.memory_space<vmem>>
      %get3A_1074 = arith.index_cast %scan3A_877 : i32 to index
      %get3A_1075 = arith.constant 240 : index
      %get3A_1076 = tpu.vector_load %get3A_1073[%get3A_1074, %get3A_1075] {strides = array<i32>} : memref<40x256xf32, #tpu.memory_space<vmem>>, vector<1x16xf32>,
      %get3A_1077 = vector.shape_cast %get3A_1076 : vector<1x16xf32> to vector<16xf32>
      %mul3A_1078 = arith.mulf %get3A_884, %get3A_1069 : vector<16xf32>
      %mul3A_1079 = arith.mulf %get3A_894, %get3A_1077 : vector<16xf32>
      %add3A_1080 = arith.addf %mul3A_1078, %mul3A_1079 : vector<16xf32>
      %swap3A_1081 = arith.index_cast %scan3A_877 : i32 to index
      %swap3A_1082 = arith.constant 112 : index
      %swap3A_1083 = tpu.vector_load %arg11[%swap3A_1081, %swap3A_1082] {strides = array<i32>} : memref<40x128xf32, #tpu.memory_space<vmem>>, vector<1x16xf32>,
      %swap3A_1084 = vector.shape_cast %swap3A_1083 : vector<1x16xf32> to vector<16xf32>
      %swap3A_1085 = vector.shape_cast %add3A_1080 : vector<16xf32> to vector<1x16xf32>
      tpu.vector_store %arg11[%swap3A_1081, %swap3A_1082], %swap3A_1085 {strides = array<i32>} : memref<40x128xf32, #tpu.memory_space<vmem>>, vector<1x16xf32>,
    }
    %scan3A_408 = arith.constant 40 : i32
    %dma_start3A_409 = arith.constant 1 : i32
    %dma_start3A_410 = arith.constant 0 : i32
    %dma_start3A_411 = tpu.memref_slice %arg8[%dma_start3A_409, %dma_start3A_410] : memref<4x40xi32, #tpu.memory_space<vmem>> -> memref<1x40xi32, #tpu.memory_space<vmem>>
    %dma_start3A_412 = tpu.memref_squeeze %dma_start3A_411 : memref<1x40xi32, #tpu.memory_space<vmem>> -> memref<40xi32, #tpu.memory_space<vmem>>
    %dma_start3A_413 = arith.constant 0 : i32
    %dma_start3A_414 = arith.constant 0 : i32
    %dma_start3A_415 = tpu.memref_slice %arg12[%dma_start3A_413, %dma_start3A_414] : memref<10240x128xf32, #tpu.memory_space<vmem_shared>> -> memref<10240x128xf32, #tpu.memory_space<vmem_shared>>
    tpu.enqueue_indirect_dma source(%arg11 : memref<40x128xf32, #tpu.memory_space<vmem>>) target(%dma_start3A_415 : memref<10240x128xf32, #tpu.memory_space<vmem_shared>>) offsets(%dma_start3A_412 : memref<40xi32, #tpu.memory_space<vmem>>) semaphore(%arg15 : memref<!tpu.dma_semaphore, #tpu.memory_space<semaphore_mem>>) {add = true}
    %dma_start3A_416 = arith.constant 3 : i32
    %dma_start3A_417 = arith.constant 1 : i32
    %dma_start3A_418 = arith.constant 0 : i32
    %dma_start3A_419 = tpu.memref_slice %arg7[%dma_start3A_417, %dma_start3A_418] : memref<2x40xi32, #tpu.memory_space<vmem>> -> memref<1x40xi32, #tpu.memory_space<vmem>>
    %dma_start3A_420 = tpu.memref_squeeze %dma_start3A_419 : memref<1x40xi32, #tpu.memory_space<vmem>> -> memref<40xi32, #tpu.memory_space<vmem>>
    %dma_start3A_421 = arith.constant 0 : i32
    %dma_start3A_422 = tpu.memref_slice %arg3[%add3A, %dma_start3A_416, %dma_start3A_421] : memref<32x254x40xi32, #tpu.memory_space<hbm>> -> memref<1x1x40xi32, #tpu.memory_space<hbm>>
    %dma_start3A_423 = tpu.memref_squeeze %dma_start3A_422 : memref<1x1x40xi32, #tpu.memory_space<hbm>> -> memref<40xi32, #tpu.memory_space<hbm>>
    %dma_start3A_424 = arith.constant 0 : i32
    %dma_start3A_425 = tpu.memref_slice %arg7[%dma_start3A_417, %dma_start3A_424] : memref<2x40xi32, #tpu.memory_space<vmem>> -> memref<1x40xi32, #tpu.memory_space<vmem>>
    %dma_start3A_426 = tpu.memref_squeeze %dma_start3A_425 : memref<1x40xi32, #tpu.memory_space<vmem>> -> memref<40xi32, #tpu.memory_space<vmem>>
    %dma_start3A_427 = arith.constant 0 : i32
    %dma_start3A_428 = tpu.memref_slice %arg3[%add3A, %dma_start3A_416, %dma_start3A_427] : memref<32x254x40xi32, #tpu.memory_space<hbm>> -> memref<1x1x40xi32, #tpu.memory_space<hbm>>
    %dma_start3A_429 = tpu.memref_squeeze %dma_start3A_428 : memref<1x1x40xi32, #tpu.memory_space<hbm>> -> memref<40xi32, #tpu.memory_space<hbm>>
    tpu.enqueue_dma source(%dma_start3A_429 : memref<40xi32, #tpu.memory_space<hbm>>) target(%dma_start3A_426 : memref<40xi32, #tpu.memory_space<vmem>>) target_semaphore(%arg14 : memref<!tpu.dma_semaphore, #tpu.memory_space<semaphore_mem>>)
    %dma_start3A_430 = arith.constant 3 : i32
    %dma_start3A_431 = arith.constant 3 : i32
    %dma_start3A_432 = arith.constant 0 : i32
    %dma_start3A_433 = tpu.memref_slice %arg8[%dma_start3A_431, %dma_start3A_432] : memref<4x40xi32, #tpu.memory_space<vmem>> -> memref<1x40xi32, #tpu.memory_space<vmem>>
    %dma_start3A_434 = tpu.memref_squeeze %dma_start3A_433 : memref<1x40xi32, #tpu.memory_space<vmem>> -> memref<40xi32, #tpu.memory_space<vmem>>
    %dma_start3A_435 = arith.constant 0 : i32
    %dma_start3A_436 = tpu.memref_slice %arg4[%add3A, %dma_start3A_430, %dma_start3A_435] : memref<32x254x40xi32, #tpu.memory_space<hbm>> -> memref<1x1x40xi32, #tpu.memory_space<hbm>>
    %dma_start3A_437 = tpu.memref_squeeze %dma_start3A_436 : memref<1x1x40xi32, #tpu.memory_space<hbm>> -> memref<40xi32, #tpu.memory_space<hbm>>
    %dma_start3A_438 = arith.constant 0 : i32
    %dma_start3A_439 = tpu.memref_slice %arg8[%dma_start3A_431, %dma_start3A_438] : memref<4x40xi32, #tpu.memory_space<vmem>> -> memref<1x40xi32, #tpu.memory_space<vmem>>
    %dma_start3A_440 = tpu.memref_squeeze %dma_start3A_439 : memref<1x40xi32, #tpu.memory_space<vmem>> -> memref<40xi32, #tpu.memory_space<vmem>>
    %dma_start3A_441 = arith.constant 0 : i32
    %dma_start3A_442 = tpu.memref_slice %arg4[%add3A, %dma_start3A_430, %dma_start3A_441] : memref<32x254x40xi32, #tpu.memory_space<hbm>> -> memref<1x1x40xi32, #tpu.memory_space<hbm>>
    %dma_start3A_443 = tpu.memref_squeeze %dma_start3A_442 : memref<1x1x40xi32, #tpu.memory_space<hbm>> -> memref<40xi32, #tpu.memory_space<hbm>>
    tpu.enqueue_dma source(%dma_start3A_443 : memref<40xi32, #tpu.memory_space<hbm>>) target(%dma_start3A_440 : memref<40xi32, #tpu.memory_space<vmem>>) target_semaphore(%arg14 : memref<!tpu.dma_semaphore, #tpu.memory_space<semaphore_mem>>)
    %dma_start3A_444 = arith.constant 3 : i32
    %dma_start3A_445 = arith.constant 1 : i32
    %dma_start3A_446 = arith.constant 0 : i32
    %dma_start3A_447 = arith.constant 0 : i32
    %dma_start3A_448 = tpu.memref_slice %arg9[%dma_start3A_445, %dma_start3A_446, %dma_start3A_447] : memref<2x80x16xf32, #tpu.memory_space<vmem>> -> memref<1x80x16xf32, #tpu.memory_space<vmem>>
    %dma_start3A_449 = tpu.memref_squeeze %dma_start3A_448 : memref<1x80x16xf32, #tpu.memory_space<vmem>> -> memref<80x16xf32, #tpu.memory_space<vmem>>
    %dma_start3A_450 = arith.constant 0 : i32
    %dma_start3A_451 = arith.constant 0 : i32
    %dma_start3A_452 = tpu.memref_slice %arg5[%add3A, %dma_start3A_444, %dma_start3A_450, %dma_start3A_451] : memref<32x254x80x16xf32, #tpu.memory_space<hbm>> -> memref<1x1x80x16xf32, #tpu.memory_space<hbm>>
    %dma_start3A_453 = tpu.memref_squeeze %dma_start3A_452 : memref<1x1x80x16xf32, #tpu.memory_space<hbm>> -> memref<80x16xf32, #tpu.memory_space<hbm>>
    %dma_start3A_454 = arith.constant 0 : i32
    %dma_start3A_455 = arith.constant 0 : i32
    %dma_start3A_456 = tpu.memref_slice %arg9[%dma_start3A_445, %dma_start3A_454, %dma_start3A_455] : memref<2x80x16xf32, #tpu.memory_space<vmem>> -> memref<1x80x16xf32, #tpu.memory_space<vmem>>
    %dma_start3A_457 = tpu.memref_squeeze %dma_start3A_456 : memref<1x80x16xf32, #tpu.memory_space<vmem>> -> memref<80x16xf32, #tpu.memory_space<vmem>>
    %dma_start3A_458 = arith.constant 0 : i32
    %dma_start3A_459 = arith.constant 0 : i32
    %dma_start3A_460 = tpu.memref_slice %arg5[%add3A, %dma_start3A_444, %dma_start3A_458, %dma_start3A_459] : memref<32x254x80x16xf32, #tpu.memory_space<hbm>> -> memref<1x1x80x16xf32, #tpu.memory_space<hbm>>
    %dma_start3A_461 = tpu.memref_squeeze %dma_start3A_460 : memref<1x1x80x16xf32, #tpu.memory_space<hbm>> -> memref<80x16xf32, #tpu.memory_space<hbm>>
    tpu.enqueue_dma source(%dma_start3A_461 : memref<80x16xf32, #tpu.memory_space<hbm>>) target(%dma_start3A_457 : memref<80x16xf32, #tpu.memory_space<vmem>>) target_semaphore(%arg14 : memref<!tpu.dma_semaphore, #tpu.memory_space<semaphore_mem>>)
    %dma_wait3A_462 = arith.constant 3 : i32
    %dma_wait3A_463 = arith.constant 1 : i32
    %dma_wait3A_464 = arith.constant 0 : i32
    %dma_wait3A_465 = tpu.memref_slice %arg7[%dma_wait3A_463, %dma_wait3A_464] : memref<2x40xi32, #tpu.memory_space<vmem>> -> memref<1x40xi32, #tpu.memory_space<vmem>>
    %dma_wait3A_466 = tpu.memref_squeeze %dma_wait3A_465 : memref<1x40xi32, #tpu.memory_space<vmem>> -> memref<40xi32, #tpu.memory_space<vmem>>
    %dma_wait3A_467 = arith.constant 0 : i32
    %dma_wait3A_468 = tpu.memref_slice %arg3[%add3A, %dma_wait3A_462, %dma_wait3A_467] : memref<32x254x40xi32, #tpu.memory_space<hbm>> -> memref<1x1x40xi32, #tpu.memory_space<hbm>>
    %dma_wait3A_469 = tpu.memref_squeeze %dma_wait3A_468 : memref<1x1x40xi32, #tpu.memory_space<hbm>> -> memref<40xi32, #tpu.memory_space<hbm>>
    %dma_wait3A_470 = arith.constant 0 : i32
    %dma_wait3A_471 = tpu.memref_slice %arg7[%dma_wait3A_463, %dma_wait3A_470] : memref<2x40xi32, #tpu.memory_space<vmem>> -> memref<1x40xi32, #tpu.memory_space<vmem>>
    %dma_wait3A_472 = tpu.memref_squeeze %dma_wait3A_471 : memref<1x40xi32, #tpu.memory_space<vmem>> -> memref<40xi32, #tpu.memory_space<vmem>>
    %dma_wait3A_473 = arith.constant 0 : i32
    %dma_wait3A_474 = tpu.memref_slice %arg3[%add3A, %dma_wait3A_462, %dma_wait3A_473] : memref<32x254x40xi32, #tpu.memory_space<hbm>> -> memref<1x1x40xi32, #tpu.memory_space<hbm>>
    %dma_wait3A_475 = tpu.memref_squeeze %dma_wait3A_474 : memref<1x1x40xi32, #tpu.memory_space<hbm>> -> memref<40xi32, #tpu.memory_space<hbm>>
    tpu.wait_dma2 semaphore(%arg14 : memref<!tpu.dma_semaphore, #tpu.memory_space<semaphore_mem>>) src(%dma_wait3A_475 : memref<40xi32, #tpu.memory_space<hbm>>) dst(%dma_wait3A_472 : memref<40xi32, #tpu.memory_space<vmem>>)
    %dma_wait3A_476 = arith.constant 3 : i32
    %dma_wait3A_477 = arith.constant 3 : i32
    %dma_wait3A_478 = arith.constant 0 : i32
    %dma_wait3A_479 = tpu.memref_slice %arg8[%dma_wait3A_477, %dma_wait3A_478] : memref<4x40xi32, #tpu.memory_space<vmem>> -> memref<1x40xi32, #tpu.memory_space<vmem>>
    %dma_wait3A_480 = tpu.memref_squeeze %dma_wait3A_479 : memref<1x40xi32, #tpu.memory_space<vmem>> -> memref<40xi32, #tpu.memory_space<vmem>>
    %dma_wait3A_481 = arith.constant 0 : i32
    %dma_wait3A_482 = tpu.memref_slice %arg4[%add3A, %dma_wait3A_476, %dma_wait3A_481] : memref<32x254x40xi32, #tpu.memory_space<hbm>> -> memref<1x1x40xi32, #tpu.memory_space<hbm>>
    %dma_wait3A_483 = tpu.memref_squeeze %dma_wait3A_482 : memref<1x1x40xi32, #tpu.memory_space<hbm>> -> memref<40xi32, #tpu.memory_space<hbm>>
    %dma_wait3A_484 = arith.constant 0 : i32
    %dma_wait3A_485 = tpu.memref_slice %arg8[%dma_wait3A_477, %dma_wait3A_484] : memref<4x40xi32, #tpu.memory_space<vmem>> -> memref<1x40xi32, #tpu.memory_space<vmem>>
    %dma_wait3A_486 = tpu.memref_squeeze %dma_wait3A_485 : memref<1x40xi32, #tpu.memory_space<vmem>> -> memref<40xi32, #tpu.memory_space<vmem>>
    %dma_wait3A_487 = arith.constant 0 : i32
    %dma_wait3A_488 = tpu.memref_slice %arg4[%add3A, %dma_wait3A_476, %dma_wait3A_487] : memref<32x254x40xi32, #tpu.memory_space<hbm>> -> memref<1x1x40xi32, #tpu.memory_space<hbm>>
    %dma_wait3A_489 = tpu.memref_squeeze %dma_wait3A_488 : memref<1x1x40xi32, #tpu.memory_space<hbm>> -> memref<40xi32, #tpu.memory_space<hbm>>
    tpu.wait_dma2 semaphore(%arg14 : memref<!tpu.dma_semaphore, #tpu.memory_space<semaphore_mem>>) src(%dma_wait3A_489 : memref<40xi32, #tpu.memory_space<hbm>>) dst(%dma_wait3A_486 : memref<40xi32, #tpu.memory_space<vmem>>)
    %dma_wait3A_490 = arith.constant 3 : i32
    %dma_wait3A_491 = arith.constant 1 : i32
    %dma_wait3A_492 = arith.constant 0 : i32
    %dma_wait3A_493 = arith.constant 0 : i32
    %dma_wait3A_494 = tpu.memref_slice %arg9[%dma_wait3A_491, %dma_wait3A_492, %dma_wait3A_493] : memref<2x80x16xf32, #tpu.memory_space<vmem>> -> memref<1x80x16xf32, #tpu.memory_space<vmem>>
    %dma_wait3A_495 = tpu.memref_squeeze %dma_wait3A_494 : memref<1x80x16xf32, #tpu.memory_space<vmem>> -> memref<80x16xf32, #tpu.memory_space<vmem>>
    %dma_wait3A_496 = arith.constant 0 : i32
    %dma_wait3A_497 = arith.constant 0 : i32
    %dma_wait3A_498 = tpu.memref_slice %arg5[%add3A, %dma_wait3A_490, %dma_wait3A_496, %dma_wait3A_497] : memref<32x254x80x16xf32, #tpu.memory_space<hbm>> -> memref<1x1x80x16xf32, #tpu.memory_space<hbm>>
    %dma_wait3A_499 = tpu.memref_squeeze %dma_wait3A_498 : memref<1x1x80x16xf32, #tpu.memory_space<hbm>> -> memref<80x16xf32, #tpu.memory_space<hbm>>
    %dma_wait3A_500 = arith.constant 0 : i32
    %dma_wait3A_501 = arith.constant 0 : i32
    %dma_wait3A_502 = tpu.memref_slice %arg9[%dma_wait3A_491, %dma_wait3A_500, %dma_wait3A_501] : memref<2x80x16xf32, #tpu.memory_space<vmem>> -> memref<1x80x16xf32, #tpu.memory_space<vmem>>
    %dma_wait3A_503 = tpu.memref_squeeze %dma_wait3A_502 : memref<1x80x16xf32, #tpu.memory_space<vmem>> -> memref<80x16xf32, #tpu.memory_space<vmem>>
    %dma_wait3A_504 = arith.constant 0 : i32
    %dma_wait3A_505 = arith.constant 0 : i32
    %dma_wait3A_506 = tpu.memref_slice %arg5[%add3A, %dma_wait3A_490, %dma_wait3A_504, %dma_wait3A_505] : memref<32x254x80x16xf32, #tpu.memory_space<hbm>> -> memref<1x1x80x16xf32, #tpu.memory_space<hbm>>
    %dma_wait3A_507 = tpu.memref_squeeze %dma_wait3A_506 : memref<1x1x80x16xf32, #tpu.memory_space<hbm>> -> memref<80x16xf32, #tpu.memory_space<hbm>>
    tpu.wait_dma2 semaphore(%arg14 : memref<!tpu.dma_semaphore, #tpu.memory_space<semaphore_mem>>) src(%dma_wait3A_507 : memref<80x16xf32, #tpu.memory_space<hbm>>) dst(%dma_wait3A_503 : memref<80x16xf32, #tpu.memory_space<vmem>>)
    %dma_start3A_508 = arith.constant 1 : i32
    %dma_start3A_509 = arith.constant 1 : i32
    %dma_start3A_510 = arith.constant 0 : i32
    %dma_start3A_511 = arith.constant 0 : i32
    %dma_start3A_512 = tpu.memref_slice %arg10[%dma_start3A_509, %dma_start3A_510, %dma_start3A_511] : memref<2x40x256xf32, #tpu.memory_space<vmem>> -> memref<1x24x256xf32, #tpu.memory_space<vmem>>
    %dma_start3A_513 = tpu.memref_squeeze %dma_start3A_512 : memref<1x24x256xf32, #tpu.memory_space<vmem>> -> memref<24x256xf32, #tpu.memory_space<vmem>>
    %dma_start3A_514 = arith.constant 0 : i32
    %dma_start3A_515 = tpu.memref_slice %arg7[%dma_start3A_508, %dma_start3A_514] : memref<2x40xi32, #tpu.memory_space<vmem>> -> memref<1x24xi32, #tpu.memory_space<vmem>>
    %dma_start3A_516 = tpu.memref_squeeze %dma_start3A_515 : memref<1x24xi32, #tpu.memory_space<vmem>> -> memref<24xi32, #tpu.memory_space<vmem>>
    %dma_start3A_517 = arith.constant 0 : i32
    %dma_start3A_518 = arith.constant 0 : i32
    %dma_start3A_519 = tpu.memref_slice %arg2[%dma_start3A_517, %dma_start3A_518] : memref<10000x256xf32, #tpu.memory_space<hbm>> -> memref<10000x256xf32, #tpu.memory_space<hbm>>
    tpu.enqueue_indirect_dma source(%dma_start3A_519 : memref<10000x256xf32, #tpu.memory_space<hbm>>) target(%dma_start3A_513 : memref<24x256xf32, #tpu.memory_space<vmem>>) offsets(%dma_start3A_516 : memref<24xi32, #tpu.memory_space<vmem>>) semaphore(%arg13 : memref<!tpu.dma_semaphore, #tpu.memory_space<semaphore_mem>>)
    %dma_start3A_520 = arith.constant 1 : i32
    %dma_start3A_521 = arith.constant 1 : i32
    %dma_start3A_522 = arith.constant 24 : i32
    %dma_start3A_523 = arith.constant 0 : i32
    %dma_start3A_524 = tpu.memref_slice %arg10[%dma_start3A_521, %dma_start3A_522, %dma_start3A_523] : memref<2x40x256xf32, #tpu.memory_space<vmem>> -> memref<1x16x256xf32, #tpu.memory_space<vmem>>
    %dma_start3A_525 = tpu.memref_squeeze %dma_start3A_524 : memref<1x16x256xf32, #tpu.memory_space<vmem>> -> memref<16x256xf32, #tpu.memory_space<vmem>>
    %dma_start3A_526 = arith.constant 24 : i32
    %dma_start3A_527 = tpu.memref_slice %arg7[%dma_start3A_520, %dma_start3A_526] : memref<2x40xi32, #tpu.memory_space<vmem>> -> memref<1x16xi32, #tpu.memory_space<vmem>>
    %dma_start3A_528 = tpu.memref_squeeze %dma_start3A_527 : memref<1x16xi32, #tpu.memory_space<vmem>> -> memref<16xi32, #tpu.memory_space<vmem>>
    %dma_start3A_529 = arith.constant 0 : i32
    %dma_start3A_530 = arith.constant 0 : i32
    %dma_start3A_531 = tpu.memref_slice %arg2[%dma_start3A_529, %dma_start3A_530] : memref<10000x256xf32, #tpu.memory_space<hbm>> -> memref<10000x256xf32, #tpu.memory_space<hbm>>
    tpu.enqueue_indirect_dma source(%dma_start3A_531 : memref<10000x256xf32, #tpu.memory_space<hbm>>) target(%dma_start3A_525 : memref<16x256xf32, #tpu.memory_space<vmem>>) offsets(%dma_start3A_528 : memref<16xi32, #tpu.memory_space<vmem>>) semaphore(%arg13 : memref<!tpu.dma_semaphore, #tpu.memory_space<semaphore_mem>>)
    %dma_wait3A_532 = arith.constant 0 : i32
    %dma_wait3A_533 = arith.constant 0 : i32
    %dma_wait3A_534 = arith.constant 0 : i32
    %dma_wait3A_535 = arith.constant 0 : i32
    %dma_wait3A_536 = tpu.memref_slice %arg10[%dma_wait3A_533, %dma_wait3A_534, %dma_wait3A_535] : memref<2x40x256xf32, #tpu.memory_space<vmem>> -> memref<1x24x256xf32, #tpu.memory_space<vmem>>
    %dma_wait3A_537 = tpu.memref_squeeze %dma_wait3A_536 : memref<1x24x256xf32, #tpu.memory_space<vmem>> -> memref<24x256xf32, #tpu.memory_space<vmem>>
    %dma_wait3A_538 = arith.constant 0 : i32
    %dma_wait3A_539 = tpu.memref_slice %arg7[%dma_wait3A_532, %dma_wait3A_538] : memref<2x40xi32, #tpu.memory_space<vmem>> -> memref<1x24xi32, #tpu.memory_space<vmem>>
    %dma_wait3A_540 = tpu.memref_squeeze %dma_wait3A_539 : memref<1x24xi32, #tpu.memory_space<vmem>> -> memref<24xi32, #tpu.memory_space<vmem>>
    %dma_wait3A_541 = arith.constant 0 : i32
    %dma_wait3A_542 = arith.constant 0 : i32
    %dma_wait3A_543 = tpu.memref_slice %arg2[%dma_wait3A_541, %dma_wait3A_542] : memref<10000x256xf32, #tpu.memory_space<hbm>> -> memref<10000x256xf32, #tpu.memory_space<hbm>>
    tpu.wait_indirect_dma semaphore(%arg13 : memref<!tpu.dma_semaphore, #tpu.memory_space<semaphore_mem>>) src(%dma_wait3A_543 : memref<10000x256xf32, #tpu.memory_space<hbm>>) dst(%dma_wait3A_537 : memref<24x256xf32, #tpu.memory_space<vmem>>)
    %dma_wait3A_544 = arith.constant 0 : i32
    %dma_wait3A_545 = arith.constant 0 : i32
    %dma_wait3A_546 = arith.constant 24 : i32
    %dma_wait3A_547 = arith.constant 0 : i32
    %dma_wait3A_548 = tpu.memref_slice %arg10[%dma_wait3A_545, %dma_wait3A_546, %dma_wait3A_547] : memref<2x40x256xf32, #tpu.memory_space<vmem>> -> memref<1x16x256xf32, #tpu.memory_space<vmem>>
    %dma_wait3A_549 = tpu.memref_squeeze %dma_wait3A_548 : memref<1x16x256xf32, #tpu.memory_space<vmem>> -> memref<16x256xf32, #tpu.memory_space<vmem>>
    %dma_wait3A_550 = arith.constant 24 : i32
    %dma_wait3A_551 = tpu.memref_slice %arg7[%dma_wait3A_544, %dma_wait3A_550] : memref<2x40xi32, #tpu.memory_space<vmem>> -> memref<1x16xi32, #tpu.memory_space<vmem>>
    %dma_wait3A_552 = tpu.memref_squeeze %dma_wait3A_551 : memref<1x16xi32, #tpu.memory_space<vmem>> -> memref<16xi32, #tpu.memory_space<vmem>>
    %dma_wait3A_553 = arith.constant 0 : i32
    %dma_wait3A_554 = arith.constant 0 : i32
    %dma_wait3A_555 = tpu.memref_slice %arg2[%dma_wait3A_553, %dma_wait3A_554] : memref<10000x256xf32, #tpu.memory_space<hbm>> -> memref<10000x256xf32, #tpu.memory_space<hbm>>
    tpu.wait_indirect_dma semaphore(%arg13 : memref<!tpu.dma_semaphore, #tpu.memory_space<semaphore_mem>>) src(%dma_wait3A_555 : memref<10000x256xf32, #tpu.memory_space<hbm>>) dst(%dma_wait3A_549 : memref<16x256xf32, #tpu.memory_space<vmem>>)
    %dma_wait3A_556 = arith.constant 0 : i32
    %dma_wait3A_557 = arith.constant 0 : i32
    %dma_wait3A_558 = tpu.memref_slice %arg6[%arg0, %dma_wait3A_556, %dma_wait3A_557] : memref<2x10240x128xf32, #tpu.memory_space<hbm>> -> memref<1x40x128xf32, #tpu.memory_space<hbm>>
    %dma_wait3A_559 = tpu.memref_squeeze %dma_wait3A_558 : memref<1x40x128xf32, #tpu.memory_space<hbm>> -> memref<40x128xf32, #tpu.memory_space<hbm>>
    %dma_wait3A_560 = arith.constant 0 : i32
    %dma_wait3A_561 = arith.constant 0 : i32
    %dma_wait3A_562 = tpu.memref_slice %arg6[%arg0, %dma_wait3A_560, %dma_wait3A_561] : memref<2x10240x128xf32, #tpu.memory_space<hbm>> -> memref<1x40x128xf32, #tpu.memory_space<hbm>>
    %dma_wait3A_563 = tpu.memref_squeeze %dma_wait3A_562 : memref<1x40x128xf32, #tpu.memory_space<hbm>> -> memref<40x128xf32, #tpu.memory_space<hbm>>
    tpu.wait_dma2 semaphore(%arg15 : memref<!tpu.dma_semaphore, #tpu.memory_space<semaphore_mem>>) src(%dma_wait3A_563 : memref<40x128xf32, #tpu.memory_space<hbm>>) dst(%arg11 : memref<40x128xf32, #tpu.memory_space<vmem>>)
    %scan3A_564 = arith.constant 0 : i32
    %scan3A_565 = arith.constant 0 : i32
    %scan3A_566 = arith.constant 0 : i32
    %scan3A_567 = arith.constant 0 : i32
    %scan3A_568 = arith.constant 40 : i32
    %scan3A_569 = arith.addi %scan3A_567, %scan3A_568 : i32
    %scan3A_570 = arith.constant 1 : i32
    scf.for %scan3A_877 = %scan3A_567 to %scan3A_569 step %scan3A_570  : i32 {
      %get3A = arith.constant 0 : i32
      %get3A_878 = arith.constant 0 : i32
      %get3A_879 = tpu.memref_slice %arg9[%scan3A_565, %get3A, %get3A_878] : memref<2x80x16xf32, #tpu.memory_space<vmem>> -> memref<1x80x16xf32, #tpu.memory_space<vmem>>
      %get3A_880 = tpu.memref_squeeze %get3A_879 : memref<1x80x16xf32, #tpu.memory_space<vmem>> -> memref<80x16xf32, #tpu.memory_space<vmem>>
      %get3A_881 = arith.index_cast %scan3A_877 : i32 to index
      %get3A_882 = arith.constant 0 : index
      %get3A_883 = tpu.vector_load %get3A_880[%get3A_881, %get3A_882] {strides = array<i32>} : memref<80x16xf32, #tpu.memory_space<vmem>>, vector<1x16xf32>,
      %get3A_884 = vector.shape_cast %get3A_883 : vector<1x16xf32> to vector<16xf32>
      %add3A_885 = arith.constant 40 : i32
      %add3A_886 = arith.addi %add3A_885, %scan3A_877 : i32
      %get3A_887 = arith.constant 0 : i32
      %get3A_888 = arith.constant 0 : i32
      %get3A_889 = tpu.memref_slice %arg9[%scan3A_565, %get3A_887, %get3A_888] : memref<2x80x16xf32, #tpu.memory_space<vmem>> -> memref<1x80x16xf32, #tpu.memory_space<vmem>>
      %get3A_890 = tpu.memref_squeeze %get3A_889 : memref<1x80x16xf32, #tpu.memory_space<vmem>> -> memref<80x16xf32, #tpu.memory_space<vmem>>
      %get3A_891 = arith.index_cast %add3A_886 : i32 to index
      %get3A_892 = arith.constant 0 : index
      %get3A_893 = tpu.vector_load %get3A_890[%get3A_891, %get3A_892] {strides = array<i32>} : memref<80x16xf32, #tpu.memory_space<vmem>>, vector<1x16xf32>,
      %get3A_894 = vector.shape_cast %get3A_893 : vector<1x16xf32> to vector<16xf32>
      %get3A_895 = arith.constant 0 : i32
      %get3A_896 = arith.constant 0 : i32
      %get3A_897 = tpu.memref_slice %arg10[%scan3A_566, %get3A_895, %get3A_896] : memref<2x40x256xf32, #tpu.memory_space<vmem>> -> memref<1x40x256xf32, #tpu.memory_space<vmem>>
      %get3A_898 = tpu.memref_squeeze %get3A_897 : memref<1x40x256xf32, #tpu.memory_space<vmem>> -> memref<40x256xf32, #tpu.memory_space<vmem>>
      %get3A_899 = arith.index_cast %scan3A_877 : i32 to index
      %get3A_900 = arith.constant 0 : index
      %get3A_901 = tpu.vector_load %get3A_898[%get3A_899, %get3A_900] {strides = array<i32>} : memref<40x256xf32, #tpu.memory_space<vmem>>, vector<1x16xf32>,
      %get3A_902 = vector.shape_cast %get3A_901 : vector<1x16xf32> to vector<16xf32>
      %get3A_903 = arith.constant 0 : i32
      %get3A_904 = arith.constant 0 : i32
      %get3A_905 = tpu.memref_slice %arg10[%scan3A_566, %get3A_903, %get3A_904] : memref<2x40x256xf32, #tpu.memory_space<vmem>> -> memref<1x40x256xf32, #tpu.memory_space<vmem>>
      %get3A_906 = tpu.memref_squeeze %get3A_905 : memref<1x40x256xf32, #tpu.memory_space<vmem>> -> memref<40x256xf32, #tpu.memory_space<vmem>>
      %get3A_907 = arith.index_cast %scan3A_877 : i32 to index
      %get3A_908 = arith.constant 128 : index
      %get3A_909 = tpu.vector_load %get3A_906[%get3A_907, %get3A_908] {strides = array<i32>} : memref<40x256xf32, #tpu.memory_space<vmem>>, vector<1x16xf32>,
      %get3A_910 = vector.shape_cast %get3A_909 : vector<1x16xf32> to vector<16xf32>
      %mul3A_911 = arith.mulf %get3A_884, %get3A_902 : vector<16xf32>
      %mul3A_912 = arith.mulf %get3A_894, %get3A_910 : vector<16xf32>
      %add3A_913 = arith.addf %mul3A_911, %mul3A_912 : vector<16xf32>
      %swap3A = arith.index_cast %scan3A_877 : i32 to index
      %swap3A_914 = arith.constant 0 : index
      %swap3A_915 = tpu.vector_load %arg11[%swap3A, %swap3A_914] {strides = array<i32>} : memref<40x128xf32, #tpu.memory_space<vmem>>, vector<1x16xf32>,
      %swap3A_916 = vector.shape_cast %swap3A_915 : vector<1x16xf32> to vector<16xf32>
      %swap3A_917 = vector.shape_cast %add3A_913 : vector<16xf32> to vector<1x16xf32>
      tpu.vector_store %arg11[%swap3A, %swap3A_914], %swap3A_917 {strides = array<i32>} : memref<40x128xf32, #tpu.memory_space<vmem>>, vector<1x16xf32>,
      %get3A_918 = arith.constant 0 : i32
      %get3A_919 = arith.constant 0 : i32
      %get3A_920 = tpu.memref_slice %arg10[%scan3A_566, %get3A_918, %get3A_919] : memref<2x40x256xf32, #tpu.memory_space<vmem>> -> memref<1x40x256xf32, #tpu.memory_space<vmem>>
      %get3A_921 = tpu.memref_squeeze %get3A_920 : memref<1x40x256xf32, #tpu.memory_space<vmem>> -> memref<40x256xf32, #tpu.memory_space<vmem>>
      %get3A_922 = arith.index_cast %scan3A_877 : i32 to index
      %get3A_923 = arith.constant 16 : index
      %get3A_924 = tpu.vector_load %get3A_921[%get3A_922, %get3A_923] {strides = array<i32>} : memref<40x256xf32, #tpu.memory_space<vmem>>, vector<1x16xf32>,
      %get3A_925 = vector.shape_cast %get3A_924 : vector<1x16xf32> to vector<16xf32>
      %get3A_926 = arith.constant 0 : i32
      %get3A_927 = arith.constant 0 : i32
      %get3A_928 = tpu.memref_slice %arg10[%scan3A_566, %get3A_926, %get3A_927] : memref<2x40x256xf32, #tpu.memory_space<vmem>> -> memref<1x40x256xf32, #tpu.memory_space<vmem>>
      %get3A_929 = tpu.memref_squeeze %get3A_928 : memref<1x40x256xf32, #tpu.memory_space<vmem>> -> memref<40x256xf32, #tpu.memory_space<vmem>>
      %get3A_930 = arith.index_cast %scan3A_877 : i32 to index
      %get3A_931 = arith.constant 144 : index
      %get3A_932 = tpu.vector_load %get3A_929[%get3A_930, %get3A_931] {strides = array<i32>} : memref<40x256xf32, #tpu.memory_space<vmem>>, vector<1x16xf32>,
      %get3A_933 = vector.shape_cast %get3A_932 : vector<1x16xf32> to vector<16xf32>
      %mul3A_934 = arith.mulf %get3A_884, %get3A_925 : vector<16xf32>
      %mul3A_935 = arith.mulf %get3A_894, %get3A_933 : vector<16xf32>
      %add3A_936 = arith.addf %mul3A_934, %mul3A_935 : vector<16xf32>
      %swap3A_937 = arith.index_cast %scan3A_877 : i32 to index
      %swap3A_938 = arith.constant 16 : index
      %swap3A_939 = tpu.vector_load %arg11[%swap3A_937, %swap3A_938] {strides = array<i32>} : memref<40x128xf32, #tpu.memory_space<vmem>>, vector<1x16xf32>,
      %swap3A_940 = vector.shape_cast %swap3A_939 : vector<1x16xf32> to vector<16xf32>
      %swap3A_941 = vector.shape_cast %add3A_936 : vector<16xf32> to vector<1x16xf32>
      tpu.vector_store %arg11[%swap3A_937, %swap3A_938], %swap3A_941 {strides = array<i32>} : memref<40x128xf32, #tpu.memory_space<vmem>>, vector<1x16xf32>,
      %get3A_942 = arith.constant 0 : i32
      %get3A_943 = arith.constant 0 : i32
      %get3A_944 = tpu.memref_slice %arg10[%scan3A_566, %get3A_942, %get3A_943] : memref<2x40x256xf32, #tpu.memory_space<vmem>> -> memref<1x40x256xf32, #tpu.memory_space<vmem>>
      %get3A_945 = tpu.memref_squeeze %get3A_944 : memref<1x40x256xf32, #tpu.memory_space<vmem>> -> memref<40x256xf32, #tpu.memory_space<vmem>>
      %get3A_946 = arith.index_cast %scan3A_877 : i32 to index
      %get3A_947 = arith.constant 32 : index
      %get3A_948 = tpu.vector_load %get3A_945[%get3A_946, %get3A_947] {strides = array<i32>} : memref<40x256xf32, #tpu.memory_space<vmem>>, vector<1x16xf32>,
      %get3A_949 = vector.shape_cast %get3A_948 : vector<1x16xf32> to vector<16xf32>
      %get3A_950 = arith.constant 0 : i32
      %get3A_951 = arith.constant 0 : i32
      %get3A_952 = tpu.memref_slice %arg10[%scan3A_566, %get3A_950, %get3A_951] : memref<2x40x256xf32, #tpu.memory_space<vmem>> -> memref<1x40x256xf32, #tpu.memory_space<vmem>>
      %get3A_953 = tpu.memref_squeeze %get3A_952 : memref<1x40x256xf32, #tpu.memory_space<vmem>> -> memref<40x256xf32, #tpu.memory_space<vmem>>
      %get3A_954 = arith.index_cast %scan3A_877 : i32 to index
      %get3A_955 = arith.constant 160 : index
      %get3A_956 = tpu.vector_load %get3A_953[%get3A_954, %get3A_955] {strides = array<i32>} : memref<40x256xf32, #tpu.memory_space<vmem>>, vector<1x16xf32>,
      %get3A_957 = vector.shape_cast %get3A_956 : vector<1x16xf32> to vector<16xf32>
      %mul3A_958 = arith.mulf %get3A_884, %get3A_949 : vector<16xf32>
      %mul3A_959 = arith.mulf %get3A_894, %get3A_957 : vector<16xf32>
      %add3A_960 = arith.addf %mul3A_958, %mul3A_959 : vector<16xf32>
      %swap3A_961 = arith.index_cast %scan3A_877 : i32 to index
      %swap3A_962 = arith.constant 32 : index
      %swap3A_963 = tpu.vector_load %arg11[%swap3A_961, %swap3A_962] {strides = array<i32>} : memref<40x128xf32, #tpu.memory_space<vmem>>, vector<1x16xf32>,
      %swap3A_964 = vector.shape_cast %swap3A_963 : vector<1x16xf32> to vector<16xf32>
      %swap3A_965 = vector.shape_cast %add3A_960 : vector<16xf32> to vector<1x16xf32>
      tpu.vector_store %arg11[%swap3A_961, %swap3A_962], %swap3A_965 {strides = array<i32>} : memref<40x128xf32, #tpu.memory_space<vmem>>, vector<1x16xf32>,
      %get3A_966 = arith.constant 0 : i32
      %get3A_967 = arith.constant 0 : i32
      %get3A_968 = tpu.memref_slice %arg10[%scan3A_566, %get3A_966, %get3A_967] : memref<2x40x256xf32, #tpu.memory_space<vmem>> -> memref<1x40x256xf32, #tpu.memory_space<vmem>>
      %get3A_969 = tpu.memref_squeeze %get3A_968 : memref<1x40x256xf32, #tpu.memory_space<vmem>> -> memref<40x256xf32, #tpu.memory_space<vmem>>
      %get3A_970 = arith.index_cast %scan3A_877 : i32 to index
      %get3A_971 = arith.constant 48 : index
      %get3A_972 = tpu.vector_load %get3A_969[%get3A_970, %get3A_971] {strides = array<i32>} : memref<40x256xf32, #tpu.memory_space<vmem>>, vector<1x16xf32>,
      %get3A_973 = vector.shape_cast %get3A_972 : vector<1x16xf32> to vector<16xf32>
      %get3A_974 = arith.constant 0 : i32
      %get3A_975 = arith.constant 0 : i32
      %get3A_976 = tpu.memref_slice %arg10[%scan3A_566, %get3A_974, %get3A_975] : memref<2x40x256xf32, #tpu.memory_space<vmem>> -> memref<1x40x256xf32, #tpu.memory_space<vmem>>
      %get3A_977 = tpu.memref_squeeze %get3A_976 : memref<1x40x256xf32, #tpu.memory_space<vmem>> -> memref<40x256xf32, #tpu.memory_space<vmem>>
      %get3A_978 = arith.index_cast %scan3A_877 : i32 to index
      %get3A_979 = arith.constant 176 : index
      %get3A_980 = tpu.vector_load %get3A_977[%get3A_978, %get3A_979] {strides = array<i32>} : memref<40x256xf32, #tpu.memory_space<vmem>>, vector<1x16xf32>,
      %get3A_981 = vector.shape_cast %get3A_980 : vector<1x16xf32> to vector<16xf32>
      %mul3A_982 = arith.mulf %get3A_884, %get3A_973 : vector<16xf32>
      %mul3A_983 = arith.mulf %get3A_894, %get3A_981 : vector<16xf32>
      %add3A_984 = arith.addf %mul3A_982, %mul3A_983 : vector<16xf32>
      %swap3A_985 = arith.index_cast %scan3A_877 : i32 to index
      %swap3A_986 = arith.constant 48 : index
      %swap3A_987 = tpu.vector_load %arg11[%swap3A_985, %swap3A_986] {strides = array<i32>} : memref<40x128xf32, #tpu.memory_space<vmem>>, vector<1x16xf32>,
      %swap3A_988 = vector.shape_cast %swap3A_987 : vector<1x16xf32> to vector<16xf32>
      %swap3A_989 = vector.shape_cast %add3A_984 : vector<16xf32> to vector<1x16xf32>
      tpu.vector_store %arg11[%swap3A_985, %swap3A_986], %swap3A_989 {strides = array<i32>} : memref<40x128xf32, #tpu.memory_space<vmem>>, vector<1x16xf32>,
      %get3A_990 = arith.constant 0 : i32
      %get3A_991 = arith.constant 0 : i32
      %get3A_992 = tpu.memref_slice %arg10[%scan3A_566, %get3A_990, %get3A_991] : memref<2x40x256xf32, #tpu.memory_space<vmem>> -> memref<1x40x256xf32, #tpu.memory_space<vmem>>
      %get3A_993 = tpu.memref_squeeze %get3A_992 : memref<1x40x256xf32, #tpu.memory_space<vmem>> -> memref<40x256xf32, #tpu.memory_space<vmem>>
      %get3A_994 = arith.index_cast %scan3A_877 : i32 to index
      %get3A_995 = arith.constant 64 : index
      %get3A_996 = tpu.vector_load %get3A_993[%get3A_994, %get3A_995] {strides = array<i32>} : memref<40x256xf32, #tpu.memory_space<vmem>>, vector<1x16xf32>,
      %get3A_997 = vector.shape_cast %get3A_996 : vector<1x16xf32> to vector<16xf32>
      %get3A_998 = arith.constant 0 : i32
      %get3A_999 = arith.constant 0 : i32
      %get3A_1000 = tpu.memref_slice %arg10[%scan3A_566, %get3A_998, %get3A_999] : memref<2x40x256xf32, #tpu.memory_space<vmem>> -> memref<1x40x256xf32, #tpu.memory_space<vmem>>
      %get3A_1001 = tpu.memref_squeeze %get3A_1000 : memref<1x40x256xf32, #tpu.memory_space<vmem>> -> memref<40x256xf32, #tpu.memory_space<vmem>>
      %get3A_1002 = arith.index_cast %scan3A_877 : i32 to index
      %get3A_1003 = arith.constant 192 : index
      %get3A_1004 = tpu.vector_load %get3A_1001[%get3A_1002, %get3A_1003] {strides = array<i32>} : memref<40x256xf32, #tpu.memory_space<vmem>>, vector<1x16xf32>,
      %get3A_1005 = vector.shape_cast %get3A_1004 : vector<1x16xf32> to vector<16xf32>
      %mul3A_1006 = arith.mulf %get3A_884, %get3A_997 : vector<16xf32>
      %mul3A_1007 = arith.mulf %get3A_894, %get3A_1005 : vector<16xf32>
      %add3A_1008 = arith.addf %mul3A_1006, %mul3A_1007 : vector<16xf32>
      %swap3A_1009 = arith.index_cast %scan3A_877 : i32 to index
      %swap3A_1010 = arith.constant 64 : index
      %swap3A_1011 = tpu.vector_load %arg11[%swap3A_1009, %swap3A_1010] {strides = array<i32>} : memref<40x128xf32, #tpu.memory_space<vmem>>, vector<1x16xf32>,
      %swap3A_1012 = vector.shape_cast %swap3A_1011 : vector<1x16xf32> to vector<16xf32>
      %swap3A_1013 = vector.shape_cast %add3A_1008 : vector<16xf32> to vector<1x16xf32>
      tpu.vector_store %arg11[%swap3A_1009, %swap3A_1010], %swap3A_1013 {strides = array<i32>} : memref<40x128xf32, #tpu.memory_space<vmem>>, vector<1x16xf32>,
      %get3A_1014 = arith.constant 0 : i32
      %get3A_1015 = arith.constant 0 : i32
      %get3A_1016 = tpu.memref_slice %arg10[%scan3A_566, %get3A_1014, %get3A_1015] : memref<2x40x256xf32, #tpu.memory_space<vmem>> -> memref<1x40x256xf32, #tpu.memory_space<vmem>>
      %get3A_1017 = tpu.memref_squeeze %get3A_1016 : memref<1x40x256xf32, #tpu.memory_space<vmem>> -> memref<40x256xf32, #tpu.memory_space<vmem>>
      %get3A_1018 = arith.index_cast %scan3A_877 : i32 to index
      %get3A_1019 = arith.constant 80 : index
      %get3A_1020 = tpu.vector_load %get3A_1017[%get3A_1018, %get3A_1019] {strides = array<i32>} : memref<40x256xf32, #tpu.memory_space<vmem>>, vector<1x16xf32>,
      %get3A_1021 = vector.shape_cast %get3A_1020 : vector<1x16xf32> to vector<16xf32>
      %get3A_1022 = arith.constant 0 : i32
      %get3A_1023 = arith.constant 0 : i32
      %get3A_1024 = tpu.memref_slice %arg10[%scan3A_566, %get3A_1022, %get3A_1023] : memref<2x40x256xf32, #tpu.memory_space<vmem>> -> memref<1x40x256xf32, #tpu.memory_space<vmem>>
      %get3A_1025 = tpu.memref_squeeze %get3A_1024 : memref<1x40x256xf32, #tpu.memory_space<vmem>> -> memref<40x256xf32, #tpu.memory_space<vmem>>
      %get3A_1026 = arith.index_cast %scan3A_877 : i32 to index
      %get3A_1027 = arith.constant 208 : index
      %get3A_1028 = tpu.vector_load %get3A_1025[%get3A_1026, %get3A_1027] {strides = array<i32>} : memref<40x256xf32, #tpu.memory_space<vmem>>, vector<1x16xf32>,
      %get3A_1029 = vector.shape_cast %get3A_1028 : vector<1x16xf32> to vector<16xf32>
      %mul3A_1030 = arith.mulf %get3A_884, %get3A_1021 : vector<16xf32>
      %mul3A_1031 = arith.mulf %get3A_894, %get3A_1029 : vector<16xf32>
      %add3A_1032 = arith.addf %mul3A_1030, %mul3A_1031 : vector<16xf32>
      %swap3A_1033 = arith.index_cast %scan3A_877 : i32 to index
      %swap3A_1034 = arith.constant 80 : index
      %swap3A_1035 = tpu.vector_load %arg11[%swap3A_1033, %swap3A_1034] {strides = array<i32>} : memref<40x128xf32, #tpu.memory_space<vmem>>, vector<1x16xf32>,
      %swap3A_1036 = vector.shape_cast %swap3A_1035 : vector<1x16xf32> to vector<16xf32>
      %swap3A_1037 = vector.shape_cast %add3A_1032 : vector<16xf32> to vector<1x16xf32>
      tpu.vector_store %arg11[%swap3A_1033, %swap3A_1034], %swap3A_1037 {strides = array<i32>} : memref<40x128xf32, #tpu.memory_space<vmem>>, vector<1x16xf32>,
      %get3A_1038 = arith.constant 0 : i32
      %get3A_1039 = arith.constant 0 : i32
      %get3A_1040 = tpu.memref_slice %arg10[%scan3A_566, %get3A_1038, %get3A_1039] : memref<2x40x256xf32, #tpu.memory_space<vmem>> -> memref<1x40x256xf32, #tpu.memory_space<vmem>>
      %get3A_1041 = tpu.memref_squeeze %get3A_1040 : memref<1x40x256xf32, #tpu.memory_space<vmem>> -> memref<40x256xf32, #tpu.memory_space<vmem>>
      %get3A_1042 = arith.index_cast %scan3A_877 : i32 to index
      %get3A_1043 = arith.constant 96 : index
      %get3A_1044 = tpu.vector_load %get3A_1041[%get3A_1042, %get3A_1043] {strides = array<i32>} : memref<40x256xf32, #tpu.memory_space<vmem>>, vector<1x16xf32>,
      %get3A_1045 = vector.shape_cast %get3A_1044 : vector<1x16xf32> to vector<16xf32>
      %get3A_1046 = arith.constant 0 : i32
      %get3A_1047 = arith.constant 0 : i32
      %get3A_1048 = tpu.memref_slice %arg10[%scan3A_566, %get3A_1046, %get3A_1047] : memref<2x40x256xf32, #tpu.memory_space<vmem>> -> memref<1x40x256xf32, #tpu.memory_space<vmem>>
      %get3A_1049 = tpu.memref_squeeze %get3A_1048 : memref<1x40x256xf32, #tpu.memory_space<vmem>> -> memref<40x256xf32, #tpu.memory_space<vmem>>
      %get3A_1050 = arith.index_cast %scan3A_877 : i32 to index
      %get3A_1051 = arith.constant 224 : index
      %get3A_1052 = tpu.vector_load %get3A_1049[%get3A_1050, %get3A_1051] {strides = array<i32>} : memref<40x256xf32, #tpu.memory_space<vmem>>, vector<1x16xf32>,
      %get3A_1053 = vector.shape_cast %get3A_1052 : vector<1x16xf32> to vector<16xf32>
      %mul3A_1054 = arith.mulf %get3A_884, %get3A_1045 : vector<16xf32>
      %mul3A_1055 = arith.mulf %get3A_894, %get3A_1053 : vector<16xf32>
      %add3A_1056 = arith.addf %mul3A_1054, %mul3A_1055 : vector<16xf32>
      %swap3A_1057 = arith.index_cast %scan3A_877 : i32 to index
      %swap3A_1058 = arith.constant 96 : index
      %swap3A_1059 = tpu.vector_load %arg11[%swap3A_1057, %swap3A_1058] {strides = array<i32>} : memref<40x128xf32, #tpu.memory_space<vmem>>, vector<1x16xf32>,
      %swap3A_1060 = vector.shape_cast %swap3A_1059 : vector<1x16xf32> to vector<16xf32>
      %swap3A_1061 = vector.shape_cast %add3A_1056 : vector<16xf32> to vector<1x16xf32>
      tpu.vector_store %arg11[%swap3A_1057, %swap3A_1058], %swap3A_1061 {strides = array<i32>} : memref<40x128xf32, #tpu.memory_space<vmem>>, vector<1x16xf32>,
      %get3A_1062 = arith.constant 0 : i32
      %get3A_1063 = arith.constant 0 : i32
      %get3A_1064 = tpu.memref_slice %arg10[%scan3A_566, %get3A_1062, %get3A_1063] : memref<2x40x256xf32, #tpu.memory_space<vmem>> -> memref<1x40x256xf32, #tpu.memory_space<vmem>>
      %get3A_1065 = tpu.memref_squeeze %get3A_1064 : memref<1x40x256xf32, #tpu.memory_space<vmem>> -> memref<40x256xf32, #tpu.memory_space<vmem>>
      %get3A_1066 = arith.index_cast %scan3A_877 : i32 to index
      %get3A_1067 = arith.constant 112 : index
      %get3A_1068 = tpu.vector_load %get3A_1065[%get3A_1066, %get3A_1067] {strides = array<i32>} : memref<40x256xf32, #tpu.memory_space<vmem>>, vector<1x16xf32>,
      %get3A_1069 = vector.shape_cast %get3A_1068 : vector<1x16xf32> to vector<16xf32>
      %get3A_1070 = arith.constant 0 : i32
      %get3A_1071 = arith.constant 0 : i32
      %get3A_1072 = tpu.memref_slice %arg10[%scan3A_566, %get3A_1070, %get3A_1071] : memref<2x40x256xf32, #tpu.memory_space<vmem>> -> memref<1x40x256xf32, #tpu.memory_space<vmem>>
      %get3A_1073 = tpu.memref_squeeze %get3A_1072 : memref<1x40x256xf32, #tpu.memory_space<vmem>> -> memref<40x256xf32, #tpu.memory_space<vmem>>
      %get3A_1074 = arith.index_cast %scan3A_877 : i32 to index
      %get3A_1075 = arith.constant 240 : index
      %get3A_1076 = tpu.vector_load %get3A_1073[%get3A_1074, %get3A_1075] {strides = array<i32>} : memref<40x256xf32, #tpu.memory_space<vmem>>, vector<1x16xf32>,
      %get3A_1077 = vector.shape_cast %get3A_1076 : vector<1x16xf32> to vector<16xf32>
      %mul3A_1078 = arith.mulf %get3A_884, %get3A_1069 : vector<16xf32>
      %mul3A_1079 = arith.mulf %get3A_894, %get3A_1077 : vector<16xf32>
      %add3A_1080 = arith.addf %mul3A_1078, %mul3A_1079 : vector<16xf32>
      %swap3A_1081 = arith.index_cast %scan3A_877 : i32 to index
      %swap3A_1082 = arith.constant 112 : index
      %swap3A_1083 = tpu.vector_load %arg11[%swap3A_1081, %swap3A_1082] {strides = array<i32>} : memref<40x128xf32, #tpu.memory_space<vmem>>, vector<1x16xf32>,
      %swap3A_1084 = vector.shape_cast %swap3A_1083 : vector<1x16xf32> to vector<16xf32>
      %swap3A_1085 = vector.shape_cast %add3A_1080 : vector<16xf32> to vector<1x16xf32>
      tpu.vector_store %arg11[%swap3A_1081, %swap3A_1082], %swap3A_1085 {strides = array<i32>} : memref<40x128xf32, #tpu.memory_space<vmem>>, vector<1x16xf32>,
    }
    %scan3A_571 = arith.constant 40 : i32
    %dma_start3A_572 = arith.constant 2 : i32
    %dma_start3A_573 = arith.constant 0 : i32
    %dma_start3A_574 = tpu.memref_slice %arg8[%dma_start3A_572, %dma_start3A_573] : memref<4x40xi32, #tpu.memory_space<vmem>> -> memref<1x40xi32, #tpu.memory_space<vmem>>
    %dma_start3A_575 = tpu.memref_squeeze %dma_start3A_574 : memref<1x40xi32, #tpu.memory_space<vmem>> -> memref<40xi32, #tpu.memory_space<vmem>>
    %dma_start3A_576 = arith.constant 0 : i32
    %dma_start3A_577 = arith.constant 0 : i32
    %dma_start3A_578 = tpu.memref_slice %arg12[%dma_start3A_576, %dma_start3A_577] : memref<10240x128xf32, #tpu.memory_space<vmem_shared>> -> memref<10240x128xf32, #tpu.memory_space<vmem_shared>>
    tpu.enqueue_indirect_dma source(%arg11 : memref<40x128xf32, #tpu.memory_space<vmem>>) target(%dma_start3A_578 : memref<10240x128xf32, #tpu.memory_space<vmem_shared>>) offsets(%dma_start3A_575 : memref<40xi32, #tpu.memory_space<vmem>>) semaphore(%arg15 : memref<!tpu.dma_semaphore, #tpu.memory_space<semaphore_mem>>) {add = true}
    %dma_start3A_579 = arith.constant 4 : i32
    %dma_start3A_580 = arith.constant 0 : i32
    %dma_start3A_581 = arith.constant 0 : i32
    %dma_start3A_582 = tpu.memref_slice %arg7[%dma_start3A_580, %dma_start3A_581] : memref<2x40xi32, #tpu.memory_space<vmem>> -> memref<1x40xi32, #tpu.memory_space<vmem>>
    %dma_start3A_583 = tpu.memref_squeeze %dma_start3A_582 : memref<1x40xi32, #tpu.memory_space<vmem>> -> memref<40xi32, #tpu.memory_space<vmem>>
    %dma_start3A_584 = arith.constant 0 : i32
    %dma_start3A_585 = tpu.memref_slice %arg3[%add3A, %dma_start3A_579, %dma_start3A_584] : memref<32x254x40xi32, #tpu.memory_space<hbm>> -> memref<1x1x40xi32, #tpu.memory_space<hbm>>
    %dma_start3A_586 = tpu.memref_squeeze %dma_start3A_585 : memref<1x1x40xi32, #tpu.memory_space<hbm>> -> memref<40xi32, #tpu.memory_space<hbm>>
    %dma_start3A_587 = arith.constant 0 : i32
    %dma_start3A_588 = tpu.memref_slice %arg7[%dma_start3A_580, %dma_start3A_587] : memref<2x40xi32, #tpu.memory_space<vmem>> -> memref<1x40xi32, #tpu.memory_space<vmem>>
    %dma_start3A_589 = tpu.memref_squeeze %dma_start3A_588 : memref<1x40xi32, #tpu.memory_space<vmem>> -> memref<40xi32, #tpu.memory_space<vmem>>
    %dma_start3A_590 = arith.constant 0 : i32
    %dma_start3A_591 = tpu.memref_slice %arg3[%add3A, %dma_start3A_579, %dma_start3A_590] : memref<32x254x40xi32, #tpu.memory_space<hbm>> -> memref<1x1x40xi32, #tpu.memory_space<hbm>>
    %dma_start3A_592 = tpu.memref_squeeze %dma_start3A_591 : memref<1x1x40xi32, #tpu.memory_space<hbm>> -> memref<40xi32, #tpu.memory_space<hbm>>
    tpu.enqueue_dma source(%dma_start3A_592 : memref<40xi32, #tpu.memory_space<hbm>>) target(%dma_start3A_589 : memref<40xi32, #tpu.memory_space<vmem>>) target_semaphore(%arg14 : memref<!tpu.dma_semaphore, #tpu.memory_space<semaphore_mem>>)
    %dma_start3A_593 = arith.constant 4 : i32
    %dma_start3A_594 = arith.constant 0 : i32
    %dma_start3A_595 = arith.constant 0 : i32
    %dma_start3A_596 = tpu.memref_slice %arg8[%dma_start3A_594, %dma_start3A_595] : memref<4x40xi32, #tpu.memory_space<vmem>> -> memref<1x40xi32, #tpu.memory_space<vmem>>
    %dma_start3A_597 = tpu.memref_squeeze %dma_start3A_596 : memref<1x40xi32, #tpu.memory_space<vmem>> -> memref<40xi32, #tpu.memory_space<vmem>>
    %dma_start3A_598 = arith.constant 0 : i32
    %dma_start3A_599 = tpu.memref_slice %arg4[%add3A, %dma_start3A_593, %dma_start3A_598] : memref<32x254x40xi32, #tpu.memory_space<hbm>> -> memref<1x1x40xi32, #tpu.memory_space<hbm>>
    %dma_start3A_600 = tpu.memref_squeeze %dma_start3A_599 : memref<1x1x40xi32, #tpu.memory_space<hbm>> -> memref<40xi32, #tpu.memory_space<hbm>>
    %dma_start3A_601 = arith.constant 0 : i32
    %dma_start3A_602 = tpu.memref_slice %arg8[%dma_start3A_594, %dma_start3A_601] : memref<4x40xi32, #tpu.memory_space<vmem>> -> memref<1x40xi32, #tpu.memory_space<vmem>>
    %dma_start3A_603 = tpu.memref_squeeze %dma_start3A_602 : memref<1x40xi32, #tpu.memory_space<vmem>> -> memref<40xi32, #tpu.memory_space<vmem>>
    %dma_start3A_604 = arith.constant 0 : i32
    %dma_start3A_605 = tpu.memref_slice %arg4[%add3A, %dma_start3A_593, %dma_start3A_604] : memref<32x254x40xi32, #tpu.memory_space<hbm>> -> memref<1x1x40xi32, #tpu.memory_space<hbm>>
    %dma_start3A_606 = tpu.memref_squeeze %dma_start3A_605 : memref<1x1x40xi32, #tpu.memory_space<hbm>> -> memref<40xi32, #tpu.memory_space<hbm>>
    tpu.enqueue_dma source(%dma_start3A_606 : memref<40xi32, #tpu.memory_space<hbm>>) target(%dma_start3A_603 : memref<40xi32, #tpu.memory_space<vmem>>) target_semaphore(%arg14 : memref<!tpu.dma_semaphore, #tpu.memory_space<semaphore_mem>>)
    %dma_start3A_607 = arith.constant 4 : i32
    %dma_start3A_608 = arith.constant 0 : i32
    %dma_start3A_609 = arith.constant 0 : i32
    %dma_start3A_610 = arith.constant 0 : i32
    %dma_start3A_611 = tpu.memref_slice %arg9[%dma_start3A_608, %dma_start3A_609, %dma_start3A_610] : memref<2x80x16xf32, #tpu.memory_space<vmem>> -> memref<1x80x16xf32, #tpu.memory_space<vmem>>
    %dma_start3A_612 = tpu.memref_squeeze %dma_start3A_611 : memref<1x80x16xf32, #tpu.memory_space<vmem>> -> memref<80x16xf32, #tpu.memory_space<vmem>>
    %dma_start3A_613 = arith.constant 0 : i32
    %dma_start3A_614 = arith.constant 0 : i32
    %dma_start3A_615 = tpu.memref_slice %arg5[%add3A, %dma_start3A_607, %dma_start3A_613, %dma_start3A_614] : memref<32x254x80x16xf32, #tpu.memory_space<hbm>> -> memref<1x1x80x16xf32, #tpu.memory_space<hbm>>
    %dma_start3A_616 = tpu.memref_squeeze %dma_start3A_615 : memref<1x1x80x16xf32, #tpu.memory_space<hbm>> -> memref<80x16xf32, #tpu.memory_space<hbm>>
    %dma_start3A_617 = arith.constant 0 : i32
    %dma_start3A_618 = arith.constant 0 : i32
    %dma_start3A_619 = tpu.memref_slice %arg9[%dma_start3A_608, %dma_start3A_617, %dma_start3A_618] : memref<2x80x16xf32, #tpu.memory_space<vmem>> -> memref<1x80x16xf32, #tpu.memory_space<vmem>>
    %dma_start3A_620 = tpu.memref_squeeze %dma_start3A_619 : memref<1x80x16xf32, #tpu.memory_space<vmem>> -> memref<80x16xf32, #tpu.memory_space<vmem>>
    %dma_start3A_621 = arith.constant 0 : i32
    %dma_start3A_622 = arith.constant 0 : i32
    %dma_start3A_623 = tpu.memref_slice %arg5[%add3A, %dma_start3A_607, %dma_start3A_621, %dma_start3A_622] : memref<32x254x80x16xf32, #tpu.memory_space<hbm>> -> memref<1x1x80x16xf32, #tpu.memory_space<hbm>>
    %dma_start3A_624 = tpu.memref_squeeze %dma_start3A_623 : memref<1x1x80x16xf32, #tpu.memory_space<hbm>> -> memref<80x16xf32, #tpu.memory_space<hbm>>
    tpu.enqueue_dma source(%dma_start3A_624 : memref<80x16xf32, #tpu.memory_space<hbm>>) target(%dma_start3A_620 : memref<80x16xf32, #tpu.memory_space<vmem>>) target_semaphore(%arg14 : memref<!tpu.dma_semaphore, #tpu.memory_space<semaphore_mem>>)
    %dma_wait3A_625 = arith.constant 4 : i32
    %dma_wait3A_626 = arith.constant 0 : i32
    %dma_wait3A_627 = arith.constant 0 : i32
    %dma_wait3A_628 = tpu.memref_slice %arg7[%dma_wait3A_626, %dma_wait3A_627] : memref<2x40xi32, #tpu.memory_space<vmem>> -> memref<1x40xi32, #tpu.memory_space<vmem>>
    %dma_wait3A_629 = tpu.memref_squeeze %dma_wait3A_628 : memref<1x40xi32, #tpu.memory_space<vmem>> -> memref<40xi32, #tpu.memory_space<vmem>>
    %dma_wait3A_630 = arith.constant 0 : i32
    %dma_wait3A_631 = tpu.memref_slice %arg3[%add3A, %dma_wait3A_625, %dma_wait3A_630] : memref<32x254x40xi32, #tpu.memory_space<hbm>> -> memref<1x1x40xi32, #tpu.memory_space<hbm>>
    %dma_wait3A_632 = tpu.memref_squeeze %dma_wait3A_631 : memref<1x1x40xi32, #tpu.memory_space<hbm>> -> memref<40xi32, #tpu.memory_space<hbm>>
    %dma_wait3A_633 = arith.constant 0 : i32
    %dma_wait3A_634 = tpu.memref_slice %arg7[%dma_wait3A_626, %dma_wait3A_633] : memref<2x40xi32, #tpu.memory_space<vmem>> -> memref<1x40xi32, #tpu.memory_space<vmem>>
    %dma_wait3A_635 = tpu.memref_squeeze %dma_wait3A_634 : memref<1x40xi32, #tpu.memory_space<vmem>> -> memref<40xi32, #tpu.memory_space<vmem>>
    %dma_wait3A_636 = arith.constant 0 : i32
    %dma_wait3A_637 = tpu.memref_slice %arg3[%add3A, %dma_wait3A_625, %dma_wait3A_636] : memref<32x254x40xi32, #tpu.memory_space<hbm>> -> memref<1x1x40xi32, #tpu.memory_space<hbm>>
    %dma_wait3A_638 = tpu.memref_squeeze %dma_wait3A_637 : memref<1x1x40xi32, #tpu.memory_space<hbm>> -> memref<40xi32, #tpu.memory_space<hbm>>
    tpu.wait_dma2 semaphore(%arg14 : memref<!tpu.dma_semaphore, #tpu.memory_space<semaphore_mem>>) src(%dma_wait3A_638 : memref<40xi32, #tpu.memory_space<hbm>>) dst(%dma_wait3A_635 : memref<40xi32, #tpu.memory_space<vmem>>)
    %dma_wait3A_639 = arith.constant 4 : i32
    %dma_wait3A_640 = arith.constant 0 : i32
    %dma_wait3A_641 = arith.constant 0 : i32
    %dma_wait3A_642 = tpu.memref_slice %arg8[%dma_wait3A_640, %dma_wait3A_641] : memref<4x40xi32, #tpu.memory_space<vmem>> -> memref<1x40xi32, #tpu.memory_space<vmem>>
    %dma_wait3A_643 = tpu.memref_squeeze %dma_wait3A_642 : memref<1x40xi32, #tpu.memory_space<vmem>> -> memref<40xi32, #tpu.memory_space<vmem>>
    %dma_wait3A_644 = arith.constant 0 : i32
    %dma_wait3A_645 = tpu.memref_slice %arg4[%add3A, %dma_wait3A_639, %dma_wait3A_644] : memref<32x254x40xi32, #tpu.memory_space<hbm>> -> memref<1x1x40xi32, #tpu.memory_space<hbm>>
    %dma_wait3A_646 = tpu.memref_squeeze %dma_wait3A_645 : memref<1x1x40xi32, #tpu.memory_space<hbm>> -> memref<40xi32, #tpu.memory_space<hbm>>
    %dma_wait3A_647 = arith.constant 0 : i32
    %dma_wait3A_648 = tpu.memref_slice %arg8[%dma_wait3A_640, %dma_wait3A_647] : memref<4x40xi32, #tpu.memory_space<vmem>> -> memref<1x40xi32, #tpu.memory_space<vmem>>
    %dma_wait3A_649 = tpu.memref_squeeze %dma_wait3A_648 : memref<1x40xi32, #tpu.memory_space<vmem>> -> memref<40xi32, #tpu.memory_space<vmem>>
    %dma_wait3A_650 = arith.constant 0 : i32
    %dma_wait3A_651 = tpu.memref_slice %arg4[%add3A, %dma_wait3A_639, %dma_wait3A_650] : memref<32x254x40xi32, #tpu.memory_space<hbm>> -> memref<1x1x40xi32, #tpu.memory_space<hbm>>
    %dma_wait3A_652 = tpu.memref_squeeze %dma_wait3A_651 : memref<1x1x40xi32, #tpu.memory_space<hbm>> -> memref<40xi32, #tpu.memory_space<hbm>>
    tpu.wait_dma2 semaphore(%arg14 : memref<!tpu.dma_semaphore, #tpu.memory_space<semaphore_mem>>) src(%dma_wait3A_652 : memref<40xi32, #tpu.memory_space<hbm>>) dst(%dma_wait3A_649 : memref<40xi32, #tpu.memory_space<vmem>>)
    %dma_wait3A_653 = arith.constant 4 : i32
    %dma_wait3A_654 = arith.constant 0 : i32
    %dma_wait3A_655 = arith.constant 0 : i32
    %dma_wait3A_656 = arith.constant 0 : i32
    %dma_wait3A_657 = tpu.memref_slice %arg9[%dma_wait3A_654, %dma_wait3A_655, %dma_wait3A_656] : memref<2x80x16xf32, #tpu.memory_space<vmem>> -> memref<1x80x16xf32, #tpu.memory_space<vmem>>
    %dma_wait3A_658 = tpu.memref_squeeze %dma_wait3A_657 : memref<1x80x16xf32, #tpu.memory_space<vmem>> -> memref<80x16xf32, #tpu.memory_space<vmem>>
    %dma_wait3A_659 = arith.constant 0 : i32
    %dma_wait3A_660 = arith.constant 0 : i32
    %dma_wait3A_661 = tpu.memref_slice %arg5[%add3A, %dma_wait3A_653, %dma_wait3A_659, %dma_wait3A_660] : memref<32x254x80x16xf32, #tpu.memory_space<hbm>> -> memref<1x1x80x16xf32, #tpu.memory_space<hbm>>
    %dma_wait3A_662 = tpu.memref_squeeze %dma_wait3A_661 : memref<1x1x80x16xf32, #tpu.memory_space<hbm>> -> memref<80x16xf32, #tpu.memory_space<hbm>>
    %dma_wait3A_663 = arith.constant 0 : i32
    %dma_wait3A_664 = arith.constant 0 : i32
    %dma_wait3A_665 = tpu.memref_slice %arg9[%dma_wait3A_654, %dma_wait3A_663, %dma_wait3A_664] : memref<2x80x16xf32, #tpu.memory_space<vmem>> -> memref<1x80x16xf32, #tpu.memory_space<vmem>>
    %dma_wait3A_666 = tpu.memref_squeeze %dma_wait3A_665 : memref<1x80x16xf32, #tpu.memory_space<vmem>> -> memref<80x16xf32, #tpu.memory_space<vmem>>
    %dma_wait3A_667 = arith.constant 0 : i32
    %dma_wait3A_668 = arith.constant 0 : i32
    %dma_wait3A_669 = tpu.memref_slice %arg5[%add3A, %dma_wait3A_653, %dma_wait3A_667, %dma_wait3A_668] : memref<32x254x80x16xf32, #tpu.memory_space<hbm>> -> memref<1x1x80x16xf32, #tpu.memory_space<hbm>>
    %dma_wait3A_670 = tpu.memref_squeeze %dma_wait3A_669 : memref<1x1x80x16xf32, #tpu.memory_space<hbm>> -> memref<80x16xf32, #tpu.memory_space<hbm>>
    tpu.wait_dma2 semaphore(%arg14 : memref<!tpu.dma_semaphore, #tpu.memory_space<semaphore_mem>>) src(%dma_wait3A_670 : memref<80x16xf32, #tpu.memory_space<hbm>>) dst(%dma_wait3A_666 : memref<80x16xf32, #tpu.memory_space<vmem>>)
    %dma_start3A_671 = arith.constant 0 : i32
    %dma_start3A_672 = arith.constant 0 : i32
    %dma_start3A_673 = arith.constant 0 : i32
    %dma_start3A_674 = arith.constant 0 : i32
    %dma_start3A_675 = tpu.memref_slice %arg10[%dma_start3A_672, %dma_start3A_673, %dma_start3A_674] : memref<2x40x256xf32, #tpu.memory_space<vmem>> -> memref<1x24x256xf32, #tpu.memory_space<vmem>>
    %dma_start3A_676 = tpu.memref_squeeze %dma_start3A_675 : memref<1x24x256xf32, #tpu.memory_space<vmem>> -> memref<24x256xf32, #tpu.memory_space<vmem>>
    %dma_start3A_677 = arith.constant 0 : i32
    %dma_start3A_678 = tpu.memref_slice %arg7[%dma_start3A_671, %dma_start3A_677] : memref<2x40xi32, #tpu.memory_space<vmem>> -> memref<1x24xi32, #tpu.memory_space<vmem>>
    %dma_start3A_679 = tpu.memref_squeeze %dma_start3A_678 : memref<1x24xi32, #tpu.memory_space<vmem>> -> memref<24xi32, #tpu.memory_space<vmem>>
    %dma_start3A_680 = arith.constant 0 : i32
    %dma_start3A_681 = arith.constant 0 : i32
    %dma_start3A_682 = tpu.memref_slice %arg2[%dma_start3A_680, %dma_start3A_681] : memref<10000x256xf32, #tpu.memory_space<hbm>> -> memref<10000x256xf32, #tpu.memory_space<hbm>>
    tpu.enqueue_indirect_dma source(%dma_start3A_682 : memref<10000x256xf32, #tpu.memory_space<hbm>>) target(%dma_start3A_676 : memref<24x256xf32, #tpu.memory_space<vmem>>) offsets(%dma_start3A_679 : memref<24xi32, #tpu.memory_space<vmem>>) semaphore(%arg13 : memref<!tpu.dma_semaphore, #tpu.memory_space<semaphore_mem>>)
    %dma_start3A_683 = arith.constant 0 : i32
    %dma_start3A_684 = arith.constant 0 : i32
    %dma_start3A_685 = arith.constant 24 : i32
    %dma_start3A_686 = arith.constant 0 : i32
    %dma_start3A_687 = tpu.memref_slice %arg10[%dma_start3A_684, %dma_start3A_685, %dma_start3A_686] : memref<2x40x256xf32, #tpu.memory_space<vmem>> -> memref<1x16x256xf32, #tpu.memory_space<vmem>>
    %dma_start3A_688 = tpu.memref_squeeze %dma_start3A_687 : memref<1x16x256xf32, #tpu.memory_space<vmem>> -> memref<16x256xf32, #tpu.memory_space<vmem>>
    %dma_start3A_689 = arith.constant 24 : i32
    %dma_start3A_690 = tpu.memref_slice %arg7[%dma_start3A_683, %dma_start3A_689] : memref<2x40xi32, #tpu.memory_space<vmem>> -> memref<1x16xi32, #tpu.memory_space<vmem>>
    %dma_start3A_691 = tpu.memref_squeeze %dma_start3A_690 : memref<1x16xi32, #tpu.memory_space<vmem>> -> memref<16xi32, #tpu.memory_space<vmem>>
    %dma_start3A_692 = arith.constant 0 : i32
    %dma_start3A_693 = arith.constant 0 : i32
    %dma_start3A_694 = tpu.memref_slice %arg2[%dma_start3A_692, %dma_start3A_693] : memref<10000x256xf32, #tpu.memory_space<hbm>> -> memref<10000x256xf32, #tpu.memory_space<hbm>>
    tpu.enqueue_indirect_dma source(%dma_start3A_694 : memref<10000x256xf32, #tpu.memory_space<hbm>>) target(%dma_start3A_688 : memref<16x256xf32, #tpu.memory_space<vmem>>) offsets(%dma_start3A_691 : memref<16xi32, #tpu.memory_space<vmem>>) semaphore(%arg13 : memref<!tpu.dma_semaphore, #tpu.memory_space<semaphore_mem>>)
    %dma_wait3A_695 = arith.constant 1 : i32
    %dma_wait3A_696 = arith.constant 1 : i32
    %dma_wait3A_697 = arith.constant 0 : i32
    %dma_wait3A_698 = arith.constant 0 : i32
    %dma_wait3A_699 = tpu.memref_slice %arg10[%dma_wait3A_696, %dma_wait3A_697, %dma_wait3A_698] : memref<2x40x256xf32, #tpu.memory_space<vmem>> -> memref<1x24x256xf32, #tpu.memory_space<vmem>>
    %dma_wait3A_700 = tpu.memref_squeeze %dma_wait3A_699 : memref<1x24x256xf32, #tpu.memory_space<vmem>> -> memref<24x256xf32, #tpu.memory_space<vmem>>
    %dma_wait3A_701 = arith.constant 0 : i32
    %dma_wait3A_702 = tpu.memref_slice %arg7[%dma_wait3A_695, %dma_wait3A_701] : memref<2x40xi32, #tpu.memory_space<vmem>> -> memref<1x24xi32, #tpu.memory_space<vmem>>
    %dma_wait3A_703 = tpu.memref_squeeze %dma_wait3A_702 : memref<1x24xi32, #tpu.memory_space<vmem>> -> memref<24xi32, #tpu.memory_space<vmem>>
    %dma_wait3A_704 = arith.constant 0 : i32
    %dma_wait3A_705 = arith.constant 0 : i32
    %dma_wait3A_706 = tpu.memref_slice %arg2[%dma_wait3A_704, %dma_wait3A_705] : memref<10000x256xf32, #tpu.memory_space<hbm>> -> memref<10000x256xf32, #tpu.memory_space<hbm>>
    tpu.wait_indirect_dma semaphore(%arg13 : memref<!tpu.dma_semaphore, #tpu.memory_space<semaphore_mem>>) src(%dma_wait3A_706 : memref<10000x256xf32, #tpu.memory_space<hbm>>) dst(%dma_wait3A_700 : memref<24x256xf32, #tpu.memory_space<vmem>>)
    %dma_wait3A_707 = arith.constant 1 : i32
    %dma_wait3A_708 = arith.constant 1 : i32
    %dma_wait3A_709 = arith.constant 24 : i32
    %dma_wait3A_710 = arith.constant 0 : i32
    %dma_wait3A_711 = tpu.memref_slice %arg10[%dma_wait3A_708, %dma_wait3A_709, %dma_wait3A_710] : memref<2x40x256xf32, #tpu.memory_space<vmem>> -> memref<1x16x256xf32, #tpu.memory_space<vmem>>
    %dma_wait3A_712 = tpu.memref_squeeze %dma_wait3A_711 : memref<1x16x256xf32, #tpu.memory_space<vmem>> -> memref<16x256xf32, #tpu.memory_space<vmem>>
    %dma_wait3A_713 = arith.constant 24 : i32
    %dma_wait3A_714 = tpu.memref_slice %arg7[%dma_wait3A_707, %dma_wait3A_713] : memref<2x40xi32, #tpu.memory_space<vmem>> -> memref<1x16xi32, #tpu.memory_space<vmem>>
    %dma_wait3A_715 = tpu.memref_squeeze %dma_wait3A_714 : memref<1x16xi32, #tpu.memory_space<vmem>> -> memref<16xi32, #tpu.memory_space<vmem>>
    %dma_wait3A_716 = arith.constant 0 : i32
    %dma_wait3A_717 = arith.constant 0 : i32
    %dma_wait3A_718 = tpu.memref_slice %arg2[%dma_wait3A_716, %dma_wait3A_717] : memref<10000x256xf32, #tpu.memory_space<hbm>> -> memref<10000x256xf32, #tpu.memory_space<hbm>>
    tpu.wait_indirect_dma semaphore(%arg13 : memref<!tpu.dma_semaphore, #tpu.memory_space<semaphore_mem>>) src(%dma_wait3A_718 : memref<10000x256xf32, #tpu.memory_space<hbm>>) dst(%dma_wait3A_712 : memref<16x256xf32, #tpu.memory_space<vmem>>)
    %dma_wait3A_719 = arith.constant 0 : i32
    %dma_wait3A_720 = arith.constant 0 : i32
    %dma_wait3A_721 = tpu.memref_slice %arg6[%arg0, %dma_wait3A_719, %dma_wait3A_720] : memref<2x10240x128xf32, #tpu.memory_space<hbm>> -> memref<1x40x128xf32, #tpu.memory_space<hbm>>
    %dma_wait3A_722 = tpu.memref_squeeze %dma_wait3A_721 : memref<1x40x128xf32, #tpu.memory_space<hbm>> -> memref<40x128xf32, #tpu.memory_space<hbm>>
    %dma_wait3A_723 = arith.constant 0 : i32
    %dma_wait3A_724 = arith.constant 0 : i32
    %dma_wait3A_725 = tpu.memref_slice %arg6[%arg0, %dma_wait3A_723, %dma_wait3A_724] : memref<2x10240x128xf32, #tpu.memory_space<hbm>> -> memref<1x40x128xf32, #tpu.memory_space<hbm>>
    %dma_wait3A_726 = tpu.memref_squeeze %dma_wait3A_725 : memref<1x40x128xf32, #tpu.memory_space<hbm>> -> memref<40x128xf32, #tpu.memory_space<hbm>>
    tpu.wait_dma2 semaphore(%arg15 : memref<!tpu.dma_semaphore, #tpu.memory_space<semaphore_mem>>) src(%dma_wait3A_726 : memref<40x128xf32, #tpu.memory_space<hbm>>) dst(%arg11 : memref<40x128xf32, #tpu.memory_space<vmem>>)
    %scan3A_727 = arith.constant 0 : i32
    %scan3A_728 = arith.constant 1 : i32
    %scan3A_729 = arith.constant 1 : i32
    %scan3A_730 = arith.constant 0 : i32
    %scan3A_731 = arith.constant 40 : i32
    %scan3A_732 = arith.addi %scan3A_730, %scan3A_731 : i32
    %scan3A_733 = arith.constant 1 : i32
    scf.for %scan3A_877 = %scan3A_730 to %scan3A_732 step %scan3A_733  : i32 {
      %get3A = arith.constant 0 : i32
      %get3A_878 = arith.constant 0 : i32
      %get3A_879 = tpu.memref_slice %arg9[%scan3A_728, %get3A, %get3A_878] : memref<2x80x16xf32, #tpu.memory_space<vmem>> -> memref<1x80x16xf32, #tpu.memory_space<vmem>>
      %get3A_880 = tpu.memref_squeeze %get3A_879 : memref<1x80x16xf32, #tpu.memory_space<vmem>> -> memref<80x16xf32, #tpu.memory_space<vmem>>
      %get3A_881 = arith.index_cast %scan3A_877 : i32 to index
      %get3A_882 = arith.constant 0 : index
      %get3A_883 = tpu.vector_load %get3A_880[%get3A_881, %get3A_882] {strides = array<i32>} : memref<80x16xf32, #tpu.memory_space<vmem>>, vector<1x16xf32>,
      %get3A_884 = vector.shape_cast %get3A_883 : vector<1x16xf32> to vector<16xf32>
      %add3A_885 = arith.constant 40 : i32
      %add3A_886 = arith.addi %add3A_885, %scan3A_877 : i32
      %get3A_887 = arith.constant 0 : i32
      %get3A_888 = arith.constant 0 : i32
      %get3A_889 = tpu.memref_slice %arg9[%scan3A_728, %get3A_887, %get3A_888] : memref<2x80x16xf32, #tpu.memory_space<vmem>> -> memref<1x80x16xf32, #tpu.memory_space<vmem>>
      %get3A_890 = tpu.memref_squeeze %get3A_889 : memref<1x80x16xf32, #tpu.memory_space<vmem>> -> memref<80x16xf32, #tpu.memory_space<vmem>>
      %get3A_891 = arith.index_cast %add3A_886 : i32 to index
      %get3A_892 = arith.constant 0 : index
      %get3A_893 = tpu.vector_load %get3A_890[%get3A_891, %get3A_892] {strides = array<i32>} : memref<80x16xf32, #tpu.memory_space<vmem>>, vector<1x16xf32>,
      %get3A_894 = vector.shape_cast %get3A_893 : vector<1x16xf32> to vector<16xf32>
      %get3A_895 = arith.constant 0 : i32
      %get3A_896 = arith.constant 0 : i32
      %get3A_897 = tpu.memref_slice %arg10[%scan3A_729, %get3A_895, %get3A_896] : memref<2x40x256xf32, #tpu.memory_space<vmem>> -> memref<1x40x256xf32, #tpu.memory_space<vmem>>
      %get3A_898 = tpu.memref_squeeze %get3A_897 : memref<1x40x256xf32, #tpu.memory_space<vmem>> -> memref<40x256xf32, #tpu.memory_space<vmem>>
      %get3A_899 = arith.index_cast %scan3A_877 : i32 to index
      %get3A_900 = arith.constant 0 : index
      %get3A_901 = tpu.vector_load %get3A_898[%get3A_899, %get3A_900] {strides = array<i32>} : memref<40x256xf32, #tpu.memory_space<vmem>>, vector<1x16xf32>,
      %get3A_902 = vector.shape_cast %get3A_901 : vector<1x16xf32> to vector<16xf32>
      %get3A_903 = arith.constant 0 : i32
      %get3A_904 = arith.constant 0 : i32
      %get3A_905 = tpu.memref_slice %arg10[%scan3A_729, %get3A_903, %get3A_904] : memref<2x40x256xf32, #tpu.memory_space<vmem>> -> memref<1x40x256xf32, #tpu.memory_space<vmem>>
      %get3A_906 = tpu.memref_squeeze %get3A_905 : memref<1x40x256xf32, #tpu.memory_space<vmem>> -> memref<40x256xf32, #tpu.memory_space<vmem>>
      %get3A_907 = arith.index_cast %scan3A_877 : i32 to index
      %get3A_908 = arith.constant 128 : index
      %get3A_909 = tpu.vector_load %get3A_906[%get3A_907, %get3A_908] {strides = array<i32>} : memref<40x256xf32, #tpu.memory_space<vmem>>, vector<1x16xf32>,
      %get3A_910 = vector.shape_cast %get3A_909 : vector<1x16xf32> to vector<16xf32>
      %mul3A_911 = arith.mulf %get3A_884, %get3A_902 : vector<16xf32>
      %mul3A_912 = arith.mulf %get3A_894, %get3A_910 : vector<16xf32>
      %add3A_913 = arith.addf %mul3A_911, %mul3A_912 : vector<16xf32>
      %swap3A = arith.index_cast %scan3A_877 : i32 to index
      %swap3A_914 = arith.constant 0 : index
      %swap3A_915 = tpu.vector_load %arg11[%swap3A, %swap3A_914] {strides = array<i32>} : memref<40x128xf32, #tpu.memory_space<vmem>>, vector<1x16xf32>,
      %swap3A_916 = vector.shape_cast %swap3A_915 : vector<1x16xf32> to vector<16xf32>
      %swap3A_917 = vector.shape_cast %add3A_913 : vector<16xf32> to vector<1x16xf32>
      tpu.vector_store %arg11[%swap3A, %swap3A_914], %swap3A_917 {strides = array<i32>} : memref<40x128xf32, #tpu.memory_space<vmem>>, vector<1x16xf32>,
      %get3A_918 = arith.constant 0 : i32
      %get3A_919 = arith.constant 0 : i32
      %get3A_920 = tpu.memref_slice %arg10[%scan3A_729, %get3A_918, %get3A_919] : memref<2x40x256xf32, #tpu.memory_space<vmem>> -> memref<1x40x256xf32, #tpu.memory_space<vmem>>
      %get3A_921 = tpu.memref_squeeze %get3A_920 : memref<1x40x256xf32, #tpu.memory_space<vmem>> -> memref<40x256xf32, #tpu.memory_space<vmem>>
      %get3A_922 = arith.index_cast %scan3A_877 : i32 to index
      %get3A_923 = arith.constant 16 : index
      %get3A_924 = tpu.vector_load %get3A_921[%get3A_922, %get3A_923] {strides = array<i32>} : memref<40x256xf32, #tpu.memory_space<vmem>>, vector<1x16xf32>,
      %get3A_925 = vector.shape_cast %get3A_924 : vector<1x16xf32> to vector<16xf32>
      %get3A_926 = arith.constant 0 : i32
      %get3A_927 = arith.constant 0 : i32
      %get3A_928 = tpu.memref_slice %arg10[%scan3A_729, %get3A_926, %get3A_927] : memref<2x40x256xf32, #tpu.memory_space<vmem>> -> memref<1x40x256xf32, #tpu.memory_space<vmem>>
      %get3A_929 = tpu.memref_squeeze %get3A_928 : memref<1x40x256xf32, #tpu.memory_space<vmem>> -> memref<40x256xf32, #tpu.memory_space<vmem>>
      %get3A_930 = arith.index_cast %scan3A_877 : i32 to index
      %get3A_931 = arith.constant 144 : index
      %get3A_932 = tpu.vector_load %get3A_929[%get3A_930, %get3A_931] {strides = array<i32>} : memref<40x256xf32, #tpu.memory_space<vmem>>, vector<1x16xf32>,
      %get3A_933 = vector.shape_cast %get3A_932 : vector<1x16xf32> to vector<16xf32>
      %mul3A_934 = arith.mulf %get3A_884, %get3A_925 : vector<16xf32>
      %mul3A_935 = arith.mulf %get3A_894, %get3A_933 : vector<16xf32>
      %add3A_936 = arith.addf %mul3A_934, %mul3A_935 : vector<16xf32>
      %swap3A_937 = arith.index_cast %scan3A_877 : i32 to index
      %swap3A_938 = arith.constant 16 : index
      %swap3A_939 = tpu.vector_load %arg11[%swap3A_937, %swap3A_938] {strides = array<i32>} : memref<40x128xf32, #tpu.memory_space<vmem>>, vector<1x16xf32>,
      %swap3A_940 = vector.shape_cast %swap3A_939 : vector<1x16xf32> to vector<16xf32>
      %swap3A_941 = vector.shape_cast %add3A_936 : vector<16xf32> to vector<1x16xf32>
      tpu.vector_store %arg11[%swap3A_937, %swap3A_938], %swap3A_941 {strides = array<i32>} : memref<40x128xf32, #tpu.memory_space<vmem>>, vector<1x16xf32>,
      %get3A_942 = arith.constant 0 : i32
      %get3A_943 = arith.constant 0 : i32
      %get3A_944 = tpu.memref_slice %arg10[%scan3A_729, %get3A_942, %get3A_943] : memref<2x40x256xf32, #tpu.memory_space<vmem>> -> memref<1x40x256xf32, #tpu.memory_space<vmem>>
      %get3A_945 = tpu.memref_squeeze %get3A_944 : memref<1x40x256xf32, #tpu.memory_space<vmem>> -> memref<40x256xf32, #tpu.memory_space<vmem>>
      %get3A_946 = arith.index_cast %scan3A_877 : i32 to index
      %get3A_947 = arith.constant 32 : index
      %get3A_948 = tpu.vector_load %get3A_945[%get3A_946, %get3A_947] {strides = array<i32>} : memref<40x256xf32, #tpu.memory_space<vmem>>, vector<1x16xf32>,
      %get3A_949 = vector.shape_cast %get3A_948 : vector<1x16xf32> to vector<16xf32>
      %get3A_950 = arith.constant 0 : i32
      %get3A_951 = arith.constant 0 : i32
      %get3A_952 = tpu.memref_slice %arg10[%scan3A_729, %get3A_950, %get3A_951] : memref<2x40x256xf32, #tpu.memory_space<vmem>> -> memref<1x40x256xf32, #tpu.memory_space<vmem>>
      %get3A_953 = tpu.memref_squeeze %get3A_952 : memref<1x40x256xf32, #tpu.memory_space<vmem>> -> memref<40x256xf32, #tpu.memory_space<vmem>>
      %get3A_954 = arith.index_cast %scan3A_877 : i32 to index
      %get3A_955 = arith.constant 160 : index
      %get3A_956 = tpu.vector_load %get3A_953[%get3A_954, %get3A_955] {strides = array<i32>} : memref<40x256xf32, #tpu.memory_space<vmem>>, vector<1x16xf32>,
      %get3A_957 = vector.shape_cast %get3A_956 : vector<1x16xf32> to vector<16xf32>
      %mul3A_958 = arith.mulf %get3A_884, %get3A_949 : vector<16xf32>
      %mul3A_959 = arith.mulf %get3A_894, %get3A_957 : vector<16xf32>
      %add3A_960 = arith.addf %mul3A_958, %mul3A_959 : vector<16xf32>
      %swap3A_961 = arith.index_cast %scan3A_877 : i32 to index
      %swap3A_962 = arith.constant 32 : index
      %swap3A_963 = tpu.vector_load %arg11[%swap3A_961, %swap3A_962] {strides = array<i32>} : memref<40x128xf32, #tpu.memory_space<vmem>>, vector<1x16xf32>,
      %swap3A_964 = vector.shape_cast %swap3A_963 : vector<1x16xf32> to vector<16xf32>
      %swap3A_965 = vector.shape_cast %add3A_960 : vector<16xf32> to vector<1x16xf32>
      tpu.vector_store %arg11[%swap3A_961, %swap3A_962], %swap3A_965 {strides = array<i32>} : memref<40x128xf32, #tpu.memory_space<vmem>>, vector<1x16xf32>,
      %get3A_966 = arith.constant 0 : i32
      %get3A_967 = arith.constant 0 : i32
      %get3A_968 = tpu.memref_slice %arg10[%scan3A_729, %get3A_966, %get3A_967] : memref<2x40x256xf32, #tpu.memory_space<vmem>> -> memref<1x40x256xf32, #tpu.memory_space<vmem>>
      %get3A_969 = tpu.memref_squeeze %get3A_968 : memref<1x40x256xf32, #tpu.memory_space<vmem>> -> memref<40x256xf32, #tpu.memory_space<vmem>>
      %get3A_970 = arith.index_cast %scan3A_877 : i32 to index
      %get3A_971 = arith.constant 48 : index
      %get3A_972 = tpu.vector_load %get3A_969[%get3A_970, %get3A_971] {strides = array<i32>} : memref<40x256xf32, #tpu.memory_space<vmem>>, vector<1x16xf32>,
      %get3A_973 = vector.shape_cast %get3A_972 : vector<1x16xf32> to vector<16xf32>
      %get3A_974 = arith.constant 0 : i32
      %get3A_975 = arith.constant 0 : i32
      %get3A_976 = tpu.memref_slice %arg10[%scan3A_729, %get3A_974, %get3A_975] : memref<2x40x256xf32, #tpu.memory_space<vmem>> -> memref<1x40x256xf32, #tpu.memory_space<vmem>>
      %get3A_977 = tpu.memref_squeeze %get3A_976 : memref<1x40x256xf32, #tpu.memory_space<vmem>> -> memref<40x256xf32, #tpu.memory_space<vmem>>
      %get3A_978 = arith.index_cast %scan3A_877 : i32 to index
      %get3A_979 = arith.constant 176 : index
      %get3A_980 = tpu.vector_load %get3A_977[%get3A_978, %get3A_979] {strides = array<i32>} : memref<40x256xf32, #tpu.memory_space<vmem>>, vector<1x16xf32>,
      %get3A_981 = vector.shape_cast %get3A_980 : vector<1x16xf32> to vector<16xf32>
      %mul3A_982 = arith.mulf %get3A_884, %get3A_973 : vector<16xf32>
      %mul3A_983 = arith.mulf %get3A_894, %get3A_981 : vector<16xf32>
      %add3A_984 = arith.addf %mul3A_982, %mul3A_983 : vector<16xf32>
      %swap3A_985 = arith.index_cast %scan3A_877 : i32 to index
      %swap3A_986 = arith.constant 48 : index
      %swap3A_987 = tpu.vector_load %arg11[%swap3A_985, %swap3A_986] {strides = array<i32>} : memref<40x128xf32, #tpu.memory_space<vmem>>, vector<1x16xf32>,
      %swap3A_988 = vector.shape_cast %swap3A_987 : vector<1x16xf32> to vector<16xf32>
      %swap3A_989 = vector.shape_cast %add3A_984 : vector<16xf32> to vector<1x16xf32>
      tpu.vector_store %arg11[%swap3A_985, %swap3A_986], %swap3A_989 {strides = array<i32>} : memref<40x128xf32, #tpu.memory_space<vmem>>, vector<1x16xf32>,
      %get3A_990 = arith.constant 0 : i32
      %get3A_991 = arith.constant 0 : i32
      %get3A_992 = tpu.memref_slice %arg10[%scan3A_729, %get3A_990, %get3A_991] : memref<2x40x256xf32, #tpu.memory_space<vmem>> -> memref<1x40x256xf32, #tpu.memory_space<vmem>>
      %get3A_993 = tpu.memref_squeeze %get3A_992 : memref<1x40x256xf32, #tpu.memory_space<vmem>> -> memref<40x256xf32, #tpu.memory_space<vmem>>
      %get3A_994 = arith.index_cast %scan3A_877 : i32 to index
      %get3A_995 = arith.constant 64 : index
      %get3A_996 = tpu.vector_load %get3A_993[%get3A_994, %get3A_995] {strides = array<i32>} : memref<40x256xf32, #tpu.memory_space<vmem>>, vector<1x16xf32>,
      %get3A_997 = vector.shape_cast %get3A_996 : vector<1x16xf32> to vector<16xf32>
      %get3A_998 = arith.constant 0 : i32
      %get3A_999 = arith.constant 0 : i32
      %get3A_1000 = tpu.memref_slice %arg10[%scan3A_729, %get3A_998, %get3A_999] : memref<2x40x256xf32, #tpu.memory_space<vmem>> -> memref<1x40x256xf32, #tpu.memory_space<vmem>>
      %get3A_1001 = tpu.memref_squeeze %get3A_1000 : memref<1x40x256xf32, #tpu.memory_space<vmem>> -> memref<40x256xf32, #tpu.memory_space<vmem>>
      %get3A_1002 = arith.index_cast %scan3A_877 : i32 to index
      %get3A_1003 = arith.constant 192 : index
      %get3A_1004 = tpu.vector_load %get3A_1001[%get3A_1002, %get3A_1003] {strides = array<i32>} : memref<40x256xf32, #tpu.memory_space<vmem>>, vector<1x16xf32>,
      %get3A_1005 = vector.shape_cast %get3A_1004 : vector<1x16xf32> to vector<16xf32>
      %mul3A_1006 = arith.mulf %get3A_884, %get3A_997 : vector<16xf32>
      %mul3A_1007 = arith.mulf %get3A_894, %get3A_1005 : vector<16xf32>
      %add3A_1008 = arith.addf %mul3A_1006, %mul3A_1007 : vector<16xf32>
      %swap3A_1009 = arith.index_cast %scan3A_877 : i32 to index
      %swap3A_1010 = arith.constant 64 : index
      %swap3A_1011 = tpu.vector_load %arg11[%swap3A_1009, %swap3A_1010] {strides = array<i32>} : memref<40x128xf32, #tpu.memory_space<vmem>>, vector<1x16xf32>,
      %swap3A_1012 = vector.shape_cast %swap3A_1011 : vector<1x16xf32> to vector<16xf32>
      %swap3A_1013 = vector.shape_cast %add3A_1008 : vector<16xf32> to vector<1x16xf32>
      tpu.vector_store %arg11[%swap3A_1009, %swap3A_1010], %swap3A_1013 {strides = array<i32>} : memref<40x128xf32, #tpu.memory_space<vmem>>, vector<1x16xf32>,
      %get3A_1014 = arith.constant 0 : i32
      %get3A_1015 = arith.constant 0 : i32
      %get3A_1016 = tpu.memref_slice %arg10[%scan3A_729, %get3A_1014, %get3A_1015] : memref<2x40x256xf32, #tpu.memory_space<vmem>> -> memref<1x40x256xf32, #tpu.memory_space<vmem>>
      %get3A_1017 = tpu.memref_squeeze %get3A_1016 : memref<1x40x256xf32, #tpu.memory_space<vmem>> -> memref<40x256xf32, #tpu.memory_space<vmem>>
      %get3A_1018 = arith.index_cast %scan3A_877 : i32 to index
      %get3A_1019 = arith.constant 80 : index
      %get3A_1020 = tpu.vector_load %get3A_1017[%get3A_1018, %get3A_1019] {strides = array<i32>} : memref<40x256xf32, #tpu.memory_space<vmem>>, vector<1x16xf32>,
      %get3A_1021 = vector.shape_cast %get3A_1020 : vector<1x16xf32> to vector<16xf32>
      %get3A_1022 = arith.constant 0 : i32
      %get3A_1023 = arith.constant 0 : i32
      %get3A_1024 = tpu.memref_slice %arg10[%scan3A_729, %get3A_1022, %get3A_1023] : memref<2x40x256xf32, #tpu.memory_space<vmem>> -> memref<1x40x256xf32, #tpu.memory_space<vmem>>
      %get3A_1025 = tpu.memref_squeeze %get3A_1024 : memref<1x40x256xf32, #tpu.memory_space<vmem>> -> memref<40x256xf32, #tpu.memory_space<vmem>>
      %get3A_1026 = arith.index_cast %scan3A_877 : i32 to index
      %get3A_1027 = arith.constant 208 : index
      %get3A_1028 = tpu.vector_load %get3A_1025[%get3A_1026, %get3A_1027] {strides = array<i32>} : memref<40x256xf32, #tpu.memory_space<vmem>>, vector<1x16xf32>,
      %get3A_1029 = vector.shape_cast %get3A_1028 : vector<1x16xf32> to vector<16xf32>
      %mul3A_1030 = arith.mulf %get3A_884, %get3A_1021 : vector<16xf32>
      %mul3A_1031 = arith.mulf %get3A_894, %get3A_1029 : vector<16xf32>
      %add3A_1032 = arith.addf %mul3A_1030, %mul3A_1031 : vector<16xf32>
      %swap3A_1033 = arith.index_cast %scan3A_877 : i32 to index
      %swap3A_1034 = arith.constant 80 : index
      %swap3A_1035 = tpu.vector_load %arg11[%swap3A_1033, %swap3A_1034] {strides = array<i32>} : memref<40x128xf32, #tpu.memory_space<vmem>>, vector<1x16xf32>,
      %swap3A_1036 = vector.shape_cast %swap3A_1035 : vector<1x16xf32> to vector<16xf32>
      %swap3A_1037 = vector.shape_cast %add3A_1032 : vector<16xf32> to vector<1x16xf32>
      tpu.vector_store %arg11[%swap3A_1033, %swap3A_1034], %swap3A_1037 {strides = array<i32>} : memref<40x128xf32, #tpu.memory_space<vmem>>, vector<1x16xf32>,
      %get3A_1038 = arith.constant 0 : i32
      %get3A_1039 = arith.constant 0 : i32
      %get3A_1040 = tpu.memref_slice %arg10[%scan3A_729, %get3A_1038, %get3A_1039] : memref<2x40x256xf32, #tpu.memory_space<vmem>> -> memref<1x40x256xf32, #tpu.memory_space<vmem>>
      %get3A_1041 = tpu.memref_squeeze %get3A_1040 : memref<1x40x256xf32, #tpu.memory_space<vmem>> -> memref<40x256xf32, #tpu.memory_space<vmem>>
      %get3A_1042 = arith.index_cast %scan3A_877 : i32 to index
      %get3A_1043 = arith.constant 96 : index
      %get3A_1044 = tpu.vector_load %get3A_1041[%get3A_1042, %get3A_1043] {strides = array<i32>} : memref<40x256xf32, #tpu.memory_space<vmem>>, vector<1x16xf32>,
      %get3A_1045 = vector.shape_cast %get3A_1044 : vector<1x16xf32> to vector<16xf32>
      %get3A_1046 = arith.constant 0 : i32
      %get3A_1047 = arith.constant 0 : i32
      %get3A_1048 = tpu.memref_slice %arg10[%scan3A_729, %get3A_1046, %get3A_1047] : memref<2x40x256xf32, #tpu.memory_space<vmem>> -> memref<1x40x256xf32, #tpu.memory_space<vmem>>
      %get3A_1049 = tpu.memref_squeeze %get3A_1048 : memref<1x40x256xf32, #tpu.memory_space<vmem>> -> memref<40x256xf32, #tpu.memory_space<vmem>>
      %get3A_1050 = arith.index_cast %scan3A_877 : i32 to index
      %get3A_1051 = arith.constant 224 : index
      %get3A_1052 = tpu.vector_load %get3A_1049[%get3A_1050, %get3A_1051] {strides = array<i32>} : memref<40x256xf32, #tpu.memory_space<vmem>>, vector<1x16xf32>,
      %get3A_1053 = vector.shape_cast %get3A_1052 : vector<1x16xf32> to vector<16xf32>
      %mul3A_1054 = arith.mulf %get3A_884, %get3A_1045 : vector<16xf32>
      %mul3A_1055 = arith.mulf %get3A_894, %get3A_1053 : vector<16xf32>
      %add3A_1056 = arith.addf %mul3A_1054, %mul3A_1055 : vector<16xf32>
      %swap3A_1057 = arith.index_cast %scan3A_877 : i32 to index
      %swap3A_1058 = arith.constant 96 : index
      %swap3A_1059 = tpu.vector_load %arg11[%swap3A_1057, %swap3A_1058] {strides = array<i32>} : memref<40x128xf32, #tpu.memory_space<vmem>>, vector<1x16xf32>,
      %swap3A_1060 = vector.shape_cast %swap3A_1059 : vector<1x16xf32> to vector<16xf32>
      %swap3A_1061 = vector.shape_cast %add3A_1056 : vector<16xf32> to vector<1x16xf32>
      tpu.vector_store %arg11[%swap3A_1057, %swap3A_1058], %swap3A_1061 {strides = array<i32>} : memref<40x128xf32, #tpu.memory_space<vmem>>, vector<1x16xf32>,
      %get3A_1062 = arith.constant 0 : i32
      %get3A_1063 = arith.constant 0 : i32
      %get3A_1064 = tpu.memref_slice %arg10[%scan3A_729, %get3A_1062, %get3A_1063] : memref<2x40x256xf32, #tpu.memory_space<vmem>> -> memref<1x40x256xf32, #tpu.memory_space<vmem>>
      %get3A_1065 = tpu.memref_squeeze %get3A_1064 : memref<1x40x256xf32, #tpu.memory_space<vmem>> -> memref<40x256xf32, #tpu.memory_space<vmem>>
      %get3A_1066 = arith.index_cast %scan3A_877 : i32 to index
      %get3A_1067 = arith.constant 112 : index
      %get3A_1068 = tpu.vector_load %get3A_1065[%get3A_1066, %get3A_1067] {strides = array<i32>} : memref<40x256xf32, #tpu.memory_space<vmem>>, vector<1x16xf32>,
      %get3A_1069 = vector.shape_cast %get3A_1068 : vector<1x16xf32> to vector<16xf32>
      %get3A_1070 = arith.constant 0 : i32
      %get3A_1071 = arith.constant 0 : i32
      %get3A_1072 = tpu.memref_slice %arg10[%scan3A_729, %get3A_1070, %get3A_1071] : memref<2x40x256xf32, #tpu.memory_space<vmem>> -> memref<1x40x256xf32, #tpu.memory_space<vmem>>
      %get3A_1073 = tpu.memref_squeeze %get3A_1072 : memref<1x40x256xf32, #tpu.memory_space<vmem>> -> memref<40x256xf32, #tpu.memory_space<vmem>>
      %get3A_1074 = arith.index_cast %scan3A_877 : i32 to index
      %get3A_1075 = arith.constant 240 : index
      %get3A_1076 = tpu.vector_load %get3A_1073[%get3A_1074, %get3A_1075] {strides = array<i32>} : memref<40x256xf32, #tpu.memory_space<vmem>>, vector<1x16xf32>,
      %get3A_1077 = vector.shape_cast %get3A_1076 : vector<1x16xf32> to vector<16xf32>
      %mul3A_1078 = arith.mulf %get3A_884, %get3A_1069 : vector<16xf32>
      %mul3A_1079 = arith.mulf %get3A_894, %get3A_1077 : vector<16xf32>
      %add3A_1080 = arith.addf %mul3A_1078, %mul3A_1079 : vector<16xf32>
      %swap3A_1081 = arith.index_cast %scan3A_877 : i32 to index
      %swap3A_1082 = arith.constant 112 : index
      %swap3A_1083 = tpu.vector_load %arg11[%swap3A_1081, %swap3A_1082] {strides = array<i32>} : memref<40x128xf32, #tpu.memory_space<vmem>>, vector<1x16xf32>,
      %swap3A_1084 = vector.shape_cast %swap3A_1083 : vector<1x16xf32> to vector<16xf32>
      %swap3A_1085 = vector.shape_cast %add3A_1080 : vector<16xf32> to vector<1x16xf32>
      tpu.vector_store %arg11[%swap3A_1081, %swap3A_1082], %swap3A_1085 {strides = array<i32>} : memref<40x128xf32, #tpu.memory_space<vmem>>, vector<1x16xf32>,
    }
    %scan3A_734 = arith.constant 40 : i32
    %dma_start3A_735 = arith.constant 3 : i32
    %dma_start3A_736 = arith.constant 0 : i32
    %dma_start3A_737 = tpu.memref_slice %arg8[%dma_start3A_735, %dma_start3A_736] : memref<4x40xi32, #tpu.memory_space<vmem>> -> memref<1x40xi32, #tpu.memory_space<vmem>>
    %dma_start3A_738 = tpu.memref_squeeze %dma_start3A_737 : memref<1x40xi32, #tpu.memory_space<vmem>> -> memref<40xi32, #tpu.memory_space<vmem>>
    %dma_start3A_739 = arith.constant 0 : i32
    %dma_start3A_740 = arith.constant 0 : i32
    %dma_start3A_741 = tpu.memref_slice %arg12[%dma_start3A_739, %dma_start3A_740] : memref<10240x128xf32, #tpu.memory_space<vmem_shared>> -> memref<10240x128xf32, #tpu.memory_space<vmem_shared>>
    tpu.enqueue_indirect_dma source(%arg11 : memref<40x128xf32, #tpu.memory_space<vmem>>) target(%dma_start3A_741 : memref<10240x128xf32, #tpu.memory_space<vmem_shared>>) offsets(%dma_start3A_738 : memref<40xi32, #tpu.memory_space<vmem>>) semaphore(%arg15 : memref<!tpu.dma_semaphore, #tpu.memory_space<semaphore_mem>>) {add = true}
    %dma_start3A_742 = arith.constant 5 : i32
    %dma_start3A_743 = arith.constant 1 : i32
    %dma_start3A_744 = arith.constant 0 : i32
    %dma_start3A_745 = tpu.memref_slice %arg7[%dma_start3A_743, %dma_start3A_744] : memref<2x40xi32, #tpu.memory_space<vmem>> -> memref<1x40xi32, #tpu.memory_space<vmem>>
    %dma_start3A_746 = tpu.memref_squeeze %dma_start3A_745 : memref<1x40xi32, #tpu.memory_space<vmem>> -> memref<40xi32, #tpu.memory_space<vmem>>
    %dma_start3A_747 = arith.constant 0 : i32
    %dma_start3A_748 = tpu.memref_slice %arg3[%add3A, %dma_start3A_742, %dma_start3A_747] : memref<32x254x40xi32, #tpu.memory_space<hbm>> -> memref<1x1x40xi32, #tpu.memory_space<hbm>>
    %dma_start3A_749 = tpu.memref_squeeze %dma_start3A_748 : memref<1x1x40xi32, #tpu.memory_space<hbm>> -> memref<40xi32, #tpu.memory_space<hbm>>
    %dma_start3A_750 = arith.constant 0 : i32
    %dma_start3A_751 = tpu.memref_slice %arg7[%dma_start3A_743, %dma_start3A_750] : memref<2x40xi32, #tpu.memory_space<vmem>> -> memref<1x40xi32, #tpu.memory_space<vmem>>
    %dma_start3A_752 = tpu.memref_squeeze %dma_start3A_751 : memref<1x40xi32, #tpu.memory_space<vmem>> -> memref<40xi32, #tpu.memory_space<vmem>>
    %dma_start3A_753 = arith.constant 0 : i32
    %dma_start3A_754 = tpu.memref_slice %arg3[%add3A, %dma_start3A_742, %dma_start3A_753] : memref<32x254x40xi32, #tpu.memory_space<hbm>> -> memref<1x1x40xi32, #tpu.memory_space<hbm>>
    %dma_start3A_755 = tpu.memref_squeeze %dma_start3A_754 : memref<1x1x40xi32, #tpu.memory_space<hbm>> -> memref<40xi32, #tpu.memory_space<hbm>>
    tpu.enqueue_dma source(%dma_start3A_755 : memref<40xi32, #tpu.memory_space<hbm>>) target(%dma_start3A_752 : memref<40xi32, #tpu.memory_space<vmem>>) target_semaphore(%arg14 : memref<!tpu.dma_semaphore, #tpu.memory_space<semaphore_mem>>)
    %dma_start3A_756 = arith.constant 5 : i32
    %dma_start3A_757 = arith.constant 1 : i32
    %dma_start3A_758 = arith.constant 0 : i32
    %dma_start3A_759 = tpu.memref_slice %arg8[%dma_start3A_757, %dma_start3A_758] : memref<4x40xi32, #tpu.memory_space<vmem>> -> memref<1x40xi32, #tpu.memory_space<vmem>>
    %dma_start3A_760 = tpu.memref_squeeze %dma_start3A_759 : memref<1x40xi32, #tpu.memory_space<vmem>> -> memref<40xi32, #tpu.memory_space<vmem>>
    %dma_start3A_761 = arith.constant 0 : i32
    %dma_start3A_762 = tpu.memref_slice %arg4[%add3A, %dma_start3A_756, %dma_start3A_761] : memref<32x254x40xi32, #tpu.memory_space<hbm>> -> memref<1x1x40xi32, #tpu.memory_space<hbm>>
    %dma_start3A_763 = tpu.memref_squeeze %dma_start3A_762 : memref<1x1x40xi32, #tpu.memory_space<hbm>> -> memref<40xi32, #tpu.memory_space<hbm>>
    %dma_start3A_764 = arith.constant 0 : i32
    %dma_start3A_765 = tpu.memref_slice %arg8[%dma_start3A_757, %dma_start3A_764] : memref<4x40xi32, #tpu.memory_space<vmem>> -> memref<1x40xi32, #tpu.memory_space<vmem>>
    %dma_start3A_766 = tpu.memref_squeeze %dma_start3A_765 : memref<1x40xi32, #tpu.memory_space<vmem>> -> memref<40xi32, #tpu.memory_space<vmem>>
    %dma_start3A_767 = arith.constant 0 : i32
    %dma_start3A_768 = tpu.memref_slice %arg4[%add3A, %dma_start3A_756, %dma_start3A_767] : memref<32x254x40xi32, #tpu.memory_space<hbm>> -> memref<1x1x40xi32, #tpu.memory_space<hbm>>
    %dma_start3A_769 = tpu.memref_squeeze %dma_start3A_768 : memref<1x1x40xi32, #tpu.memory_space<hbm>> -> memref<40xi32, #tpu.memory_space<hbm>>
    tpu.enqueue_dma source(%dma_start3A_769 : memref<40xi32, #tpu.memory_space<hbm>>) target(%dma_start3A_766 : memref<40xi32, #tpu.memory_space<vmem>>) target_semaphore(%arg14 : memref<!tpu.dma_semaphore, #tpu.memory_space<semaphore_mem>>)
    %dma_start3A_770 = arith.constant 5 : i32
    %dma_start3A_771 = arith.constant 1 : i32
    %dma_start3A_772 = arith.constant 0 : i32
    %dma_start3A_773 = arith.constant 0 : i32
    %dma_start3A_774 = tpu.memref_slice %arg9[%dma_start3A_771, %dma_start3A_772, %dma_start3A_773] : memref<2x80x16xf32, #tpu.memory_space<vmem>> -> memref<1x80x16xf32, #tpu.memory_space<vmem>>
    %dma_start3A_775 = tpu.memref_squeeze %dma_start3A_774 : memref<1x80x16xf32, #tpu.memory_space<vmem>> -> memref<80x16xf32, #tpu.memory_space<vmem>>
    %dma_start3A_776 = arith.constant 0 : i32
    %dma_start3A_777 = arith.constant 0 : i32
    %dma_start3A_778 = tpu.memref_slice %arg5[%add3A, %dma_start3A_770, %dma_start3A_776, %dma_start3A_777] : memref<32x254x80x16xf32, #tpu.memory_space<hbm>> -> memref<1x1x80x16xf32, #tpu.memory_space<hbm>>
    %dma_start3A_779 = tpu.memref_squeeze %dma_start3A_778 : memref<1x1x80x16xf32, #tpu.memory_space<hbm>> -> memref<80x16xf32, #tpu.memory_space<hbm>>
    %dma_start3A_780 = arith.constant 0 : i32
    %dma_start3A_781 = arith.constant 0 : i32
    %dma_start3A_782 = tpu.memref_slice %arg9[%dma_start3A_771, %dma_start3A_780, %dma_start3A_781] : memref<2x80x16xf32, #tpu.memory_space<vmem>> -> memref<1x80x16xf32, #tpu.memory_space<vmem>>
    %dma_start3A_783 = tpu.memref_squeeze %dma_start3A_782 : memref<1x80x16xf32, #tpu.memory_space<vmem>> -> memref<80x16xf32, #tpu.memory_space<vmem>>
    %dma_start3A_784 = arith.constant 0 : i32
    %dma_start3A_785 = arith.constant 0 : i32
    %dma_start3A_786 = tpu.memref_slice %arg5[%add3A, %dma_start3A_770, %dma_start3A_784, %dma_start3A_785] : memref<32x254x80x16xf32, #tpu.memory_space<hbm>> -> memref<1x1x80x16xf32, #tpu.memory_space<hbm>>
    %dma_start3A_787 = tpu.memref_squeeze %dma_start3A_786 : memref<1x1x80x16xf32, #tpu.memory_space<hbm>> -> memref<80x16xf32, #tpu.memory_space<hbm>>
    tpu.enqueue_dma source(%dma_start3A_787 : memref<80x16xf32, #tpu.memory_space<hbm>>) target(%dma_start3A_783 : memref<80x16xf32, #tpu.memory_space<vmem>>) target_semaphore(%arg14 : memref<!tpu.dma_semaphore, #tpu.memory_space<semaphore_mem>>)
    %scan3A_788 = arith.constant 0 : i32
    %scan3A_789 = arith.constant 1 : i32
    %scan3A_790 = arith.constant 62 : i32
    %scan3A_791 = arith.addi %scan3A_789, %scan3A_790 : i32
    %scan3A_792 = arith.constant 1 : i32
    scf.for %scan3A_877 = %scan3A_789 to %scan3A_791 step %scan3A_792  : i32 {
      %mul3A_878 = arith.constant 4 : i32
      %mul3A_879 = arith.muli %mul3A_878, %scan3A_877 : i32
      %add3A_880 = arith.constant 0 : i32
      %add3A_881 = arith.addi %mul3A_879, %add3A_880 : i32
      %add3A_882 = arith.constant 1 : i32
      %add3A_883 = arith.addi %add3A_881, %add3A_882 : i32
      %dma_wait3A_884 = arith.constant 1 : i32
      %dma_wait3A_885 = arith.constant 0 : i32
      %dma_wait3A_886 = tpu.memref_slice %arg7[%dma_wait3A_884, %dma_wait3A_885] : memref<2x40xi32, #tpu.memory_space<vmem>> -> memref<1x40xi32, #tpu.memory_space<vmem>>
      %dma_wait3A_887 = tpu.memref_squeeze %dma_wait3A_886 : memref<1x40xi32, #tpu.memory_space<vmem>> -> memref<40xi32, #tpu.memory_space<vmem>>
      %dma_wait3A_888 = arith.constant 0 : i32
      %dma_wait3A_889 = tpu.memref_slice %arg3[%add3A, %add3A_883, %dma_wait3A_888] : memref<32x254x40xi32, #tpu.memory_space<hbm>> -> memref<1x1x40xi32, #tpu.memory_space<hbm>>
      %dma_wait3A_890 = tpu.memref_squeeze %dma_wait3A_889 : memref<1x1x40xi32, #tpu.memory_space<hbm>> -> memref<40xi32, #tpu.memory_space<hbm>>
      %dma_wait3A_891 = arith.constant 0 : i32
      %dma_wait3A_892 = tpu.memref_slice %arg7[%dma_wait3A_884, %dma_wait3A_891] : memref<2x40xi32, #tpu.memory_space<vmem>> -> memref<1x40xi32, #tpu.memory_space<vmem>>
      %dma_wait3A_893 = tpu.memref_squeeze %dma_wait3A_892 : memref<1x40xi32, #tpu.memory_space<vmem>> -> memref<40xi32, #tpu.memory_space<vmem>>
      %dma_wait3A_894 = arith.constant 0 : i32
      %dma_wait3A_895 = tpu.memref_slice %arg3[%add3A, %add3A_883, %dma_wait3A_894] : memref<32x254x40xi32, #tpu.memory_space<hbm>> -> memref<1x1x40xi32, #tpu.memory_space<hbm>>
      %dma_wait3A_896 = tpu.memref_squeeze %dma_wait3A_895 : memref<1x1x40xi32, #tpu.memory_space<hbm>> -> memref<40xi32, #tpu.memory_space<hbm>>
      tpu.wait_dma2 semaphore(%arg14 : memref<!tpu.dma_semaphore, #tpu.memory_space<semaphore_mem>>) src(%dma_wait3A_896 : memref<40xi32, #tpu.memory_space<hbm>>) dst(%dma_wait3A_893 : memref<40xi32, #tpu.memory_space<vmem>>)
      %add3A_897 = arith.constant 1 : i32
      %add3A_898 = arith.addi %add3A_881, %add3A_897 : i32
      %dma_wait3A_899 = arith.constant 1 : i32
      %dma_wait3A_900 = arith.constant 0 : i32
      %dma_wait3A_901 = tpu.memref_slice %arg8[%dma_wait3A_899, %dma_wait3A_900] : memref<4x40xi32, #tpu.memory_space<vmem>> -> memref<1x40xi32, #tpu.memory_space<vmem>>
      %dma_wait3A_902 = tpu.memref_squeeze %dma_wait3A_901 : memref<1x40xi32, #tpu.memory_space<vmem>> -> memref<40xi32, #tpu.memory_space<vmem>>
      %dma_wait3A_903 = arith.constant 0 : i32
      %dma_wait3A_904 = tpu.memref_slice %arg4[%add3A, %add3A_898, %dma_wait3A_903] : memref<32x254x40xi32, #tpu.memory_space<hbm>> -> memref<1x1x40xi32, #tpu.memory_space<hbm>>
      %dma_wait3A_905 = tpu.memref_squeeze %dma_wait3A_904 : memref<1x1x40xi32, #tpu.memory_space<hbm>> -> memref<40xi32, #tpu.memory_space<hbm>>
      %dma_wait3A_906 = arith.constant 0 : i32
      %dma_wait3A_907 = tpu.memref_slice %arg8[%dma_wait3A_899, %dma_wait3A_906] : memref<4x40xi32, #tpu.memory_space<vmem>> -> memref<1x40xi32, #tpu.memory_space<vmem>>
      %dma_wait3A_908 = tpu.memref_squeeze %dma_wait3A_907 : memref<1x40xi32, #tpu.memory_space<vmem>> -> memref<40xi32, #tpu.memory_space<vmem>>
      %dma_wait3A_909 = arith.constant 0 : i32
      %dma_wait3A_910 = tpu.memref_slice %arg4[%add3A, %add3A_898, %dma_wait3A_909] : memref<32x254x40xi32, #tpu.memory_space<hbm>> -> memref<1x1x40xi32, #tpu.memory_space<hbm>>
      %dma_wait3A_911 = tpu.memref_squeeze %dma_wait3A_910 : memref<1x1x40xi32, #tpu.memory_space<hbm>> -> memref<40xi32, #tpu.memory_space<hbm>>
      tpu.wait_dma2 semaphore(%arg14 : memref<!tpu.dma_semaphore, #tpu.memory_space<semaphore_mem>>) src(%dma_wait3A_911 : memref<40xi32, #tpu.memory_space<hbm>>) dst(%dma_wait3A_908 : memref<40xi32, #tpu.memory_space<vmem>>)
      %add3A_912 = arith.constant 1 : i32
      %add3A_913 = arith.addi %add3A_881, %add3A_912 : i32
      %dma_wait3A_914 = arith.constant 1 : i32
      %dma_wait3A_915 = arith.constant 0 : i32
      %dma_wait3A_916 = arith.constant 0 : i32
      %dma_wait3A_917 = tpu.memref_slice %arg9[%dma_wait3A_914, %dma_wait3A_915, %dma_wait3A_916] : memref<2x80x16xf32, #tpu.memory_space<vmem>> -> memref<1x80x16xf32, #tpu.memory_space<vmem>>
      %dma_wait3A_918 = tpu.memref_squeeze %dma_wait3A_917 : memref<1x80x16xf32, #tpu.memory_space<vmem>> -> memref<80x16xf32, #tpu.memory_space<vmem>>
      %dma_wait3A_919 = arith.constant 0 : i32
      %dma_wait3A_920 = arith.constant 0 : i32
      %dma_wait3A_921 = tpu.memref_slice %arg5[%add3A, %add3A_913, %dma_wait3A_919, %dma_wait3A_920] : memref<32x254x80x16xf32, #tpu.memory_space<hbm>> -> memref<1x1x80x16xf32, #tpu.memory_space<hbm>>
      %dma_wait3A_922 = tpu.memref_squeeze %dma_wait3A_921 : memref<1x1x80x16xf32, #tpu.memory_space<hbm>> -> memref<80x16xf32, #tpu.memory_space<hbm>>
      %dma_wait3A_923 = arith.constant 0 : i32
      %dma_wait3A_924 = arith.constant 0 : i32
      %dma_wait3A_925 = tpu.memref_slice %arg9[%dma_wait3A_914, %dma_wait3A_923, %dma_wait3A_924] : memref<2x80x16xf32, #tpu.memory_space<vmem>> -> memref<1x80x16xf32, #tpu.memory_space<vmem>>
      %dma_wait3A_926 = tpu.memref_squeeze %dma_wait3A_925 : memref<1x80x16xf32, #tpu.memory_space<vmem>> -> memref<80x16xf32, #tpu.memory_space<vmem>>
      %dma_wait3A_927 = arith.constant 0 : i32
      %dma_wait3A_928 = arith.constant 0 : i32
      %dma_wait3A_929 = tpu.memref_slice %arg5[%add3A, %add3A_913, %dma_wait3A_927, %dma_wait3A_928] : memref<32x254x80x16xf32, #tpu.memory_space<hbm>> -> memref<1x1x80x16xf32, #tpu.memory_space<hbm>>
      %dma_wait3A_930 = tpu.memref_squeeze %dma_wait3A_929 : memref<1x1x80x16xf32, #tpu.memory_space<hbm>> -> memref<80x16xf32, #tpu.memory_space<hbm>>
      tpu.wait_dma2 semaphore(%arg14 : memref<!tpu.dma_semaphore, #tpu.memory_space<semaphore_mem>>) src(%dma_wait3A_930 : memref<80x16xf32, #tpu.memory_space<hbm>>) dst(%dma_wait3A_926 : memref<80x16xf32, #tpu.memory_space<vmem>>)
      %dma_start3A_931 = arith.constant 1 : i32
      %dma_start3A_932 = arith.constant 1 : i32
      %dma_start3A_933 = arith.constant 0 : i32
      %dma_start3A_934 = arith.constant 0 : i32
      %dma_start3A_935 = tpu.memref_slice %arg10[%dma_start3A_932, %dma_start3A_933, %dma_start3A_934] : memref<2x40x256xf32, #tpu.memory_space<vmem>> -> memref<1x24x256xf32, #tpu.memory_space<vmem>>
      %dma_start3A_936 = tpu.memref_squeeze %dma_start3A_935 : memref<1x24x256xf32, #tpu.memory_space<vmem>> -> memref<24x256xf32, #tpu.memory_space<vmem>>
      %dma_start3A_937 = arith.constant 0 : i32
      %dma_start3A_938 = tpu.memref_slice %arg7[%dma_start3A_931, %dma_start3A_937] : memref<2x40xi32, #tpu.memory_space<vmem>> -> memref<1x24xi32, #tpu.memory_space<vmem>>
      %dma_start3A_939 = tpu.memref_squeeze %dma_start3A_938 : memref<1x24xi32, #tpu.memory_space<vmem>> -> memref<24xi32, #tpu.memory_space<vmem>>
      %dma_start3A_940 = arith.constant 0 : i32
      %dma_start3A_941 = arith.constant 0 : i32
      %dma_start3A_942 = tpu.memref_slice %arg2[%dma_start3A_940, %dma_start3A_941] : memref<10000x256xf32, #tpu.memory_space<hbm>> -> memref<10000x256xf32, #tpu.memory_space<hbm>>
      tpu.enqueue_indirect_dma source(%dma_start3A_942 : memref<10000x256xf32, #tpu.memory_space<hbm>>) target(%dma_start3A_936 : memref<24x256xf32, #tpu.memory_space<vmem>>) offsets(%dma_start3A_939 : memref<24xi32, #tpu.memory_space<vmem>>) semaphore(%arg13 : memref<!tpu.dma_semaphore, #tpu.memory_space<semaphore_mem>>)
      %dma_start3A_943 = arith.constant 1 : i32
      %dma_start3A_944 = arith.constant 1 : i32
      %dma_start3A_945 = arith.constant 24 : i32
      %dma_start3A_946 = arith.constant 0 : i32
      %dma_start3A_947 = tpu.memref_slice %arg10[%dma_start3A_944, %dma_start3A_945, %dma_start3A_946] : memref<2x40x256xf32, #tpu.memory_space<vmem>> -> memref<1x16x256xf32, #tpu.memory_space<vmem>>
      %dma_start3A_948 = tpu.memref_squeeze %dma_start3A_947 : memref<1x16x256xf32, #tpu.memory_space<vmem>> -> memref<16x256xf32, #tpu.memory_space<vmem>>
      %dma_start3A_949 = arith.constant 24 : i32
      %dma_start3A_950 = tpu.memref_slice %arg7[%dma_start3A_943, %dma_start3A_949] : memref<2x40xi32, #tpu.memory_space<vmem>> -> memref<1x16xi32, #tpu.memory_space<vmem>>
      %dma_start3A_951 = tpu.memref_squeeze %dma_start3A_950 : memref<1x16xi32, #tpu.memory_space<vmem>> -> memref<16xi32, #tpu.memory_space<vmem>>
      %dma_start3A_952 = arith.constant 0 : i32
      %dma_start3A_953 = arith.constant 0 : i32
      %dma_start3A_954 = tpu.memref_slice %arg2[%dma_start3A_952, %dma_start3A_953] : memref<10000x256xf32, #tpu.memory_space<hbm>> -> memref<10000x256xf32, #tpu.memory_space<hbm>>
      tpu.enqueue_indirect_dma source(%dma_start3A_954 : memref<10000x256xf32, #tpu.memory_space<hbm>>) target(%dma_start3A_948 : memref<16x256xf32, #tpu.memory_space<vmem>>) offsets(%dma_start3A_951 : memref<16xi32, #tpu.memory_space<vmem>>) semaphore(%arg13 : memref<!tpu.dma_semaphore, #tpu.memory_space<semaphore_mem>>)
      %dma_wait3A_955 = arith.constant 0 : i32
      %dma_wait3A_956 = arith.constant 0 : i32
      %dma_wait3A_957 = arith.constant 0 : i32
      %dma_wait3A_958 = arith.constant 0 : i32
      %dma_wait3A_959 = tpu.memref_slice %arg10[%dma_wait3A_956, %dma_wait3A_957, %dma_wait3A_958] : memref<2x40x256xf32, #tpu.memory_space<vmem>> -> memref<1x24x256xf32, #tpu.memory_space<vmem>>
      %dma_wait3A_960 = tpu.memref_squeeze %dma_wait3A_959 : memref<1x24x256xf32, #tpu.memory_space<vmem>> -> memref<24x256xf32, #tpu.memory_space<vmem>>
      %dma_wait3A_961 = arith.constant 0 : i32
      %dma_wait3A_962 = tpu.memref_slice %arg7[%dma_wait3A_955, %dma_wait3A_961] : memref<2x40xi32, #tpu.memory_space<vmem>> -> memref<1x24xi32, #tpu.memory_space<vmem>>
      %dma_wait3A_963 = tpu.memref_squeeze %dma_wait3A_962 : memref<1x24xi32, #tpu.memory_space<vmem>> -> memref<24xi32, #tpu.memory_space<vmem>>
      %dma_wait3A_964 = arith.constant 0 : i32
      %dma_wait3A_965 = arith.constant 0 : i32
      %dma_wait3A_966 = tpu.memref_slice %arg2[%dma_wait3A_964, %dma_wait3A_965] : memref<10000x256xf32, #tpu.memory_space<hbm>> -> memref<10000x256xf32, #tpu.memory_space<hbm>>
      tpu.wait_indirect_dma semaphore(%arg13 : memref<!tpu.dma_semaphore, #tpu.memory_space<semaphore_mem>>) src(%dma_wait3A_966 : memref<10000x256xf32, #tpu.memory_space<hbm>>) dst(%dma_wait3A_960 : memref<24x256xf32, #tpu.memory_space<vmem>>)
      %dma_wait3A_967 = arith.constant 0 : i32
      %dma_wait3A_968 = arith.constant 0 : i32
      %dma_wait3A_969 = arith.constant 24 : i32
      %dma_wait3A_970 = arith.constant 0 : i32
      %dma_wait3A_971 = tpu.memref_slice %arg10[%dma_wait3A_968, %dma_wait3A_969, %dma_wait3A_970] : memref<2x40x256xf32, #tpu.memory_space<vmem>> -> memref<1x16x256xf32, #tpu.memory_space<vmem>>
      %dma_wait3A_972 = tpu.memref_squeeze %dma_wait3A_971 : memref<1x16x256xf32, #tpu.memory_space<vmem>> -> memref<16x256xf32, #tpu.memory_space<vmem>>
      %dma_wait3A_973 = arith.constant 24 : i32
      %dma_wait3A_974 = tpu.memref_slice %arg7[%dma_wait3A_967, %dma_wait3A_973] : memref<2x40xi32, #tpu.memory_space<vmem>> -> memref<1x16xi32, #tpu.memory_space<vmem>>
      %dma_wait3A_975 = tpu.memref_squeeze %dma_wait3A_974 : memref<1x16xi32, #tpu.memory_space<vmem>> -> memref<16xi32, #tpu.memory_space<vmem>>
      %dma_wait3A_976 = arith.constant 0 : i32
      %dma_wait3A_977 = arith.constant 0 : i32
      %dma_wait3A_978 = tpu.memref_slice %arg2[%dma_wait3A_976, %dma_wait3A_977] : memref<10000x256xf32, #tpu.memory_space<hbm>> -> memref<10000x256xf32, #tpu.memory_space<hbm>>
      tpu.wait_indirect_dma semaphore(%arg13 : memref<!tpu.dma_semaphore, #tpu.memory_space<semaphore_mem>>) src(%dma_wait3A_978 : memref<10000x256xf32, #tpu.memory_space<hbm>>) dst(%dma_wait3A_972 : memref<16x256xf32, #tpu.memory_space<vmem>>)
      %dma_wait3A_979 = arith.constant 0 : i32
      %dma_wait3A_980 = arith.constant 0 : i32
      %dma_wait3A_981 = tpu.memref_slice %arg6[%arg0, %dma_wait3A_979, %dma_wait3A_980] : memref<2x10240x128xf32, #tpu.memory_space<hbm>> -> memref<1x40x128xf32, #tpu.memory_space<hbm>>
      %dma_wait3A_982 = tpu.memref_squeeze %dma_wait3A_981 : memref<1x40x128xf32, #tpu.memory_space<hbm>> -> memref<40x128xf32, #tpu.memory_space<hbm>>
      %dma_wait3A_983 = arith.constant 0 : i32
      %dma_wait3A_984 = arith.constant 0 : i32
      %dma_wait3A_985 = tpu.memref_slice %arg6[%arg0, %dma_wait3A_983, %dma_wait3A_984] : memref<2x10240x128xf32, #tpu.memory_space<hbm>> -> memref<1x40x128xf32, #tpu.memory_space<hbm>>
      %dma_wait3A_986 = tpu.memref_squeeze %dma_wait3A_985 : memref<1x40x128xf32, #tpu.memory_space<hbm>> -> memref<40x128xf32, #tpu.memory_space<hbm>>
      tpu.wait_dma2 semaphore(%arg15 : memref<!tpu.dma_semaphore, #tpu.memory_space<semaphore_mem>>) src(%dma_wait3A_986 : memref<40x128xf32, #tpu.memory_space<hbm>>) dst(%arg11 : memref<40x128xf32, #tpu.memory_space<vmem>>)
      %scan3A_987 = arith.constant 0 : i32
      %scan3A_988 = arith.constant 0 : i32
      %scan3A_989 = arith.constant 0 : i32
      %scan3A_990 = arith.constant 0 : i32
      %scan3A_991 = arith.constant 40 : i32
      %scan3A_992 = arith.addi %scan3A_990, %scan3A_991 : i32
      %scan3A_993 = arith.constant 1 : i32
      scf.for %scan3A_1570 = %scan3A_990 to %scan3A_992 step %scan3A_993  : i32 {
        %get3A = arith.constant 0 : i32
        %get3A_1571 = arith.constant 0 : i32
        %get3A_1572 = tpu.memref_slice %arg9[%scan3A_988, %get3A, %get3A_1571] : memref<2x80x16xf32, #tpu.memory_space<vmem>> -> memref<1x80x16xf32, #tpu.memory_space<vmem>>
        %get3A_1573 = tpu.memref_squeeze %get3A_1572 : memref<1x80x16xf32, #tpu.memory_space<vmem>> -> memref<80x16xf32, #tpu.memory_space<vmem>>
        %get3A_1574 = arith.index_cast %scan3A_1570 : i32 to index
        %get3A_1575 = arith.constant 0 : index
        %get3A_1576 = tpu.vector_load %get3A_1573[%get3A_1574, %get3A_1575] {strides = array<i32>} : memref<80x16xf32, #tpu.memory_space<vmem>>, vector<1x16xf32>,
        %get3A_1577 = vector.shape_cast %get3A_1576 : vector<1x16xf32> to vector<16xf32>
        %add3A_1578 = arith.constant 40 : i32
        %add3A_1579 = arith.addi %add3A_1578, %scan3A_1570 : i32
        %get3A_1580 = arith.constant 0 : i32
        %get3A_1581 = arith.constant 0 : i32
        %get3A_1582 = tpu.memref_slice %arg9[%scan3A_988, %get3A_1580, %get3A_1581] : memref<2x80x16xf32, #tpu.memory_space<vmem>> -> memref<1x80x16xf32, #tpu.memory_space<vmem>>
        %get3A_1583 = tpu.memref_squeeze %get3A_1582 : memref<1x80x16xf32, #tpu.memory_space<vmem>> -> memref<80x16xf32, #tpu.memory_space<vmem>>
        %get3A_1584 = arith.index_cast %add3A_1579 : i32 to index
        %get3A_1585 = arith.constant 0 : index
        %get3A_1586 = tpu.vector_load %get3A_1583[%get3A_1584, %get3A_1585] {strides = array<i32>} : memref<80x16xf32, #tpu.memory_space<vmem>>, vector<1x16xf32>,
        %get3A_1587 = vector.shape_cast %get3A_1586 : vector<1x16xf32> to vector<16xf32>
        %get3A_1588 = arith.constant 0 : i32
        %get3A_1589 = arith.constant 0 : i32
        %get3A_1590 = tpu.memref_slice %arg10[%scan3A_989, %get3A_1588, %get3A_1589] : memref<2x40x256xf32, #tpu.memory_space<vmem>> -> memref<1x40x256xf32, #tpu.memory_space<vmem>>
        %get3A_1591 = tpu.memref_squeeze %get3A_1590 : memref<1x40x256xf32, #tpu.memory_space<vmem>> -> memref<40x256xf32, #tpu.memory_space<vmem>>
        %get3A_1592 = arith.index_cast %scan3A_1570 : i32 to index
        %get3A_1593 = arith.constant 0 : index
        %get3A_1594 = tpu.vector_load %get3A_1591[%get3A_1592, %get3A_1593] {strides = array<i32>} : memref<40x256xf32, #tpu.memory_space<vmem>>, vector<1x16xf32>,
        %get3A_1595 = vector.shape_cast %get3A_1594 : vector<1x16xf32> to vector<16xf32>
        %get3A_1596 = arith.constant 0 : i32
        %get3A_1597 = arith.constant 0 : i32
        %get3A_1598 = tpu.memref_slice %arg10[%scan3A_989, %get3A_1596, %get3A_1597] : memref<2x40x256xf32, #tpu.memory_space<vmem>> -> memref<1x40x256xf32, #tpu.memory_space<vmem>>
        %get3A_1599 = tpu.memref_squeeze %get3A_1598 : memref<1x40x256xf32, #tpu.memory_space<vmem>> -> memref<40x256xf32, #tpu.memory_space<vmem>>
        %get3A_1600 = arith.index_cast %scan3A_1570 : i32 to index
        %get3A_1601 = arith.constant 128 : index
        %get3A_1602 = tpu.vector_load %get3A_1599[%get3A_1600, %get3A_1601] {strides = array<i32>} : memref<40x256xf32, #tpu.memory_space<vmem>>, vector<1x16xf32>,
        %get3A_1603 = vector.shape_cast %get3A_1602 : vector<1x16xf32> to vector<16xf32>
        %mul3A_1604 = arith.mulf %get3A_1577, %get3A_1595 : vector<16xf32>
        %mul3A_1605 = arith.mulf %get3A_1587, %get3A_1603 : vector<16xf32>
        %add3A_1606 = arith.addf %mul3A_1604, %mul3A_1605 : vector<16xf32>
        %swap3A = arith.index_cast %scan3A_1570 : i32 to index
        %swap3A_1607 = arith.constant 0 : index
        %swap3A_1608 = tpu.vector_load %arg11[%swap3A, %swap3A_1607] {strides = array<i32>} : memref<40x128xf32, #tpu.memory_space<vmem>>, vector<1x16xf32>,
        %swap3A_1609 = vector.shape_cast %swap3A_1608 : vector<1x16xf32> to vector<16xf32>
        %swap3A_1610 = vector.shape_cast %add3A_1606 : vector<16xf32> to vector<1x16xf32>
        tpu.vector_store %arg11[%swap3A, %swap3A_1607], %swap3A_1610 {strides = array<i32>} : memref<40x128xf32, #tpu.memory_space<vmem>>, vector<1x16xf32>,
        %get3A_1611 = arith.constant 0 : i32
        %get3A_1612 = arith.constant 0 : i32
        %get3A_1613 = tpu.memref_slice %arg10[%scan3A_989, %get3A_1611, %get3A_1612] : memref<2x40x256xf32, #tpu.memory_space<vmem>> -> memref<1x40x256xf32, #tpu.memory_space<vmem>>
        %get3A_1614 = tpu.memref_squeeze %get3A_1613 : memref<1x40x256xf32, #tpu.memory_space<vmem>> -> memref<40x256xf32, #tpu.memory_space<vmem>>
        %get3A_1615 = arith.index_cast %scan3A_1570 : i32 to index
        %get3A_1616 = arith.constant 16 : index
        %get3A_1617 = tpu.vector_load %get3A_1614[%get3A_1615, %get3A_1616] {strides = array<i32>} : memref<40x256xf32, #tpu.memory_space<vmem>>, vector<1x16xf32>,
        %get3A_1618 = vector.shape_cast %get3A_1617 : vector<1x16xf32> to vector<16xf32>
        %get3A_1619 = arith.constant 0 : i32
        %get3A_1620 = arith.constant 0 : i32
        %get3A_1621 = tpu.memref_slice %arg10[%scan3A_989, %get3A_1619, %get3A_1620] : memref<2x40x256xf32, #tpu.memory_space<vmem>> -> memref<1x40x256xf32, #tpu.memory_space<vmem>>
        %get3A_1622 = tpu.memref_squeeze %get3A_1621 : memref<1x40x256xf32, #tpu.memory_space<vmem>> -> memref<40x256xf32, #tpu.memory_space<vmem>>
        %get3A_1623 = arith.index_cast %scan3A_1570 : i32 to index
        %get3A_1624 = arith.constant 144 : index
        %get3A_1625 = tpu.vector_load %get3A_1622[%get3A_1623, %get3A_1624] {strides = array<i32>} : memref<40x256xf32, #tpu.memory_space<vmem>>, vector<1x16xf32>,
        %get3A_1626 = vector.shape_cast %get3A_1625 : vector<1x16xf32> to vector<16xf32>
        %mul3A_1627 = arith.mulf %get3A_1577, %get3A_1618 : vector<16xf32>
        %mul3A_1628 = arith.mulf %get3A_1587, %get3A_1626 : vector<16xf32>
        %add3A_1629 = arith.addf %mul3A_1627, %mul3A_1628 : vector<16xf32>
        %swap3A_1630 = arith.index_cast %scan3A_1570 : i32 to index
        %swap3A_1631 = arith.constant 16 : index
        %swap3A_1632 = tpu.vector_load %arg11[%swap3A_1630, %swap3A_1631] {strides = array<i32>} : memref<40x128xf32, #tpu.memory_space<vmem>>, vector<1x16xf32>,
        %swap3A_1633 = vector.shape_cast %swap3A_1632 : vector<1x16xf32> to vector<16xf32>
        %swap3A_1634 = vector.shape_cast %add3A_1629 : vector<16xf32> to vector<1x16xf32>
        tpu.vector_store %arg11[%swap3A_1630, %swap3A_1631], %swap3A_1634 {strides = array<i32>} : memref<40x128xf32, #tpu.memory_space<vmem>>, vector<1x16xf32>,
        %get3A_1635 = arith.constant 0 : i32
        %get3A_1636 = arith.constant 0 : i32
        %get3A_1637 = tpu.memref_slice %arg10[%scan3A_989, %get3A_1635, %get3A_1636] : memref<2x40x256xf32, #tpu.memory_space<vmem>> -> memref<1x40x256xf32, #tpu.memory_space<vmem>>
        %get3A_1638 = tpu.memref_squeeze %get3A_1637 : memref<1x40x256xf32, #tpu.memory_space<vmem>> -> memref<40x256xf32, #tpu.memory_space<vmem>>
        %get3A_1639 = arith.index_cast %scan3A_1570 : i32 to index
        %get3A_1640 = arith.constant 32 : index
        %get3A_1641 = tpu.vector_load %get3A_1638[%get3A_1639, %get3A_1640] {strides = array<i32>} : memref<40x256xf32, #tpu.memory_space<vmem>>, vector<1x16xf32>,
        %get3A_1642 = vector.shape_cast %get3A_1641 : vector<1x16xf32> to vector<16xf32>
        %get3A_1643 = arith.constant 0 : i32
        %get3A_1644 = arith.constant 0 : i32
        %get3A_1645 = tpu.memref_slice %arg10[%scan3A_989, %get3A_1643, %get3A_1644] : memref<2x40x256xf32, #tpu.memory_space<vmem>> -> memref<1x40x256xf32, #tpu.memory_space<vmem>>
        %get3A_1646 = tpu.memref_squeeze %get3A_1645 : memref<1x40x256xf32, #tpu.memory_space<vmem>> -> memref<40x256xf32, #tpu.memory_space<vmem>>
        %get3A_1647 = arith.index_cast %scan3A_1570 : i32 to index
        %get3A_1648 = arith.constant 160 : index
        %get3A_1649 = tpu.vector_load %get3A_1646[%get3A_1647, %get3A_1648] {strides = array<i32>} : memref<40x256xf32, #tpu.memory_space<vmem>>, vector<1x16xf32>,
        %get3A_1650 = vector.shape_cast %get3A_1649 : vector<1x16xf32> to vector<16xf32>
        %mul3A_1651 = arith.mulf %get3A_1577, %get3A_1642 : vector<16xf32>
        %mul3A_1652 = arith.mulf %get3A_1587, %get3A_1650 : vector<16xf32>
        %add3A_1653 = arith.addf %mul3A_1651, %mul3A_1652 : vector<16xf32>
        %swap3A_1654 = arith.index_cast %scan3A_1570 : i32 to index
        %swap3A_1655 = arith.constant 32 : index
        %swap3A_1656 = tpu.vector_load %arg11[%swap3A_1654, %swap3A_1655] {strides = array<i32>} : memref<40x128xf32, #tpu.memory_space<vmem>>, vector<1x16xf32>,
        %swap3A_1657 = vector.shape_cast %swap3A_1656 : vector<1x16xf32> to vector<16xf32>
        %swap3A_1658 = vector.shape_cast %add3A_1653 : vector<16xf32> to vector<1x16xf32>
        tpu.vector_store %arg11[%swap3A_1654, %swap3A_1655], %swap3A_1658 {strides = array<i32>} : memref<40x128xf32, #tpu.memory_space<vmem>>, vector<1x16xf32>,
        %get3A_1659 = arith.constant 0 : i32
        %get3A_1660 = arith.constant 0 : i32
        %get3A_1661 = tpu.memref_slice %arg10[%scan3A_989, %get3A_1659, %get3A_1660] : memref<2x40x256xf32, #tpu.memory_space<vmem>> -> memref<1x40x256xf32, #tpu.memory_space<vmem>>
        %get3A_1662 = tpu.memref_squeeze %get3A_1661 : memref<1x40x256xf32, #tpu.memory_space<vmem>> -> memref<40x256xf32, #tpu.memory_space<vmem>>
        %get3A_1663 = arith.index_cast %scan3A_1570 : i32 to index
        %get3A_1664 = arith.constant 48 : index
        %get3A_1665 = tpu.vector_load %get3A_1662[%get3A_1663, %get3A_1664] {strides = array<i32>} : memref<40x256xf32, #tpu.memory_space<vmem>>, vector<1x16xf32>,
        %get3A_1666 = vector.shape_cast %get3A_1665 : vector<1x16xf32> to vector<16xf32>
        %get3A_1667 = arith.constant 0 : i32
        %get3A_1668 = arith.constant 0 : i32
        %get3A_1669 = tpu.memref_slice %arg10[%scan3A_989, %get3A_1667, %get3A_1668] : memref<2x40x256xf32, #tpu.memory_space<vmem>> -> memref<1x40x256xf32, #tpu.memory_space<vmem>>
        %get3A_1670 = tpu.memref_squeeze %get3A_1669 : memref<1x40x256xf32, #tpu.memory_space<vmem>> -> memref<40x256xf32, #tpu.memory_space<vmem>>
        %get3A_1671 = arith.index_cast %scan3A_1570 : i32 to index
        %get3A_1672 = arith.constant 176 : index
        %get3A_1673 = tpu.vector_load %get3A_1670[%get3A_1671, %get3A_1672] {strides = array<i32>} : memref<40x256xf32, #tpu.memory_space<vmem>>, vector<1x16xf32>,
        %get3A_1674 = vector.shape_cast %get3A_1673 : vector<1x16xf32> to vector<16xf32>
        %mul3A_1675 = arith.mulf %get3A_1577, %get3A_1666 : vector<16xf32>
        %mul3A_1676 = arith.mulf %get3A_1587, %get3A_1674 : vector<16xf32>
        %add3A_1677 = arith.addf %mul3A_1675, %mul3A_1676 : vector<16xf32>
        %swap3A_1678 = arith.index_cast %scan3A_1570 : i32 to index
        %swap3A_1679 = arith.constant 48 : index
        %swap3A_1680 = tpu.vector_load %arg11[%swap3A_1678, %swap3A_1679] {strides = array<i32>} : memref<40x128xf32, #tpu.memory_space<vmem>>, vector<1x16xf32>,
        %swap3A_1681 = vector.shape_cast %swap3A_1680 : vector<1x16xf32> to vector<16xf32>
        %swap3A_1682 = vector.shape_cast %add3A_1677 : vector<16xf32> to vector<1x16xf32>
        tpu.vector_store %arg11[%swap3A_1678, %swap3A_1679], %swap3A_1682 {strides = array<i32>} : memref<40x128xf32, #tpu.memory_space<vmem>>, vector<1x16xf32>,
        %get3A_1683 = arith.constant 0 : i32
        %get3A_1684 = arith.constant 0 : i32
        %get3A_1685 = tpu.memref_slice %arg10[%scan3A_989, %get3A_1683, %get3A_1684] : memref<2x40x256xf32, #tpu.memory_space<vmem>> -> memref<1x40x256xf32, #tpu.memory_space<vmem>>
        %get3A_1686 = tpu.memref_squeeze %get3A_1685 : memref<1x40x256xf32, #tpu.memory_space<vmem>> -> memref<40x256xf32, #tpu.memory_space<vmem>>
        %get3A_1687 = arith.index_cast %scan3A_1570 : i32 to index
        %get3A_1688 = arith.constant 64 : index
        %get3A_1689 = tpu.vector_load %get3A_1686[%get3A_1687, %get3A_1688] {strides = array<i32>} : memref<40x256xf32, #tpu.memory_space<vmem>>, vector<1x16xf32>,
        %get3A_1690 = vector.shape_cast %get3A_1689 : vector<1x16xf32> to vector<16xf32>
        %get3A_1691 = arith.constant 0 : i32
        %get3A_1692 = arith.constant 0 : i32
        %get3A_1693 = tpu.memref_slice %arg10[%scan3A_989, %get3A_1691, %get3A_1692] : memref<2x40x256xf32, #tpu.memory_space<vmem>> -> memref<1x40x256xf32, #tpu.memory_space<vmem>>
        %get3A_1694 = tpu.memref_squeeze %get3A_1693 : memref<1x40x256xf32, #tpu.memory_space<vmem>> -> memref<40x256xf32, #tpu.memory_space<vmem>>
        %get3A_1695 = arith.index_cast %scan3A_1570 : i32 to index
        %get3A_1696 = arith.constant 192 : index
        %get3A_1697 = tpu.vector_load %get3A_1694[%get3A_1695, %get3A_1696] {strides = array<i32>} : memref<40x256xf32, #tpu.memory_space<vmem>>, vector<1x16xf32>,
        %get3A_1698 = vector.shape_cast %get3A_1697 : vector<1x16xf32> to vector<16xf32>
        %mul3A_1699 = arith.mulf %get3A_1577, %get3A_1690 : vector<16xf32>
        %mul3A_1700 = arith.mulf %get3A_1587, %get3A_1698 : vector<16xf32>
        %add3A_1701 = arith.addf %mul3A_1699, %mul3A_1700 : vector<16xf32>
        %swap3A_1702 = arith.index_cast %scan3A_1570 : i32 to index
        %swap3A_1703 = arith.constant 64 : index
        %swap3A_1704 = tpu.vector_load %arg11[%swap3A_1702, %swap3A_1703] {strides = array<i32>} : memref<40x128xf32, #tpu.memory_space<vmem>>, vector<1x16xf32>,
        %swap3A_1705 = vector.shape_cast %swap3A_1704 : vector<1x16xf32> to vector<16xf32>
        %swap3A_1706 = vector.shape_cast %add3A_1701 : vector<16xf32> to vector<1x16xf32>
        tpu.vector_store %arg11[%swap3A_1702, %swap3A_1703], %swap3A_1706 {strides = array<i32>} : memref<40x128xf32, #tpu.memory_space<vmem>>, vector<1x16xf32>,
        %get3A_1707 = arith.constant 0 : i32
        %get3A_1708 = arith.constant 0 : i32
        %get3A_1709 = tpu.memref_slice %arg10[%scan3A_989, %get3A_1707, %get3A_1708] : memref<2x40x256xf32, #tpu.memory_space<vmem>> -> memref<1x40x256xf32, #tpu.memory_space<vmem>>
        %get3A_1710 = tpu.memref_squeeze %get3A_1709 : memref<1x40x256xf32, #tpu.memory_space<vmem>> -> memref<40x256xf32, #tpu.memory_space<vmem>>
        %get3A_1711 = arith.index_cast %scan3A_1570 : i32 to index
        %get3A_1712 = arith.constant 80 : index
        %get3A_1713 = tpu.vector_load %get3A_1710[%get3A_1711, %get3A_1712] {strides = array<i32>} : memref<40x256xf32, #tpu.memory_space<vmem>>, vector<1x16xf32>,
        %get3A_1714 = vector.shape_cast %get3A_1713 : vector<1x16xf32> to vector<16xf32>
        %get3A_1715 = arith.constant 0 : i32
        %get3A_1716 = arith.constant 0 : i32
        %get3A_1717 = tpu.memref_slice %arg10[%scan3A_989, %get3A_1715, %get3A_1716] : memref<2x40x256xf32, #tpu.memory_space<vmem>> -> memref<1x40x256xf32, #tpu.memory_space<vmem>>
        %get3A_1718 = tpu.memref_squeeze %get3A_1717 : memref<1x40x256xf32, #tpu.memory_space<vmem>> -> memref<40x256xf32, #tpu.memory_space<vmem>>
        %get3A_1719 = arith.index_cast %scan3A_1570 : i32 to index
        %get3A_1720 = arith.constant 208 : index
        %get3A_1721 = tpu.vector_load %get3A_1718[%get3A_1719, %get3A_1720] {strides = array<i32>} : memref<40x256xf32, #tpu.memory_space<vmem>>, vector<1x16xf32>,
        %get3A_1722 = vector.shape_cast %get3A_1721 : vector<1x16xf32> to vector<16xf32>
        %mul3A_1723 = arith.mulf %get3A_1577, %get3A_1714 : vector<16xf32>
        %mul3A_1724 = arith.mulf %get3A_1587, %get3A_1722 : vector<16xf32>
        %add3A_1725 = arith.addf %mul3A_1723, %mul3A_1724 : vector<16xf32>
        %swap3A_1726 = arith.index_cast %scan3A_1570 : i32 to index
        %swap3A_1727 = arith.constant 80 : index
        %swap3A_1728 = tpu.vector_load %arg11[%swap3A_1726, %swap3A_1727] {strides = array<i32>} : memref<40x128xf32, #tpu.memory_space<vmem>>, vector<1x16xf32>,
        %swap3A_1729 = vector.shape_cast %swap3A_1728 : vector<1x16xf32> to vector<16xf32>
        %swap3A_1730 = vector.shape_cast %add3A_1725 : vector<16xf32> to vector<1x16xf32>
        tpu.vector_store %arg11[%swap3A_1726, %swap3A_1727], %swap3A_1730 {strides = array<i32>} : memref<40x128xf32, #tpu.memory_space<vmem>>, vector<1x16xf32>,
        %get3A_1731 = arith.constant 0 : i32
        %get3A_1732 = arith.constant 0 : i32
        %get3A_1733 = tpu.memref_slice %arg10[%scan3A_989, %get3A_1731, %get3A_1732] : memref<2x40x256xf32, #tpu.memory_space<vmem>> -> memref<1x40x256xf32, #tpu.memory_space<vmem>>
        %get3A_1734 = tpu.memref_squeeze %get3A_1733 : memref<1x40x256xf32, #tpu.memory_space<vmem>> -> memref<40x256xf32, #tpu.memory_space<vmem>>
        %get3A_1735 = arith.index_cast %scan3A_1570 : i32 to index
        %get3A_1736 = arith.constant 96 : index
        %get3A_1737 = tpu.vector_load %get3A_1734[%get3A_1735, %get3A_1736] {strides = array<i32>} : memref<40x256xf32, #tpu.memory_space<vmem>>, vector<1x16xf32>,
        %get3A_1738 = vector.shape_cast %get3A_1737 : vector<1x16xf32> to vector<16xf32>
        %get3A_1739 = arith.constant 0 : i32
        %get3A_1740 = arith.constant 0 : i32
        %get3A_1741 = tpu.memref_slice %arg10[%scan3A_989, %get3A_1739, %get3A_1740] : memref<2x40x256xf32, #tpu.memory_space<vmem>> -> memref<1x40x256xf32, #tpu.memory_space<vmem>>
        %get3A_1742 = tpu.memref_squeeze %get3A_1741 : memref<1x40x256xf32, #tpu.memory_space<vmem>> -> memref<40x256xf32, #tpu.memory_space<vmem>>
        %get3A_1743 = arith.index_cast %scan3A_1570 : i32 to index
        %get3A_1744 = arith.constant 224 : index
        %get3A_1745 = tpu.vector_load %get3A_1742[%get3A_1743, %get3A_1744] {strides = array<i32>} : memref<40x256xf32, #tpu.memory_space<vmem>>, vector<1x16xf32>,
        %get3A_1746 = vector.shape_cast %get3A_1745 : vector<1x16xf32> to vector<16xf32>
        %mul3A_1747 = arith.mulf %get3A_1577, %get3A_1738 : vector<16xf32>
        %mul3A_1748 = arith.mulf %get3A_1587, %get3A_1746 : vector<16xf32>
        %add3A_1749 = arith.addf %mul3A_1747, %mul3A_1748 : vector<16xf32>
        %swap3A_1750 = arith.index_cast %scan3A_1570 : i32 to index
        %swap3A_1751 = arith.constant 96 : index
        %swap3A_1752 = tpu.vector_load %arg11[%swap3A_1750, %swap3A_1751] {strides = array<i32>} : memref<40x128xf32, #tpu.memory_space<vmem>>, vector<1x16xf32>,
        %swap3A_1753 = vector.shape_cast %swap3A_1752 : vector<1x16xf32> to vector<16xf32>
        %swap3A_1754 = vector.shape_cast %add3A_1749 : vector<16xf32> to vector<1x16xf32>
        tpu.vector_store %arg11[%swap3A_1750, %swap3A_1751], %swap3A_1754 {strides = array<i32>} : memref<40x128xf32, #tpu.memory_space<vmem>>, vector<1x16xf32>,
        %get3A_1755 = arith.constant 0 : i32
        %get3A_1756 = arith.constant 0 : i32
        %get3A_1757 = tpu.memref_slice %arg10[%scan3A_989, %get3A_1755, %get3A_1756] : memref<2x40x256xf32, #tpu.memory_space<vmem>> -> memref<1x40x256xf32, #tpu.memory_space<vmem>>
        %get3A_1758 = tpu.memref_squeeze %get3A_1757 : memref<1x40x256xf32, #tpu.memory_space<vmem>> -> memref<40x256xf32, #tpu.memory_space<vmem>>
        %get3A_1759 = arith.index_cast %scan3A_1570 : i32 to index
        %get3A_1760 = arith.constant 112 : index
        %get3A_1761 = tpu.vector_load %get3A_1758[%get3A_1759, %get3A_1760] {strides = array<i32>} : memref<40x256xf32, #tpu.memory_space<vmem>>, vector<1x16xf32>,
        %get3A_1762 = vector.shape_cast %get3A_1761 : vector<1x16xf32> to vector<16xf32>
        %get3A_1763 = arith.constant 0 : i32
        %get3A_1764 = arith.constant 0 : i32
        %get3A_1765 = tpu.memref_slice %arg10[%scan3A_989, %get3A_1763, %get3A_1764] : memref<2x40x256xf32, #tpu.memory_space<vmem>> -> memref<1x40x256xf32, #tpu.memory_space<vmem>>
        %get3A_1766 = tpu.memref_squeeze %get3A_1765 : memref<1x40x256xf32, #tpu.memory_space<vmem>> -> memref<40x256xf32, #tpu.memory_space<vmem>>
        %get3A_1767 = arith.index_cast %scan3A_1570 : i32 to index
        %get3A_1768 = arith.constant 240 : index
        %get3A_1769 = tpu.vector_load %get3A_1766[%get3A_1767, %get3A_1768] {strides = array<i32>} : memref<40x256xf32, #tpu.memory_space<vmem>>, vector<1x16xf32>,
        %get3A_1770 = vector.shape_cast %get3A_1769 : vector<1x16xf32> to vector<16xf32>
        %mul3A_1771 = arith.mulf %get3A_1577, %get3A_1762 : vector<16xf32>
        %mul3A_1772 = arith.mulf %get3A_1587, %get3A_1770 : vector<16xf32>
        %add3A_1773 = arith.addf %mul3A_1771, %mul3A_1772 : vector<16xf32>
        %swap3A_1774 = arith.index_cast %scan3A_1570 : i32 to index
        %swap3A_1775 = arith.constant 112 : index
        %swap3A_1776 = tpu.vector_load %arg11[%swap3A_1774, %swap3A_1775] {strides = array<i32>} : memref<40x128xf32, #tpu.memory_space<vmem>>, vector<1x16xf32>,
        %swap3A_1777 = vector.shape_cast %swap3A_1776 : vector<1x16xf32> to vector<16xf32>
        %swap3A_1778 = vector.shape_cast %add3A_1773 : vector<16xf32> to vector<1x16xf32>
        tpu.vector_store %arg11[%swap3A_1774, %swap3A_1775], %swap3A_1778 {strides = array<i32>} : memref<40x128xf32, #tpu.memory_space<vmem>>, vector<1x16xf32>,
      }
      %scan3A_994 = arith.constant 40 : i32
      %dma_start3A_995 = arith.constant 0 : i32
      %dma_start3A_996 = arith.constant 0 : i32
      %dma_start3A_997 = tpu.memref_slice %arg8[%dma_start3A_995, %dma_start3A_996] : memref<4x40xi32, #tpu.memory_space<vmem>> -> memref<1x40xi32, #tpu.memory_space<vmem>>
      %dma_start3A_998 = tpu.memref_squeeze %dma_start3A_997 : memref<1x40xi32, #tpu.memory_space<vmem>> -> memref<40xi32, #tpu.memory_space<vmem>>
      %dma_start3A_999 = arith.constant 0 : i32
      %dma_start3A_1000 = arith.constant 0 : i32
      %dma_start3A_1001 = tpu.memref_slice %arg12[%dma_start3A_999, %dma_start3A_1000] : memref<10240x128xf32, #tpu.memory_space<vmem_shared>> -> memref<10240x128xf32, #tpu.memory_space<vmem_shared>>
      tpu.enqueue_indirect_dma source(%arg11 : memref<40x128xf32, #tpu.memory_space<vmem>>) target(%dma_start3A_1001 : memref<10240x128xf32, #tpu.memory_space<vmem_shared>>) offsets(%dma_start3A_998 : memref<40xi32, #tpu.memory_space<vmem>>) semaphore(%arg15 : memref<!tpu.dma_semaphore, #tpu.memory_space<semaphore_mem>>) {add = true}
      %add3A_1002 = arith.constant 2 : i32
      %add3A_1003 = arith.addi %add3A_881, %add3A_1002 : i32
      %dma_start3A_1004 = arith.constant 0 : i32
      %dma_start3A_1005 = arith.constant 0 : i32
      %dma_start3A_1006 = tpu.memref_slice %arg7[%dma_start3A_1004, %dma_start3A_1005] : memref<2x40xi32, #tpu.memory_space<vmem>> -> memref<1x40xi32, #tpu.memory_space<vmem>>
      %dma_start3A_1007 = tpu.memref_squeeze %dma_start3A_1006 : memref<1x40xi32, #tpu.memory_space<vmem>> -> memref<40xi32, #tpu.memory_space<vmem>>
      %dma_start3A_1008 = arith.constant 0 : i32
      %dma_start3A_1009 = tpu.memref_slice %arg3[%add3A, %add3A_1003, %dma_start3A_1008] : memref<32x254x40xi32, #tpu.memory_space<hbm>> -> memref<1x1x40xi32, #tpu.memory_space<hbm>>
      %dma_start3A_1010 = tpu.memref_squeeze %dma_start3A_1009 : memref<1x1x40xi32, #tpu.memory_space<hbm>> -> memref<40xi32, #tpu.memory_space<hbm>>
      %dma_start3A_1011 = arith.constant 0 : i32
      %dma_start3A_1012 = tpu.memref_slice %arg7[%dma_start3A_1004, %dma_start3A_1011] : memref<2x40xi32, #tpu.memory_space<vmem>> -> memref<1x40xi32, #tpu.memory_space<vmem>>
      %dma_start3A_1013 = tpu.memref_squeeze %dma_start3A_1012 : memref<1x40xi32, #tpu.memory_space<vmem>> -> memref<40xi32, #tpu.memory_space<vmem>>
      %dma_start3A_1014 = arith.constant 0 : i32
      %dma_start3A_1015 = tpu.memref_slice %arg3[%add3A, %add3A_1003, %dma_start3A_1014] : memref<32x254x40xi32, #tpu.memory_space<hbm>> -> memref<1x1x40xi32, #tpu.memory_space<hbm>>
      %dma_start3A_1016 = tpu.memref_squeeze %dma_start3A_1015 : memref<1x1x40xi32, #tpu.memory_space<hbm>> -> memref<40xi32, #tpu.memory_space<hbm>>
      tpu.enqueue_dma source(%dma_start3A_1016 : memref<40xi32, #tpu.memory_space<hbm>>) target(%dma_start3A_1013 : memref<40xi32, #tpu.memory_space<vmem>>) target_semaphore(%arg14 : memref<!tpu.dma_semaphore, #tpu.memory_space<semaphore_mem>>)
      %add3A_1017 = arith.constant 2 : i32
      %add3A_1018 = arith.addi %add3A_881, %add3A_1017 : i32
      %dma_start3A_1019 = arith.constant 2 : i32
      %dma_start3A_1020 = arith.constant 0 : i32
      %dma_start3A_1021 = tpu.memref_slice %arg8[%dma_start3A_1019, %dma_start3A_1020] : memref<4x40xi32, #tpu.memory_space<vmem>> -> memref<1x40xi32, #tpu.memory_space<vmem>>
      %dma_start3A_1022 = tpu.memref_squeeze %dma_start3A_1021 : memref<1x40xi32, #tpu.memory_space<vmem>> -> memref<40xi32, #tpu.memory_space<vmem>>
      %dma_start3A_1023 = arith.constant 0 : i32
      %dma_start3A_1024 = tpu.memref_slice %arg4[%add3A, %add3A_1018, %dma_start3A_1023] : memref<32x254x40xi32, #tpu.memory_space<hbm>> -> memref<1x1x40xi32, #tpu.memory_space<hbm>>
      %dma_start3A_1025 = tpu.memref_squeeze %dma_start3A_1024 : memref<1x1x40xi32, #tpu.memory_space<hbm>> -> memref<40xi32, #tpu.memory_space<hbm>>
      %dma_start3A_1026 = arith.constant 0 : i32
      %dma_start3A_1027 = tpu.memref_slice %arg8[%dma_start3A_1019, %dma_start3A_1026] : memref<4x40xi32, #tpu.memory_space<vmem>> -> memref<1x40xi32, #tpu.memory_space<vmem>>
      %dma_start3A_1028 = tpu.memref_squeeze %dma_start3A_1027 : memref<1x40xi32, #tpu.memory_space<vmem>> -> memref<40xi32, #tpu.memory_space<vmem>>
      %dma_start3A_1029 = arith.constant 0 : i32
      %dma_start3A_1030 = tpu.memref_slice %arg4[%add3A, %add3A_1018, %dma_start3A_1029] : memref<32x254x40xi32, #tpu.memory_space<hbm>> -> memref<1x1x40xi32, #tpu.memory_space<hbm>>
      %dma_start3A_1031 = tpu.memref_squeeze %dma_start3A_1030 : memref<1x1x40xi32, #tpu.memory_space<hbm>> -> memref<40xi32, #tpu.memory_space<hbm>>
      tpu.enqueue_dma source(%dma_start3A_1031 : memref<40xi32, #tpu.memory_space<hbm>>) target(%dma_start3A_1028 : memref<40xi32, #tpu.memory_space<vmem>>) target_semaphore(%arg14 : memref<!tpu.dma_semaphore, #tpu.memory_space<semaphore_mem>>)
      %add3A_1032 = arith.constant 2 : i32
      %add3A_1033 = arith.addi %add3A_881, %add3A_1032 : i32
      %dma_start3A_1034 = arith.constant 0 : i32
      %dma_start3A_1035 = arith.constant 0 : i32
      %dma_start3A_1036 = arith.constant 0 : i32
      %dma_start3A_1037 = tpu.memref_slice %arg9[%dma_start3A_1034, %dma_start3A_1035, %dma_start3A_1036] : memref<2x80x16xf32, #tpu.memory_space<vmem>> -> memref<1x80x16xf32, #tpu.memory_space<vmem>>
      %dma_start3A_1038 = tpu.memref_squeeze %dma_start3A_1037 : memref<1x80x16xf32, #tpu.memory_space<vmem>> -> memref<80x16xf32, #tpu.memory_space<vmem>>
      %dma_start3A_1039 = arith.constant 0 : i32
      %dma_start3A_1040 = arith.constant 0 : i32
      %dma_start3A_1041 = tpu.memref_slice %arg5[%add3A, %add3A_1033, %dma_start3A_1039, %dma_start3A_1040] : memref<32x254x80x16xf32, #tpu.memory_space<hbm>> -> memref<1x1x80x16xf32, #tpu.memory_space<hbm>>
      %dma_start3A_1042 = tpu.memref_squeeze %dma_start3A_1041 : memref<1x1x80x16xf32, #tpu.memory_space<hbm>> -> memref<80x16xf32, #tpu.memory_space<hbm>>
      %dma_start3A_1043 = arith.constant 0 : i32
      %dma_start3A_1044 = arith.constant 0 : i32
      %dma_start3A_1045 = tpu.memref_slice %arg9[%dma_start3A_1034, %dma_start3A_1043, %dma_start3A_1044] : memref<2x80x16xf32, #tpu.memory_space<vmem>> -> memref<1x80x16xf32, #tpu.memory_space<vmem>>
      %dma_start3A_1046 = tpu.memref_squeeze %dma_start3A_1045 : memref<1x80x16xf32, #tpu.memory_space<vmem>> -> memref<80x16xf32, #tpu.memory_space<vmem>>
      %dma_start3A_1047 = arith.constant 0 : i32
      %dma_start3A_1048 = arith.constant 0 : i32
      %dma_start3A_1049 = tpu.memref_slice %arg5[%add3A, %add3A_1033, %dma_start3A_1047, %dma_start3A_1048] : memref<32x254x80x16xf32, #tpu.memory_space<hbm>> -> memref<1x1x80x16xf32, #tpu.memory_space<hbm>>
      %dma_start3A_1050 = tpu.memref_squeeze %dma_start3A_1049 : memref<1x1x80x16xf32, #tpu.memory_space<hbm>> -> memref<80x16xf32, #tpu.memory_space<hbm>>
      tpu.enqueue_dma source(%dma_start3A_1050 : memref<80x16xf32, #tpu.memory_space<hbm>>) target(%dma_start3A_1046 : memref<80x16xf32, #tpu.memory_space<vmem>>) target_semaphore(%arg14 : memref<!tpu.dma_semaphore, #tpu.memory_space<semaphore_mem>>)
      %mul3A_1051 = arith.constant 4 : i32
      %mul3A_1052 = arith.muli %mul3A_1051, %scan3A_877 : i32
      %add3A_1053 = arith.constant 1 : i32
      %add3A_1054 = arith.addi %mul3A_1052, %add3A_1053 : i32
      %add3A_1055 = arith.constant 1 : i32
      %add3A_1056 = arith.addi %add3A_1054, %add3A_1055 : i32
      %dma_wait3A_1057 = arith.constant 0 : i32
      %dma_wait3A_1058 = arith.constant 0 : i32
      %dma_wait3A_1059 = tpu.memref_slice %arg7[%dma_wait3A_1057, %dma_wait3A_1058] : memref<2x40xi32, #tpu.memory_space<vmem>> -> memref<1x40xi32, #tpu.memory_space<vmem>>
      %dma_wait3A_1060 = tpu.memref_squeeze %dma_wait3A_1059 : memref<1x40xi32, #tpu.memory_space<vmem>> -> memref<40xi32, #tpu.memory_space<vmem>>
      %dma_wait3A_1061 = arith.constant 0 : i32
      %dma_wait3A_1062 = tpu.memref_slice %arg3[%add3A, %add3A_1056, %dma_wait3A_1061] : memref<32x254x40xi32, #tpu.memory_space<hbm>> -> memref<1x1x40xi32, #tpu.memory_space<hbm>>
      %dma_wait3A_1063 = tpu.memref_squeeze %dma_wait3A_1062 : memref<1x1x40xi32, #tpu.memory_space<hbm>> -> memref<40xi32, #tpu.memory_space<hbm>>
      %dma_wait3A_1064 = arith.constant 0 : i32
      %dma_wait3A_1065 = tpu.memref_slice %arg7[%dma_wait3A_1057, %dma_wait3A_1064] : memref<2x40xi32, #tpu.memory_space<vmem>> -> memref<1x40xi32, #tpu.memory_space<vmem>>
      %dma_wait3A_1066 = tpu.memref_squeeze %dma_wait3A_1065 : memref<1x40xi32, #tpu.memory_space<vmem>> -> memref<40xi32, #tpu.memory_space<vmem>>
      %dma_wait3A_1067 = arith.constant 0 : i32
      %dma_wait3A_1068 = tpu.memref_slice %arg3[%add3A, %add3A_1056, %dma_wait3A_1067] : memref<32x254x40xi32, #tpu.memory_space<hbm>> -> memref<1x1x40xi32, #tpu.memory_space<hbm>>
      %dma_wait3A_1069 = tpu.memref_squeeze %dma_wait3A_1068 : memref<1x1x40xi32, #tpu.memory_space<hbm>> -> memref<40xi32, #tpu.memory_space<hbm>>
      tpu.wait_dma2 semaphore(%arg14 : memref<!tpu.dma_semaphore, #tpu.memory_space<semaphore_mem>>) src(%dma_wait3A_1069 : memref<40xi32, #tpu.memory_space<hbm>>) dst(%dma_wait3A_1066 : memref<40xi32, #tpu.memory_space<vmem>>)
      %add3A_1070 = arith.constant 1 : i32
      %add3A_1071 = arith.addi %add3A_1054, %add3A_1070 : i32
      %dma_wait3A_1072 = arith.constant 2 : i32
      %dma_wait3A_1073 = arith.constant 0 : i32
      %dma_wait3A_1074 = tpu.memref_slice %arg8[%dma_wait3A_1072, %dma_wait3A_1073] : memref<4x40xi32, #tpu.memory_space<vmem>> -> memref<1x40xi32, #tpu.memory_space<vmem>>
      %dma_wait3A_1075 = tpu.memref_squeeze %dma_wait3A_1074 : memref<1x40xi32, #tpu.memory_space<vmem>> -> memref<40xi32, #tpu.memory_space<vmem>>
      %dma_wait3A_1076 = arith.constant 0 : i32
      %dma_wait3A_1077 = tpu.memref_slice %arg4[%add3A, %add3A_1071, %dma_wait3A_1076] : memref<32x254x40xi32, #tpu.memory_space<hbm>> -> memref<1x1x40xi32, #tpu.memory_space<hbm>>
      %dma_wait3A_1078 = tpu.memref_squeeze %dma_wait3A_1077 : memref<1x1x40xi32, #tpu.memory_space<hbm>> -> memref<40xi32, #tpu.memory_space<hbm>>
      %dma_wait3A_1079 = arith.constant 0 : i32
      %dma_wait3A_1080 = tpu.memref_slice %arg8[%dma_wait3A_1072, %dma_wait3A_1079] : memref<4x40xi32, #tpu.memory_space<vmem>> -> memref<1x40xi32, #tpu.memory_space<vmem>>
      %dma_wait3A_1081 = tpu.memref_squeeze %dma_wait3A_1080 : memref<1x40xi32, #tpu.memory_space<vmem>> -> memref<40xi32, #tpu.memory_space<vmem>>
      %dma_wait3A_1082 = arith.constant 0 : i32
      %dma_wait3A_1083 = tpu.memref_slice %arg4[%add3A, %add3A_1071, %dma_wait3A_1082] : memref<32x254x40xi32, #tpu.memory_space<hbm>> -> memref<1x1x40xi32, #tpu.memory_space<hbm>>
      %dma_wait3A_1084 = tpu.memref_squeeze %dma_wait3A_1083 : memref<1x1x40xi32, #tpu.memory_space<hbm>> -> memref<40xi32, #tpu.memory_space<hbm>>
      tpu.wait_dma2 semaphore(%arg14 : memref<!tpu.dma_semaphore, #tpu.memory_space<semaphore_mem>>) src(%dma_wait3A_1084 : memref<40xi32, #tpu.memory_space<hbm>>) dst(%dma_wait3A_1081 : memref<40xi32, #tpu.memory_space<vmem>>)
      %add3A_1085 = arith.constant 1 : i32
      %add3A_1086 = arith.addi %add3A_1054, %add3A_1085 : i32
      %dma_wait3A_1087 = arith.constant 0 : i32
      %dma_wait3A_1088 = arith.constant 0 : i32
      %dma_wait3A_1089 = arith.constant 0 : i32
      %dma_wait3A_1090 = tpu.memref_slice %arg9[%dma_wait3A_1087, %dma_wait3A_1088, %dma_wait3A_1089] : memref<2x80x16xf32, #tpu.memory_space<vmem>> -> memref<1x80x16xf32, #tpu.memory_space<vmem>>
      %dma_wait3A_1091 = tpu.memref_squeeze %dma_wait3A_1090 : memref<1x80x16xf32, #tpu.memory_space<vmem>> -> memref<80x16xf32, #tpu.memory_space<vmem>>
      %dma_wait3A_1092 = arith.constant 0 : i32
      %dma_wait3A_1093 = arith.constant 0 : i32
      %dma_wait3A_1094 = tpu.memref_slice %arg5[%add3A, %add3A_1086, %dma_wait3A_1092, %dma_wait3A_1093] : memref<32x254x80x16xf32, #tpu.memory_space<hbm>> -> memref<1x1x80x16xf32, #tpu.memory_space<hbm>>
      %dma_wait3A_1095 = tpu.memref_squeeze %dma_wait3A_1094 : memref<1x1x80x16xf32, #tpu.memory_space<hbm>> -> memref<80x16xf32, #tpu.memory_space<hbm>>
      %dma_wait3A_1096 = arith.constant 0 : i32
      %dma_wait3A_1097 = arith.constant 0 : i32
      %dma_wait3A_1098 = tpu.memref_slice %arg9[%dma_wait3A_1087, %dma_wait3A_1096, %dma_wait3A_1097] : memref<2x80x16xf32, #tpu.memory_space<vmem>> -> memref<1x80x16xf32, #tpu.memory_space<vmem>>
      %dma_wait3A_1099 = tpu.memref_squeeze %dma_wait3A_1098 : memref<1x80x16xf32, #tpu.memory_space<vmem>> -> memref<80x16xf32, #tpu.memory_space<vmem>>
      %dma_wait3A_1100 = arith.constant 0 : i32
      %dma_wait3A_1101 = arith.constant 0 : i32
      %dma_wait3A_1102 = tpu.memref_slice %arg5[%add3A, %add3A_1086, %dma_wait3A_1100, %dma_wait3A_1101] : memref<32x254x80x16xf32, #tpu.memory_space<hbm>> -> memref<1x1x80x16xf32, #tpu.memory_space<hbm>>
      %dma_wait3A_1103 = tpu.memref_squeeze %dma_wait3A_1102 : memref<1x1x80x16xf32, #tpu.memory_space<hbm>> -> memref<80x16xf32, #tpu.memory_space<hbm>>
      tpu.wait_dma2 semaphore(%arg14 : memref<!tpu.dma_semaphore, #tpu.memory_space<semaphore_mem>>) src(%dma_wait3A_1103 : memref<80x16xf32, #tpu.memory_space<hbm>>) dst(%dma_wait3A_1099 : memref<80x16xf32, #tpu.memory_space<vmem>>)
      %dma_start3A_1104 = arith.constant 0 : i32
      %dma_start3A_1105 = arith.constant 0 : i32
      %dma_start3A_1106 = arith.constant 0 : i32
      %dma_start3A_1107 = arith.constant 0 : i32
      %dma_start3A_1108 = tpu.memref_slice %arg10[%dma_start3A_1105, %dma_start3A_1106, %dma_start3A_1107] : memref<2x40x256xf32, #tpu.memory_space<vmem>> -> memref<1x24x256xf32, #tpu.memory_space<vmem>>
      %dma_start3A_1109 = tpu.memref_squeeze %dma_start3A_1108 : memref<1x24x256xf32, #tpu.memory_space<vmem>> -> memref<24x256xf32, #tpu.memory_space<vmem>>
      %dma_start3A_1110 = arith.constant 0 : i32
      %dma_start3A_1111 = tpu.memref_slice %arg7[%dma_start3A_1104, %dma_start3A_1110] : memref<2x40xi32, #tpu.memory_space<vmem>> -> memref<1x24xi32, #tpu.memory_space<vmem>>
      %dma_start3A_1112 = tpu.memref_squeeze %dma_start3A_1111 : memref<1x24xi32, #tpu.memory_space<vmem>> -> memref<24xi32, #tpu.memory_space<vmem>>
      %dma_start3A_1113 = arith.constant 0 : i32
      %dma_start3A_1114 = arith.constant 0 : i32
      %dma_start3A_1115 = tpu.memref_slice %arg2[%dma_start3A_1113, %dma_start3A_1114] : memref<10000x256xf32, #tpu.memory_space<hbm>> -> memref<10000x256xf32, #tpu.memory_space<hbm>>
      tpu.enqueue_indirect_dma source(%dma_start3A_1115 : memref<10000x256xf32, #tpu.memory_space<hbm>>) target(%dma_start3A_1109 : memref<24x256xf32, #tpu.memory_space<vmem>>) offsets(%dma_start3A_1112 : memref<24xi32, #tpu.memory_space<vmem>>) semaphore(%arg13 : memref<!tpu.dma_semaphore, #tpu.memory_space<semaphore_mem>>)
      %dma_start3A_1116 = arith.constant 0 : i32
      %dma_start3A_1117 = arith.constant 0 : i32
      %dma_start3A_1118 = arith.constant 24 : i32
      %dma_start3A_1119 = arith.constant 0 : i32
      %dma_start3A_1120 = tpu.memref_slice %arg10[%dma_start3A_1117, %dma_start3A_1118, %dma_start3A_1119] : memref<2x40x256xf32, #tpu.memory_space<vmem>> -> memref<1x16x256xf32, #tpu.memory_space<vmem>>
      %dma_start3A_1121 = tpu.memref_squeeze %dma_start3A_1120 : memref<1x16x256xf32, #tpu.memory_space<vmem>> -> memref<16x256xf32, #tpu.memory_space<vmem>>
      %dma_start3A_1122 = arith.constant 24 : i32
      %dma_start3A_1123 = tpu.memref_slice %arg7[%dma_start3A_1116, %dma_start3A_1122] : memref<2x40xi32, #tpu.memory_space<vmem>> -> memref<1x16xi32, #tpu.memory_space<vmem>>
      %dma_start3A_1124 = tpu.memref_squeeze %dma_start3A_1123 : memref<1x16xi32, #tpu.memory_space<vmem>> -> memref<16xi32, #tpu.memory_space<vmem>>
      %dma_start3A_1125 = arith.constant 0 : i32
      %dma_start3A_1126 = arith.constant 0 : i32
      %dma_start3A_1127 = tpu.memref_slice %arg2[%dma_start3A_1125, %dma_start3A_1126] : memref<10000x256xf32, #tpu.memory_space<hbm>> -> memref<10000x256xf32, #tpu.memory_space<hbm>>
      tpu.enqueue_indirect_dma source(%dma_start3A_1127 : memref<10000x256xf32, #tpu.memory_space<hbm>>) target(%dma_start3A_1121 : memref<16x256xf32, #tpu.memory_space<vmem>>) offsets(%dma_start3A_1124 : memref<16xi32, #tpu.memory_space<vmem>>) semaphore(%arg13 : memref<!tpu.dma_semaphore, #tpu.memory_space<semaphore_mem>>)
      %dma_wait3A_1128 = arith.constant 1 : i32
      %dma_wait3A_1129 = arith.constant 1 : i32
      %dma_wait3A_1130 = arith.constant 0 : i32
      %dma_wait3A_1131 = arith.constant 0 : i32
      %dma_wait3A_1132 = tpu.memref_slice %arg10[%dma_wait3A_1129, %dma_wait3A_1130, %dma_wait3A_1131] : memref<2x40x256xf32, #tpu.memory_space<vmem>> -> memref<1x24x256xf32, #tpu.memory_space<vmem>>
      %dma_wait3A_1133 = tpu.memref_squeeze %dma_wait3A_1132 : memref<1x24x256xf32, #tpu.memory_space<vmem>> -> memref<24x256xf32, #tpu.memory_space<vmem>>
      %dma_wait3A_1134 = arith.constant 0 : i32
      %dma_wait3A_1135 = tpu.memref_slice %arg7[%dma_wait3A_1128, %dma_wait3A_1134] : memref<2x40xi32, #tpu.memory_space<vmem>> -> memref<1x24xi32, #tpu.memory_space<vmem>>
      %dma_wait3A_1136 = tpu.memref_squeeze %dma_wait3A_1135 : memref<1x24xi32, #tpu.memory_space<vmem>> -> memref<24xi32, #tpu.memory_space<vmem>>
      %dma_wait3A_1137 = arith.constant 0 : i32
      %dma_wait3A_1138 = arith.constant 0 : i32
      %dma_wait3A_1139 = tpu.memref_slice %arg2[%dma_wait3A_1137, %dma_wait3A_1138] : memref<10000x256xf32, #tpu.memory_space<hbm>> -> memref<10000x256xf32, #tpu.memory_space<hbm>>
      tpu.wait_indirect_dma semaphore(%arg13 : memref<!tpu.dma_semaphore, #tpu.memory_space<semaphore_mem>>) src(%dma_wait3A_1139 : memref<10000x256xf32, #tpu.memory_space<hbm>>) dst(%dma_wait3A_1133 : memref<24x256xf32, #tpu.memory_space<vmem>>)
      %dma_wait3A_1140 = arith.constant 1 : i32
      %dma_wait3A_1141 = arith.constant 1 : i32
      %dma_wait3A_1142 = arith.constant 24 : i32
      %dma_wait3A_1143 = arith.constant 0 : i32
      %dma_wait3A_1144 = tpu.memref_slice %arg10[%dma_wait3A_1141, %dma_wait3A_1142, %dma_wait3A_1143] : memref<2x40x256xf32, #tpu.memory_space<vmem>> -> memref<1x16x256xf32, #tpu.memory_space<vmem>>
      %dma_wait3A_1145 = tpu.memref_squeeze %dma_wait3A_1144 : memref<1x16x256xf32, #tpu.memory_space<vmem>> -> memref<16x256xf32, #tpu.memory_space<vmem>>
      %dma_wait3A_1146 = arith.constant 24 : i32
      %dma_wait3A_1147 = tpu.memref_slice %arg7[%dma_wait3A_1140, %dma_wait3A_1146] : memref<2x40xi32, #tpu.memory_space<vmem>> -> memref<1x16xi32, #tpu.memory_space<vmem>>
      %dma_wait3A_1148 = tpu.memref_squeeze %dma_wait3A_1147 : memref<1x16xi32, #tpu.memory_space<vmem>> -> memref<16xi32, #tpu.memory_space<vmem>>
      %dma_wait3A_1149 = arith.constant 0 : i32
      %dma_wait3A_1150 = arith.constant 0 : i32
      %dma_wait3A_1151 = tpu.memref_slice %arg2[%dma_wait3A_1149, %dma_wait3A_1150] : memref<10000x256xf32, #tpu.memory_space<hbm>> -> memref<10000x256xf32, #tpu.memory_space<hbm>>
      tpu.wait_indirect_dma semaphore(%arg13 : memref<!tpu.dma_semaphore, #tpu.memory_space<semaphore_mem>>) src(%dma_wait3A_1151 : memref<10000x256xf32, #tpu.memory_space<hbm>>) dst(%dma_wait3A_1145 : memref<16x256xf32, #tpu.memory_space<vmem>>)
      %dma_wait3A_1152 = arith.constant 0 : i32
      %dma_wait3A_1153 = arith.constant 0 : i32
      %dma_wait3A_1154 = tpu.memref_slice %arg6[%arg0, %dma_wait3A_1152, %dma_wait3A_1153] : memref<2x10240x128xf32, #tpu.memory_space<hbm>> -> memref<1x40x128xf32, #tpu.memory_space<hbm>>
      %dma_wait3A_1155 = tpu.memref_squeeze %dma_wait3A_1154 : memref<1x40x128xf32, #tpu.memory_space<hbm>> -> memref<40x128xf32, #tpu.memory_space<hbm>>
      %dma_wait3A_1156 = arith.constant 0 : i32
      %dma_wait3A_1157 = arith.constant 0 : i32
      %dma_wait3A_1158 = tpu.memref_slice %arg6[%arg0, %dma_wait3A_1156, %dma_wait3A_1157] : memref<2x10240x128xf32, #tpu.memory_space<hbm>> -> memref<1x40x128xf32, #tpu.memory_space<hbm>>
      %dma_wait3A_1159 = tpu.memref_squeeze %dma_wait3A_1158 : memref<1x40x128xf32, #tpu.memory_space<hbm>> -> memref<40x128xf32, #tpu.memory_space<hbm>>
      tpu.wait_dma2 semaphore(%arg15 : memref<!tpu.dma_semaphore, #tpu.memory_space<semaphore_mem>>) src(%dma_wait3A_1159 : memref<40x128xf32, #tpu.memory_space<hbm>>) dst(%arg11 : memref<40x128xf32, #tpu.memory_space<vmem>>)
      %scan3A_1160 = arith.constant 0 : i32
      %scan3A_1161 = arith.constant 1 : i32
      %scan3A_1162 = arith.constant 1 : i32
      %scan3A_1163 = arith.constant 0 : i32
      %scan3A_1164 = arith.constant 40 : i32
      %scan3A_1165 = arith.addi %scan3A_1163, %scan3A_1164 : i32
      %scan3A_1166 = arith.constant 1 : i32
      scf.for %scan3A_1570 = %scan3A_1163 to %scan3A_1165 step %scan3A_1166  : i32 {
        %get3A = arith.constant 0 : i32
        %get3A_1571 = arith.constant 0 : i32
        %get3A_1572 = tpu.memref_slice %arg9[%scan3A_1161, %get3A, %get3A_1571] : memref<2x80x16xf32, #tpu.memory_space<vmem>> -> memref<1x80x16xf32, #tpu.memory_space<vmem>>
        %get3A_1573 = tpu.memref_squeeze %get3A_1572 : memref<1x80x16xf32, #tpu.memory_space<vmem>> -> memref<80x16xf32, #tpu.memory_space<vmem>>
        %get3A_1574 = arith.index_cast %scan3A_1570 : i32 to index
        %get3A_1575 = arith.constant 0 : index
        %get3A_1576 = tpu.vector_load %get3A_1573[%get3A_1574, %get3A_1575] {strides = array<i32>} : memref<80x16xf32, #tpu.memory_space<vmem>>, vector<1x16xf32>,
        %get3A_1577 = vector.shape_cast %get3A_1576 : vector<1x16xf32> to vector<16xf32>
        %add3A_1578 = arith.constant 40 : i32
        %add3A_1579 = arith.addi %add3A_1578, %scan3A_1570 : i32
        %get3A_1580 = arith.constant 0 : i32
        %get3A_1581 = arith.constant 0 : i32
        %get3A_1582 = tpu.memref_slice %arg9[%scan3A_1161, %get3A_1580, %get3A_1581] : memref<2x80x16xf32, #tpu.memory_space<vmem>> -> memref<1x80x16xf32, #tpu.memory_space<vmem>>
        %get3A_1583 = tpu.memref_squeeze %get3A_1582 : memref<1x80x16xf32, #tpu.memory_space<vmem>> -> memref<80x16xf32, #tpu.memory_space<vmem>>
        %get3A_1584 = arith.index_cast %add3A_1579 : i32 to index
        %get3A_1585 = arith.constant 0 : index
        %get3A_1586 = tpu.vector_load %get3A_1583[%get3A_1584, %get3A_1585] {strides = array<i32>} : memref<80x16xf32, #tpu.memory_space<vmem>>, vector<1x16xf32>,
        %get3A_1587 = vector.shape_cast %get3A_1586 : vector<1x16xf32> to vector<16xf32>
        %get3A_1588 = arith.constant 0 : i32
        %get3A_1589 = arith.constant 0 : i32
        %get3A_1590 = tpu.memref_slice %arg10[%scan3A_1162, %get3A_1588, %get3A_1589] : memref<2x40x256xf32, #tpu.memory_space<vmem>> -> memref<1x40x256xf32, #tpu.memory_space<vmem>>
        %get3A_1591 = tpu.memref_squeeze %get3A_1590 : memref<1x40x256xf32, #tpu.memory_space<vmem>> -> memref<40x256xf32, #tpu.memory_space<vmem>>
        %get3A_1592 = arith.index_cast %scan3A_1570 : i32 to index
        %get3A_1593 = arith.constant 0 : index
        %get3A_1594 = tpu.vector_load %get3A_1591[%get3A_1592, %get3A_1593] {strides = array<i32>} : memref<40x256xf32, #tpu.memory_space<vmem>>, vector<1x16xf32>,
        %get3A_1595 = vector.shape_cast %get3A_1594 : vector<1x16xf32> to vector<16xf32>
        %get3A_1596 = arith.constant 0 : i32
        %get3A_1597 = arith.constant 0 : i32
        %get3A_1598 = tpu.memref_slice %arg10[%scan3A_1162, %get3A_1596, %get3A_1597] : memref<2x40x256xf32, #tpu.memory_space<vmem>> -> memref<1x40x256xf32, #tpu.memory_space<vmem>>
        %get3A_1599 = tpu.memref_squeeze %get3A_1598 : memref<1x40x256xf32, #tpu.memory_space<vmem>> -> memref<40x256xf32, #tpu.memory_space<vmem>>
        %get3A_1600 = arith.index_cast %scan3A_1570 : i32 to index
        %get3A_1601 = arith.constant 128 : index
        %get3A_1602 = tpu.vector_load %get3A_1599[%get3A_1600, %get3A_1601] {strides = array<i32>} : memref<40x256xf32, #tpu.memory_space<vmem>>, vector<1x16xf32>,
        %get3A_1603 = vector.shape_cast %get3A_1602 : vector<1x16xf32> to vector<16xf32>
        %mul3A_1604 = arith.mulf %get3A_1577, %get3A_1595 : vector<16xf32>
        %mul3A_1605 = arith.mulf %get3A_1587, %get3A_1603 : vector<16xf32>
        %add3A_1606 = arith.addf %mul3A_1604, %mul3A_1605 : vector<16xf32>
        %swap3A = arith.index_cast %scan3A_1570 : i32 to index
        %swap3A_1607 = arith.constant 0 : index
        %swap3A_1608 = tpu.vector_load %arg11[%swap3A, %swap3A_1607] {strides = array<i32>} : memref<40x128xf32, #tpu.memory_space<vmem>>, vector<1x16xf32>,
        %swap3A_1609 = vector.shape_cast %swap3A_1608 : vector<1x16xf32> to vector<16xf32>
        %swap3A_1610 = vector.shape_cast %add3A_1606 : vector<16xf32> to vector<1x16xf32>
        tpu.vector_store %arg11[%swap3A, %swap3A_1607], %swap3A_1610 {strides = array<i32>} : memref<40x128xf32, #tpu.memory_space<vmem>>, vector<1x16xf32>,
        %get3A_1611 = arith.constant 0 : i32
        %get3A_1612 = arith.constant 0 : i32
        %get3A_1613 = tpu.memref_slice %arg10[%scan3A_1162, %get3A_1611, %get3A_1612] : memref<2x40x256xf32, #tpu.memory_space<vmem>> -> memref<1x40x256xf32, #tpu.memory_space<vmem>>
        %get3A_1614 = tpu.memref_squeeze %get3A_1613 : memref<1x40x256xf32, #tpu.memory_space<vmem>> -> memref<40x256xf32, #tpu.memory_space<vmem>>
        %get3A_1615 = arith.index_cast %scan3A_1570 : i32 to index
        %get3A_1616 = arith.constant 16 : index
        %get3A_1617 = tpu.vector_load %get3A_1614[%get3A_1615, %get3A_1616] {strides = array<i32>} : memref<40x256xf32, #tpu.memory_space<vmem>>, vector<1x16xf32>,
        %get3A_1618 = vector.shape_cast %get3A_1617 : vector<1x16xf32> to vector<16xf32>
        %get3A_1619 = arith.constant 0 : i32
        %get3A_1620 = arith.constant 0 : i32
        %get3A_1621 = tpu.memref_slice %arg10[%scan3A_1162, %get3A_1619, %get3A_1620] : memref<2x40x256xf32, #tpu.memory_space<vmem>> -> memref<1x40x256xf32, #tpu.memory_space<vmem>>
        %get3A_1622 = tpu.memref_squeeze %get3A_1621 : memref<1x40x256xf32, #tpu.memory_space<vmem>> -> memref<40x256xf32, #tpu.memory_space<vmem>>
        %get3A_1623 = arith.index_cast %scan3A_1570 : i32 to index
        %get3A_1624 = arith.constant 144 : index
        %get3A_1625 = tpu.vector_load %get3A_1622[%get3A_1623, %get3A_1624] {strides = array<i32>} : memref<40x256xf32, #tpu.memory_space<vmem>>, vector<1x16xf32>,
        %get3A_1626 = vector.shape_cast %get3A_1625 : vector<1x16xf32> to vector<16xf32>
        %mul3A_1627 = arith.mulf %get3A_1577, %get3A_1618 : vector<16xf32>
        %mul3A_1628 = arith.mulf %get3A_1587, %get3A_1626 : vector<16xf32>
        %add3A_1629 = arith.addf %mul3A_1627, %mul3A_1628 : vector<16xf32>
        %swap3A_1630 = arith.index_cast %scan3A_1570 : i32 to index
        %swap3A_1631 = arith.constant 16 : index
        %swap3A_1632 = tpu.vector_load %arg11[%swap3A_1630, %swap3A_1631] {strides = array<i32>} : memref<40x128xf32, #tpu.memory_space<vmem>>, vector<1x16xf32>,
        %swap3A_1633 = vector.shape_cast %swap3A_1632 : vector<1x16xf32> to vector<16xf32>
        %swap3A_1634 = vector.shape_cast %add3A_1629 : vector<16xf32> to vector<1x16xf32>
        tpu.vector_store %arg11[%swap3A_1630, %swap3A_1631], %swap3A_1634 {strides = array<i32>} : memref<40x128xf32, #tpu.memory_space<vmem>>, vector<1x16xf32>,
        %get3A_1635 = arith.constant 0 : i32
        %get3A_1636 = arith.constant 0 : i32
        %get3A_1637 = tpu.memref_slice %arg10[%scan3A_1162, %get3A_1635, %get3A_1636] : memref<2x40x256xf32, #tpu.memory_space<vmem>> -> memref<1x40x256xf32, #tpu.memory_space<vmem>>
        %get3A_1638 = tpu.memref_squeeze %get3A_1637 : memref<1x40x256xf32, #tpu.memory_space<vmem>> -> memref<40x256xf32, #tpu.memory_space<vmem>>
        %get3A_1639 = arith.index_cast %scan3A_1570 : i32 to index
        %get3A_1640 = arith.constant 32 : index
        %get3A_1641 = tpu.vector_load %get3A_1638[%get3A_1639, %get3A_1640] {strides = array<i32>} : memref<40x256xf32, #tpu.memory_space<vmem>>, vector<1x16xf32>,
        %get3A_1642 = vector.shape_cast %get3A_1641 : vector<1x16xf32> to vector<16xf32>
        %get3A_1643 = arith.constant 0 : i32
        %get3A_1644 = arith.constant 0 : i32
        %get3A_1645 = tpu.memref_slice %arg10[%scan3A_1162, %get3A_1643, %get3A_1644] : memref<2x40x256xf32, #tpu.memory_space<vmem>> -> memref<1x40x256xf32, #tpu.memory_space<vmem>>
        %get3A_1646 = tpu.memref_squeeze %get3A_1645 : memref<1x40x256xf32, #tpu.memory_space<vmem>> -> memref<40x256xf32, #tpu.memory_space<vmem>>
        %get3A_1647 = arith.index_cast %scan3A_1570 : i32 to index
        %get3A_1648 = arith.constant 160 : index
        %get3A_1649 = tpu.vector_load %get3A_1646[%get3A_1647, %get3A_1648] {strides = array<i32>} : memref<40x256xf32, #tpu.memory_space<vmem>>, vector<1x16xf32>,
        %get3A_1650 = vector.shape_cast %get3A_1649 : vector<1x16xf32> to vector<16xf32>
        %mul3A_1651 = arith.mulf %get3A_1577, %get3A_1642 : vector<16xf32>
        %mul3A_1652 = arith.mulf %get3A_1587, %get3A_1650 : vector<16xf32>
        %add3A_1653 = arith.addf %mul3A_1651, %mul3A_1652 : vector<16xf32>
        %swap3A_1654 = arith.index_cast %scan3A_1570 : i32 to index
        %swap3A_1655 = arith.constant 32 : index
        %swap3A_1656 = tpu.vector_load %arg11[%swap3A_1654, %swap3A_1655] {strides = array<i32>} : memref<40x128xf32, #tpu.memory_space<vmem>>, vector<1x16xf32>,
        %swap3A_1657 = vector.shape_cast %swap3A_1656 : vector<1x16xf32> to vector<16xf32>
        %swap3A_1658 = vector.shape_cast %add3A_1653 : vector<16xf32> to vector<1x16xf32>
        tpu.vector_store %arg11[%swap3A_1654, %swap3A_1655], %swap3A_1658 {strides = array<i32>} : memref<40x128xf32, #tpu.memory_space<vmem>>, vector<1x16xf32>,
        %get3A_1659 = arith.constant 0 : i32
        %get3A_1660 = arith.constant 0 : i32
        %get3A_1661 = tpu.memref_slice %arg10[%scan3A_1162, %get3A_1659, %get3A_1660] : memref<2x40x256xf32, #tpu.memory_space<vmem>> -> memref<1x40x256xf32, #tpu.memory_space<vmem>>
        %get3A_1662 = tpu.memref_squeeze %get3A_1661 : memref<1x40x256xf32, #tpu.memory_space<vmem>> -> memref<40x256xf32, #tpu.memory_space<vmem>>
        %get3A_1663 = arith.index_cast %scan3A_1570 : i32 to index
        %get3A_1664 = arith.constant 48 : index
        %get3A_1665 = tpu.vector_load %get3A_1662[%get3A_1663, %get3A_1664] {strides = array<i32>} : memref<40x256xf32, #tpu.memory_space<vmem>>, vector<1x16xf32>,
        %get3A_1666 = vector.shape_cast %get3A_1665 : vector<1x16xf32> to vector<16xf32>
        %get3A_1667 = arith.constant 0 : i32
        %get3A_1668 = arith.constant 0 : i32
        %get3A_1669 = tpu.memref_slice %arg10[%scan3A_1162, %get3A_1667, %get3A_1668] : memref<2x40x256xf32, #tpu.memory_space<vmem>> -> memref<1x40x256xf32, #tpu.memory_space<vmem>>
        %get3A_1670 = tpu.memref_squeeze %get3A_1669 : memref<1x40x256xf32, #tpu.memory_space<vmem>> -> memref<40x256xf32, #tpu.memory_space<vmem>>
        %get3A_1671 = arith.index_cast %scan3A_1570 : i32 to index
        %get3A_1672 = arith.constant 176 : index
        %get3A_1673 = tpu.vector_load %get3A_1670[%get3A_1671, %get3A_1672] {strides = array<i32>} : memref<40x256xf32, #tpu.memory_space<vmem>>, vector<1x16xf32>,
        %get3A_1674 = vector.shape_cast %get3A_1673 : vector<1x16xf32> to vector<16xf32>
        %mul3A_1675 = arith.mulf %get3A_1577, %get3A_1666 : vector<16xf32>
        %mul3A_1676 = arith.mulf %get3A_1587, %get3A_1674 : vector<16xf32>
        %add3A_1677 = arith.addf %mul3A_1675, %mul3A_1676 : vector<16xf32>
        %swap3A_1678 = arith.index_cast %scan3A_1570 : i32 to index
        %swap3A_1679 = arith.constant 48 : index
        %swap3A_1680 = tpu.vector_load %arg11[%swap3A_1678, %swap3A_1679] {strides = array<i32>} : memref<40x128xf32, #tpu.memory_space<vmem>>, vector<1x16xf32>,
        %swap3A_1681 = vector.shape_cast %swap3A_1680 : vector<1x16xf32> to vector<16xf32>
        %swap3A_1682 = vector.shape_cast %add3A_1677 : vector<16xf32> to vector<1x16xf32>
        tpu.vector_store %arg11[%swap3A_1678, %swap3A_1679], %swap3A_1682 {strides = array<i32>} : memref<40x128xf32, #tpu.memory_space<vmem>>, vector<1x16xf32>,
        %get3A_1683 = arith.constant 0 : i32
        %get3A_1684 = arith.constant 0 : i32
        %get3A_1685 = tpu.memref_slice %arg10[%scan3A_1162, %get3A_1683, %get3A_1684] : memref<2x40x256xf32, #tpu.memory_space<vmem>> -> memref<1x40x256xf32, #tpu.memory_space<vmem>>
        %get3A_1686 = tpu.memref_squeeze %get3A_1685 : memref<1x40x256xf32, #tpu.memory_space<vmem>> -> memref<40x256xf32, #tpu.memory_space<vmem>>
        %get3A_1687 = arith.index_cast %scan3A_1570 : i32 to index
        %get3A_1688 = arith.constant 64 : index
        %get3A_1689 = tpu.vector_load %get3A_1686[%get3A_1687, %get3A_1688] {strides = array<i32>} : memref<40x256xf32, #tpu.memory_space<vmem>>, vector<1x16xf32>,
        %get3A_1690 = vector.shape_cast %get3A_1689 : vector<1x16xf32> to vector<16xf32>
        %get3A_1691 = arith.constant 0 : i32
        %get3A_1692 = arith.constant 0 : i32
        %get3A_1693 = tpu.memref_slice %arg10[%scan3A_1162, %get3A_1691, %get3A_1692] : memref<2x40x256xf32, #tpu.memory_space<vmem>> -> memref<1x40x256xf32, #tpu.memory_space<vmem>>
        %get3A_1694 = tpu.memref_squeeze %get3A_1693 : memref<1x40x256xf32, #tpu.memory_space<vmem>> -> memref<40x256xf32, #tpu.memory_space<vmem>>
        %get3A_1695 = arith.index_cast %scan3A_1570 : i32 to index
        %get3A_1696 = arith.constant 192 : index
        %get3A_1697 = tpu.vector_load %get3A_1694[%get3A_1695, %get3A_1696] {strides = array<i32>} : memref<40x256xf32, #tpu.memory_space<vmem>>, vector<1x16xf32>,
        %get3A_1698 = vector.shape_cast %get3A_1697 : vector<1x16xf32> to vector<16xf32>
        %mul3A_1699 = arith.mulf %get3A_1577, %get3A_1690 : vector<16xf32>
        %mul3A_1700 = arith.mulf %get3A_1587, %get3A_1698 : vector<16xf32>
        %add3A_1701 = arith.addf %mul3A_1699, %mul3A_1700 : vector<16xf32>
        %swap3A_1702 = arith.index_cast %scan3A_1570 : i32 to index
        %swap3A_1703 = arith.constant 64 : index
        %swap3A_1704 = tpu.vector_load %arg11[%swap3A_1702, %swap3A_1703] {strides = array<i32>} : memref<40x128xf32, #tpu.memory_space<vmem>>, vector<1x16xf32>,
        %swap3A_1705 = vector.shape_cast %swap3A_1704 : vector<1x16xf32> to vector<16xf32>
        %swap3A_1706 = vector.shape_cast %add3A_1701 : vector<16xf32> to vector<1x16xf32>
        tpu.vector_store %arg11[%swap3A_1702, %swap3A_1703], %swap3A_1706 {strides = array<i32>} : memref<40x128xf32, #tpu.memory_space<vmem>>, vector<1x16xf32>,
        %get3A_1707 = arith.constant 0 : i32
        %get3A_1708 = arith.constant 0 : i32
        %get3A_1709 = tpu.memref_slice %arg10[%scan3A_1162, %get3A_1707, %get3A_1708] : memref<2x40x256xf32, #tpu.memory_space<vmem>> -> memref<1x40x256xf32, #tpu.memory_space<vmem>>
        %get3A_1710 = tpu.memref_squeeze %get3A_1709 : memref<1x40x256xf32, #tpu.memory_space<vmem>> -> memref<40x256xf32, #tpu.memory_space<vmem>>
        %get3A_1711 = arith.index_cast %scan3A_1570 : i32 to index
        %get3A_1712 = arith.constant 80 : index
        %get3A_1713 = tpu.vector_load %get3A_1710[%get3A_1711, %get3A_1712] {strides = array<i32>} : memref<40x256xf32, #tpu.memory_space<vmem>>, vector<1x16xf32>,
        %get3A_1714 = vector.shape_cast %get3A_1713 : vector<1x16xf32> to vector<16xf32>
        %get3A_1715 = arith.constant 0 : i32
        %get3A_1716 = arith.constant 0 : i32
        %get3A_1717 = tpu.memref_slice %arg10[%scan3A_1162, %get3A_1715, %get3A_1716] : memref<2x40x256xf32, #tpu.memory_space<vmem>> -> memref<1x40x256xf32, #tpu.memory_space<vmem>>
        %get3A_1718 = tpu.memref_squeeze %get3A_1717 : memref<1x40x256xf32, #tpu.memory_space<vmem>> -> memref<40x256xf32, #tpu.memory_space<vmem>>
        %get3A_1719 = arith.index_cast %scan3A_1570 : i32 to index
        %get3A_1720 = arith.constant 208 : index
        %get3A_1721 = tpu.vector_load %get3A_1718[%get3A_1719, %get3A_1720] {strides = array<i32>} : memref<40x256xf32, #tpu.memory_space<vmem>>, vector<1x16xf32>,
        %get3A_1722 = vector.shape_cast %get3A_1721 : vector<1x16xf32> to vector<16xf32>
        %mul3A_1723 = arith.mulf %get3A_1577, %get3A_1714 : vector<16xf32>
        %mul3A_1724 = arith.mulf %get3A_1587, %get3A_1722 : vector<16xf32>
        %add3A_1725 = arith.addf %mul3A_1723, %mul3A_1724 : vector<16xf32>
        %swap3A_1726 = arith.index_cast %scan3A_1570 : i32 to index
        %swap3A_1727 = arith.constant 80 : index
        %swap3A_1728 = tpu.vector_load %arg11[%swap3A_1726, %swap3A_1727] {strides = array<i32>} : memref<40x128xf32, #tpu.memory_space<vmem>>, vector<1x16xf32>,
        %swap3A_1729 = vector.shape_cast %swap3A_1728 : vector<1x16xf32> to vector<16xf32>
        %swap3A_1730 = vector.shape_cast %add3A_1725 : vector<16xf32> to vector<1x16xf32>
        tpu.vector_store %arg11[%swap3A_1726, %swap3A_1727], %swap3A_1730 {strides = array<i32>} : memref<40x128xf32, #tpu.memory_space<vmem>>, vector<1x16xf32>,
        %get3A_1731 = arith.constant 0 : i32
        %get3A_1732 = arith.constant 0 : i32
        %get3A_1733 = tpu.memref_slice %arg10[%scan3A_1162, %get3A_1731, %get3A_1732] : memref<2x40x256xf32, #tpu.memory_space<vmem>> -> memref<1x40x256xf32, #tpu.memory_space<vmem>>
        %get3A_1734 = tpu.memref_squeeze %get3A_1733 : memref<1x40x256xf32, #tpu.memory_space<vmem>> -> memref<40x256xf32, #tpu.memory_space<vmem>>
        %get3A_1735 = arith.index_cast %scan3A_1570 : i32 to index
        %get3A_1736 = arith.constant 96 : index
        %get3A_1737 = tpu.vector_load %get3A_1734[%get3A_1735, %get3A_1736] {strides = array<i32>} : memref<40x256xf32, #tpu.memory_space<vmem>>, vector<1x16xf32>,
        %get3A_1738 = vector.shape_cast %get3A_1737 : vector<1x16xf32> to vector<16xf32>
        %get3A_1739 = arith.constant 0 : i32
        %get3A_1740 = arith.constant 0 : i32
        %get3A_1741 = tpu.memref_slice %arg10[%scan3A_1162, %get3A_1739, %get3A_1740] : memref<2x40x256xf32, #tpu.memory_space<vmem>> -> memref<1x40x256xf32, #tpu.memory_space<vmem>>
        %get3A_1742 = tpu.memref_squeeze %get3A_1741 : memref<1x40x256xf32, #tpu.memory_space<vmem>> -> memref<40x256xf32, #tpu.memory_space<vmem>>
        %get3A_1743 = arith.index_cast %scan3A_1570 : i32 to index
        %get3A_1744 = arith.constant 224 : index
        %get3A_1745 = tpu.vector_load %get3A_1742[%get3A_1743, %get3A_1744] {strides = array<i32>} : memref<40x256xf32, #tpu.memory_space<vmem>>, vector<1x16xf32>,
        %get3A_1746 = vector.shape_cast %get3A_1745 : vector<1x16xf32> to vector<16xf32>
        %mul3A_1747 = arith.mulf %get3A_1577, %get3A_1738 : vector<16xf32>
        %mul3A_1748 = arith.mulf %get3A_1587, %get3A_1746 : vector<16xf32>
        %add3A_1749 = arith.addf %mul3A_1747, %mul3A_1748 : vector<16xf32>
        %swap3A_1750 = arith.index_cast %scan3A_1570 : i32 to index
        %swap3A_1751 = arith.constant 96 : index
        %swap3A_1752 = tpu.vector_load %arg11[%swap3A_1750, %swap3A_1751] {strides = array<i32>} : memref<40x128xf32, #tpu.memory_space<vmem>>, vector<1x16xf32>,
        %swap3A_1753 = vector.shape_cast %swap3A_1752 : vector<1x16xf32> to vector<16xf32>
        %swap3A_1754 = vector.shape_cast %add3A_1749 : vector<16xf32> to vector<1x16xf32>
        tpu.vector_store %arg11[%swap3A_1750, %swap3A_1751], %swap3A_1754 {strides = array<i32>} : memref<40x128xf32, #tpu.memory_space<vmem>>, vector<1x16xf32>,
        %get3A_1755 = arith.constant 0 : i32
        %get3A_1756 = arith.constant 0 : i32
        %get3A_1757 = tpu.memref_slice %arg10[%scan3A_1162, %get3A_1755, %get3A_1756] : memref<2x40x256xf32, #tpu.memory_space<vmem>> -> memref<1x40x256xf32, #tpu.memory_space<vmem>>
        %get3A_1758 = tpu.memref_squeeze %get3A_1757 : memref<1x40x256xf32, #tpu.memory_space<vmem>> -> memref<40x256xf32, #tpu.memory_space<vmem>>
        %get3A_1759 = arith.index_cast %scan3A_1570 : i32 to index
        %get3A_1760 = arith.constant 112 : index
        %get3A_1761 = tpu.vector_load %get3A_1758[%get3A_1759, %get3A_1760] {strides = array<i32>} : memref<40x256xf32, #tpu.memory_space<vmem>>, vector<1x16xf32>,
        %get3A_1762 = vector.shape_cast %get3A_1761 : vector<1x16xf32> to vector<16xf32>
        %get3A_1763 = arith.constant 0 : i32
        %get3A_1764 = arith.constant 0 : i32
        %get3A_1765 = tpu.memref_slice %arg10[%scan3A_1162, %get3A_1763, %get3A_1764] : memref<2x40x256xf32, #tpu.memory_space<vmem>> -> memref<1x40x256xf32, #tpu.memory_space<vmem>>
        %get3A_1766 = tpu.memref_squeeze %get3A_1765 : memref<1x40x256xf32, #tpu.memory_space<vmem>> -> memref<40x256xf32, #tpu.memory_space<vmem>>
        %get3A_1767 = arith.index_cast %scan3A_1570 : i32 to index
        %get3A_1768 = arith.constant 240 : index
        %get3A_1769 = tpu.vector_load %get3A_1766[%get3A_1767, %get3A_1768] {strides = array<i32>} : memref<40x256xf32, #tpu.memory_space<vmem>>, vector<1x16xf32>,
        %get3A_1770 = vector.shape_cast %get3A_1769 : vector<1x16xf32> to vector<16xf32>
        %mul3A_1771 = arith.mulf %get3A_1577, %get3A_1762 : vector<16xf32>
        %mul3A_1772 = arith.mulf %get3A_1587, %get3A_1770 : vector<16xf32>
        %add3A_1773 = arith.addf %mul3A_1771, %mul3A_1772 : vector<16xf32>
        %swap3A_1774 = arith.index_cast %scan3A_1570 : i32 to index
        %swap3A_1775 = arith.constant 112 : index
        %swap3A_1776 = tpu.vector_load %arg11[%swap3A_1774, %swap3A_1775] {strides = array<i32>} : memref<40x128xf32, #tpu.memory_space<vmem>>, vector<1x16xf32>,
        %swap3A_1777 = vector.shape_cast %swap3A_1776 : vector<1x16xf32> to vector<16xf32>
        %swap3A_1778 = vector.shape_cast %add3A_1773 : vector<16xf32> to vector<1x16xf32>
        tpu.vector_store %arg11[%swap3A_1774, %swap3A_1775], %swap3A_1778 {strides = array<i32>} : memref<40x128xf32, #tpu.memory_space<vmem>>, vector<1x16xf32>,
      }
      %scan3A_1167 = arith.constant 40 : i32
      %dma_start3A_1168 = arith.constant 1 : i32
      %dma_start3A_1169 = arith.constant 0 : i32
      %dma_start3A_1170 = tpu.memref_slice %arg8[%dma_start3A_1168, %dma_start3A_1169] : memref<4x40xi32, #tpu.memory_space<vmem>> -> memref<1x40xi32, #tpu.memory_space<vmem>>
      %dma_start3A_1171 = tpu.memref_squeeze %dma_start3A_1170 : memref<1x40xi32, #tpu.memory_space<vmem>> -> memref<40xi32, #tpu.memory_space<vmem>>
      %dma_start3A_1172 = arith.constant 0 : i32
      %dma_start3A_1173 = arith.constant 0 : i32
      %dma_start3A_1174 = tpu.memref_slice %arg12[%dma_start3A_1172, %dma_start3A_1173] : memref<10240x128xf32, #tpu.memory_space<vmem_shared>> -> memref<10240x128xf32, #tpu.memory_space<vmem_shared>>
      tpu.enqueue_indirect_dma source(%arg11 : memref<40x128xf32, #tpu.memory_space<vmem>>) target(%dma_start3A_1174 : memref<10240x128xf32, #tpu.memory_space<vmem_shared>>) offsets(%dma_start3A_1171 : memref<40xi32, #tpu.memory_space<vmem>>) semaphore(%arg15 : memref<!tpu.dma_semaphore, #tpu.memory_space<semaphore_mem>>) {add = true}
      %add3A_1175 = arith.constant 2 : i32
      %add3A_1176 = arith.addi %add3A_1054, %add3A_1175 : i32
      %dma_start3A_1177 = arith.constant 1 : i32
      %dma_start3A_1178 = arith.constant 0 : i32
      %dma_start3A_1179 = tpu.memref_slice %arg7[%dma_start3A_1177, %dma_start3A_1178] : memref<2x40xi32, #tpu.memory_space<vmem>> -> memref<1x40xi32, #tpu.memory_space<vmem>>
      %dma_start3A_1180 = tpu.memref_squeeze %dma_start3A_1179 : memref<1x40xi32, #tpu.memory_space<vmem>> -> memref<40xi32, #tpu.memory_space<vmem>>
      %dma_start3A_1181 = arith.constant 0 : i32
      %dma_start3A_1182 = tpu.memref_slice %arg3[%add3A, %add3A_1176, %dma_start3A_1181] : memref<32x254x40xi32, #tpu.memory_space<hbm>> -> memref<1x1x40xi32, #tpu.memory_space<hbm>>
      %dma_start3A_1183 = tpu.memref_squeeze %dma_start3A_1182 : memref<1x1x40xi32, #tpu.memory_space<hbm>> -> memref<40xi32, #tpu.memory_space<hbm>>
      %dma_start3A_1184 = arith.constant 0 : i32
      %dma_start3A_1185 = tpu.memref_slice %arg7[%dma_start3A_1177, %dma_start3A_1184] : memref<2x40xi32, #tpu.memory_space<vmem>> -> memref<1x40xi32, #tpu.memory_space<vmem>>
      %dma_start3A_1186 = tpu.memref_squeeze %dma_start3A_1185 : memref<1x40xi32, #tpu.memory_space<vmem>> -> memref<40xi32, #tpu.memory_space<vmem>>
      %dma_start3A_1187 = arith.constant 0 : i32
      %dma_start3A_1188 = tpu.memref_slice %arg3[%add3A, %add3A_1176, %dma_start3A_1187] : memref<32x254x40xi32, #tpu.memory_space<hbm>> -> memref<1x1x40xi32, #tpu.memory_space<hbm>>
      %dma_start3A_1189 = tpu.memref_squeeze %dma_start3A_1188 : memref<1x1x40xi32, #tpu.memory_space<hbm>> -> memref<40xi32, #tpu.memory_space<hbm>>
      tpu.enqueue_dma source(%dma_start3A_1189 : memref<40xi32, #tpu.memory_space<hbm>>) target(%dma_start3A_1186 : memref<40xi32, #tpu.memory_space<vmem>>) target_semaphore(%arg14 : memref<!tpu.dma_semaphore, #tpu.memory_space<semaphore_mem>>)
      %add3A_1190 = arith.constant 2 : i32
      %add3A_1191 = arith.addi %add3A_1054, %add3A_1190 : i32
      %dma_start3A_1192 = arith.constant 3 : i32
      %dma_start3A_1193 = arith.constant 0 : i32
      %dma_start3A_1194 = tpu.memref_slice %arg8[%dma_start3A_1192, %dma_start3A_1193] : memref<4x40xi32, #tpu.memory_space<vmem>> -> memref<1x40xi32, #tpu.memory_space<vmem>>
      %dma_start3A_1195 = tpu.memref_squeeze %dma_start3A_1194 : memref<1x40xi32, #tpu.memory_space<vmem>> -> memref<40xi32, #tpu.memory_space<vmem>>
      %dma_start3A_1196 = arith.constant 0 : i32
      %dma_start3A_1197 = tpu.memref_slice %arg4[%add3A, %add3A_1191, %dma_start3A_1196] : memref<32x254x40xi32, #tpu.memory_space<hbm>> -> memref<1x1x40xi32, #tpu.memory_space<hbm>>
      %dma_start3A_1198 = tpu.memref_squeeze %dma_start3A_1197 : memref<1x1x40xi32, #tpu.memory_space<hbm>> -> memref<40xi32, #tpu.memory_space<hbm>>
      %dma_start3A_1199 = arith.constant 0 : i32
      %dma_start3A_1200 = tpu.memref_slice %arg8[%dma_start3A_1192, %dma_start3A_1199] : memref<4x40xi32, #tpu.memory_space<vmem>> -> memref<1x40xi32, #tpu.memory_space<vmem>>
      %dma_start3A_1201 = tpu.memref_squeeze %dma_start3A_1200 : memref<1x40xi32, #tpu.memory_space<vmem>> -> memref<40xi32, #tpu.memory_space<vmem>>
      %dma_start3A_1202 = arith.constant 0 : i32
      %dma_start3A_1203 = tpu.memref_slice %arg4[%add3A, %add3A_1191, %dma_start3A_1202] : memref<32x254x40xi32, #tpu.memory_space<hbm>> -> memref<1x1x40xi32, #tpu.memory_space<hbm>>
      %dma_start3A_1204 = tpu.memref_squeeze %dma_start3A_1203 : memref<1x1x40xi32, #tpu.memory_space<hbm>> -> memref<40xi32, #tpu.memory_space<hbm>>
      tpu.enqueue_dma source(%dma_start3A_1204 : memref<40xi32, #tpu.memory_space<hbm>>) target(%dma_start3A_1201 : memref<40xi32, #tpu.memory_space<vmem>>) target_semaphore(%arg14 : memref<!tpu.dma_semaphore, #tpu.memory_space<semaphore_mem>>)
      %add3A_1205 = arith.constant 2 : i32
      %add3A_1206 = arith.addi %add3A_1054, %add3A_1205 : i32
      %dma_start3A_1207 = arith.constant 1 : i32
      %dma_start3A_1208 = arith.constant 0 : i32
      %dma_start3A_1209 = arith.constant 0 : i32
      %dma_start3A_1210 = tpu.memref_slice %arg9[%dma_start3A_1207, %dma_start3A_1208, %dma_start3A_1209] : memref<2x80x16xf32, #tpu.memory_space<vmem>> -> memref<1x80x16xf32, #tpu.memory_space<vmem>>
      %dma_start3A_1211 = tpu.memref_squeeze %dma_start3A_1210 : memref<1x80x16xf32, #tpu.memory_space<vmem>> -> memref<80x16xf32, #tpu.memory_space<vmem>>
      %dma_start3A_1212 = arith.constant 0 : i32
      %dma_start3A_1213 = arith.constant 0 : i32
      %dma_start3A_1214 = tpu.memref_slice %arg5[%add3A, %add3A_1206, %dma_start3A_1212, %dma_start3A_1213] : memref<32x254x80x16xf32, #tpu.memory_space<hbm>> -> memref<1x1x80x16xf32, #tpu.memory_space<hbm>>
      %dma_start3A_1215 = tpu.memref_squeeze %dma_start3A_1214 : memref<1x1x80x16xf32, #tpu.memory_space<hbm>> -> memref<80x16xf32, #tpu.memory_space<hbm>>
      %dma_start3A_1216 = arith.constant 0 : i32
      %dma_start3A_1217 = arith.constant 0 : i32
      %dma_start3A_1218 = tpu.memref_slice %arg9[%dma_start3A_1207, %dma_start3A_1216, %dma_start3A_1217] : memref<2x80x16xf32, #tpu.memory_space<vmem>> -> memref<1x80x16xf32, #tpu.memory_space<vmem>>
      %dma_start3A_1219 = tpu.memref_squeeze %dma_start3A_1218 : memref<1x80x16xf32, #tpu.memory_space<vmem>> -> memref<80x16xf32, #tpu.memory_space<vmem>>
      %dma_start3A_1220 = arith.constant 0 : i32
      %dma_start3A_1221 = arith.constant 0 : i32
      %dma_start3A_1222 = tpu.memref_slice %arg5[%add3A, %add3A_1206, %dma_start3A_1220, %dma_start3A_1221] : memref<32x254x80x16xf32, #tpu.memory_space<hbm>> -> memref<1x1x80x16xf32, #tpu.memory_space<hbm>>
      %dma_start3A_1223 = tpu.memref_squeeze %dma_start3A_1222 : memref<1x1x80x16xf32, #tpu.memory_space<hbm>> -> memref<80x16xf32, #tpu.memory_space<hbm>>
      tpu.enqueue_dma source(%dma_start3A_1223 : memref<80x16xf32, #tpu.memory_space<hbm>>) target(%dma_start3A_1219 : memref<80x16xf32, #tpu.memory_space<vmem>>) target_semaphore(%arg14 : memref<!tpu.dma_semaphore, #tpu.memory_space<semaphore_mem>>)
      %mul3A_1224 = arith.constant 4 : i32
      %mul3A_1225 = arith.muli %mul3A_1224, %scan3A_877 : i32
      %add3A_1226 = arith.constant 2 : i32
      %add3A_1227 = arith.addi %mul3A_1225, %add3A_1226 : i32
      %add3A_1228 = arith.constant 1 : i32
      %add3A_1229 = arith.addi %add3A_1227, %add3A_1228 : i32
      %dma_wait3A_1230 = arith.constant 1 : i32
      %dma_wait3A_1231 = arith.constant 0 : i32
      %dma_wait3A_1232 = tpu.memref_slice %arg7[%dma_wait3A_1230, %dma_wait3A_1231] : memref<2x40xi32, #tpu.memory_space<vmem>> -> memref<1x40xi32, #tpu.memory_space<vmem>>
      %dma_wait3A_1233 = tpu.memref_squeeze %dma_wait3A_1232 : memref<1x40xi32, #tpu.memory_space<vmem>> -> memref<40xi32, #tpu.memory_space<vmem>>
      %dma_wait3A_1234 = arith.constant 0 : i32
      %dma_wait3A_1235 = tpu.memref_slice %arg3[%add3A, %add3A_1229, %dma_wait3A_1234] : memref<32x254x40xi32, #tpu.memory_space<hbm>> -> memref<1x1x40xi32, #tpu.memory_space<hbm>>
      %dma_wait3A_1236 = tpu.memref_squeeze %dma_wait3A_1235 : memref<1x1x40xi32, #tpu.memory_space<hbm>> -> memref<40xi32, #tpu.memory_space<hbm>>
      %dma_wait3A_1237 = arith.constant 0 : i32
      %dma_wait3A_1238 = tpu.memref_slice %arg7[%dma_wait3A_1230, %dma_wait3A_1237] : memref<2x40xi32, #tpu.memory_space<vmem>> -> memref<1x40xi32, #tpu.memory_space<vmem>>
      %dma_wait3A_1239 = tpu.memref_squeeze %dma_wait3A_1238 : memref<1x40xi32, #tpu.memory_space<vmem>> -> memref<40xi32, #tpu.memory_space<vmem>>
      %dma_wait3A_1240 = arith.constant 0 : i32
      %dma_wait3A_1241 = tpu.memref_slice %arg3[%add3A, %add3A_1229, %dma_wait3A_1240] : memref<32x254x40xi32, #tpu.memory_space<hbm>> -> memref<1x1x40xi32, #tpu.memory_space<hbm>>
      %dma_wait3A_1242 = tpu.memref_squeeze %dma_wait3A_1241 : memref<1x1x40xi32, #tpu.memory_space<hbm>> -> memref<40xi32, #tpu.memory_space<hbm>>
      tpu.wait_dma2 semaphore(%arg14 : memref<!tpu.dma_semaphore, #tpu.memory_space<semaphore_mem>>) src(%dma_wait3A_1242 : memref<40xi32, #tpu.memory_space<hbm>>) dst(%dma_wait3A_1239 : memref<40xi32, #tpu.memory_space<vmem>>)
      %add3A_1243 = arith.constant 1 : i32
      %add3A_1244 = arith.addi %add3A_1227, %add3A_1243 : i32
      %dma_wait3A_1245 = arith.constant 3 : i32
      %dma_wait3A_1246 = arith.constant 0 : i32
      %dma_wait3A_1247 = tpu.memref_slice %arg8[%dma_wait3A_1245, %dma_wait3A_1246] : memref<4x40xi32, #tpu.memory_space<vmem>> -> memref<1x40xi32, #tpu.memory_space<vmem>>
      %dma_wait3A_1248 = tpu.memref_squeeze %dma_wait3A_1247 : memref<1x40xi32, #tpu.memory_space<vmem>> -> memref<40xi32, #tpu.memory_space<vmem>>
      %dma_wait3A_1249 = arith.constant 0 : i32
      %dma_wait3A_1250 = tpu.memref_slice %arg4[%add3A, %add3A_1244, %dma_wait3A_1249] : memref<32x254x40xi32, #tpu.memory_space<hbm>> -> memref<1x1x40xi32, #tpu.memory_space<hbm>>
      %dma_wait3A_1251 = tpu.memref_squeeze %dma_wait3A_1250 : memref<1x1x40xi32, #tpu.memory_space<hbm>> -> memref<40xi32, #tpu.memory_space<hbm>>
      %dma_wait3A_1252 = arith.constant 0 : i32
      %dma_wait3A_1253 = tpu.memref_slice %arg8[%dma_wait3A_1245, %dma_wait3A_1252] : memref<4x40xi32, #tpu.memory_space<vmem>> -> memref<1x40xi32, #tpu.memory_space<vmem>>
      %dma_wait3A_1254 = tpu.memref_squeeze %dma_wait3A_1253 : memref<1x40xi32, #tpu.memory_space<vmem>> -> memref<40xi32, #tpu.memory_space<vmem>>
      %dma_wait3A_1255 = arith.constant 0 : i32
      %dma_wait3A_1256 = tpu.memref_slice %arg4[%add3A, %add3A_1244, %dma_wait3A_1255] : memref<32x254x40xi32, #tpu.memory_space<hbm>> -> memref<1x1x40xi32, #tpu.memory_space<hbm>>
      %dma_wait3A_1257 = tpu.memref_squeeze %dma_wait3A_1256 : memref<1x1x40xi32, #tpu.memory_space<hbm>> -> memref<40xi32, #tpu.memory_space<hbm>>
      tpu.wait_dma2 semaphore(%arg14 : memref<!tpu.dma_semaphore, #tpu.memory_space<semaphore_mem>>) src(%dma_wait3A_1257 : memref<40xi32, #tpu.memory_space<hbm>>) dst(%dma_wait3A_1254 : memref<40xi32, #tpu.memory_space<vmem>>)
      %add3A_1258 = arith.constant 1 : i32
      %add3A_1259 = arith.addi %add3A_1227, %add3A_1258 : i32
      %dma_wait3A_1260 = arith.constant 1 : i32
      %dma_wait3A_1261 = arith.constant 0 : i32
      %dma_wait3A_1262 = arith.constant 0 : i32
      %dma_wait3A_1263 = tpu.memref_slice %arg9[%dma_wait3A_1260, %dma_wait3A_1261, %dma_wait3A_1262] : memref<2x80x16xf32, #tpu.memory_space<vmem>> -> memref<1x80x16xf32, #tpu.memory_space<vmem>>
      %dma_wait3A_1264 = tpu.memref_squeeze %dma_wait3A_1263 : memref<1x80x16xf32, #tpu.memory_space<vmem>> -> memref<80x16xf32, #tpu.memory_space<vmem>>
      %dma_wait3A_1265 = arith.constant 0 : i32
      %dma_wait3A_1266 = arith.constant 0 : i32
      %dma_wait3A_1267 = tpu.memref_slice %arg5[%add3A, %add3A_1259, %dma_wait3A_1265, %dma_wait3A_1266] : memref<32x254x80x16xf32, #tpu.memory_space<hbm>> -> memref<1x1x80x16xf32, #tpu.memory_space<hbm>>
      %dma_wait3A_1268 = tpu.memref_squeeze %dma_wait3A_1267 : memref<1x1x80x16xf32, #tpu.memory_space<hbm>> -> memref<80x16xf32, #tpu.memory_space<hbm>>
      %dma_wait3A_1269 = arith.constant 0 : i32
      %dma_wait3A_1270 = arith.constant 0 : i32
      %dma_wait3A_1271 = tpu.memref_slice %arg9[%dma_wait3A_1260, %dma_wait3A_1269, %dma_wait3A_1270] : memref<2x80x16xf32, #tpu.memory_space<vmem>> -> memref<1x80x16xf32, #tpu.memory_space<vmem>>
      %dma_wait3A_1272 = tpu.memref_squeeze %dma_wait3A_1271 : memref<1x80x16xf32, #tpu.memory_space<vmem>> -> memref<80x16xf32, #tpu.memory_space<vmem>>
      %dma_wait3A_1273 = arith.constant 0 : i32
      %dma_wait3A_1274 = arith.constant 0 : i32
      %dma_wait3A_1275 = tpu.memref_slice %arg5[%add3A, %add3A_1259, %dma_wait3A_1273, %dma_wait3A_1274] : memref<32x254x80x16xf32, #tpu.memory_space<hbm>> -> memref<1x1x80x16xf32, #tpu.memory_space<hbm>>
      %dma_wait3A_1276 = tpu.memref_squeeze %dma_wait3A_1275 : memref<1x1x80x16xf32, #tpu.memory_space<hbm>> -> memref<80x16xf32, #tpu.memory_space<hbm>>
      tpu.wait_dma2 semaphore(%arg14 : memref<!tpu.dma_semaphore, #tpu.memory_space<semaphore_mem>>) src(%dma_wait3A_1276 : memref<80x16xf32, #tpu.memory_space<hbm>>) dst(%dma_wait3A_1272 : memref<80x16xf32, #tpu.memory_space<vmem>>)
      %dma_start3A_1277 = arith.constant 1 : i32
      %dma_start3A_1278 = arith.constant 1 : i32
      %dma_start3A_1279 = arith.constant 0 : i32
      %dma_start3A_1280 = arith.constant 0 : i32
      %dma_start3A_1281 = tpu.memref_slice %arg10[%dma_start3A_1278, %dma_start3A_1279, %dma_start3A_1280] : memref<2x40x256xf32, #tpu.memory_space<vmem>> -> memref<1x24x256xf32, #tpu.memory_space<vmem>>
      %dma_start3A_1282 = tpu.memref_squeeze %dma_start3A_1281 : memref<1x24x256xf32, #tpu.memory_space<vmem>> -> memref<24x256xf32, #tpu.memory_space<vmem>>
      %dma_start3A_1283 = arith.constant 0 : i32
      %dma_start3A_1284 = tpu.memref_slice %arg7[%dma_start3A_1277, %dma_start3A_1283] : memref<2x40xi32, #tpu.memory_space<vmem>> -> memref<1x24xi32, #tpu.memory_space<vmem>>
      %dma_start3A_1285 = tpu.memref_squeeze %dma_start3A_1284 : memref<1x24xi32, #tpu.memory_space<vmem>> -> memref<24xi32, #tpu.memory_space<vmem>>
      %dma_start3A_1286 = arith.constant 0 : i32
      %dma_start3A_1287 = arith.constant 0 : i32
      %dma_start3A_1288 = tpu.memref_slice %arg2[%dma_start3A_1286, %dma_start3A_1287] : memref<10000x256xf32, #tpu.memory_space<hbm>> -> memref<10000x256xf32, #tpu.memory_space<hbm>>
      tpu.enqueue_indirect_dma source(%dma_start3A_1288 : memref<10000x256xf32, #tpu.memory_space<hbm>>) target(%dma_start3A_1282 : memref<24x256xf32, #tpu.memory_space<vmem>>) offsets(%dma_start3A_1285 : memref<24xi32, #tpu.memory_space<vmem>>) semaphore(%arg13 : memref<!tpu.dma_semaphore, #tpu.memory_space<semaphore_mem>>)
      %dma_start3A_1289 = arith.constant 1 : i32
      %dma_start3A_1290 = arith.constant 1 : i32
      %dma_start3A_1291 = arith.constant 24 : i32
      %dma_start3A_1292 = arith.constant 0 : i32
      %dma_start3A_1293 = tpu.memref_slice %arg10[%dma_start3A_1290, %dma_start3A_1291, %dma_start3A_1292] : memref<2x40x256xf32, #tpu.memory_space<vmem>> -> memref<1x16x256xf32, #tpu.memory_space<vmem>>
      %dma_start3A_1294 = tpu.memref_squeeze %dma_start3A_1293 : memref<1x16x256xf32, #tpu.memory_space<vmem>> -> memref<16x256xf32, #tpu.memory_space<vmem>>
      %dma_start3A_1295 = arith.constant 24 : i32
      %dma_start3A_1296 = tpu.memref_slice %arg7[%dma_start3A_1289, %dma_start3A_1295] : memref<2x40xi32, #tpu.memory_space<vmem>> -> memref<1x16xi32, #tpu.memory_space<vmem>>
      %dma_start3A_1297 = tpu.memref_squeeze %dma_start3A_1296 : memref<1x16xi32, #tpu.memory_space<vmem>> -> memref<16xi32, #tpu.memory_space<vmem>>
      %dma_start3A_1298 = arith.constant 0 : i32
      %dma_start3A_1299 = arith.constant 0 : i32
      %dma_start3A_1300 = tpu.memref_slice %arg2[%dma_start3A_1298, %dma_start3A_1299] : memref<10000x256xf32, #tpu.memory_space<hbm>> -> memref<10000x256xf32, #tpu.memory_space<hbm>>
      tpu.enqueue_indirect_dma source(%dma_start3A_1300 : memref<10000x256xf32, #tpu.memory_space<hbm>>) target(%dma_start3A_1294 : memref<16x256xf32, #tpu.memory_space<vmem>>) offsets(%dma_start3A_1297 : memref<16xi32, #tpu.memory_space<vmem>>) semaphore(%arg13 : memref<!tpu.dma_semaphore, #tpu.memory_space<semaphore_mem>>)
      %dma_wait3A_1301 = arith.constant 0 : i32
      %dma_wait3A_1302 = arith.constant 0 : i32
      %dma_wait3A_1303 = arith.constant 0 : i32
      %dma_wait3A_1304 = arith.constant 0 : i32
      %dma_wait3A_1305 = tpu.memref_slice %arg10[%dma_wait3A_1302, %dma_wait3A_1303, %dma_wait3A_1304] : memref<2x40x256xf32, #tpu.memory_space<vmem>> -> memref<1x24x256xf32, #tpu.memory_space<vmem>>
      %dma_wait3A_1306 = tpu.memref_squeeze %dma_wait3A_1305 : memref<1x24x256xf32, #tpu.memory_space<vmem>> -> memref<24x256xf32, #tpu.memory_space<vmem>>
      %dma_wait3A_1307 = arith.constant 0 : i32
      %dma_wait3A_1308 = tpu.memref_slice %arg7[%dma_wait3A_1301, %dma_wait3A_1307] : memref<2x40xi32, #tpu.memory_space<vmem>> -> memref<1x24xi32, #tpu.memory_space<vmem>>
      %dma_wait3A_1309 = tpu.memref_squeeze %dma_wait3A_1308 : memref<1x24xi32, #tpu.memory_space<vmem>> -> memref<24xi32, #tpu.memory_space<vmem>>
      %dma_wait3A_1310 = arith.constant 0 : i32
      %dma_wait3A_1311 = arith.constant 0 : i32
      %dma_wait3A_1312 = tpu.memref_slice %arg2[%dma_wait3A_1310, %dma_wait3A_1311] : memref<10000x256xf32, #tpu.memory_space<hbm>> -> memref<10000x256xf32, #tpu.memory_space<hbm>>
      tpu.wait_indirect_dma semaphore(%arg13 : memref<!tpu.dma_semaphore, #tpu.memory_space<semaphore_mem>>) src(%dma_wait3A_1312 : memref<10000x256xf32, #tpu.memory_space<hbm>>) dst(%dma_wait3A_1306 : memref<24x256xf32, #tpu.memory_space<vmem>>)
      %dma_wait3A_1313 = arith.constant 0 : i32
      %dma_wait3A_1314 = arith.constant 0 : i32
      %dma_wait3A_1315 = arith.constant 24 : i32
      %dma_wait3A_1316 = arith.constant 0 : i32
      %dma_wait3A_1317 = tpu.memref_slice %arg10[%dma_wait3A_1314, %dma_wait3A_1315, %dma_wait3A_1316] : memref<2x40x256xf32, #tpu.memory_space<vmem>> -> memref<1x16x256xf32, #tpu.memory_space<vmem>>
      %dma_wait3A_1318 = tpu.memref_squeeze %dma_wait3A_1317 : memref<1x16x256xf32, #tpu.memory_space<vmem>> -> memref<16x256xf32, #tpu.memory_space<vmem>>
      %dma_wait3A_1319 = arith.constant 24 : i32
      %dma_wait3A_1320 = tpu.memref_slice %arg7[%dma_wait3A_1313, %dma_wait3A_1319] : memref<2x40xi32, #tpu.memory_space<vmem>> -> memref<1x16xi32, #tpu.memory_space<vmem>>
      %dma_wait3A_1321 = tpu.memref_squeeze %dma_wait3A_1320 : memref<1x16xi32, #tpu.memory_space<vmem>> -> memref<16xi32, #tpu.memory_space<vmem>>
      %dma_wait3A_1322 = arith.constant 0 : i32
      %dma_wait3A_1323 = arith.constant 0 : i32
      %dma_wait3A_1324 = tpu.memref_slice %arg2[%dma_wait3A_1322, %dma_wait3A_1323] : memref<10000x256xf32, #tpu.memory_space<hbm>> -> memref<10000x256xf32, #tpu.memory_space<hbm>>
      tpu.wait_indirect_dma semaphore(%arg13 : memref<!tpu.dma_semaphore, #tpu.memory_space<semaphore_mem>>) src(%dma_wait3A_1324 : memref<10000x256xf32, #tpu.memory_space<hbm>>) dst(%dma_wait3A_1318 : memref<16x256xf32, #tpu.memory_space<vmem>>)
      %dma_wait3A_1325 = arith.constant 0 : i32
      %dma_wait3A_1326 = arith.constant 0 : i32
      %dma_wait3A_1327 = tpu.memref_slice %arg6[%arg0, %dma_wait3A_1325, %dma_wait3A_1326] : memref<2x10240x128xf32, #tpu.memory_space<hbm>> -> memref<1x40x128xf32, #tpu.memory_space<hbm>>
      %dma_wait3A_1328 = tpu.memref_squeeze %dma_wait3A_1327 : memref<1x40x128xf32, #tpu.memory_space<hbm>> -> memref<40x128xf32, #tpu.memory_space<hbm>>
      %dma_wait3A_1329 = arith.constant 0 : i32
      %dma_wait3A_1330 = arith.constant 0 : i32
      %dma_wait3A_1331 = tpu.memref_slice %arg6[%arg0, %dma_wait3A_1329, %dma_wait3A_1330] : memref<2x10240x128xf32, #tpu.memory_space<hbm>> -> memref<1x40x128xf32, #tpu.memory_space<hbm>>
      %dma_wait3A_1332 = tpu.memref_squeeze %dma_wait3A_1331 : memref<1x40x128xf32, #tpu.memory_space<hbm>> -> memref<40x128xf32, #tpu.memory_space<hbm>>
      tpu.wait_dma2 semaphore(%arg15 : memref<!tpu.dma_semaphore, #tpu.memory_space<semaphore_mem>>) src(%dma_wait3A_1332 : memref<40x128xf32, #tpu.memory_space<hbm>>) dst(%arg11 : memref<40x128xf32, #tpu.memory_space<vmem>>)
      %scan3A_1333 = arith.constant 0 : i32
      %scan3A_1334 = arith.constant 0 : i32
      %scan3A_1335 = arith.constant 0 : i32
      %scan3A_1336 = arith.constant 0 : i32
      %scan3A_1337 = arith.constant 40 : i32
      %scan3A_1338 = arith.addi %scan3A_1336, %scan3A_1337 : i32
      %scan3A_1339 = arith.constant 1 : i32
      scf.for %scan3A_1570 = %scan3A_1336 to %scan3A_1338 step %scan3A_1339  : i32 {
        %get3A = arith.constant 0 : i32
        %get3A_1571 = arith.constant 0 : i32
        %get3A_1572 = tpu.memref_slice %arg9[%scan3A_1334, %get3A, %get3A_1571] : memref<2x80x16xf32, #tpu.memory_space<vmem>> -> memref<1x80x16xf32, #tpu.memory_space<vmem>>
        %get3A_1573 = tpu.memref_squeeze %get3A_1572 : memref<1x80x16xf32, #tpu.memory_space<vmem>> -> memref<80x16xf32, #tpu.memory_space<vmem>>
        %get3A_1574 = arith.index_cast %scan3A_1570 : i32 to index
        %get3A_1575 = arith.constant 0 : index
        %get3A_1576 = tpu.vector_load %get3A_1573[%get3A_1574, %get3A_1575] {strides = array<i32>} : memref<80x16xf32, #tpu.memory_space<vmem>>, vector<1x16xf32>,
        %get3A_1577 = vector.shape_cast %get3A_1576 : vector<1x16xf32> to vector<16xf32>
        %add3A_1578 = arith.constant 40 : i32
        %add3A_1579 = arith.addi %add3A_1578, %scan3A_1570 : i32
        %get3A_1580 = arith.constant 0 : i32
        %get3A_1581 = arith.constant 0 : i32
        %get3A_1582 = tpu.memref_slice %arg9[%scan3A_1334, %get3A_1580, %get3A_1581] : memref<2x80x16xf32, #tpu.memory_space<vmem>> -> memref<1x80x16xf32, #tpu.memory_space<vmem>>
        %get3A_1583 = tpu.memref_squeeze %get3A_1582 : memref<1x80x16xf32, #tpu.memory_space<vmem>> -> memref<80x16xf32, #tpu.memory_space<vmem>>
        %get3A_1584 = arith.index_cast %add3A_1579 : i32 to index
        %get3A_1585 = arith.constant 0 : index
        %get3A_1586 = tpu.vector_load %get3A_1583[%get3A_1584, %get3A_1585] {strides = array<i32>} : memref<80x16xf32, #tpu.memory_space<vmem>>, vector<1x16xf32>,
        %get3A_1587 = vector.shape_cast %get3A_1586 : vector<1x16xf32> to vector<16xf32>
        %get3A_1588 = arith.constant 0 : i32
        %get3A_1589 = arith.constant 0 : i32
        %get3A_1590 = tpu.memref_slice %arg10[%scan3A_1335, %get3A_1588, %get3A_1589] : memref<2x40x256xf32, #tpu.memory_space<vmem>> -> memref<1x40x256xf32, #tpu.memory_space<vmem>>
        %get3A_1591 = tpu.memref_squeeze %get3A_1590 : memref<1x40x256xf32, #tpu.memory_space<vmem>> -> memref<40x256xf32, #tpu.memory_space<vmem>>
        %get3A_1592 = arith.index_cast %scan3A_1570 : i32 to index
        %get3A_1593 = arith.constant 0 : index
        %get3A_1594 = tpu.vector_load %get3A_1591[%get3A_1592, %get3A_1593] {strides = array<i32>} : memref<40x256xf32, #tpu.memory_space<vmem>>, vector<1x16xf32>,
        %get3A_1595 = vector.shape_cast %get3A_1594 : vector<1x16xf32> to vector<16xf32>
        %get3A_1596 = arith.constant 0 : i32
        %get3A_1597 = arith.constant 0 : i32
        %get3A_1598 = tpu.memref_slice %arg10[%scan3A_1335, %get3A_1596, %get3A_1597] : memref<2x40x256xf32, #tpu.memory_space<vmem>> -> memref<1x40x256xf32, #tpu.memory_space<vmem>>
        %get3A_1599 = tpu.memref_squeeze %get3A_1598 : memref<1x40x256xf32, #tpu.memory_space<vmem>> -> memref<40x256xf32, #tpu.memory_space<vmem>>
        %get3A_1600 = arith.index_cast %scan3A_1570 : i32 to index
        %get3A_1601 = arith.constant 128 : index
        %get3A_1602 = tpu.vector_load %get3A_1599[%get3A_1600, %get3A_1601] {strides = array<i32>} : memref<40x256xf32, #tpu.memory_space<vmem>>, vector<1x16xf32>,
        %get3A_1603 = vector.shape_cast %get3A_1602 : vector<1x16xf32> to vector<16xf32>
        %mul3A_1604 = arith.mulf %get3A_1577, %get3A_1595 : vector<16xf32>
        %mul3A_1605 = arith.mulf %get3A_1587, %get3A_1603 : vector<16xf32>
        %add3A_1606 = arith.addf %mul3A_1604, %mul3A_1605 : vector<16xf32>
        %swap3A = arith.index_cast %scan3A_1570 : i32 to index
        %swap3A_1607 = arith.constant 0 : index
        %swap3A_1608 = tpu.vector_load %arg11[%swap3A, %swap3A_1607] {strides = array<i32>} : memref<40x128xf32, #tpu.memory_space<vmem>>, vector<1x16xf32>,
        %swap3A_1609 = vector.shape_cast %swap3A_1608 : vector<1x16xf32> to vector<16xf32>
        %swap3A_1610 = vector.shape_cast %add3A_1606 : vector<16xf32> to vector<1x16xf32>
        tpu.vector_store %arg11[%swap3A, %swap3A_1607], %swap3A_1610 {strides = array<i32>} : memref<40x128xf32, #tpu.memory_space<vmem>>, vector<1x16xf32>,
        %get3A_1611 = arith.constant 0 : i32
        %get3A_1612 = arith.constant 0 : i32
        %get3A_1613 = tpu.memref_slice %arg10[%scan3A_1335, %get3A_1611, %get3A_1612] : memref<2x40x256xf32, #tpu.memory_space<vmem>> -> memref<1x40x256xf32, #tpu.memory_space<vmem>>
        %get3A_1614 = tpu.memref_squeeze %get3A_1613 : memref<1x40x256xf32, #tpu.memory_space<vmem>> -> memref<40x256xf32, #tpu.memory_space<vmem>>
        %get3A_1615 = arith.index_cast %scan3A_1570 : i32 to index
        %get3A_1616 = arith.constant 16 : index
        %get3A_1617 = tpu.vector_load %get3A_1614[%get3A_1615, %get3A_1616] {strides = array<i32>} : memref<40x256xf32, #tpu.memory_space<vmem>>, vector<1x16xf32>,
        %get3A_1618 = vector.shape_cast %get3A_1617 : vector<1x16xf32> to vector<16xf32>
        %get3A_1619 = arith.constant 0 : i32
        %get3A_1620 = arith.constant 0 : i32
        %get3A_1621 = tpu.memref_slice %arg10[%scan3A_1335, %get3A_1619, %get3A_1620] : memref<2x40x256xf32, #tpu.memory_space<vmem>> -> memref<1x40x256xf32, #tpu.memory_space<vmem>>
        %get3A_1622 = tpu.memref_squeeze %get3A_1621 : memref<1x40x256xf32, #tpu.memory_space<vmem>> -> memref<40x256xf32, #tpu.memory_space<vmem>>
        %get3A_1623 = arith.index_cast %scan3A_1570 : i32 to index
        %get3A_1624 = arith.constant 144 : index
        %get3A_1625 = tpu.vector_load %get3A_1622[%get3A_1623, %get3A_1624] {strides = array<i32>} : memref<40x256xf32, #tpu.memory_space<vmem>>, vector<1x16xf32>,
        %get3A_1626 = vector.shape_cast %get3A_1625 : vector<1x16xf32> to vector<16xf32>
        %mul3A_1627 = arith.mulf %get3A_1577, %get3A_1618 : vector<16xf32>
        %mul3A_1628 = arith.mulf %get3A_1587, %get3A_1626 : vector<16xf32>
        %add3A_1629 = arith.addf %mul3A_1627, %mul3A_1628 : vector<16xf32>
        %swap3A_1630 = arith.index_cast %scan3A_1570 : i32 to index
        %swap3A_1631 = arith.constant 16 : index
        %swap3A_1632 = tpu.vector_load %arg11[%swap3A_1630, %swap3A_1631] {strides = array<i32>} : memref<40x128xf32, #tpu.memory_space<vmem>>, vector<1x16xf32>,
        %swap3A_1633 = vector.shape_cast %swap3A_1632 : vector<1x16xf32> to vector<16xf32>
        %swap3A_1634 = vector.shape_cast %add3A_1629 : vector<16xf32> to vector<1x16xf32>
        tpu.vector_store %arg11[%swap3A_1630, %swap3A_1631], %swap3A_1634 {strides = array<i32>} : memref<40x128xf32, #tpu.memory_space<vmem>>, vector<1x16xf32>,
        %get3A_1635 = arith.constant 0 : i32
        %get3A_1636 = arith.constant 0 : i32
        %get3A_1637 = tpu.memref_slice %arg10[%scan3A_1335, %get3A_1635, %get3A_1636] : memref<2x40x256xf32, #tpu.memory_space<vmem>> -> memref<1x40x256xf32, #tpu.memory_space<vmem>>
        %get3A_1638 = tpu.memref_squeeze %get3A_1637 : memref<1x40x256xf32, #tpu.memory_space<vmem>> -> memref<40x256xf32, #tpu.memory_space<vmem>>
        %get3A_1639 = arith.index_cast %scan3A_1570 : i32 to index
        %get3A_1640 = arith.constant 32 : index
        %get3A_1641 = tpu.vector_load %get3A_1638[%get3A_1639, %get3A_1640] {strides = array<i32>} : memref<40x256xf32, #tpu.memory_space<vmem>>, vector<1x16xf32>,
        %get3A_1642 = vector.shape_cast %get3A_1641 : vector<1x16xf32> to vector<16xf32>
        %get3A_1643 = arith.constant 0 : i32
        %get3A_1644 = arith.constant 0 : i32
        %get3A_1645 = tpu.memref_slice %arg10[%scan3A_1335, %get3A_1643, %get3A_1644] : memref<2x40x256xf32, #tpu.memory_space<vmem>> -> memref<1x40x256xf32, #tpu.memory_space<vmem>>
        %get3A_1646 = tpu.memref_squeeze %get3A_1645 : memref<1x40x256xf32, #tpu.memory_space<vmem>> -> memref<40x256xf32, #tpu.memory_space<vmem>>
        %get3A_1647 = arith.index_cast %scan3A_1570 : i32 to index
        %get3A_1648 = arith.constant 160 : index
        %get3A_1649 = tpu.vector_load %get3A_1646[%get3A_1647, %get3A_1648] {strides = array<i32>} : memref<40x256xf32, #tpu.memory_space<vmem>>, vector<1x16xf32>,
        %get3A_1650 = vector.shape_cast %get3A_1649 : vector<1x16xf32> to vector<16xf32>
        %mul3A_1651 = arith.mulf %get3A_1577, %get3A_1642 : vector<16xf32>
        %mul3A_1652 = arith.mulf %get3A_1587, %get3A_1650 : vector<16xf32>
        %add3A_1653 = arith.addf %mul3A_1651, %mul3A_1652 : vector<16xf32>
        %swap3A_1654 = arith.index_cast %scan3A_1570 : i32 to index
        %swap3A_1655 = arith.constant 32 : index
        %swap3A_1656 = tpu.vector_load %arg11[%swap3A_1654, %swap3A_1655] {strides = array<i32>} : memref<40x128xf32, #tpu.memory_space<vmem>>, vector<1x16xf32>,
        %swap3A_1657 = vector.shape_cast %swap3A_1656 : vector<1x16xf32> to vector<16xf32>
        %swap3A_1658 = vector.shape_cast %add3A_1653 : vector<16xf32> to vector<1x16xf32>
        tpu.vector_store %arg11[%swap3A_1654, %swap3A_1655], %swap3A_1658 {strides = array<i32>} : memref<40x128xf32, #tpu.memory_space<vmem>>, vector<1x16xf32>,
        %get3A_1659 = arith.constant 0 : i32
        %get3A_1660 = arith.constant 0 : i32
        %get3A_1661 = tpu.memref_slice %arg10[%scan3A_1335, %get3A_1659, %get3A_1660] : memref<2x40x256xf32, #tpu.memory_space<vmem>> -> memref<1x40x256xf32, #tpu.memory_space<vmem>>
        %get3A_1662 = tpu.memref_squeeze %get3A_1661 : memref<1x40x256xf32, #tpu.memory_space<vmem>> -> memref<40x256xf32, #tpu.memory_space<vmem>>
        %get3A_1663 = arith.index_cast %scan3A_1570 : i32 to index
        %get3A_1664 = arith.constant 48 : index
        %get3A_1665 = tpu.vector_load %get3A_1662[%get3A_1663, %get3A_1664] {strides = array<i32>} : memref<40x256xf32, #tpu.memory_space<vmem>>, vector<1x16xf32>,
        %get3A_1666 = vector.shape_cast %get3A_1665 : vector<1x16xf32> to vector<16xf32>
        %get3A_1667 = arith.constant 0 : i32
        %get3A_1668 = arith.constant 0 : i32
        %get3A_1669 = tpu.memref_slice %arg10[%scan3A_1335, %get3A_1667, %get3A_1668] : memref<2x40x256xf32, #tpu.memory_space<vmem>> -> memref<1x40x256xf32, #tpu.memory_space<vmem>>
        %get3A_1670 = tpu.memref_squeeze %get3A_1669 : memref<1x40x256xf32, #tpu.memory_space<vmem>> -> memref<40x256xf32, #tpu.memory_space<vmem>>
        %get3A_1671 = arith.index_cast %scan3A_1570 : i32 to index
        %get3A_1672 = arith.constant 176 : index
        %get3A_1673 = tpu.vector_load %get3A_1670[%get3A_1671, %get3A_1672] {strides = array<i32>} : memref<40x256xf32, #tpu.memory_space<vmem>>, vector<1x16xf32>,
        %get3A_1674 = vector.shape_cast %get3A_1673 : vector<1x16xf32> to vector<16xf32>
        %mul3A_1675 = arith.mulf %get3A_1577, %get3A_1666 : vector<16xf32>
        %mul3A_1676 = arith.mulf %get3A_1587, %get3A_1674 : vector<16xf32>
        %add3A_1677 = arith.addf %mul3A_1675, %mul3A_1676 : vector<16xf32>
        %swap3A_1678 = arith.index_cast %scan3A_1570 : i32 to index
        %swap3A_1679 = arith.constant 48 : index
        %swap3A_1680 = tpu.vector_load %arg11[%swap3A_1678, %swap3A_1679] {strides = array<i32>} : memref<40x128xf32, #tpu.memory_space<vmem>>, vector<1x16xf32>,
        %swap3A_1681 = vector.shape_cast %swap3A_1680 : vector<1x16xf32> to vector<16xf32>
        %swap3A_1682 = vector.shape_cast %add3A_1677 : vector<16xf32> to vector<1x16xf32>
        tpu.vector_store %arg11[%swap3A_1678, %swap3A_1679], %swap3A_1682 {strides = array<i32>} : memref<40x128xf32, #tpu.memory_space<vmem>>, vector<1x16xf32>,
        %get3A_1683 = arith.constant 0 : i32
        %get3A_1684 = arith.constant 0 : i32
        %get3A_1685 = tpu.memref_slice %arg10[%scan3A_1335, %get3A_1683, %get3A_1684] : memref<2x40x256xf32, #tpu.memory_space<vmem>> -> memref<1x40x256xf32, #tpu.memory_space<vmem>>
        %get3A_1686 = tpu.memref_squeeze %get3A_1685 : memref<1x40x256xf32, #tpu.memory_space<vmem>> -> memref<40x256xf32, #tpu.memory_space<vmem>>
        %get3A_1687 = arith.index_cast %scan3A_1570 : i32 to index
        %get3A_1688 = arith.constant 64 : index
        %get3A_1689 = tpu.vector_load %get3A_1686[%get3A_1687, %get3A_1688] {strides = array<i32>} : memref<40x256xf32, #tpu.memory_space<vmem>>, vector<1x16xf32>,
        %get3A_1690 = vector.shape_cast %get3A_1689 : vector<1x16xf32> to vector<16xf32>
        %get3A_1691 = arith.constant 0 : i32
        %get3A_1692 = arith.constant 0 : i32
        %get3A_1693 = tpu.memref_slice %arg10[%scan3A_1335, %get3A_1691, %get3A_1692] : memref<2x40x256xf32, #tpu.memory_space<vmem>> -> memref<1x40x256xf32, #tpu.memory_space<vmem>>
        %get3A_1694 = tpu.memref_squeeze %get3A_1693 : memref<1x40x256xf32, #tpu.memory_space<vmem>> -> memref<40x256xf32, #tpu.memory_space<vmem>>
        %get3A_1695 = arith.index_cast %scan3A_1570 : i32 to index
        %get3A_1696 = arith.constant 192 : index
        %get3A_1697 = tpu.vector_load %get3A_1694[%get3A_1695, %get3A_1696] {strides = array<i32>} : memref<40x256xf32, #tpu.memory_space<vmem>>, vector<1x16xf32>,
        %get3A_1698 = vector.shape_cast %get3A_1697 : vector<1x16xf32> to vector<16xf32>
        %mul3A_1699 = arith.mulf %get3A_1577, %get3A_1690 : vector<16xf32>
        %mul3A_1700 = arith.mulf %get3A_1587, %get3A_1698 : vector<16xf32>
        %add3A_1701 = arith.addf %mul3A_1699, %mul3A_1700 : vector<16xf32>
        %swap3A_1702 = arith.index_cast %scan3A_1570 : i32 to index
        %swap3A_1703 = arith.constant 64 : index
        %swap3A_1704 = tpu.vector_load %arg11[%swap3A_1702, %swap3A_1703] {strides = array<i32>} : memref<40x128xf32, #tpu.memory_space<vmem>>, vector<1x16xf32>,
        %swap3A_1705 = vector.shape_cast %swap3A_1704 : vector<1x16xf32> to vector<16xf32>
        %swap3A_1706 = vector.shape_cast %add3A_1701 : vector<16xf32> to vector<1x16xf32>
        tpu.vector_store %arg11[%swap3A_1702, %swap3A_1703], %swap3A_1706 {strides = array<i32>} : memref<40x128xf32, #tpu.memory_space<vmem>>, vector<1x16xf32>,
        %get3A_1707 = arith.constant 0 : i32
        %get3A_1708 = arith.constant 0 : i32
        %get3A_1709 = tpu.memref_slice %arg10[%scan3A_1335, %get3A_1707, %get3A_1708] : memref<2x40x256xf32, #tpu.memory_space<vmem>> -> memref<1x40x256xf32, #tpu.memory_space<vmem>>
        %get3A_1710 = tpu.memref_squeeze %get3A_1709 : memref<1x40x256xf32, #tpu.memory_space<vmem>> -> memref<40x256xf32, #tpu.memory_space<vmem>>
        %get3A_1711 = arith.index_cast %scan3A_1570 : i32 to index
        %get3A_1712 = arith.constant 80 : index
        %get3A_1713 = tpu.vector_load %get3A_1710[%get3A_1711, %get3A_1712] {strides = array<i32>} : memref<40x256xf32, #tpu.memory_space<vmem>>, vector<1x16xf32>,
        %get3A_1714 = vector.shape_cast %get3A_1713 : vector<1x16xf32> to vector<16xf32>
        %get3A_1715 = arith.constant 0 : i32
        %get3A_1716 = arith.constant 0 : i32
        %get3A_1717 = tpu.memref_slice %arg10[%scan3A_1335, %get3A_1715, %get3A_1716] : memref<2x40x256xf32, #tpu.memory_space<vmem>> -> memref<1x40x256xf32, #tpu.memory_space<vmem>>
        %get3A_1718 = tpu.memref_squeeze %get3A_1717 : memref<1x40x256xf32, #tpu.memory_space<vmem>> -> memref<40x256xf32, #tpu.memory_space<vmem>>
        %get3A_1719 = arith.index_cast %scan3A_1570 : i32 to index
        %get3A_1720 = arith.constant 208 : index
        %get3A_1721 = tpu.vector_load %get3A_1718[%get3A_1719, %get3A_1720] {strides = array<i32>} : memref<40x256xf32, #tpu.memory_space<vmem>>, vector<1x16xf32>,
        %get3A_1722 = vector.shape_cast %get3A_1721 : vector<1x16xf32> to vector<16xf32>
        %mul3A_1723 = arith.mulf %get3A_1577, %get3A_1714 : vector<16xf32>
        %mul3A_1724 = arith.mulf %get3A_1587, %get3A_1722 : vector<16xf32>
        %add3A_1725 = arith.addf %mul3A_1723, %mul3A_1724 : vector<16xf32>
        %swap3A_1726 = arith.index_cast %scan3A_1570 : i32 to index
        %swap3A_1727 = arith.constant 80 : index
        %swap3A_1728 = tpu.vector_load %arg11[%swap3A_1726, %swap3A_1727] {strides = array<i32>} : memref<40x128xf32, #tpu.memory_space<vmem>>, vector<1x16xf32>,
        %swap3A_1729 = vector.shape_cast %swap3A_1728 : vector<1x16xf32> to vector<16xf32>
        %swap3A_1730 = vector.shape_cast %add3A_1725 : vector<16xf32> to vector<1x16xf32>
        tpu.vector_store %arg11[%swap3A_1726, %swap3A_1727], %swap3A_1730 {strides = array<i32>} : memref<40x128xf32, #tpu.memory_space<vmem>>, vector<1x16xf32>,
        %get3A_1731 = arith.constant 0 : i32
        %get3A_1732 = arith.constant 0 : i32
        %get3A_1733 = tpu.memref_slice %arg10[%scan3A_1335, %get3A_1731, %get3A_1732] : memref<2x40x256xf32, #tpu.memory_space<vmem>> -> memref<1x40x256xf32, #tpu.memory_space<vmem>>
        %get3A_1734 = tpu.memref_squeeze %get3A_1733 : memref<1x40x256xf32, #tpu.memory_space<vmem>> -> memref<40x256xf32, #tpu.memory_space<vmem>>
        %get3A_1735 = arith.index_cast %scan3A_1570 : i32 to index
        %get3A_1736 = arith.constant 96 : index
        %get3A_1737 = tpu.vector_load %get3A_1734[%get3A_1735, %get3A_1736] {strides = array<i32>} : memref<40x256xf32, #tpu.memory_space<vmem>>, vector<1x16xf32>,
        %get3A_1738 = vector.shape_cast %get3A_1737 : vector<1x16xf32> to vector<16xf32>
        %get3A_1739 = arith.constant 0 : i32
        %get3A_1740 = arith.constant 0 : i32
        %get3A_1741 = tpu.memref_slice %arg10[%scan3A_1335, %get3A_1739, %get3A_1740] : memref<2x40x256xf32, #tpu.memory_space<vmem>> -> memref<1x40x256xf32, #tpu.memory_space<vmem>>
        %get3A_1742 = tpu.memref_squeeze %get3A_1741 : memref<1x40x256xf32, #tpu.memory_space<vmem>> -> memref<40x256xf32, #tpu.memory_space<vmem>>
        %get3A_1743 = arith.index_cast %scan3A_1570 : i32 to index
        %get3A_1744 = arith.constant 224 : index
        %get3A_1745 = tpu.vector_load %get3A_1742[%get3A_1743, %get3A_1744] {strides = array<i32>} : memref<40x256xf32, #tpu.memory_space<vmem>>, vector<1x16xf32>,
        %get3A_1746 = vector.shape_cast %get3A_1745 : vector<1x16xf32> to vector<16xf32>
        %mul3A_1747 = arith.mulf %get3A_1577, %get3A_1738 : vector<16xf32>
        %mul3A_1748 = arith.mulf %get3A_1587, %get3A_1746 : vector<16xf32>
        %add3A_1749 = arith.addf %mul3A_1747, %mul3A_1748 : vector<16xf32>
        %swap3A_1750 = arith.index_cast %scan3A_1570 : i32 to index
        %swap3A_1751 = arith.constant 96 : index
        %swap3A_1752 = tpu.vector_load %arg11[%swap3A_1750, %swap3A_1751] {strides = array<i32>} : memref<40x128xf32, #tpu.memory_space<vmem>>, vector<1x16xf32>,
        %swap3A_1753 = vector.shape_cast %swap3A_1752 : vector<1x16xf32> to vector<16xf32>
        %swap3A_1754 = vector.shape_cast %add3A_1749 : vector<16xf32> to vector<1x16xf32>
        tpu.vector_store %arg11[%swap3A_1750, %swap3A_1751], %swap3A_1754 {strides = array<i32>} : memref<40x128xf32, #tpu.memory_space<vmem>>, vector<1x16xf32>,
        %get3A_1755 = arith.constant 0 : i32
        %get3A_1756 = arith.constant 0 : i32
        %get3A_1757 = tpu.memref_slice %arg10[%scan3A_1335, %get3A_1755, %get3A_1756] : memref<2x40x256xf32, #tpu.memory_space<vmem>> -> memref<1x40x256xf32, #tpu.memory_space<vmem>>
        %get3A_1758 = tpu.memref_squeeze %get3A_1757 : memref<1x40x256xf32, #tpu.memory_space<vmem>> -> memref<40x256xf32, #tpu.memory_space<vmem>>
        %get3A_1759 = arith.index_cast %scan3A_1570 : i32 to index
        %get3A_1760 = arith.constant 112 : index
        %get3A_1761 = tpu.vector_load %get3A_1758[%get3A_1759, %get3A_1760] {strides = array<i32>} : memref<40x256xf32, #tpu.memory_space<vmem>>, vector<1x16xf32>,
        %get3A_1762 = vector.shape_cast %get3A_1761 : vector<1x16xf32> to vector<16xf32>
        %get3A_1763 = arith.constant 0 : i32
        %get3A_1764 = arith.constant 0 : i32
        %get3A_1765 = tpu.memref_slice %arg10[%scan3A_1335, %get3A_1763, %get3A_1764] : memref<2x40x256xf32, #tpu.memory_space<vmem>> -> memref<1x40x256xf32, #tpu.memory_space<vmem>>
        %get3A_1766 = tpu.memref_squeeze %get3A_1765 : memref<1x40x256xf32, #tpu.memory_space<vmem>> -> memref<40x256xf32, #tpu.memory_space<vmem>>
        %get3A_1767 = arith.index_cast %scan3A_1570 : i32 to index
        %get3A_1768 = arith.constant 240 : index
        %get3A_1769 = tpu.vector_load %get3A_1766[%get3A_1767, %get3A_1768] {strides = array<i32>} : memref<40x256xf32, #tpu.memory_space<vmem>>, vector<1x16xf32>,
        %get3A_1770 = vector.shape_cast %get3A_1769 : vector<1x16xf32> to vector<16xf32>
        %mul3A_1771 = arith.mulf %get3A_1577, %get3A_1762 : vector<16xf32>
        %mul3A_1772 = arith.mulf %get3A_1587, %get3A_1770 : vector<16xf32>
        %add3A_1773 = arith.addf %mul3A_1771, %mul3A_1772 : vector<16xf32>
        %swap3A_1774 = arith.index_cast %scan3A_1570 : i32 to index
        %swap3A_1775 = arith.constant 112 : index
        %swap3A_1776 = tpu.vector_load %arg11[%swap3A_1774, %swap3A_1775] {strides = array<i32>} : memref<40x128xf32, #tpu.memory_space<vmem>>, vector<1x16xf32>,
        %swap3A_1777 = vector.shape_cast %swap3A_1776 : vector<1x16xf32> to vector<16xf32>
        %swap3A_1778 = vector.shape_cast %add3A_1773 : vector<16xf32> to vector<1x16xf32>
        tpu.vector_store %arg11[%swap3A_1774, %swap3A_1775], %swap3A_1778 {strides = array<i32>} : memref<40x128xf32, #tpu.memory_space<vmem>>, vector<1x16xf32>,
      }
      %scan3A_1340 = arith.constant 40 : i32
      %dma_start3A_1341 = arith.constant 2 : i32
      %dma_start3A_1342 = arith.constant 0 : i32
      %dma_start3A_1343 = tpu.memref_slice %arg8[%dma_start3A_1341, %dma_start3A_1342] : memref<4x40xi32, #tpu.memory_space<vmem>> -> memref<1x40xi32, #tpu.memory_space<vmem>>
      %dma_start3A_1344 = tpu.memref_squeeze %dma_start3A_1343 : memref<1x40xi32, #tpu.memory_space<vmem>> -> memref<40xi32, #tpu.memory_space<vmem>>
      %dma_start3A_1345 = arith.constant 0 : i32
      %dma_start3A_1346 = arith.constant 0 : i32
      %dma_start3A_1347 = tpu.memref_slice %arg12[%dma_start3A_1345, %dma_start3A_1346] : memref<10240x128xf32, #tpu.memory_space<vmem_shared>> -> memref<10240x128xf32, #tpu.memory_space<vmem_shared>>
      tpu.enqueue_indirect_dma source(%arg11 : memref<40x128xf32, #tpu.memory_space<vmem>>) target(%dma_start3A_1347 : memref<10240x128xf32, #tpu.memory_space<vmem_shared>>) offsets(%dma_start3A_1344 : memref<40xi32, #tpu.memory_space<vmem>>) semaphore(%arg15 : memref<!tpu.dma_semaphore, #tpu.memory_space<semaphore_mem>>) {add = true}
      %add3A_1348 = arith.constant 2 : i32
      %add3A_1349 = arith.addi %add3A_1227, %add3A_1348 : i32
      %dma_start3A_1350 = arith.constant 0 : i32
      %dma_start3A_1351 = arith.constant 0 : i32
      %dma_start3A_1352 = tpu.memref_slice %arg7[%dma_start3A_1350, %dma_start3A_1351] : memref<2x40xi32, #tpu.memory_space<vmem>> -> memref<1x40xi32, #tpu.memory_space<vmem>>
      %dma_start3A_1353 = tpu.memref_squeeze %dma_start3A_1352 : memref<1x40xi32, #tpu.memory_space<vmem>> -> memref<40xi32, #tpu.memory_space<vmem>>
      %dma_start3A_1354 = arith.constant 0 : i32
      %dma_start3A_1355 = tpu.memref_slice %arg3[%add3A, %add3A_1349, %dma_start3A_1354] : memref<32x254x40xi32, #tpu.memory_space<hbm>> -> memref<1x1x40xi32, #tpu.memory_space<hbm>>
      %dma_start3A_1356 = tpu.memref_squeeze %dma_start3A_1355 : memref<1x1x40xi32, #tpu.memory_space<hbm>> -> memref<40xi32, #tpu.memory_space<hbm>>
      %dma_start3A_1357 = arith.constant 0 : i32
      %dma_start3A_1358 = tpu.memref_slice %arg7[%dma_start3A_1350, %dma_start3A_1357] : memref<2x40xi32, #tpu.memory_space<vmem>> -> memref<1x40xi32, #tpu.memory_space<vmem>>
      %dma_start3A_1359 = tpu.memref_squeeze %dma_start3A_1358 : memref<1x40xi32, #tpu.memory_space<vmem>> -> memref<40xi32, #tpu.memory_space<vmem>>
      %dma_start3A_1360 = arith.constant 0 : i32
      %dma_start3A_1361 = tpu.memref_slice %arg3[%add3A, %add3A_1349, %dma_start3A_1360] : memref<32x254x40xi32, #tpu.memory_space<hbm>> -> memref<1x1x40xi32, #tpu.memory_space<hbm>>
      %dma_start3A_1362 = tpu.memref_squeeze %dma_start3A_1361 : memref<1x1x40xi32, #tpu.memory_space<hbm>> -> memref<40xi32, #tpu.memory_space<hbm>>
      tpu.enqueue_dma source(%dma_start3A_1362 : memref<40xi32, #tpu.memory_space<hbm>>) target(%dma_start3A_1359 : memref<40xi32, #tpu.memory_space<vmem>>) target_semaphore(%arg14 : memref<!tpu.dma_semaphore, #tpu.memory_space<semaphore_mem>>)
      %add3A_1363 = arith.constant 2 : i32
      %add3A_1364 = arith.addi %add3A_1227, %add3A_1363 : i32
      %dma_start3A_1365 = arith.constant 0 : i32
      %dma_start3A_1366 = arith.constant 0 : i32
      %dma_start3A_1367 = tpu.memref_slice %arg8[%dma_start3A_1365, %dma_start3A_1366] : memref<4x40xi32, #tpu.memory_space<vmem>> -> memref<1x40xi32, #tpu.memory_space<vmem>>
      %dma_start3A_1368 = tpu.memref_squeeze %dma_start3A_1367 : memref<1x40xi32, #tpu.memory_space<vmem>> -> memref<40xi32, #tpu.memory_space<vmem>>
      %dma_start3A_1369 = arith.constant 0 : i32
      %dma_start3A_1370 = tpu.memref_slice %arg4[%add3A, %add3A_1364, %dma_start3A_1369] : memref<32x254x40xi32, #tpu.memory_space<hbm>> -> memref<1x1x40xi32, #tpu.memory_space<hbm>>
      %dma_start3A_1371 = tpu.memref_squeeze %dma_start3A_1370 : memref<1x1x40xi32, #tpu.memory_space<hbm>> -> memref<40xi32, #tpu.memory_space<hbm>>
      %dma_start3A_1372 = arith.constant 0 : i32
      %dma_start3A_1373 = tpu.memref_slice %arg8[%dma_start3A_1365, %dma_start3A_1372] : memref<4x40xi32, #tpu.memory_space<vmem>> -> memref<1x40xi32, #tpu.memory_space<vmem>>
      %dma_start3A_1374 = tpu.memref_squeeze %dma_start3A_1373 : memref<1x40xi32, #tpu.memory_space<vmem>> -> memref<40xi32, #tpu.memory_space<vmem>>
      %dma_start3A_1375 = arith.constant 0 : i32
      %dma_start3A_1376 = tpu.memref_slice %arg4[%add3A, %add3A_1364, %dma_start3A_1375] : memref<32x254x40xi32, #tpu.memory_space<hbm>> -> memref<1x1x40xi32, #tpu.memory_space<hbm>>
      %dma_start3A_1377 = tpu.memref_squeeze %dma_start3A_1376 : memref<1x1x40xi32, #tpu.memory_space<hbm>> -> memref<40xi32, #tpu.memory_space<hbm>>
      tpu.enqueue_dma source(%dma_start3A_1377 : memref<40xi32, #tpu.memory_space<hbm>>) target(%dma_start3A_1374 : memref<40xi32, #tpu.memory_space<vmem>>) target_semaphore(%arg14 : memref<!tpu.dma_semaphore, #tpu.memory_space<semaphore_mem>>)
      %add3A_1378 = arith.constant 2 : i32
      %add3A_1379 = arith.addi %add3A_1227, %add3A_1378 : i32
      %dma_start3A_1380 = arith.constant 0 : i32
      %dma_start3A_1381 = arith.constant 0 : i32
      %dma_start3A_1382 = arith.constant 0 : i32
      %dma_start3A_1383 = tpu.memref_slice %arg9[%dma_start3A_1380, %dma_start3A_1381, %dma_start3A_1382] : memref<2x80x16xf32, #tpu.memory_space<vmem>> -> memref<1x80x16xf32, #tpu.memory_space<vmem>>
      %dma_start3A_1384 = tpu.memref_squeeze %dma_start3A_1383 : memref<1x80x16xf32, #tpu.memory_space<vmem>> -> memref<80x16xf32, #tpu.memory_space<vmem>>
      %dma_start3A_1385 = arith.constant 0 : i32
      %dma_start3A_1386 = arith.constant 0 : i32
      %dma_start3A_1387 = tpu.memref_slice %arg5[%add3A, %add3A_1379, %dma_start3A_1385, %dma_start3A_1386] : memref<32x254x80x16xf32, #tpu.memory_space<hbm>> -> memref<1x1x80x16xf32, #tpu.memory_space<hbm>>
      %dma_start3A_1388 = tpu.memref_squeeze %dma_start3A_1387 : memref<1x1x80x16xf32, #tpu.memory_space<hbm>> -> memref<80x16xf32, #tpu.memory_space<hbm>>
      %dma_start3A_1389 = arith.constant 0 : i32
      %dma_start3A_1390 = arith.constant 0 : i32
      %dma_start3A_1391 = tpu.memref_slice %arg9[%dma_start3A_1380, %dma_start3A_1389, %dma_start3A_1390] : memref<2x80x16xf32, #tpu.memory_space<vmem>> -> memref<1x80x16xf32, #tpu.memory_space<vmem>>
      %dma_start3A_1392 = tpu.memref_squeeze %dma_start3A_1391 : memref<1x80x16xf32, #tpu.memory_space<vmem>> -> memref<80x16xf32, #tpu.memory_space<vmem>>
      %dma_start3A_1393 = arith.constant 0 : i32
      %dma_start3A_1394 = arith.constant 0 : i32
      %dma_start3A_1395 = tpu.memref_slice %arg5[%add3A, %add3A_1379, %dma_start3A_1393, %dma_start3A_1394] : memref<32x254x80x16xf32, #tpu.memory_space<hbm>> -> memref<1x1x80x16xf32, #tpu.memory_space<hbm>>
      %dma_start3A_1396 = tpu.memref_squeeze %dma_start3A_1395 : memref<1x1x80x16xf32, #tpu.memory_space<hbm>> -> memref<80x16xf32, #tpu.memory_space<hbm>>
      tpu.enqueue_dma source(%dma_start3A_1396 : memref<80x16xf32, #tpu.memory_space<hbm>>) target(%dma_start3A_1392 : memref<80x16xf32, #tpu.memory_space<vmem>>) target_semaphore(%arg14 : memref<!tpu.dma_semaphore, #tpu.memory_space<semaphore_mem>>)
      %mul3A_1397 = arith.constant 4 : i32
      %mul3A_1398 = arith.muli %mul3A_1397, %scan3A_877 : i32
      %add3A_1399 = arith.constant 3 : i32
      %add3A_1400 = arith.addi %mul3A_1398, %add3A_1399 : i32
      %add3A_1401 = arith.constant 1 : i32
      %add3A_1402 = arith.addi %add3A_1400, %add3A_1401 : i32
      %dma_wait3A_1403 = arith.constant 0 : i32
      %dma_wait3A_1404 = arith.constant 0 : i32
      %dma_wait3A_1405 = tpu.memref_slice %arg7[%dma_wait3A_1403, %dma_wait3A_1404] : memref<2x40xi32, #tpu.memory_space<vmem>> -> memref<1x40xi32, #tpu.memory_space<vmem>>
      %dma_wait3A_1406 = tpu.memref_squeeze %dma_wait3A_1405 : memref<1x40xi32, #tpu.memory_space<vmem>> -> memref<40xi32, #tpu.memory_space<vmem>>
      %dma_wait3A_1407 = arith.constant 0 : i32
      %dma_wait3A_1408 = tpu.memref_slice %arg3[%add3A, %add3A_1402, %dma_wait3A_1407] : memref<32x254x40xi32, #tpu.memory_space<hbm>> -> memref<1x1x40xi32, #tpu.memory_space<hbm>>
      %dma_wait3A_1409 = tpu.memref_squeeze %dma_wait3A_1408 : memref<1x1x40xi32, #tpu.memory_space<hbm>> -> memref<40xi32, #tpu.memory_space<hbm>>
      %dma_wait3A_1410 = arith.constant 0 : i32
      %dma_wait3A_1411 = tpu.memref_slice %arg7[%dma_wait3A_1403, %dma_wait3A_1410] : memref<2x40xi32, #tpu.memory_space<vmem>> -> memref<1x40xi32, #tpu.memory_space<vmem>>
      %dma_wait3A_1412 = tpu.memref_squeeze %dma_wait3A_1411 : memref<1x40xi32, #tpu.memory_space<vmem>> -> memref<40xi32, #tpu.memory_space<vmem>>
      %dma_wait3A_1413 = arith.constant 0 : i32
      %dma_wait3A_1414 = tpu.memref_slice %arg3[%add3A, %add3A_1402, %dma_wait3A_1413] : memref<32x254x40xi32, #tpu.memory_space<hbm>> -> memref<1x1x40xi32, #tpu.memory_space<hbm>>
      %dma_wait3A_1415 = tpu.memref_squeeze %dma_wait3A_1414 : memref<1x1x40xi32, #tpu.memory_space<hbm>> -> memref<40xi32, #tpu.memory_space<hbm>>
      tpu.wait_dma2 semaphore(%arg14 : memref<!tpu.dma_semaphore, #tpu.memory_space<semaphore_mem>>) src(%dma_wait3A_1415 : memref<40xi32, #tpu.memory_space<hbm>>) dst(%dma_wait3A_1412 : memref<40xi32, #tpu.memory_space<vmem>>)
      %add3A_1416 = arith.constant 1 : i32
      %add3A_1417 = arith.addi %add3A_1400, %add3A_1416 : i32
      %dma_wait3A_1418 = arith.constant 0 : i32
      %dma_wait3A_1419 = arith.constant 0 : i32
      %dma_wait3A_1420 = tpu.memref_slice %arg8[%dma_wait3A_1418, %dma_wait3A_1419] : memref<4x40xi32, #tpu.memory_space<vmem>> -> memref<1x40xi32, #tpu.memory_space<vmem>>
      %dma_wait3A_1421 = tpu.memref_squeeze %dma_wait3A_1420 : memref<1x40xi32, #tpu.memory_space<vmem>> -> memref<40xi32, #tpu.memory_space<vmem>>
      %dma_wait3A_1422 = arith.constant 0 : i32
      %dma_wait3A_1423 = tpu.memref_slice %arg4[%add3A, %add3A_1417, %dma_wait3A_1422] : memref<32x254x40xi32, #tpu.memory_space<hbm>> -> memref<1x1x40xi32, #tpu.memory_space<hbm>>
      %dma_wait3A_1424 = tpu.memref_squeeze %dma_wait3A_1423 : memref<1x1x40xi32, #tpu.memory_space<hbm>> -> memref<40xi32, #tpu.memory_space<hbm>>
      %dma_wait3A_1425 = arith.constant 0 : i32
      %dma_wait3A_1426 = tpu.memref_slice %arg8[%dma_wait3A_1418, %dma_wait3A_1425] : memref<4x40xi32, #tpu.memory_space<vmem>> -> memref<1x40xi32, #tpu.memory_space<vmem>>
      %dma_wait3A_1427 = tpu.memref_squeeze %dma_wait3A_1426 : memref<1x40xi32, #tpu.memory_space<vmem>> -> memref<40xi32, #tpu.memory_space<vmem>>
      %dma_wait3A_1428 = arith.constant 0 : i32
      %dma_wait3A_1429 = tpu.memref_slice %arg4[%add3A, %add3A_1417, %dma_wait3A_1428] : memref<32x254x40xi32, #tpu.memory_space<hbm>> -> memref<1x1x40xi32, #tpu.memory_space<hbm>>
      %dma_wait3A_1430 = tpu.memref_squeeze %dma_wait3A_1429 : memref<1x1x40xi32, #tpu.memory_space<hbm>> -> memref<40xi32, #tpu.memory_space<hbm>>
      tpu.wait_dma2 semaphore(%arg14 : memref<!tpu.dma_semaphore, #tpu.memory_space<semaphore_mem>>) src(%dma_wait3A_1430 : memref<40xi32, #tpu.memory_space<hbm>>) dst(%dma_wait3A_1427 : memref<40xi32, #tpu.memory_space<vmem>>)
      %add3A_1431 = arith.constant 1 : i32
      %add3A_1432 = arith.addi %add3A_1400, %add3A_1431 : i32
      %dma_wait3A_1433 = arith.constant 0 : i32
      %dma_wait3A_1434 = arith.constant 0 : i32
      %dma_wait3A_1435 = arith.constant 0 : i32
      %dma_wait3A_1436 = tpu.memref_slice %arg9[%dma_wait3A_1433, %dma_wait3A_1434, %dma_wait3A_1435] : memref<2x80x16xf32, #tpu.memory_space<vmem>> -> memref<1x80x16xf32, #tpu.memory_space<vmem>>
      %dma_wait3A_1437 = tpu.memref_squeeze %dma_wait3A_1436 : memref<1x80x16xf32, #tpu.memory_space<vmem>> -> memref<80x16xf32, #tpu.memory_space<vmem>>
      %dma_wait3A_1438 = arith.constant 0 : i32
      %dma_wait3A_1439 = arith.constant 0 : i32
      %dma_wait3A_1440 = tpu.memref_slice %arg5[%add3A, %add3A_1432, %dma_wait3A_1438, %dma_wait3A_1439] : memref<32x254x80x16xf32, #tpu.memory_space<hbm>> -> memref<1x1x80x16xf32, #tpu.memory_space<hbm>>
      %dma_wait3A_1441 = tpu.memref_squeeze %dma_wait3A_1440 : memref<1x1x80x16xf32, #tpu.memory_space<hbm>> -> memref<80x16xf32, #tpu.memory_space<hbm>>
      %dma_wait3A_1442 = arith.constant 0 : i32
      %dma_wait3A_1443 = arith.constant 0 : i32
      %dma_wait3A_1444 = tpu.memref_slice %arg9[%dma_wait3A_1433, %dma_wait3A_1442, %dma_wait3A_1443] : memref<2x80x16xf32, #tpu.memory_space<vmem>> -> memref<1x80x16xf32, #tpu.memory_space<vmem>>
      %dma_wait3A_1445 = tpu.memref_squeeze %dma_wait3A_1444 : memref<1x80x16xf32, #tpu.memory_space<vmem>> -> memref<80x16xf32, #tpu.memory_space<vmem>>
      %dma_wait3A_1446 = arith.constant 0 : i32
      %dma_wait3A_1447 = arith.constant 0 : i32
      %dma_wait3A_1448 = tpu.memref_slice %arg5[%add3A, %add3A_1432, %dma_wait3A_1446, %dma_wait3A_1447] : memref<32x254x80x16xf32, #tpu.memory_space<hbm>> -> memref<1x1x80x16xf32, #tpu.memory_space<hbm>>
      %dma_wait3A_1449 = tpu.memref_squeeze %dma_wait3A_1448 : memref<1x1x80x16xf32, #tpu.memory_space<hbm>> -> memref<80x16xf32, #tpu.memory_space<hbm>>
      tpu.wait_dma2 semaphore(%arg14 : memref<!tpu.dma_semaphore, #tpu.memory_space<semaphore_mem>>) src(%dma_wait3A_1449 : memref<80x16xf32, #tpu.memory_space<hbm>>) dst(%dma_wait3A_1445 : memref<80x16xf32, #tpu.memory_space<vmem>>)
      %dma_start3A_1450 = arith.constant 0 : i32
      %dma_start3A_1451 = arith.constant 0 : i32
      %dma_start3A_1452 = arith.constant 0 : i32
      %dma_start3A_1453 = arith.constant 0 : i32
      %dma_start3A_1454 = tpu.memref_slice %arg10[%dma_start3A_1451, %dma_start3A_1452, %dma_start3A_1453] : memref<2x40x256xf32, #tpu.memory_space<vmem>> -> memref<1x24x256xf32, #tpu.memory_space<vmem>>
      %dma_start3A_1455 = tpu.memref_squeeze %dma_start3A_1454 : memref<1x24x256xf32, #tpu.memory_space<vmem>> -> memref<24x256xf32, #tpu.memory_space<vmem>>
      %dma_start3A_1456 = arith.constant 0 : i32
      %dma_start3A_1457 = tpu.memref_slice %arg7[%dma_start3A_1450, %dma_start3A_1456] : memref<2x40xi32, #tpu.memory_space<vmem>> -> memref<1x24xi32, #tpu.memory_space<vmem>>
      %dma_start3A_1458 = tpu.memref_squeeze %dma_start3A_1457 : memref<1x24xi32, #tpu.memory_space<vmem>> -> memref<24xi32, #tpu.memory_space<vmem>>
      %dma_start3A_1459 = arith.constant 0 : i32
      %dma_start3A_1460 = arith.constant 0 : i32
      %dma_start3A_1461 = tpu.memref_slice %arg2[%dma_start3A_1459, %dma_start3A_1460] : memref<10000x256xf32, #tpu.memory_space<hbm>> -> memref<10000x256xf32, #tpu.memory_space<hbm>>
      tpu.enqueue_indirect_dma source(%dma_start3A_1461 : memref<10000x256xf32, #tpu.memory_space<hbm>>) target(%dma_start3A_1455 : memref<24x256xf32, #tpu.memory_space<vmem>>) offsets(%dma_start3A_1458 : memref<24xi32, #tpu.memory_space<vmem>>) semaphore(%arg13 : memref<!tpu.dma_semaphore, #tpu.memory_space<semaphore_mem>>)
      %dma_start3A_1462 = arith.constant 0 : i32
      %dma_start3A_1463 = arith.constant 0 : i32
      %dma_start3A_1464 = arith.constant 24 : i32
      %dma_start3A_1465 = arith.constant 0 : i32
      %dma_start3A_1466 = tpu.memref_slice %arg10[%dma_start3A_1463, %dma_start3A_1464, %dma_start3A_1465] : memref<2x40x256xf32, #tpu.memory_space<vmem>> -> memref<1x16x256xf32, #tpu.memory_space<vmem>>
      %dma_start3A_1467 = tpu.memref_squeeze %dma_start3A_1466 : memref<1x16x256xf32, #tpu.memory_space<vmem>> -> memref<16x256xf32, #tpu.memory_space<vmem>>
      %dma_start3A_1468 = arith.constant 24 : i32
      %dma_start3A_1469 = tpu.memref_slice %arg7[%dma_start3A_1462, %dma_start3A_1468] : memref<2x40xi32, #tpu.memory_space<vmem>> -> memref<1x16xi32, #tpu.memory_space<vmem>>
      %dma_start3A_1470 = tpu.memref_squeeze %dma_start3A_1469 : memref<1x16xi32, #tpu.memory_space<vmem>> -> memref<16xi32, #tpu.memory_space<vmem>>
      %dma_start3A_1471 = arith.constant 0 : i32
      %dma_start3A_1472 = arith.constant 0 : i32
      %dma_start3A_1473 = tpu.memref_slice %arg2[%dma_start3A_1471, %dma_start3A_1472] : memref<10000x256xf32, #tpu.memory_space<hbm>> -> memref<10000x256xf32, #tpu.memory_space<hbm>>
      tpu.enqueue_indirect_dma source(%dma_start3A_1473 : memref<10000x256xf32, #tpu.memory_space<hbm>>) target(%dma_start3A_1467 : memref<16x256xf32, #tpu.memory_space<vmem>>) offsets(%dma_start3A_1470 : memref<16xi32, #tpu.memory_space<vmem>>) semaphore(%arg13 : memref<!tpu.dma_semaphore, #tpu.memory_space<semaphore_mem>>)
      %dma_wait3A_1474 = arith.constant 1 : i32
      %dma_wait3A_1475 = arith.constant 1 : i32
      %dma_wait3A_1476 = arith.constant 0 : i32
      %dma_wait3A_1477 = arith.constant 0 : i32
      %dma_wait3A_1478 = tpu.memref_slice %arg10[%dma_wait3A_1475, %dma_wait3A_1476, %dma_wait3A_1477] : memref<2x40x256xf32, #tpu.memory_space<vmem>> -> memref<1x24x256xf32, #tpu.memory_space<vmem>>
      %dma_wait3A_1479 = tpu.memref_squeeze %dma_wait3A_1478 : memref<1x24x256xf32, #tpu.memory_space<vmem>> -> memref<24x256xf32, #tpu.memory_space<vmem>>
      %dma_wait3A_1480 = arith.constant 0 : i32
      %dma_wait3A_1481 = tpu.memref_slice %arg7[%dma_wait3A_1474, %dma_wait3A_1480] : memref<2x40xi32, #tpu.memory_space<vmem>> -> memref<1x24xi32, #tpu.memory_space<vmem>>
      %dma_wait3A_1482 = tpu.memref_squeeze %dma_wait3A_1481 : memref<1x24xi32, #tpu.memory_space<vmem>> -> memref<24xi32, #tpu.memory_space<vmem>>
      %dma_wait3A_1483 = arith.constant 0 : i32
      %dma_wait3A_1484 = arith.constant 0 : i32
      %dma_wait3A_1485 = tpu.memref_slice %arg2[%dma_wait3A_1483, %dma_wait3A_1484] : memref<10000x256xf32, #tpu.memory_space<hbm>> -> memref<10000x256xf32, #tpu.memory_space<hbm>>
      tpu.wait_indirect_dma semaphore(%arg13 : memref<!tpu.dma_semaphore, #tpu.memory_space<semaphore_mem>>) src(%dma_wait3A_1485 : memref<10000x256xf32, #tpu.memory_space<hbm>>) dst(%dma_wait3A_1479 : memref<24x256xf32, #tpu.memory_space<vmem>>)
      %dma_wait3A_1486 = arith.constant 1 : i32
      %dma_wait3A_1487 = arith.constant 1 : i32
      %dma_wait3A_1488 = arith.constant 24 : i32
      %dma_wait3A_1489 = arith.constant 0 : i32
      %dma_wait3A_1490 = tpu.memref_slice %arg10[%dma_wait3A_1487, %dma_wait3A_1488, %dma_wait3A_1489] : memref<2x40x256xf32, #tpu.memory_space<vmem>> -> memref<1x16x256xf32, #tpu.memory_space<vmem>>
      %dma_wait3A_1491 = tpu.memref_squeeze %dma_wait3A_1490 : memref<1x16x256xf32, #tpu.memory_space<vmem>> -> memref<16x256xf32, #tpu.memory_space<vmem>>
      %dma_wait3A_1492 = arith.constant 24 : i32
      %dma_wait3A_1493 = tpu.memref_slice %arg7[%dma_wait3A_1486, %dma_wait3A_1492] : memref<2x40xi32, #tpu.memory_space<vmem>> -> memref<1x16xi32, #tpu.memory_space<vmem>>
      %dma_wait3A_1494 = tpu.memref_squeeze %dma_wait3A_1493 : memref<1x16xi32, #tpu.memory_space<vmem>> -> memref<16xi32, #tpu.memory_space<vmem>>
      %dma_wait3A_1495 = arith.constant 0 : i32
      %dma_wait3A_1496 = arith.constant 0 : i32
      %dma_wait3A_1497 = tpu.memref_slice %arg2[%dma_wait3A_1495, %dma_wait3A_1496] : memref<10000x256xf32, #tpu.memory_space<hbm>> -> memref<10000x256xf32, #tpu.memory_space<hbm>>
      tpu.wait_indirect_dma semaphore(%arg13 : memref<!tpu.dma_semaphore, #tpu.memory_space<semaphore_mem>>) src(%dma_wait3A_1497 : memref<10000x256xf32, #tpu.memory_space<hbm>>) dst(%dma_wait3A_1491 : memref<16x256xf32, #tpu.memory_space<vmem>>)
      %dma_wait3A_1498 = arith.constant 0 : i32
      %dma_wait3A_1499 = arith.constant 0 : i32
      %dma_wait3A_1500 = tpu.memref_slice %arg6[%arg0, %dma_wait3A_1498, %dma_wait3A_1499] : memref<2x10240x128xf32, #tpu.memory_space<hbm>> -> memref<1x40x128xf32, #tpu.memory_space<hbm>>
      %dma_wait3A_1501 = tpu.memref_squeeze %dma_wait3A_1500 : memref<1x40x128xf32, #tpu.memory_space<hbm>> -> memref<40x128xf32, #tpu.memory_space<hbm>>
      %dma_wait3A_1502 = arith.constant 0 : i32
      %dma_wait3A_1503 = arith.constant 0 : i32
      %dma_wait3A_1504 = tpu.memref_slice %arg6[%arg0, %dma_wait3A_1502, %dma_wait3A_1503] : memref<2x10240x128xf32, #tpu.memory_space<hbm>> -> memref<1x40x128xf32, #tpu.memory_space<hbm>>
      %dma_wait3A_1505 = tpu.memref_squeeze %dma_wait3A_1504 : memref<1x40x128xf32, #tpu.memory_space<hbm>> -> memref<40x128xf32, #tpu.memory_space<hbm>>
      tpu.wait_dma2 semaphore(%arg15 : memref<!tpu.dma_semaphore, #tpu.memory_space<semaphore_mem>>) src(%dma_wait3A_1505 : memref<40x128xf32, #tpu.memory_space<hbm>>) dst(%arg11 : memref<40x128xf32, #tpu.memory_space<vmem>>)
      %scan3A_1506 = arith.constant 0 : i32
      %scan3A_1507 = arith.constant 1 : i32
      %scan3A_1508 = arith.constant 1 : i32
      %scan3A_1509 = arith.constant 0 : i32
      %scan3A_1510 = arith.constant 40 : i32
      %scan3A_1511 = arith.addi %scan3A_1509, %scan3A_1510 : i32
      %scan3A_1512 = arith.constant 1 : i32
      scf.for %scan3A_1570 = %scan3A_1509 to %scan3A_1511 step %scan3A_1512  : i32 {
        %get3A = arith.constant 0 : i32
        %get3A_1571 = arith.constant 0 : i32
        %get3A_1572 = tpu.memref_slice %arg9[%scan3A_1507, %get3A, %get3A_1571] : memref<2x80x16xf32, #tpu.memory_space<vmem>> -> memref<1x80x16xf32, #tpu.memory_space<vmem>>
        %get3A_1573 = tpu.memref_squeeze %get3A_1572 : memref<1x80x16xf32, #tpu.memory_space<vmem>> -> memref<80x16xf32, #tpu.memory_space<vmem>>
        %get3A_1574 = arith.index_cast %scan3A_1570 : i32 to index
        %get3A_1575 = arith.constant 0 : index
        %get3A_1576 = tpu.vector_load %get3A_1573[%get3A_1574, %get3A_1575] {strides = array<i32>} : memref<80x16xf32, #tpu.memory_space<vmem>>, vector<1x16xf32>,
        %get3A_1577 = vector.shape_cast %get3A_1576 : vector<1x16xf32> to vector<16xf32>
        %add3A_1578 = arith.constant 40 : i32
        %add3A_1579 = arith.addi %add3A_1578, %scan3A_1570 : i32
        %get3A_1580 = arith.constant 0 : i32
        %get3A_1581 = arith.constant 0 : i32
        %get3A_1582 = tpu.memref_slice %arg9[%scan3A_1507, %get3A_1580, %get3A_1581] : memref<2x80x16xf32, #tpu.memory_space<vmem>> -> memref<1x80x16xf32, #tpu.memory_space<vmem>>
        %get3A_1583 = tpu.memref_squeeze %get3A_1582 : memref<1x80x16xf32, #tpu.memory_space<vmem>> -> memref<80x16xf32, #tpu.memory_space<vmem>>
        %get3A_1584 = arith.index_cast %add3A_1579 : i32 to index
        %get3A_1585 = arith.constant 0 : index
        %get3A_1586 = tpu.vector_load %get3A_1583[%get3A_1584, %get3A_1585] {strides = array<i32>} : memref<80x16xf32, #tpu.memory_space<vmem>>, vector<1x16xf32>,
        %get3A_1587 = vector.shape_cast %get3A_1586 : vector<1x16xf32> to vector<16xf32>
        %get3A_1588 = arith.constant 0 : i32
        %get3A_1589 = arith.constant 0 : i32
        %get3A_1590 = tpu.memref_slice %arg10[%scan3A_1508, %get3A_1588, %get3A_1589] : memref<2x40x256xf32, #tpu.memory_space<vmem>> -> memref<1x40x256xf32, #tpu.memory_space<vmem>>
        %get3A_1591 = tpu.memref_squeeze %get3A_1590 : memref<1x40x256xf32, #tpu.memory_space<vmem>> -> memref<40x256xf32, #tpu.memory_space<vmem>>
        %get3A_1592 = arith.index_cast %scan3A_1570 : i32 to index
        %get3A_1593 = arith.constant 0 : index
        %get3A_1594 = tpu.vector_load %get3A_1591[%get3A_1592, %get3A_1593] {strides = array<i32>} : memref<40x256xf32, #tpu.memory_space<vmem>>, vector<1x16xf32>,
        %get3A_1595 = vector.shape_cast %get3A_1594 : vector<1x16xf32> to vector<16xf32>
        %get3A_1596 = arith.constant 0 : i32
        %get3A_1597 = arith.constant 0 : i32
        %get3A_1598 = tpu.memref_slice %arg10[%scan3A_1508, %get3A_1596, %get3A_1597] : memref<2x40x256xf32, #tpu.memory_space<vmem>> -> memref<1x40x256xf32, #tpu.memory_space<vmem>>
        %get3A_1599 = tpu.memref_squeeze %get3A_1598 : memref<1x40x256xf32, #tpu.memory_space<vmem>> -> memref<40x256xf32, #tpu.memory_space<vmem>>
        %get3A_1600 = arith.index_cast %scan3A_1570 : i32 to index
        %get3A_1601 = arith.constant 128 : index
        %get3A_1602 = tpu.vector_load %get3A_1599[%get3A_1600, %get3A_1601] {strides = array<i32>} : memref<40x256xf32, #tpu.memory_space<vmem>>, vector<1x16xf32>,
        %get3A_1603 = vector.shape_cast %get3A_1602 : vector<1x16xf32> to vector<16xf32>
        %mul3A_1604 = arith.mulf %get3A_1577, %get3A_1595 : vector<16xf32>
        %mul3A_1605 = arith.mulf %get3A_1587, %get3A_1603 : vector<16xf32>
        %add3A_1606 = arith.addf %mul3A_1604, %mul3A_1605 : vector<16xf32>
        %swap3A = arith.index_cast %scan3A_1570 : i32 to index
        %swap3A_1607 = arith.constant 0 : index
        %swap3A_1608 = tpu.vector_load %arg11[%swap3A, %swap3A_1607] {strides = array<i32>} : memref<40x128xf32, #tpu.memory_space<vmem>>, vector<1x16xf32>,
        %swap3A_1609 = vector.shape_cast %swap3A_1608 : vector<1x16xf32> to vector<16xf32>
        %swap3A_1610 = vector.shape_cast %add3A_1606 : vector<16xf32> to vector<1x16xf32>
        tpu.vector_store %arg11[%swap3A, %swap3A_1607], %swap3A_1610 {strides = array<i32>} : memref<40x128xf32, #tpu.memory_space<vmem>>, vector<1x16xf32>,
        %get3A_1611 = arith.constant 0 : i32
        %get3A_1612 = arith.constant 0 : i32
        %get3A_1613 = tpu.memref_slice %arg10[%scan3A_1508, %get3A_1611, %get3A_1612] : memref<2x40x256xf32, #tpu.memory_space<vmem>> -> memref<1x40x256xf32, #tpu.memory_space<vmem>>
        %get3A_1614 = tpu.memref_squeeze %get3A_1613 : memref<1x40x256xf32, #tpu.memory_space<vmem>> -> memref<40x256xf32, #tpu.memory_space<vmem>>
        %get3A_1615 = arith.index_cast %scan3A_1570 : i32 to index
        %get3A_1616 = arith.constant 16 : index
        %get3A_1617 = tpu.vector_load %get3A_1614[%get3A_1615, %get3A_1616] {strides = array<i32>} : memref<40x256xf32, #tpu.memory_space<vmem>>, vector<1x16xf32>,
        %get3A_1618 = vector.shape_cast %get3A_1617 : vector<1x16xf32> to vector<16xf32>
        %get3A_1619 = arith.constant 0 : i32
        %get3A_1620 = arith.constant 0 : i32
        %get3A_1621 = tpu.memref_slice %arg10[%scan3A_1508, %get3A_1619, %get3A_1620] : memref<2x40x256xf32, #tpu.memory_space<vmem>> -> memref<1x40x256xf32, #tpu.memory_space<vmem>>
        %get3A_1622 = tpu.memref_squeeze %get3A_1621 : memref<1x40x256xf32, #tpu.memory_space<vmem>> -> memref<40x256xf32, #tpu.memory_space<vmem>>
        %get3A_1623 = arith.index_cast %scan3A_1570 : i32 to index
        %get3A_1624 = arith.constant 144 : index
        %get3A_1625 = tpu.vector_load %get3A_1622[%get3A_1623, %get3A_1624] {strides = array<i32>} : memref<40x256xf32, #tpu.memory_space<vmem>>, vector<1x16xf32>,
        %get3A_1626 = vector.shape_cast %get3A_1625 : vector<1x16xf32> to vector<16xf32>
        %mul3A_1627 = arith.mulf %get3A_1577, %get3A_1618 : vector<16xf32>
        %mul3A_1628 = arith.mulf %get3A_1587, %get3A_1626 : vector<16xf32>
        %add3A_1629 = arith.addf %mul3A_1627, %mul3A_1628 : vector<16xf32>
        %swap3A_1630 = arith.index_cast %scan3A_1570 : i32 to index
        %swap3A_1631 = arith.constant 16 : index
        %swap3A_1632 = tpu.vector_load %arg11[%swap3A_1630, %swap3A_1631] {strides = array<i32>} : memref<40x128xf32, #tpu.memory_space<vmem>>, vector<1x16xf32>,
        %swap3A_1633 = vector.shape_cast %swap3A_1632 : vector<1x16xf32> to vector<16xf32>
        %swap3A_1634 = vector.shape_cast %add3A_1629 : vector<16xf32> to vector<1x16xf32>
        tpu.vector_store %arg11[%swap3A_1630, %swap3A_1631], %swap3A_1634 {strides = array<i32>} : memref<40x128xf32, #tpu.memory_space<vmem>>, vector<1x16xf32>,
        %get3A_1635 = arith.constant 0 : i32
        %get3A_1636 = arith.constant 0 : i32
        %get3A_1637 = tpu.memref_slice %arg10[%scan3A_1508, %get3A_1635, %get3A_1636] : memref<2x40x256xf32, #tpu.memory_space<vmem>> -> memref<1x40x256xf32, #tpu.memory_space<vmem>>
        %get3A_1638 = tpu.memref_squeeze %get3A_1637 : memref<1x40x256xf32, #tpu.memory_space<vmem>> -> memref<40x256xf32, #tpu.memory_space<vmem>>
        %get3A_1639 = arith.index_cast %scan3A_1570 : i32 to index
        %get3A_1640 = arith.constant 32 : index
        %get3A_1641 = tpu.vector_load %get3A_1638[%get3A_1639, %get3A_1640] {strides = array<i32>} : memref<40x256xf32, #tpu.memory_space<vmem>>, vector<1x16xf32>,
        %get3A_1642 = vector.shape_cast %get3A_1641 : vector<1x16xf32> to vector<16xf32>
        %get3A_1643 = arith.constant 0 : i32
        %get3A_1644 = arith.constant 0 : i32
        %get3A_1645 = tpu.memref_slice %arg10[%scan3A_1508, %get3A_1643, %get3A_1644] : memref<2x40x256xf32, #tpu.memory_space<vmem>> -> memref<1x40x256xf32, #tpu.memory_space<vmem>>
        %get3A_1646 = tpu.memref_squeeze %get3A_1645 : memref<1x40x256xf32, #tpu.memory_space<vmem>> -> memref<40x256xf32, #tpu.memory_space<vmem>>
        %get3A_1647 = arith.index_cast %scan3A_1570 : i32 to index
        %get3A_1648 = arith.constant 160 : index
        %get3A_1649 = tpu.vector_load %get3A_1646[%get3A_1647, %get3A_1648] {strides = array<i32>} : memref<40x256xf32, #tpu.memory_space<vmem>>, vector<1x16xf32>,
        %get3A_1650 = vector.shape_cast %get3A_1649 : vector<1x16xf32> to vector<16xf32>
        %mul3A_1651 = arith.mulf %get3A_1577, %get3A_1642 : vector<16xf32>
        %mul3A_1652 = arith.mulf %get3A_1587, %get3A_1650 : vector<16xf32>
        %add3A_1653 = arith.addf %mul3A_1651, %mul3A_1652 : vector<16xf32>
        %swap3A_1654 = arith.index_cast %scan3A_1570 : i32 to index
        %swap3A_1655 = arith.constant 32 : index
        %swap3A_1656 = tpu.vector_load %arg11[%swap3A_1654, %swap3A_1655] {strides = array<i32>} : memref<40x128xf32, #tpu.memory_space<vmem>>, vector<1x16xf32>,
        %swap3A_1657 = vector.shape_cast %swap3A_1656 : vector<1x16xf32> to vector<16xf32>
        %swap3A_1658 = vector.shape_cast %add3A_1653 : vector<16xf32> to vector<1x16xf32>
        tpu.vector_store %arg11[%swap3A_1654, %swap3A_1655], %swap3A_1658 {strides = array<i32>} : memref<40x128xf32, #tpu.memory_space<vmem>>, vector<1x16xf32>,
        %get3A_1659 = arith.constant 0 : i32
        %get3A_1660 = arith.constant 0 : i32
        %get3A_1661 = tpu.memref_slice %arg10[%scan3A_1508, %get3A_1659, %get3A_1660] : memref<2x40x256xf32, #tpu.memory_space<vmem>> -> memref<1x40x256xf32, #tpu.memory_space<vmem>>
        %get3A_1662 = tpu.memref_squeeze %get3A_1661 : memref<1x40x256xf32, #tpu.memory_space<vmem>> -> memref<40x256xf32, #tpu.memory_space<vmem>>
        %get3A_1663 = arith.index_cast %scan3A_1570 : i32 to index
        %get3A_1664 = arith.constant 48 : index
        %get3A_1665 = tpu.vector_load %get3A_1662[%get3A_1663, %get3A_1664] {strides = array<i32>} : memref<40x256xf32, #tpu.memory_space<vmem>>, vector<1x16xf32>,
        %get3A_1666 = vector.shape_cast %get3A_1665 : vector<1x16xf32> to vector<16xf32>
        %get3A_1667 = arith.constant 0 : i32
        %get3A_1668 = arith.constant 0 : i32
        %get3A_1669 = tpu.memref_slice %arg10[%scan3A_1508, %get3A_1667, %get3A_1668] : memref<2x40x256xf32, #tpu.memory_space<vmem>> -> memref<1x40x256xf32, #tpu.memory_space<vmem>>
        %get3A_1670 = tpu.memref_squeeze %get3A_1669 : memref<1x40x256xf32, #tpu.memory_space<vmem>> -> memref<40x256xf32, #tpu.memory_space<vmem>>
        %get3A_1671 = arith.index_cast %scan3A_1570 : i32 to index
        %get3A_1672 = arith.constant 176 : index
        %get3A_1673 = tpu.vector_load %get3A_1670[%get3A_1671, %get3A_1672] {strides = array<i32>} : memref<40x256xf32, #tpu.memory_space<vmem>>, vector<1x16xf32>,
        %get3A_1674 = vector.shape_cast %get3A_1673 : vector<1x16xf32> to vector<16xf32>
        %mul3A_1675 = arith.mulf %get3A_1577, %get3A_1666 : vector<16xf32>
        %mul3A_1676 = arith.mulf %get3A_1587, %get3A_1674 : vector<16xf32>
        %add3A_1677 = arith.addf %mul3A_1675, %mul3A_1676 : vector<16xf32>
        %swap3A_1678 = arith.index_cast %scan3A_1570 : i32 to index
        %swap3A_1679 = arith.constant 48 : index
        %swap3A_1680 = tpu.vector_load %arg11[%swap3A_1678, %swap3A_1679] {strides = array<i32>} : memref<40x128xf32, #tpu.memory_space<vmem>>, vector<1x16xf32>,
        %swap3A_1681 = vector.shape_cast %swap3A_1680 : vector<1x16xf32> to vector<16xf32>
        %swap3A_1682 = vector.shape_cast %add3A_1677 : vector<16xf32> to vector<1x16xf32>
        tpu.vector_store %arg11[%swap3A_1678, %swap3A_1679], %swap3A_1682 {strides = array<i32>} : memref<40x128xf32, #tpu.memory_space<vmem>>, vector<1x16xf32>,
        %get3A_1683 = arith.constant 0 : i32
        %get3A_1684 = arith.constant 0 : i32
        %get3A_1685 = tpu.memref_slice %arg10[%scan3A_1508, %get3A_1683, %get3A_1684] : memref<2x40x256xf32, #tpu.memory_space<vmem>> -> memref<1x40x256xf32, #tpu.memory_space<vmem>>
        %get3A_1686 = tpu.memref_squeeze %get3A_1685 : memref<1x40x256xf32, #tpu.memory_space<vmem>> -> memref<40x256xf32, #tpu.memory_space<vmem>>
        %get3A_1687 = arith.index_cast %scan3A_1570 : i32 to index
        %get3A_1688 = arith.constant 64 : index
        %get3A_1689 = tpu.vector_load %get3A_1686[%get3A_1687, %get3A_1688] {strides = array<i32>} : memref<40x256xf32, #tpu.memory_space<vmem>>, vector<1x16xf32>,
        %get3A_1690 = vector.shape_cast %get3A_1689 : vector<1x16xf32> to vector<16xf32>
        %get3A_1691 = arith.constant 0 : i32
        %get3A_1692 = arith.constant 0 : i32
        %get3A_1693 = tpu.memref_slice %arg10[%scan3A_1508, %get3A_1691, %get3A_1692] : memref<2x40x256xf32, #tpu.memory_space<vmem>> -> memref<1x40x256xf32, #tpu.memory_space<vmem>>
        %get3A_1694 = tpu.memref_squeeze %get3A_1693 : memref<1x40x256xf32, #tpu.memory_space<vmem>> -> memref<40x256xf32, #tpu.memory_space<vmem>>
        %get3A_1695 = arith.index_cast %scan3A_1570 : i32 to index
        %get3A_1696 = arith.constant 192 : index
        %get3A_1697 = tpu.vector_load %get3A_1694[%get3A_1695, %get3A_1696] {strides = array<i32>} : memref<40x256xf32, #tpu.memory_space<vmem>>, vector<1x16xf32>,
        %get3A_1698 = vector.shape_cast %get3A_1697 : vector<1x16xf32> to vector<16xf32>
        %mul3A_1699 = arith.mulf %get3A_1577, %get3A_1690 : vector<16xf32>
        %mul3A_1700 = arith.mulf %get3A_1587, %get3A_1698 : vector<16xf32>
        %add3A_1701 = arith.addf %mul3A_1699, %mul3A_1700 : vector<16xf32>
        %swap3A_1702 = arith.index_cast %scan3A_1570 : i32 to index
        %swap3A_1703 = arith.constant 64 : index
        %swap3A_1704 = tpu.vector_load %arg11[%swap3A_1702, %swap3A_1703] {strides = array<i32>} : memref<40x128xf32, #tpu.memory_space<vmem>>, vector<1x16xf32>,
        %swap3A_1705 = vector.shape_cast %swap3A_1704 : vector<1x16xf32> to vector<16xf32>
        %swap3A_1706 = vector.shape_cast %add3A_1701 : vector<16xf32> to vector<1x16xf32>
        tpu.vector_store %arg11[%swap3A_1702, %swap3A_1703], %swap3A_1706 {strides = array<i32>} : memref<40x128xf32, #tpu.memory_space<vmem>>, vector<1x16xf32>,
        %get3A_1707 = arith.constant 0 : i32
        %get3A_1708 = arith.constant 0 : i32
        %get3A_1709 = tpu.memref_slice %arg10[%scan3A_1508, %get3A_1707, %get3A_1708] : memref<2x40x256xf32, #tpu.memory_space<vmem>> -> memref<1x40x256xf32, #tpu.memory_space<vmem>>
        %get3A_1710 = tpu.memref_squeeze %get3A_1709 : memref<1x40x256xf32, #tpu.memory_space<vmem>> -> memref<40x256xf32, #tpu.memory_space<vmem>>
        %get3A_1711 = arith.index_cast %scan3A_1570 : i32 to index
        %get3A_1712 = arith.constant 80 : index
        %get3A_1713 = tpu.vector_load %get3A_1710[%get3A_1711, %get3A_1712] {strides = array<i32>} : memref<40x256xf32, #tpu.memory_space<vmem>>, vector<1x16xf32>,
        %get3A_1714 = vector.shape_cast %get3A_1713 : vector<1x16xf32> to vector<16xf32>
        %get3A_1715 = arith.constant 0 : i32
        %get3A_1716 = arith.constant 0 : i32
        %get3A_1717 = tpu.memref_slice %arg10[%scan3A_1508, %get3A_1715, %get3A_1716] : memref<2x40x256xf32, #tpu.memory_space<vmem>> -> memref<1x40x256xf32, #tpu.memory_space<vmem>>
        %get3A_1718 = tpu.memref_squeeze %get3A_1717 : memref<1x40x256xf32, #tpu.memory_space<vmem>> -> memref<40x256xf32, #tpu.memory_space<vmem>>
        %get3A_1719 = arith.index_cast %scan3A_1570 : i32 to index
        %get3A_1720 = arith.constant 208 : index
        %get3A_1721 = tpu.vector_load %get3A_1718[%get3A_1719, %get3A_1720] {strides = array<i32>} : memref<40x256xf32, #tpu.memory_space<vmem>>, vector<1x16xf32>,
        %get3A_1722 = vector.shape_cast %get3A_1721 : vector<1x16xf32> to vector<16xf32>
        %mul3A_1723 = arith.mulf %get3A_1577, %get3A_1714 : vector<16xf32>
        %mul3A_1724 = arith.mulf %get3A_1587, %get3A_1722 : vector<16xf32>
        %add3A_1725 = arith.addf %mul3A_1723, %mul3A_1724 : vector<16xf32>
        %swap3A_1726 = arith.index_cast %scan3A_1570 : i32 to index
        %swap3A_1727 = arith.constant 80 : index
        %swap3A_1728 = tpu.vector_load %arg11[%swap3A_1726, %swap3A_1727] {strides = array<i32>} : memref<40x128xf32, #tpu.memory_space<vmem>>, vector<1x16xf32>,
        %swap3A_1729 = vector.shape_cast %swap3A_1728 : vector<1x16xf32> to vector<16xf32>
        %swap3A_1730 = vector.shape_cast %add3A_1725 : vector<16xf32> to vector<1x16xf32>
        tpu.vector_store %arg11[%swap3A_1726, %swap3A_1727], %swap3A_1730 {strides = array<i32>} : memref<40x128xf32, #tpu.memory_space<vmem>>, vector<1x16xf32>,
        %get3A_1731 = arith.constant 0 : i32
        %get3A_1732 = arith.constant 0 : i32
        %get3A_1733 = tpu.memref_slice %arg10[%scan3A_1508, %get3A_1731, %get3A_1732] : memref<2x40x256xf32, #tpu.memory_space<vmem>> -> memref<1x40x256xf32, #tpu.memory_space<vmem>>
        %get3A_1734 = tpu.memref_squeeze %get3A_1733 : memref<1x40x256xf32, #tpu.memory_space<vmem>> -> memref<40x256xf32, #tpu.memory_space<vmem>>
        %get3A_1735 = arith.index_cast %scan3A_1570 : i32 to index
        %get3A_1736 = arith.constant 96 : index
        %get3A_1737 = tpu.vector_load %get3A_1734[%get3A_1735, %get3A_1736] {strides = array<i32>} : memref<40x256xf32, #tpu.memory_space<vmem>>, vector<1x16xf32>,
        %get3A_1738 = vector.shape_cast %get3A_1737 : vector<1x16xf32> to vector<16xf32>
        %get3A_1739 = arith.constant 0 : i32
        %get3A_1740 = arith.constant 0 : i32
        %get3A_1741 = tpu.memref_slice %arg10[%scan3A_1508, %get3A_1739, %get3A_1740] : memref<2x40x256xf32, #tpu.memory_space<vmem>> -> memref<1x40x256xf32, #tpu.memory_space<vmem>>
        %get3A_1742 = tpu.memref_squeeze %get3A_1741 : memref<1x40x256xf32, #tpu.memory_space<vmem>> -> memref<40x256xf32, #tpu.memory_space<vmem>>
        %get3A_1743 = arith.index_cast %scan3A_1570 : i32 to index
        %get3A_1744 = arith.constant 224 : index
        %get3A_1745 = tpu.vector_load %get3A_1742[%get3A_1743, %get3A_1744] {strides = array<i32>} : memref<40x256xf32, #tpu.memory_space<vmem>>, vector<1x16xf32>,
        %get3A_1746 = vector.shape_cast %get3A_1745 : vector<1x16xf32> to vector<16xf32>
        %mul3A_1747 = arith.mulf %get3A_1577, %get3A_1738 : vector<16xf32>
        %mul3A_1748 = arith.mulf %get3A_1587, %get3A_1746 : vector<16xf32>
        %add3A_1749 = arith.addf %mul3A_1747, %mul3A_1748 : vector<16xf32>
        %swap3A_1750 = arith.index_cast %scan3A_1570 : i32 to index
        %swap3A_1751 = arith.constant 96 : index
        %swap3A_1752 = tpu.vector_load %arg11[%swap3A_1750, %swap3A_1751] {strides = array<i32>} : memref<40x128xf32, #tpu.memory_space<vmem>>, vector<1x16xf32>,
        %swap3A_1753 = vector.shape_cast %swap3A_1752 : vector<1x16xf32> to vector<16xf32>
        %swap3A_1754 = vector.shape_cast %add3A_1749 : vector<16xf32> to vector<1x16xf32>
        tpu.vector_store %arg11[%swap3A_1750, %swap3A_1751], %swap3A_1754 {strides = array<i32>} : memref<40x128xf32, #tpu.memory_space<vmem>>, vector<1x16xf32>,
        %get3A_1755 = arith.constant 0 : i32
        %get3A_1756 = arith.constant 0 : i32
        %get3A_1757 = tpu.memref_slice %arg10[%scan3A_1508, %get3A_1755, %get3A_1756] : memref<2x40x256xf32, #tpu.memory_space<vmem>> -> memref<1x40x256xf32, #tpu.memory_space<vmem>>
        %get3A_1758 = tpu.memref_squeeze %get3A_1757 : memref<1x40x256xf32, #tpu.memory_space<vmem>> -> memref<40x256xf32, #tpu.memory_space<vmem>>
        %get3A_1759 = arith.index_cast %scan3A_1570 : i32 to index
        %get3A_1760 = arith.constant 112 : index
        %get3A_1761 = tpu.vector_load %get3A_1758[%get3A_1759, %get3A_1760] {strides = array<i32>} : memref<40x256xf32, #tpu.memory_space<vmem>>, vector<1x16xf32>,
        %get3A_1762 = vector.shape_cast %get3A_1761 : vector<1x16xf32> to vector<16xf32>
        %get3A_1763 = arith.constant 0 : i32
        %get3A_1764 = arith.constant 0 : i32
        %get3A_1765 = tpu.memref_slice %arg10[%scan3A_1508, %get3A_1763, %get3A_1764] : memref<2x40x256xf32, #tpu.memory_space<vmem>> -> memref<1x40x256xf32, #tpu.memory_space<vmem>>
        %get3A_1766 = tpu.memref_squeeze %get3A_1765 : memref<1x40x256xf32, #tpu.memory_space<vmem>> -> memref<40x256xf32, #tpu.memory_space<vmem>>
        %get3A_1767 = arith.index_cast %scan3A_1570 : i32 to index
        %get3A_1768 = arith.constant 240 : index
        %get3A_1769 = tpu.vector_load %get3A_1766[%get3A_1767, %get3A_1768] {strides = array<i32>} : memref<40x256xf32, #tpu.memory_space<vmem>>, vector<1x16xf32>,
        %get3A_1770 = vector.shape_cast %get3A_1769 : vector<1x16xf32> to vector<16xf32>
        %mul3A_1771 = arith.mulf %get3A_1577, %get3A_1762 : vector<16xf32>
        %mul3A_1772 = arith.mulf %get3A_1587, %get3A_1770 : vector<16xf32>
        %add3A_1773 = arith.addf %mul3A_1771, %mul3A_1772 : vector<16xf32>
        %swap3A_1774 = arith.index_cast %scan3A_1570 : i32 to index
        %swap3A_1775 = arith.constant 112 : index
        %swap3A_1776 = tpu.vector_load %arg11[%swap3A_1774, %swap3A_1775] {strides = array<i32>} : memref<40x128xf32, #tpu.memory_space<vmem>>, vector<1x16xf32>,
        %swap3A_1777 = vector.shape_cast %swap3A_1776 : vector<1x16xf32> to vector<16xf32>
        %swap3A_1778 = vector.shape_cast %add3A_1773 : vector<16xf32> to vector<1x16xf32>
        tpu.vector_store %arg11[%swap3A_1774, %swap3A_1775], %swap3A_1778 {strides = array<i32>} : memref<40x128xf32, #tpu.memory_space<vmem>>, vector<1x16xf32>,
      }
      %scan3A_1513 = arith.constant 40 : i32
      %dma_start3A_1514 = arith.constant 3 : i32
      %dma_start3A_1515 = arith.constant 0 : i32
      %dma_start3A_1516 = tpu.memref_slice %arg8[%dma_start3A_1514, %dma_start3A_1515] : memref<4x40xi32, #tpu.memory_space<vmem>> -> memref<1x40xi32, #tpu.memory_space<vmem>>
      %dma_start3A_1517 = tpu.memref_squeeze %dma_start3A_1516 : memref<1x40xi32, #tpu.memory_space<vmem>> -> memref<40xi32, #tpu.memory_space<vmem>>
      %dma_start3A_1518 = arith.constant 0 : i32
      %dma_start3A_1519 = arith.constant 0 : i32
      %dma_start3A_1520 = tpu.memref_slice %arg12[%dma_start3A_1518, %dma_start3A_1519] : memref<10240x128xf32, #tpu.memory_space<vmem_shared>> -> memref<10240x128xf32, #tpu.memory_space<vmem_shared>>
      tpu.enqueue_indirect_dma source(%arg11 : memref<40x128xf32, #tpu.memory_space<vmem>>) target(%dma_start3A_1520 : memref<10240x128xf32, #tpu.memory_space<vmem_shared>>) offsets(%dma_start3A_1517 : memref<40xi32, #tpu.memory_space<vmem>>) semaphore(%arg15 : memref<!tpu.dma_semaphore, #tpu.memory_space<semaphore_mem>>) {add = true}
      %add3A_1521 = arith.constant 2 : i32
      %add3A_1522 = arith.addi %add3A_1400, %add3A_1521 : i32
      %dma_start3A_1523 = arith.constant 1 : i32
      %dma_start3A_1524 = arith.constant 0 : i32
      %dma_start3A_1525 = tpu.memref_slice %arg7[%dma_start3A_1523, %dma_start3A_1524] : memref<2x40xi32, #tpu.memory_space<vmem>> -> memref<1x40xi32, #tpu.memory_space<vmem>>
      %dma_start3A_1526 = tpu.memref_squeeze %dma_start3A_1525 : memref<1x40xi32, #tpu.memory_space<vmem>> -> memref<40xi32, #tpu.memory_space<vmem>>
      %dma_start3A_1527 = arith.constant 0 : i32
      %dma_start3A_1528 = tpu.memref_slice %arg3[%add3A, %add3A_1522, %dma_start3A_1527] : memref<32x254x40xi32, #tpu.memory_space<hbm>> -> memref<1x1x40xi32, #tpu.memory_space<hbm>>
      %dma_start3A_1529 = tpu.memref_squeeze %dma_start3A_1528 : memref<1x1x40xi32, #tpu.memory_space<hbm>> -> memref<40xi32, #tpu.memory_space<hbm>>
      %dma_start3A_1530 = arith.constant 0 : i32
      %dma_start3A_1531 = tpu.memref_slice %arg7[%dma_start3A_1523, %dma_start3A_1530] : memref<2x40xi32, #tpu.memory_space<vmem>> -> memref<1x40xi32, #tpu.memory_space<vmem>>
      %dma_start3A_1532 = tpu.memref_squeeze %dma_start3A_1531 : memref<1x40xi32, #tpu.memory_space<vmem>> -> memref<40xi32, #tpu.memory_space<vmem>>
      %dma_start3A_1533 = arith.constant 0 : i32
      %dma_start3A_1534 = tpu.memref_slice %arg3[%add3A, %add3A_1522, %dma_start3A_1533] : memref<32x254x40xi32, #tpu.memory_space<hbm>> -> memref<1x1x40xi32, #tpu.memory_space<hbm>>
      %dma_start3A_1535 = tpu.memref_squeeze %dma_start3A_1534 : memref<1x1x40xi32, #tpu.memory_space<hbm>> -> memref<40xi32, #tpu.memory_space<hbm>>
      tpu.enqueue_dma source(%dma_start3A_1535 : memref<40xi32, #tpu.memory_space<hbm>>) target(%dma_start3A_1532 : memref<40xi32, #tpu.memory_space<vmem>>) target_semaphore(%arg14 : memref<!tpu.dma_semaphore, #tpu.memory_space<semaphore_mem>>)
      %add3A_1536 = arith.constant 2 : i32
      %add3A_1537 = arith.addi %add3A_1400, %add3A_1536 : i32
      %dma_start3A_1538 = arith.constant 1 : i32
      %dma_start3A_1539 = arith.constant 0 : i32
      %dma_start3A_1540 = tpu.memref_slice %arg8[%dma_start3A_1538, %dma_start3A_1539] : memref<4x40xi32, #tpu.memory_space<vmem>> -> memref<1x40xi32, #tpu.memory_space<vmem>>
      %dma_start3A_1541 = tpu.memref_squeeze %dma_start3A_1540 : memref<1x40xi32, #tpu.memory_space<vmem>> -> memref<40xi32, #tpu.memory_space<vmem>>
      %dma_start3A_1542 = arith.constant 0 : i32
      %dma_start3A_1543 = tpu.memref_slice %arg4[%add3A, %add3A_1537, %dma_start3A_1542] : memref<32x254x40xi32, #tpu.memory_space<hbm>> -> memref<1x1x40xi32, #tpu.memory_space<hbm>>
      %dma_start3A_1544 = tpu.memref_squeeze %dma_start3A_1543 : memref<1x1x40xi32, #tpu.memory_space<hbm>> -> memref<40xi32, #tpu.memory_space<hbm>>
      %dma_start3A_1545 = arith.constant 0 : i32
      %dma_start3A_1546 = tpu.memref_slice %arg8[%dma_start3A_1538, %dma_start3A_1545] : memref<4x40xi32, #tpu.memory_space<vmem>> -> memref<1x40xi32, #tpu.memory_space<vmem>>
      %dma_start3A_1547 = tpu.memref_squeeze %dma_start3A_1546 : memref<1x40xi32, #tpu.memory_space<vmem>> -> memref<40xi32, #tpu.memory_space<vmem>>
      %dma_start3A_1548 = arith.constant 0 : i32
      %dma_start3A_1549 = tpu.memref_slice %arg4[%add3A, %add3A_1537, %dma_start3A_1548] : memref<32x254x40xi32, #tpu.memory_space<hbm>> -> memref<1x1x40xi32, #tpu.memory_space<hbm>>
      %dma_start3A_1550 = tpu.memref_squeeze %dma_start3A_1549 : memref<1x1x40xi32, #tpu.memory_space<hbm>> -> memref<40xi32, #tpu.memory_space<hbm>>
      tpu.enqueue_dma source(%dma_start3A_1550 : memref<40xi32, #tpu.memory_space<hbm>>) target(%dma_start3A_1547 : memref<40xi32, #tpu.memory_space<vmem>>) target_semaphore(%arg14 : memref<!tpu.dma_semaphore, #tpu.memory_space<semaphore_mem>>)
      %add3A_1551 = arith.constant 2 : i32
      %add3A_1552 = arith.addi %add3A_1400, %add3A_1551 : i32
      %dma_start3A_1553 = arith.constant 1 : i32
      %dma_start3A_1554 = arith.constant 0 : i32
      %dma_start3A_1555 = arith.constant 0 : i32
      %dma_start3A_1556 = tpu.memref_slice %arg9[%dma_start3A_1553, %dma_start3A_1554, %dma_start3A_1555] : memref<2x80x16xf32, #tpu.memory_space<vmem>> -> memref<1x80x16xf32, #tpu.memory_space<vmem>>
      %dma_start3A_1557 = tpu.memref_squeeze %dma_start3A_1556 : memref<1x80x16xf32, #tpu.memory_space<vmem>> -> memref<80x16xf32, #tpu.memory_space<vmem>>
      %dma_start3A_1558 = arith.constant 0 : i32
      %dma_start3A_1559 = arith.constant 0 : i32
      %dma_start3A_1560 = tpu.memref_slice %arg5[%add3A, %add3A_1552, %dma_start3A_1558, %dma_start3A_1559] : memref<32x254x80x16xf32, #tpu.memory_space<hbm>> -> memref<1x1x80x16xf32, #tpu.memory_space<hbm>>
      %dma_start3A_1561 = tpu.memref_squeeze %dma_start3A_1560 : memref<1x1x80x16xf32, #tpu.memory_space<hbm>> -> memref<80x16xf32, #tpu.memory_space<hbm>>
      %dma_start3A_1562 = arith.constant 0 : i32
      %dma_start3A_1563 = arith.constant 0 : i32
      %dma_start3A_1564 = tpu.memref_slice %arg9[%dma_start3A_1553, %dma_start3A_1562, %dma_start3A_1563] : memref<2x80x16xf32, #tpu.memory_space<vmem>> -> memref<1x80x16xf32, #tpu.memory_space<vmem>>
      %dma_start3A_1565 = tpu.memref_squeeze %dma_start3A_1564 : memref<1x80x16xf32, #tpu.memory_space<vmem>> -> memref<80x16xf32, #tpu.memory_space<vmem>>
      %dma_start3A_1566 = arith.constant 0 : i32
      %dma_start3A_1567 = arith.constant 0 : i32
      %dma_start3A_1568 = tpu.memref_slice %arg5[%add3A, %add3A_1552, %dma_start3A_1566, %dma_start3A_1567] : memref<32x254x80x16xf32, #tpu.memory_space<hbm>> -> memref<1x1x80x16xf32, #tpu.memory_space<hbm>>
      %dma_start3A_1569 = tpu.memref_squeeze %dma_start3A_1568 : memref<1x1x80x16xf32, #tpu.memory_space<hbm>> -> memref<80x16xf32, #tpu.memory_space<hbm>>
      tpu.enqueue_dma source(%dma_start3A_1569 : memref<80x16xf32, #tpu.memory_space<hbm>>) target(%dma_start3A_1565 : memref<80x16xf32, #tpu.memory_space<vmem>>) target_semaphore(%arg14 : memref<!tpu.dma_semaphore, #tpu.memory_space<semaphore_mem>>)
    }
    %scan3A_793 = arith.constant 62 : i32
    %dma_wait3A_794 = arith.constant 0 : i32
    %dma_wait3A_795 = arith.constant 0 : i32
    %dma_wait3A_796 = arith.constant 0 : i32
    %dma_wait3A_797 = arith.constant 0 : i32
    %dma_wait3A_798 = tpu.memref_slice %arg10[%dma_wait3A_795, %dma_wait3A_796, %dma_wait3A_797] : memref<2x40x256xf32, #tpu.memory_space<vmem>> -> memref<1x24x256xf32, #tpu.memory_space<vmem>>
    %dma_wait3A_799 = tpu.memref_squeeze %dma_wait3A_798 : memref<1x24x256xf32, #tpu.memory_space<vmem>> -> memref<24x256xf32, #tpu.memory_space<vmem>>
    %dma_wait3A_800 = arith.constant 0 : i32
    %dma_wait3A_801 = tpu.memref_slice %arg7[%dma_wait3A_794, %dma_wait3A_800] : memref<2x40xi32, #tpu.memory_space<vmem>> -> memref<1x24xi32, #tpu.memory_space<vmem>>
    %dma_wait3A_802 = tpu.memref_squeeze %dma_wait3A_801 : memref<1x24xi32, #tpu.memory_space<vmem>> -> memref<24xi32, #tpu.memory_space<vmem>>
    %dma_wait3A_803 = arith.constant 0 : i32
    %dma_wait3A_804 = arith.constant 0 : i32
    %dma_wait3A_805 = tpu.memref_slice %arg2[%dma_wait3A_803, %dma_wait3A_804] : memref<10000x256xf32, #tpu.memory_space<hbm>> -> memref<10000x256xf32, #tpu.memory_space<hbm>>
    tpu.wait_indirect_dma semaphore(%arg13 : memref<!tpu.dma_semaphore, #tpu.memory_space<semaphore_mem>>) src(%dma_wait3A_805 : memref<10000x256xf32, #tpu.memory_space<hbm>>) dst(%dma_wait3A_799 : memref<24x256xf32, #tpu.memory_space<vmem>>)
    %dma_wait3A_806 = arith.constant 0 : i32
    %dma_wait3A_807 = arith.constant 0 : i32
    %dma_wait3A_808 = arith.constant 24 : i32
    %dma_wait3A_809 = arith.constant 0 : i32
    %dma_wait3A_810 = tpu.memref_slice %arg10[%dma_wait3A_807, %dma_wait3A_808, %dma_wait3A_809] : memref<2x40x256xf32, #tpu.memory_space<vmem>> -> memref<1x16x256xf32, #tpu.memory_space<vmem>>
    %dma_wait3A_811 = tpu.memref_squeeze %dma_wait3A_810 : memref<1x16x256xf32, #tpu.memory_space<vmem>> -> memref<16x256xf32, #tpu.memory_space<vmem>>
    %dma_wait3A_812 = arith.constant 24 : i32
    %dma_wait3A_813 = tpu.memref_slice %arg7[%dma_wait3A_806, %dma_wait3A_812] : memref<2x40xi32, #tpu.memory_space<vmem>> -> memref<1x16xi32, #tpu.memory_space<vmem>>
    %dma_wait3A_814 = tpu.memref_squeeze %dma_wait3A_813 : memref<1x16xi32, #tpu.memory_space<vmem>> -> memref<16xi32, #tpu.memory_space<vmem>>
    %dma_wait3A_815 = arith.constant 0 : i32
    %dma_wait3A_816 = arith.constant 0 : i32
    %dma_wait3A_817 = tpu.memref_slice %arg2[%dma_wait3A_815, %dma_wait3A_816] : memref<10000x256xf32, #tpu.memory_space<hbm>> -> memref<10000x256xf32, #tpu.memory_space<hbm>>
    tpu.wait_indirect_dma semaphore(%arg13 : memref<!tpu.dma_semaphore, #tpu.memory_space<semaphore_mem>>) src(%dma_wait3A_817 : memref<10000x256xf32, #tpu.memory_space<hbm>>) dst(%dma_wait3A_811 : memref<16x256xf32, #tpu.memory_space<vmem>>)
    %dma_wait3A_818 = arith.constant 253 : i32
    %dma_wait3A_819 = arith.constant 1 : i32
    %dma_wait3A_820 = arith.constant 0 : i32
    %dma_wait3A_821 = tpu.memref_slice %arg7[%dma_wait3A_819, %dma_wait3A_820] : memref<2x40xi32, #tpu.memory_space<vmem>> -> memref<1x40xi32, #tpu.memory_space<vmem>>
    %dma_wait3A_822 = tpu.memref_squeeze %dma_wait3A_821 : memref<1x40xi32, #tpu.memory_space<vmem>> -> memref<40xi32, #tpu.memory_space<vmem>>
    %dma_wait3A_823 = arith.constant 0 : i32
    %dma_wait3A_824 = tpu.memref_slice %arg3[%add3A, %dma_wait3A_818, %dma_wait3A_823] : memref<32x254x40xi32, #tpu.memory_space<hbm>> -> memref<1x1x40xi32, #tpu.memory_space<hbm>>
    %dma_wait3A_825 = tpu.memref_squeeze %dma_wait3A_824 : memref<1x1x40xi32, #tpu.memory_space<hbm>> -> memref<40xi32, #tpu.memory_space<hbm>>
    %dma_wait3A_826 = arith.constant 0 : i32
    %dma_wait3A_827 = tpu.memref_slice %arg7[%dma_wait3A_819, %dma_wait3A_826] : memref<2x40xi32, #tpu.memory_space<vmem>> -> memref<1x40xi32, #tpu.memory_space<vmem>>
    %dma_wait3A_828 = tpu.memref_squeeze %dma_wait3A_827 : memref<1x40xi32, #tpu.memory_space<vmem>> -> memref<40xi32, #tpu.memory_space<vmem>>
    %dma_wait3A_829 = arith.constant 0 : i32
    %dma_wait3A_830 = tpu.memref_slice %arg3[%add3A, %dma_wait3A_818, %dma_wait3A_829] : memref<32x254x40xi32, #tpu.memory_space<hbm>> -> memref<1x1x40xi32, #tpu.memory_space<hbm>>
    %dma_wait3A_831 = tpu.memref_squeeze %dma_wait3A_830 : memref<1x1x40xi32, #tpu.memory_space<hbm>> -> memref<40xi32, #tpu.memory_space<hbm>>
    tpu.wait_dma2 semaphore(%arg14 : memref<!tpu.dma_semaphore, #tpu.memory_space<semaphore_mem>>) src(%dma_wait3A_831 : memref<40xi32, #tpu.memory_space<hbm>>) dst(%dma_wait3A_828 : memref<40xi32, #tpu.memory_space<vmem>>)
    %dma_wait3A_832 = arith.constant 253 : i32
    %dma_wait3A_833 = arith.constant 1 : i32
    %dma_wait3A_834 = arith.constant 0 : i32
    %dma_wait3A_835 = tpu.memref_slice %arg8[%dma_wait3A_833, %dma_wait3A_834] : memref<4x40xi32, #tpu.memory_space<vmem>> -> memref<1x40xi32, #tpu.memory_space<vmem>>
    %dma_wait3A_836 = tpu.memref_squeeze %dma_wait3A_835 : memref<1x40xi32, #tpu.memory_space<vmem>> -> memref<40xi32, #tpu.memory_space<vmem>>
    %dma_wait3A_837 = arith.constant 0 : i32
    %dma_wait3A_838 = tpu.memref_slice %arg4[%add3A, %dma_wait3A_832, %dma_wait3A_837] : memref<32x254x40xi32, #tpu.memory_space<hbm>> -> memref<1x1x40xi32, #tpu.memory_space<hbm>>
    %dma_wait3A_839 = tpu.memref_squeeze %dma_wait3A_838 : memref<1x1x40xi32, #tpu.memory_space<hbm>> -> memref<40xi32, #tpu.memory_space<hbm>>
    %dma_wait3A_840 = arith.constant 0 : i32
    %dma_wait3A_841 = tpu.memref_slice %arg8[%dma_wait3A_833, %dma_wait3A_840] : memref<4x40xi32, #tpu.memory_space<vmem>> -> memref<1x40xi32, #tpu.memory_space<vmem>>
    %dma_wait3A_842 = tpu.memref_squeeze %dma_wait3A_841 : memref<1x40xi32, #tpu.memory_space<vmem>> -> memref<40xi32, #tpu.memory_space<vmem>>
    %dma_wait3A_843 = arith.constant 0 : i32
    %dma_wait3A_844 = tpu.memref_slice %arg4[%add3A, %dma_wait3A_832, %dma_wait3A_843] : memref<32x254x40xi32, #tpu.memory_space<hbm>> -> memref<1x1x40xi32, #tpu.memory_space<hbm>>
    %dma_wait3A_845 = tpu.memref_squeeze %dma_wait3A_844 : memref<1x1x40xi32, #tpu.memory_space<hbm>> -> memref<40xi32, #tpu.memory_space<hbm>>
    tpu.wait_dma2 semaphore(%arg14 : memref<!tpu.dma_semaphore, #tpu.memory_space<semaphore_mem>>) src(%dma_wait3A_845 : memref<40xi32, #tpu.memory_space<hbm>>) dst(%dma_wait3A_842 : memref<40xi32, #tpu.memory_space<vmem>>)
    %dma_wait3A_846 = arith.constant 253 : i32
    %dma_wait3A_847 = arith.constant 1 : i32
    %dma_wait3A_848 = arith.constant 0 : i32
    %dma_wait3A_849 = arith.constant 0 : i32
    %dma_wait3A_850 = tpu.memref_slice %arg9[%dma_wait3A_847, %dma_wait3A_848, %dma_wait3A_849] : memref<2x80x16xf32, #tpu.memory_space<vmem>> -> memref<1x80x16xf32, #tpu.memory_space<vmem>>
    %dma_wait3A_851 = tpu.memref_squeeze %dma_wait3A_850 : memref<1x80x16xf32, #tpu.memory_space<vmem>> -> memref<80x16xf32, #tpu.memory_space<vmem>>
    %dma_wait3A_852 = arith.constant 0 : i32
    %dma_wait3A_853 = arith.constant 0 : i32
    %dma_wait3A_854 = tpu.memref_slice %arg5[%add3A, %dma_wait3A_846, %dma_wait3A_852, %dma_wait3A_853] : memref<32x254x80x16xf32, #tpu.memory_space<hbm>> -> memref<1x1x80x16xf32, #tpu.memory_space<hbm>>
    %dma_wait3A_855 = tpu.memref_squeeze %dma_wait3A_854 : memref<1x1x80x16xf32, #tpu.memory_space<hbm>> -> memref<80x16xf32, #tpu.memory_space<hbm>>
    %dma_wait3A_856 = arith.constant 0 : i32
    %dma_wait3A_857 = arith.constant 0 : i32
    %dma_wait3A_858 = tpu.memref_slice %arg9[%dma_wait3A_847, %dma_wait3A_856, %dma_wait3A_857] : memref<2x80x16xf32, #tpu.memory_space<vmem>> -> memref<1x80x16xf32, #tpu.memory_space<vmem>>
    %dma_wait3A_859 = tpu.memref_squeeze %dma_wait3A_858 : memref<1x80x16xf32, #tpu.memory_space<vmem>> -> memref<80x16xf32, #tpu.memory_space<vmem>>
    %dma_wait3A_860 = arith.constant 0 : i32
    %dma_wait3A_861 = arith.constant 0 : i32
    %dma_wait3A_862 = tpu.memref_slice %arg5[%add3A, %dma_wait3A_846, %dma_wait3A_860, %dma_wait3A_861] : memref<32x254x80x16xf32, #tpu.memory_space<hbm>> -> memref<1x1x80x16xf32, #tpu.memory_space<hbm>>
    %dma_wait3A_863 = tpu.memref_squeeze %dma_wait3A_862 : memref<1x1x80x16xf32, #tpu.memory_space<hbm>> -> memref<80x16xf32, #tpu.memory_space<hbm>>
    tpu.wait_dma2 semaphore(%arg14 : memref<!tpu.dma_semaphore, #tpu.memory_space<semaphore_mem>>) src(%dma_wait3A_863 : memref<80x16xf32, #tpu.memory_space<hbm>>) dst(%dma_wait3A_859 : memref<80x16xf32, #tpu.memory_space<vmem>>)
    %dma_wait3A_864 = arith.constant 0 : i32
    %dma_wait3A_865 = arith.constant 0 : i32
    %dma_wait3A_866 = tpu.memref_slice %arg6[%arg0, %dma_wait3A_864, %dma_wait3A_865] : memref<2x10240x128xf32, #tpu.memory_space<hbm>> -> memref<1x40x128xf32, #tpu.memory_space<hbm>>
    %dma_wait3A_867 = tpu.memref_squeeze %dma_wait3A_866 : memref<1x40x128xf32, #tpu.memory_space<hbm>> -> memref<40x128xf32, #tpu.memory_space<hbm>>
    %dma_wait3A_868 = arith.constant 0 : i32
    %dma_wait3A_869 = arith.constant 0 : i32
    %dma_wait3A_870 = tpu.memref_slice %arg6[%arg0, %dma_wait3A_868, %dma_wait3A_869] : memref<2x10240x128xf32, #tpu.memory_space<hbm>> -> memref<1x40x128xf32, #tpu.memory_space<hbm>>
    %dma_wait3A_871 = tpu.memref_squeeze %dma_wait3A_870 : memref<1x40x128xf32, #tpu.memory_space<hbm>> -> memref<40x128xf32, #tpu.memory_space<hbm>>
    tpu.wait_dma2 semaphore(%arg15 : memref<!tpu.dma_semaphore, #tpu.memory_space<semaphore_mem>>) src(%dma_wait3A_871 : memref<40x128xf32, #tpu.memory_space<hbm>>) dst(%arg11 : memref<40x128xf32, #tpu.memory_space<vmem>>)
    %barrier3A_872 = arith.constant 0 : index
    tpu.barrier barrier_id(%barrier3A_872)
    %mul3A_873 = arith.constant 640 : i32
    %mul3A_874 = arith.muli %arg1, %mul3A_873 : i32
    %mul3A_875 = arith.constant 640 : i32
    %mul3A_876 = arith.muli %arg1, %mul3A_875 : i32
    "tpu.region"() ({
      %run_scoped3A_877 = tpu.sem_alloc : memref<!tpu.dma_semaphore, #tpu.memory_space<semaphore_mem>>
      %dma_start3A_878 = arith.constant 0 : i32
      %dma_start3A_879 = tpu.memref_slice %arg6[%arg0, %mul3A_876, %dma_start3A_878] : memref<2x10240x128xf32, #tpu.memory_space<hbm>> -> memref<1x640x128xf32, #tpu.memory_space<hbm>>
      %dma_start3A_880 = tpu.memref_squeeze %dma_start3A_879 : memref<1x640x128xf32, #tpu.memory_space<hbm>> -> memref<640x128xf32, #tpu.memory_space<hbm>>
      %dma_start3A_881 = arith.constant 0 : i32
      %dma_start3A_882 = tpu.memref_slice %arg12[%mul3A_874, %dma_start3A_881] : memref<10240x128xf32, #tpu.memory_space<vmem_shared>> -> memref<640x128xf32, #tpu.memory_space<vmem_shared>>
      tpu.enqueue_dma source(%dma_start3A_882 : memref<640x128xf32, #tpu.memory_space<vmem_shared>>) target(%dma_start3A_880 : memref<640x128xf32, #tpu.memory_space<hbm>>) target_semaphore(%run_scoped3A_877 : memref<!tpu.dma_semaphore, #tpu.memory_space<semaphore_mem>>)
      %dma_wait3A_883 = arith.constant 0 : i32
      %dma_wait3A_884 = tpu.memref_slice %arg6[%arg0, %mul3A_876, %dma_wait3A_883] : memref<2x10240x128xf32, #tpu.memory_space<hbm>> -> memref<1x640x128xf32, #tpu.memory_space<hbm>>
      %dma_wait3A_885 = tpu.memref_squeeze %dma_wait3A_884 : memref<1x640x128xf32, #tpu.memory_space<hbm>> -> memref<640x128xf32, #tpu.memory_space<hbm>>
      %dma_wait3A_886 = arith.constant 0 : i32
      %dma_wait3A_887 = tpu.memref_slice %arg12[%mul3A_874, %dma_wait3A_886] : memref<10240x128xf32, #tpu.memory_space<vmem_shared>> -> memref<640x128xf32, #tpu.memory_space<vmem_shared>>
      tpu.wait_dma2 semaphore(%run_scoped3A_877 : memref<!tpu.dma_semaphore, #tpu.memory_space<semaphore_mem>>) src(%dma_wait3A_887 : memref<640x128xf32, #tpu.memory_space<vmem_shared>>) dst(%dma_wait3A_885 : memref<640x128xf32, #tpu.memory_space<hbm>>)
      tpu.yield
    }) : () -> ()
    return
  }
}

module attributes {stable_mosaic.version = 14 : i64} {
  func.func @_mm_body(%arg0: i32, %arg1: memref<1000x128xf32, #tpu.memory_space<vmem>>, %arg2: memref<128x256xf32, #tpu.memory_space<vmem>>, %arg3: memref<1000x256xf32, #tpu.memory_space<vmem>>) attributes {dimension_semantics = [#tpu.dimension_semantics<arbitrary>], iteration_bounds = array<i64: 10>, scalar_prefetch = 0 : i64, scratch_operands = 0 : i64, tpu.core_type = #tpu.core_type<tc>, window_params = [{transform_indices = @transform_0, window_bounds = array<i64: 1000, 128>}, {pipeline_mode = #tpu.pipeline_mode<synchronous>, transform_indices = @transform_1, window_bounds = array<i64: 128, 256>}, {transform_indices = @transform_2, window_bounds = array<i64: 1000, 256>}]} {
    %get3A = arith.constant 0 : index
    %get3A_0 = arith.constant 0 : index
    %get3A_1 = vector.load %arg1[%get3A, %get3A_0] : memref<1000x128xf32, #tpu.memory_space<vmem>>, vector<1000x128xf32>
    %get3A_2 = arith.constant 0 : index
    %get3A_3 = arith.constant 0 : index
    %get3A_4 = vector.load %arg2[%get3A_2, %get3A_3] : memref<128x256xf32, #tpu.memory_space<vmem>>, vector<128x256xf32>
    %dot_general3A = arith.constant dense<0.000000e+00> : vector<1000x256xf32>
    %dot_general3A_5 = tpu.matmul %get3A_1, %get3A_4, %dot_general3A {dimension_numbers = #tpu.dot_dimension_numbers<[1], [0], [0], [1], [0, 0, 1, 1], [], []>, transpose_lhs_hint = false} : vector<1000x128xf32>, vector<128x256xf32>, vector<1000x256xf32> -> vector<1000x256xf32>
    %swap3A = arith.constant 0 : index
    %swap3A_6 = arith.constant 0 : index
    %swap3A_7 = vector.load %arg3[%swap3A, %swap3A_6] : memref<1000x256xf32, #tpu.memory_space<vmem>>, vector<1000x256xf32>
    tpu.vector_store %arg3[%swap3A, %swap3A_6], %dot_general3A_5 {strides = array<i32>} : memref<1000x256xf32, #tpu.memory_space<vmem>>, vector<1000x256xf32>,
    return
  }
  func.func @transform_0(%arg0: i32) -> (i32, i32) {
    %c0_i32 = arith.constant 0 : i32
    %c0_i32_0 = arith.constant 0 : i32
    return %arg0, %c0_i32 : i32, i32
  }
  func.func @transform_1(%arg0: i32) -> (i32, i32) {
    %c0_i32 = arith.constant 0 : i32
    %c0_i32_0 = arith.constant 0 : i32
    %c0_i32_1 = arith.constant 0 : i32
    return %c0_i32, %c0_i32_0 : i32, i32
  }
  func.func @transform_2(%arg0: i32) -> (i32, i32) {
    %c0_i32 = arith.constant 0 : i32
    %c0_i32_0 = arith.constant 0 : i32
    return %arg0, %c0_i32 : i32, i32
  }
}

module attributes {stable_mosaic.version = 14 : i64} {
  func.func @_bn_stats_body(%arg0: i32, %arg1: memref<2x1000x128xf32, #tpu.memory_space<vmem>>, %arg2: memref<1x128xf32, #tpu.memory_space<vmem>>, %arg3: memref<1000x128xf32, #tpu.memory_space<vmem>>, %arg4: memref<2x128xf32, #tpu.memory_space<vmem>>, %arg5: memref<2x128xf32, #tpu.memory_space<vmem>>) attributes {dimension_semantics = [#tpu.dimension_semantics<arbitrary>], iteration_bounds = array<i64: 10>, scalar_prefetch = 0 : i64, scratch_operands = 1 : i64, tpu.core_type = #tpu.core_type<tc>, window_params = [{transform_indices = @transform_0, window_bounds = array<i64: 2, 1000, 128>}, {pipeline_mode = #tpu.pipeline_mode<synchronous>, transform_indices = @transform_1, window_bounds = array<i64: 1, 128>}, {transform_indices = @transform_2, window_bounds = array<i64: 1000, 128>}, {pipeline_mode = #tpu.pipeline_mode<synchronous>, transform_indices = @transform_3, window_bounds = array<i64: 2, 128>}]} {
    %get3A = arith.constant 0 : index
    %get3A_0 = arith.constant 0 : index
    %get3A_1 = arith.constant 0 : index
    %get3A_2 = vector.load %arg1[%get3A, %get3A_0, %get3A_1] : memref<2x1000x128xf32, #tpu.memory_space<vmem>>, vector<2x1000x128xf32>
    %reduce_sum3A = arith.constant dense<0.000000e+00> : vector<1000x128xf32>
    %reduce_sum3A_3 = vector.multi_reduction <add>, %get3A_2, %reduce_sum3A [0] : vector<2x1000x128xf32> to vector<1000x128xf32>
    %get3A_4 = arith.constant 0 : index
    %get3A_5 = arith.constant 0 : index
    %get3A_6 = vector.load %arg2[%get3A_4, %get3A_5] : memref<1x128xf32, #tpu.memory_space<vmem>>, vector<1x128xf32>
    %get3A_7 = vector.shape_cast %get3A_6 : vector<1x128xf32> to vector<128xf32>
    %broadcast_in_dim3A = vector.shape_cast %get3A_7 : vector<128xf32> to vector<1x128xf32>
    %add3A = vector.broadcast %broadcast_in_dim3A : vector<1x128xf32> to vector<1000x128xf32>
    %add3A_8 = arith.addf %reduce_sum3A_3, %add3A : vector<1000x128xf32>
    %swap3A = arith.constant 0 : index
    %swap3A_9 = arith.constant 0 : index
    %swap3A_10 = vector.load %arg3[%swap3A, %swap3A_9] : memref<1000x128xf32, #tpu.memory_space<vmem>>, vector<1000x128xf32>
    tpu.vector_store %arg3[%swap3A, %swap3A_9], %add3A_8 {strides = array<i32>} : memref<1000x128xf32, #tpu.memory_space<vmem>>, vector<1000x128xf32>,
    %reduce_sum3A_11 = arith.constant dense<0.000000e+00> : vector<128xf32>
    %reduce_sum3A_12 = vector.multi_reduction <add>, %add3A_8, %reduce_sum3A_11 [0] : vector<1000x128xf32> to vector<128xf32>
    %mul3A = arith.mulf %add3A_8, %add3A_8 : vector<1000x128xf32>
    %reduce_sum3A_13 = arith.constant dense<0.000000e+00> : vector<128xf32>
    %reduce_sum3A_14 = vector.multi_reduction <add>, %mul3A, %reduce_sum3A_13 [0] : vector<1000x128xf32> to vector<128xf32>
    %stack3A = vector.shape_cast %reduce_sum3A_12 : vector<128xf32> to vector<1x128xf32>
    %stack3A_15 = vector.shape_cast %reduce_sum3A_14 : vector<128xf32> to vector<1x128xf32>
    %stack3A_16 = tpu.concatenate %stack3A, %stack3A_15 in 0 : vector<1x128xf32>, vector<1x128xf32> -> vector<2x128xf32>
    %eq3A = arith.constant 0 : i32
    %eq3A_17 = arith.cmpi eq, %arg0, %eq3A : i32
    %convert_element_type3A = arith.extui %eq3A_17 : i1 to i32
    %cond3A = arith.constant 0 : i32
    %cond3A_18 = arith.cmpi ne, %convert_element_type3A, %cond3A : i32
    scf.if %cond3A_18 {
      %swap3A_28 = arith.constant 0 : index
      %swap3A_29 = arith.constant 0 : index
      %swap3A_30 = vector.load %arg5[%swap3A_28, %swap3A_29] : memref<2x128xf32, #tpu.memory_space<vmem>>, vector<2x128xf32>
      tpu.vector_store %arg5[%swap3A_28, %swap3A_29], %stack3A_16 {strides = array<i32>} : memref<2x128xf32, #tpu.memory_space<vmem>>, vector<2x128xf32>,
    } else {
    }
    %gt3A = arith.constant 0 : i32
    %gt3A_19 = arith.cmpi sgt, %arg0, %gt3A : i32
    %convert_element_type3A_20 = arith.extui %gt3A_19 : i1 to i32
    %cond3A_21 = arith.constant 0 : i32
    %cond3A_22 = arith.cmpi ne, %convert_element_type3A_20, %cond3A_21 : i32
    scf.if %cond3A_22 {
      %get3A_28 = arith.constant 0 : index
      %get3A_29 = arith.constant 0 : index
      %get3A_30 = vector.load %arg5[%get3A_28, %get3A_29] : memref<2x128xf32, #tpu.memory_space<vmem>>, vector<2x128xf32>
      %add3A_31 = arith.addf %get3A_30, %stack3A_16 : vector<2x128xf32>
      %swap3A_32 = arith.constant 0 : index
      %swap3A_33 = arith.constant 0 : index
      %swap3A_34 = vector.load %arg5[%swap3A_32, %swap3A_33] : memref<2x128xf32, #tpu.memory_space<vmem>>, vector<2x128xf32>
      tpu.vector_store %arg5[%swap3A_32, %swap3A_33], %add3A_31 {strides = array<i32>} : memref<2x128xf32, #tpu.memory_space<vmem>>, vector<2x128xf32>,
    } else {
    }
    %eq3A_23 = arith.constant 9 : i32
    %eq3A_24 = arith.cmpi eq, %arg0, %eq3A_23 : i32
    %convert_element_type3A_25 = arith.extui %eq3A_24 : i1 to i32
    %cond3A_26 = arith.constant 0 : i32
    %cond3A_27 = arith.cmpi ne, %convert_element_type3A_25, %cond3A_26 : i32
    scf.if %cond3A_27 {
      %get3A_28 = arith.constant 0 : index
      %get3A_29 = arith.constant 0 : index
      %get3A_30 = vector.load %arg5[%get3A_28, %get3A_29] : memref<2x128xf32, #tpu.memory_space<vmem>>, vector<2x128xf32>
      %swap3A_31 = arith.constant 0 : index
      %swap3A_32 = arith.constant 0 : index
      %swap3A_33 = vector.load %arg4[%swap3A_31, %swap3A_32] : memref<2x128xf32, #tpu.memory_space<vmem>>, vector<2x128xf32>
      tpu.vector_store %arg4[%swap3A_31, %swap3A_32], %get3A_30 {strides = array<i32>} : memref<2x128xf32, #tpu.memory_space<vmem>>, vector<2x128xf32>,
    } else {
    }
    return
  }
  func.func @transform_0(%arg0: i32) -> (i32, i32, i32) {
    %c0_i32 = arith.constant 0 : i32
    %c0_i32_0 = arith.constant 0 : i32
    %c0_i32_1 = arith.constant 0 : i32
    return %c0_i32, %arg0, %c0_i32_0 : i32, i32, i32
  }
  func.func @transform_1(%arg0: i32) -> (i32, i32) {
    %c0_i32 = arith.constant 0 : i32
    %c0_i32_0 = arith.constant 0 : i32
    %c0_i32_1 = arith.constant 0 : i32
    return %c0_i32, %c0_i32_0 : i32, i32
  }
  func.func @transform_2(%arg0: i32) -> (i32, i32) {
    %c0_i32 = arith.constant 0 : i32
    %c0_i32_0 = arith.constant 0 : i32
    return %arg0, %c0_i32 : i32, i32
  }
  func.func @transform_3(%arg0: i32) -> (i32, i32) {
    %c0_i32 = arith.constant 0 : i32
    %c0_i32_0 = arith.constant 0 : i32
    %c0_i32_1 = arith.constant 0 : i32
    return %c0_i32, %c0_i32_0 : i32, i32
  }
}

module attributes {stable_mosaic.version = 14 : i64} {
  func.func @_bn_norm_body(%arg0: i32, %arg1: memref<1000x128xf32, #tpu.memory_space<vmem>>, %arg2: memref<2x128xf32, #tpu.memory_space<vmem>>, %arg3: memref<1x128xf32, #tpu.memory_space<vmem>>, %arg4: memref<1x128xf32, #tpu.memory_space<vmem>>, %arg5: memref<1000x128xf32, #tpu.memory_space<vmem>>) attributes {dimension_semantics = [#tpu.dimension_semantics<arbitrary>], iteration_bounds = array<i64: 10>, scalar_prefetch = 0 : i64, scratch_operands = 0 : i64, tpu.core_type = #tpu.core_type<tc>, window_params = [{transform_indices = @transform_0, window_bounds = array<i64: 1000, 128>}, {pipeline_mode = #tpu.pipeline_mode<synchronous>, transform_indices = @transform_1, window_bounds = array<i64: 2, 128>}, {pipeline_mode = #tpu.pipeline_mode<synchronous>, transform_indices = @transform_2, window_bounds = array<i64: 1, 128>}, {pipeline_mode = #tpu.pipeline_mode<synchronous>, transform_indices = @transform_3, window_bounds = array<i64: 1, 128>}, {transform_indices = @transform_4, window_bounds = array<i64: 1000, 128>}]} {
    %get3A = arith.constant 0 : index
    %get3A_0 = arith.constant 0 : index
    %get3A_1 = vector.load %arg2[%get3A, %get3A_0] : memref<2x128xf32, #tpu.memory_space<vmem>>, vector<1x128xf32>
    %get3A_2 = vector.shape_cast %get3A_1 : vector<1x128xf32> to vector<128xf32>
    %mul3A = arith.constant 9.99999974E-5 : f32
    %mul3A_3 = vector.broadcast %mul3A : f32 to vector<128xf32>
    %mul3A_4 = arith.mulf %get3A_2, %mul3A_3 : vector<128xf32>
    %get3A_5 = arith.constant 1 : index
    %get3A_6 = arith.constant 0 : index
    %get3A_7 = vector.load %arg2[%get3A_5, %get3A_6] : memref<2x128xf32, #tpu.memory_space<vmem>>, vector<1x128xf32>
    %get3A_8 = vector.shape_cast %get3A_7 : vector<1x128xf32> to vector<128xf32>
    %mul3A_9 = arith.constant 9.99999974E-5 : f32
    %mul3A_10 = vector.broadcast %mul3A_9 : f32 to vector<128xf32>
    %mul3A_11 = arith.mulf %get3A_8, %mul3A_10 : vector<128xf32>
    %mul3A_12 = arith.mulf %mul3A_4, %mul3A_4 : vector<128xf32>
    %sub3A = arith.subf %mul3A_11, %mul3A_12 : vector<128xf32>
    %add3A = arith.constant 9.99999974E-6 : f32
    %add3A_13 = vector.broadcast %add3A : f32 to vector<128xf32>
    %add3A_14 = arith.addf %sub3A, %add3A_13 : vector<128xf32>
    %rsqrt3A = math.rsqrt %add3A_14 : vector<128xf32>
    %get3A_15 = arith.constant 0 : index
    %get3A_16 = arith.constant 0 : index
    %get3A_17 = vector.load %arg3[%get3A_15, %get3A_16] : memref<1x128xf32, #tpu.memory_space<vmem>>, vector<1x128xf32>
    %get3A_18 = vector.shape_cast %get3A_17 : vector<1x128xf32> to vector<128xf32>
    %mul3A_19 = arith.mulf %rsqrt3A, %get3A_18 : vector<128xf32>
    %get3A_20 = arith.constant 0 : index
    %get3A_21 = arith.constant 0 : index
    %get3A_22 = vector.load %arg1[%get3A_20, %get3A_21] : memref<1000x128xf32, #tpu.memory_space<vmem>>, vector<1000x128xf32>
    %broadcast_in_dim3A = vector.shape_cast %mul3A_4 : vector<128xf32> to vector<1x128xf32>
    %sub3A_23 = vector.broadcast %broadcast_in_dim3A : vector<1x128xf32> to vector<1000x128xf32>
    %sub3A_24 = arith.subf %get3A_22, %sub3A_23 : vector<1000x128xf32>
    %broadcast_in_dim3A_25 = vector.shape_cast %mul3A_19 : vector<128xf32> to vector<1x128xf32>
    %mul3A_26 = vector.broadcast %broadcast_in_dim3A_25 : vector<1x128xf32> to vector<1000x128xf32>
    %mul3A_27 = arith.mulf %sub3A_24, %mul3A_26 : vector<1000x128xf32>
    %get3A_28 = arith.constant 0 : index
    %get3A_29 = arith.constant 0 : index
    %get3A_30 = vector.load %arg4[%get3A_28, %get3A_29] : memref<1x128xf32, #tpu.memory_space<vmem>>, vector<1x128xf32>
    %get3A_31 = vector.shape_cast %get3A_30 : vector<1x128xf32> to vector<128xf32>
    %broadcast_in_dim3A_32 = vector.shape_cast %get3A_31 : vector<128xf32> to vector<1x128xf32>
    %add3A_33 = vector.broadcast %broadcast_in_dim3A_32 : vector<1x128xf32> to vector<1000x128xf32>
    %add3A_34 = arith.addf %mul3A_27, %add3A_33 : vector<1000x128xf32>
    %swap3A = arith.constant 0 : index
    %swap3A_35 = arith.constant 0 : index
    %swap3A_36 = vector.load %arg5[%swap3A, %swap3A_35] : memref<1000x128xf32, #tpu.memory_space<vmem>>, vector<1000x128xf32>
    tpu.vector_store %arg5[%swap3A, %swap3A_35], %add3A_34 {strides = array<i32>} : memref<1000x128xf32, #tpu.memory_space<vmem>>, vector<1000x128xf32>,
    return
  }
  func.func @transform_0(%arg0: i32) -> (i32, i32) {
    %c0_i32 = arith.constant 0 : i32
    %c0_i32_0 = arith.constant 0 : i32
    return %arg0, %c0_i32 : i32, i32
  }
  func.func @transform_1(%arg0: i32) -> (i32, i32) {
    %c0_i32 = arith.constant 0 : i32
    %c0_i32_0 = arith.constant 0 : i32
    %c0_i32_1 = arith.constant 0 : i32
    return %c0_i32, %c0_i32_0 : i32, i32
  }
  func.func @transform_2(%arg0: i32) -> (i32, i32) {
    %c0_i32 = arith.constant 0 : i32
    %c0_i32_0 = arith.constant 0 : i32
    %c0_i32_1 = arith.constant 0 : i32
    return %c0_i32, %c0_i32_0 : i32, i32
  }
  func.func @transform_3(%arg0: i32) -> (i32, i32) {
    %c0_i32 = arith.constant 0 : i32
    %c0_i32_0 = arith.constant 0 : i32
    %c0_i32_1 = arith.constant 0 : i32
    return %c0_i32, %c0_i32_0 : i32, i32
  }
  func.func @transform_4(%arg0: i32) -> (i32, i32) {
    %c0_i32 = arith.constant 0 : i32
    %c0_i32_0 = arith.constant 0 : i32
    return %arg0, %c0_i32 : i32, i32
  }
}

</mosaic_0001>

<sc_bundles>
// kernel: kernel.6.cloned.1.call-start
scs
__scs_entry_jumppad:
0x0: {  	(pc) =	sbr.rel $0x88, $3  }
0x1: {  	(tag) =	ssettag $0x0;
	lr =	simm.s32 $0x1  }
0x2: {  	[smem:$0x3F9A] =	sst lr;
	_ =	strace $0xD0000000  }
0x3: {  	_ = 	snop  }
0x4: {  	_ = 	snop  }
0x5: {  	_ = 	snop  }
0x6: {  	_ = 	snop  }
0x7: {  	_ = 	snop  }
__scs_overlays_trampoline_lowered:
0x8: {  	[smem:$0x3FA9] =	sst s0  }
0x9: {  	[smem:$0x3FAA] =	sst s1  }
0xa: {  	[smem:$0x3FAB] =	sst s2  }
0xb: {  	[smem:$0x3FAC] =	sst s3  }
0xc: {  	[smem:$0x3FAD] =	sst s4  }
0xd: {  	[smem:$0x3FAE] =	sst s5  }
0xe: {  	[smem:$0x3FAF] =	sst s6  }
0xf: {  	[smem:$0x3FB0] =	sst s7  }
0x10: {  	[smem:$0x3FB1] =	sst s8  }
0x11: {  	[smem:$0x3FB2] =	sst s9;
	s0 =	simm.s32 @!p0 $0x0  }
0x12: {  	s1 =	sld [smem:$0x3F98];
	s0 =	simm.s32 @p0 $0x1  }
0x13: {  	[smem:$0x3FB3] =	sst s0;
	s0 =	simm.s32 @!p1 $0x0  }
0x14: {  	s2 =	sld [smem:$0x3F97];
	s0 =	simm.s32 @p1 $0x1  }
0x15: {  	[smem:$0x3FB4] =	sst s0;
	s0 =	simm.s32 @!p2 $0x0  }
0x16: {  	s3 =	sld [smem:$0x3FDB];
	s0 =	simm.s32 @p2 $0x1  }
0x17: {  	s4 =	simm.s32 $0x1BF5;
	[smem:$0x3FB6] =	sst s0  }
0x18: {  	s0 =	sld [smem:$0x3F99];
	_ =	swait.ge [sflag:s4], $0x0  }
0x19: {  	s7 =	sld [smem:$0x3F9A]  }
0x1a: {  	s8 =	sadd.s32 $0xFFFFE003, lr  }
0x1b: {  	s9 =	sadd.s32 $0xFFFFFEF7, lr;
	s5 =	simm.s32 $0xFFFFFFFF;
	p2 =	slt.u32 s8, $0xFFFFF086  }
0x1c: {  	p1 =	slt.u32 s9, $0xF7A;
	s5 =	simm.s32 @!p2 $0x0  }
0x1d: {  	s5 =	simm.s32 @p1 $0x1;
	p0 =	seq.s32 s7, s2  }
0x1e: {  	s7 =	smul.u32 @!p0 $0xF7A, s2;
	p2 =	seq.s32 @!p0 s5, $0x0  }
0x1f: {  	s9 =	smul.u32 $0xF7A, s1;
	s8 =	simm.s32 @!p0 $0x1BF5;
	p2 =	por !p2, p0  }
0x20: {  	[sflag:s8] =	ssyncset.s32 @!p0 $0xFFFFF086;
	s6 =	sadd.s32 @!p0 s3, s7;
	s7 =	simm.s32 @!p0 $0x108  }
0x21: {  	s3 =	sadd.s32 s3, s9;
	s6 =	sadd.s32 @!p0 $0x88, s6;
	s7 =	simm.s32 @p2 $0x1082  }
0x22: {  	[simem:s7], [sflag:s8] =	dma.local @!p0 [hbm:s6], $0xF7A  }
0x23: {  	s9 =	sor.u32 $0xD0000000, s2;
	s6 =	simm.s32 $0x108;
	_ =	swait.ge @!p0 [sflag:s8], $0x0  }
0x24: {  	s3 =	sadd.s32 $0x88, s3;
	s6 =	simm.s32 @!p1 $0x1082;
	[sflag:s4] =	ssyncset.s32 $0xFFFFF086  }
0x25: {  	[simem:s6], [sflag:s4] =	dma.local [hbm:s3], $0xF7A  }
0x26: {  	[smem:$0x3F9A] =	sst s1;
	(tag) =	ssettag s2;
	_ =	strace s9  }
0x27: {  	s1 =	sld [smem:$0x3FAA]  }
0x28: {  	s2 =	sld [smem:$0x3FAB]  }
0x29: {  	s4 =	sld [smem:$0x3FAD]  }
0x2a: {  	p0 =	seq.s32 s5, $0x0;
	s5 =	sld [smem:$0x3FAE]  }
0x2b: {  	s6 =	sld [smem:$0x3FAF]  }
0x2c: {  	s7 =	sld [smem:$0x3FB0]  }
0x2d: {  	s3 =	simm.s32 $0x108;
	s8 =	sld [smem:$0x3FB1]  }
0x2e: {  	s3 =	simm.s32 @!p0 $0x1082;
	s9 =	sld [smem:$0x3FB2]  }
0x2f: {  	lr =	sadd.s32 s0, s3;
	s0 =	sld [smem:$0x3FA9]  }
0x30: {  	s3 =	sld [smem:$0x3FAC]  }
0x31: {  	[smem:$0x3FB5] =	sst s10  }
0x32: {  	s10 =	sld [smem:$0x3FB3];
	_ =	sdelay $0x3  }
0x33: {  	p0 =	seq.s32 s10, $0x1;
	s10 =	sld [smem:$0x3FB5];
	_ =	sdelay $0x3  }
0x34: {  	[smem:$0x3FB5] =	sst s10  }
0x35: {  	s10 =	sld [smem:$0x3FB4];
	_ =	sdelay $0x3  }
0x36: {  	p1 =	seq.s32 s10, $0x1;
	s10 =	sld [smem:$0x3FB5];
	_ =	sdelay $0x3  }
0x37: {  	[smem:$0x3FB5] =	sst s10  }
0x38: {  	s10 =	sld [smem:$0x3FB6]  }
0x39: {  	_ = 	snop;
	(pc) =	sbr.ind lr, $3  }
0x3a: {  	_ = 	snop  }
0x3b: {  	_ = 	snop  }
0x3c: {  	p2 =	seq.s32 s10, $0x1;
	s10 =	sld [smem:$0x3FB5]  }
0x3d: {  	_ =	shalt  }
0x3e: {  	_ =	shalt  }
0x3f: {  	_ =	shalt  }
0x40: {  	_ =	shalt  }
0x41: {  	_ =	shalt  }
0x42: {  	_ =	shalt  }
0x43: {  	_ =	shalt  }
0x44: {  	_ =	shalt  }
0x45: {  	_ =	shalt  }
0x46: {  	_ =	shalt  }
0x47: {  	_ =	shalt  }
0x48: {  	_ =	shalt  }
0x49: {  	_ =	shalt  }
0x4a: {  	_ =	shalt  }
0x4b: {  	_ =	shalt  }
0x4c: {  	_ =	shalt  }
0x4d: {  	_ =	shalt  }
0x4e: {  	_ =	shalt  }
0x4f: {  	_ =	shalt  }
0x50: {  	_ =	shalt  }
0x51: {  	_ =	shalt  }
0x52: {  	_ =	shalt  }
0x53: {  	_ =	shalt  }
0x54: {  	_ =	shalt  }
0x55: {  	_ =	shalt  }
0x56: {  	_ =	shalt  }
0x57: {  	_ =	shalt  }
0x58: {  	_ =	shalt  }
0x59: {  	_ =	shalt  }
0x5a: {  	_ =	shalt  }
0x5b: {  	_ =	shalt  }
0x5c: {  	_ =	shalt  }
0x5d: {  	_ =	shalt  }
0x5e: {  	_ =	shalt  }
0x5f: {  	_ =	shalt  }
0x60: {  	_ =	shalt  }
0x61: {  	_ =	shalt  }
0x62: {  	_ =	shalt  }
0x63: {  	_ =	shalt  }
0x64: {  	_ =	shalt  }
0x65: {  	_ =	shalt  }
0x66: {  	_ =	shalt  }
0x67: {  	_ =	shalt  }
0x68: {  	_ =	shalt  }
0x69: {  	_ =	shalt  }
0x6a: {  	_ =	shalt  }
0x6b: {  	_ =	shalt  }
0x6c: {  	_ =	shalt  }
0x6d: {  	_ =	shalt  }
0x6e: {  	_ =	shalt  }
0x6f: {  	_ =	shalt  }
0x70: {  	_ =	shalt  }
0x71: {  	_ =	shalt  }
0x72: {  	_ =	shalt  }
0x73: {  	_ =	shalt  }
0x74: {  	_ =	shalt  }
0x75: {  	_ =	shalt  }
0x76: {  	_ =	shalt  }
0x77: {  	_ =	shalt  }
0x78: {  	_ =	shalt  }
0x79: {  	_ =	shalt  }
0x7a: {  	_ =	shalt  }
0x7b: {  	_ =	shalt  }
0x7c: {  	_ =	shalt  }
0x7d: {  	_ =	shalt  }
0x7e: {  	_ =	shalt  }
0x7f: {  	_ =	shalt  }
0x80: {  	_ =	shalt  }
0x81: {  	_ =	shalt  }
0x82: {  	_ =	shalt  }
0x83: {  	_ =	shalt  }
0x84: {  	_ =	shalt  }
0x85: {  	_ =	shalt  }
0x86: {  	_ =	shalt  }
0x87: {  	_ =	shalt  }
.Lfunc_end0:
.L_simem_size_0:
called_computation_lowered:
.L_overlay_start_0:
0x88: {  	s2 =	sld [smem:$0x3FD9]  }
0x89: {  	s3 =	sld [smem:$0x3FFE];
	_ =	sdelay $0x1  }
0x8a: {  	s1 =	srdreg.scid  }
0x8b: {  	s0 =	sand.u32 $0x1, s1  }
0x8c: {  	s17 =	sshll.u32 s0, $0xA;
	s2 =	sadd.s32 s3, s2  }
0x8d: {  	s2 =	sadd.s32 s2, s17  }
0x8e: {  	[smem:$0x3FC1] =	sst s2  }
0x8f: {  	_ = 	snop  }
0x90: {  	s2 =	sld [smem:$0x3FD0];
	(tm) =	ssettm $0x1  }
0x91: {  	s18 =	sld [smem:$0x3FFB];
	_ =	sdelay $0x3  }
0x92: {  	_ =	strace s18  }
0x93: {  	s3 =	sld [smem:$0x3FFC];
	_ =	sdelay $0x3  }
0x94: {  	_ =	strace s3  }
0x95: {  	s3 =	sld [smem:$0x3FFD];
	_ =	sdelay $0x3  }
0x96: {  	_ =	strace s3  }
0x97: {  	_ =	strace $0x8FFFFFFF  }
0x98: {  	s19 =	sld [smem:$0x3FDB];
	_ =	sdelay $0x1  }
0x99: {  	s4 =	simm.s32 $_scs_section_size  }
0x9a: {  	s5 =	simm.s32 $_size__tile_overlayer_lowered;
	s6 =	simm.s32 $_tile_overlayer_lowered  }
0x9b: {  	s22 =	simm.s32 $0x1BFF;
	s21 =	sshll.u32 s6, $0x1;
	s3 =	sadd.s32 s4, s19  }
0x9c: {  	s7 =	simm.s32 $0x0;
	s20 =	sshll.u32 s5, $0x1;
	s5 =	sadd.s32 s21, s3  }
0x9d: {  	[timem:s7], [sflag:s22] =	dma.local [hbm:s5], s20  }
0x9e: {  	_ =	swait.ge [sflag:s22], s20  }
0x9f: {  	s4 =	ssub.s32 $0x0, s20;
	[sflag:s22] =	ssyncset.done $0x0  }
0xa0: {  	[sflag:s22] =	ssyncadd.s32 s4;
	_ =	sdelay $0x1  }
0xa1: {  	s23 =	simm.s32 $0x1B8B  }
0xa2: {  	_ =	swait.ge [sflag:s23], $0x1  }
0xa3: {  	[sflag:s23] =	ssyncset.done $0x0  }
0xa4: {  	s25 =	simm.s32 $0x1B8E;
	s24 =	sld [smem:$0x3FFE];
	[sflag:s23] =	ssyncadd.s32 $0xFFFFFFFF  }
0xa5: {  	s26 =	simm.s32 $execute0_lowered;
	[smem:$0x3FD2] =	sst s25  }
0xa6: {  	s5 =	sshll.u32 s26, $0x1;
	_ =	strace $0x80000046;
	[dreg:$0x1] =	wrdreg $0xFFFFFFFF  }
0xa7: {  	s28 =	simm.s32 $_size_execute0_lowered;
	s3 =	sadd.s32 s3, s5;
	[dreg:$0x0] =	wrdreg $0x0  }
0xa8: {  	s5 =	sshll.u32 s28, $0x1;
	[dreg:$0x2] =	wrdreg s3  }
0xa9: {  	[dreg:$0x3] =	wrdreg s5  }
0xaa: {  	[dreg:$0x4] =	wrdreg $0xC0  }
0xab: {  	_ =	task [dreg:s7], $0x5FFFF  }
0xac: {  	[dreg:$0x1] =	wrdreg $0xFFFFFFFF  }
0xad: {  	[dreg:$0x0] =	wrdreg $0x60  }
0xae: {  	[dreg:$0x2] =	wrdreg s24  }
0xaf: {  	[dreg:$0x3] =	wrdreg s2  }
0xb0: {  	[dreg:$0x4] =	wrdreg $0xB7000  }
0xb1: {  	[dreg:$0x5] =	wrdreg $0x9  }
0xb2: {  	_ =	task.clear_ibuf [dreg:s7], $0x6FFFF;
	_ =	strace $0x90000046  }
0xb3: {  	s29 =	simm.s32 $0x9;
	_ =	strace $0x80000048  }
0xb4: {  	_ =	swait.ge [sflag:s29], $0x1  }
0xb5: {  	[sflag:s29] =	ssyncadd.s32 $0xFFFFFFFF  }
0xb6: {  	_ =	strace $0x90000048  }
0xb7: {  	_ =	sfence  }
0xb8: {  	s30 =	sld [smem:$0x0];
	_ =	sdelay $0x2  }
0xb9: {  	s31 =	sshll.u32 s1, $0xD;
	s1 =	sshrl.u32 s1, $0x2  }
0xba: {  	s3 =	sand.u32 $0x4000, s31;
	s1 =	sadd.s32 s1, s30  }
0xbb: {  	s0 =	sor.u32 s3, s0;
	s1 =	sshll.u32 s1, $0x11  }
0xbc: {  	s0 =	sor.u32 s1, s0  }
0xbd: {  	s0 =	sadd.s32 $0x8F2B, s0  }
0xbe: {  	[sflag:s0] =	ssyncadd.remote.s32 $0x1  }
0xbf: {  	_ =	sfence.sel $0xFFFF  }
0xc0: {  	[dreg:$0x0] =	wrdreg $0xFFFFFFFF;
	(pc) =	sbr.abs _section_cstart, $3  }
0xc1: {  	[dreg:$0x1] =	wrdreg $0xFFFFFFFF  }
0xc2: {  	_ =	task.clear_ibuf [dreg:s7], $0x2FFFF;
	_ =	strace $0x9FFFFFFF  }
0xc3: {  	(tm) =	ssettm $0x7FFFFFFF  }
tec
execute0_lowered:
.L_overlay_start_1:
0x0: {  	(tag) =	ssettag $0x1  }
0x1: {  	s0 =	rddreg [dreg:$0x0]  }
0x2: {  	s1 =	rddreg [dreg:$0x1]  }
0x3: {  	s2 =	rddreg [dreg:$0x2]  }
0x4: {  	s3 =	srdreg.scid;
	s4 =	simm.s32 $0x0;
	s10 =	stileid.u32  }
0x5: {  	s3 =	sand.u32 $0x1, s3;
	[smem:$0x7FF] =	sst s4;
	s9 =	smul.u32 $0x14000, s10  }
0x6: {  	s5 =	sadd.s32 $0x20E00, s0;
	s21 =	sshll.u32 s10, $0x1;
	s10 =	smul.u32 $0x50000, s10  }
0x7: {  	s8 =	smul.u32 $0x140000, s3;
	s11 =	ssub.s32 $0x2, s3;
	s3 =	sor.u32 s3, s21  }
0x8: {  	s6 =	sadd.s32 $0xE00, s0;
	_ =	strace $0x80000047;
	s23 =	sshll.u32 s3, $0xC  }
0x9: {  	s22 =	sshrl.u32 s11, $0x1;
	s10 =	sshrl.u32 s10, $0x2;
	s24 =	sadd.s32 s1, s23  }
0xa: {  	s8 =	sadd.s32 s9, s8;
	s12 =	sadd.s32 s6, s23;
	[dreg:$0x5] =	wrdreg s24  }
0xb: {  	s17 =	sadd.s32 s10, s2;
	s26 =	sor.u32 $0x10, s23;
	[dreg:$0x6] =	wrdreg s12  }
0xc: {  	s14 =	sor.u32 $0x20, s23;
	s13 =	sadd.s32 s1, s26;
	[dreg:$0x4] =	wrdreg s17  }
0xd: {  	s16 =	sor.u32 $0x30, s23;
	s15 =	sadd.s32 s1, s14;
	[dreg:$0x8] =	wrdreg s13  }
0xe: {  	s19 =	sor.u32 $0x40, s23;
	s18 =	sadd.s32 s1, s16;
	[dreg:$0xa] =	wrdreg s15  }
0xf: {  	s21 =	sor.u32 $0x50, s23;
	s20 =	sadd.s32 s1, s19;
	[dreg:$0xc] =	wrdreg s18  }
0x10: {  	s9 =	ssub.s32 s11, s22;
	s11 =	sadd.s32 s1, s21;
	[dreg:$0xe] =	wrdreg s20  }
0x11: {  	s7 =	sadd.s32 $0x9E5E00, s0;
	s22 =	smax.u32 s9, $0x1;
	[dreg:$0x10] =	wrdreg s11  }
0x12: {  	s10 =	sshll.u32 s3, $0xF;
	s23 =	sadd.s32 $0x1400, s17;
	[dreg:$0x13] =	wrdreg s22  }
0x13: {  	s8 =	sshrl.u32 s8, $0x3;
	s24 =	sadd.s32 $0x2800, s17;
	[dreg:$0x14] =	wrdreg s23  }
0x14: {  	s9 =	sadd.s32 $0x7800, s17;
	s0 =	sadd.s32 s8, s0;
	[dreg:$0x15] =	wrdreg s24  }
0x15: {  	s8 =	smul.u32 $0x27B000, s3;
	s3 =	sadd.s32 s6, s26;
	[dreg:$0x19] =	wrdreg s9  }
0x16: {  	s26 =	sadd.s32 $0x5000, s17;
	[dreg:$0x9] =	wrdreg s3  }
0x17: {  	s11 =	sadd.s32 $0x8C00, s17;
	[dreg:$0x17] =	wrdreg s26  }
0x18: {  	s13 =	sadd.s32 $0xA000, s17;
	[dreg:$0x1a] =	wrdreg s11  }
0x19: {  	s15 =	sadd.s32 $0xC800, s17;
	[dreg:$0x1b] =	wrdreg s13  }
0x1a: {  	s18 =	sadd.s32 $0xF000, s17;
	[dreg:$0x1d] =	wrdreg s15  }
0x1b: {  	s20 =	sadd.s32 $0x11800, s17;
	[dreg:$0x1f] =	wrdreg s18  }
0x1c: {  	s3 =	sadd.s32 s6, s14;
	[smem:$0x7F7] =	sst s20  }
0x1d: {  	s0 =	sadd.s32 $0x6F000, s0;
	[dreg:$0xb] =	wrdreg s3  }
0x1e: {  	s28 =	simm.s32 $0x100;
	s14 =	sadd.s32 $0xB400, s17;
	[dreg:$0x12] =	wrdreg s0  }
0x1f: {  	s29 =	simm.s32 $0x5300;
	s3 =	sadd.s32 s6, s16;
	[dreg:$0x1c] =	wrdreg s14  }
0x20: {  	s30 =	simm.s32 $0x5B00;
	s16 =	sadd.s32 $0xDC00, s17;
	[dreg:$0xd] =	wrdreg s3  }
0x21: {  	s25 =	sshrl.u32 s8, $0x3;
	s3 =	sadd.s32 s6, s19;
	[dreg:$0x1e] =	wrdreg s16  }
0x22: {  	s12 =	sadd.s32 s7, s25;
	s25 =	sadd.s32 $0x3C00, s17;
	[dreg:$0xf] =	wrdreg s3  }
0x23: {  	s31 =	simm.s32 $0x6300;
	s19 =	sadd.s32 $0x10400, s17;
	[dreg:$0x16] =	wrdreg s25  }
0x24: {  	s18 =	simm.s32 $0x4;
	s11 =	simm.s32 $0x80;
	[smem:$0x7F6] =	sst s19  }
0x25: {  	s15 =	simm.s32 $0x2;
	s3 =	sadd.s32 s6, s21;
	[dreg:$0x7] =	wrdreg s12  }
0x26: {  	s13 =	simm.s32 $0x3;
	s21 =	sadd.s32 $0x12C00, s17;
	[dreg:$0x11] =	wrdreg s3  }
0x27: {  	s0 =	simm.s32 $0x6B00;
	s22 =	sadd.s32 $0x500, s12;
	[smem:$0x7F8] =	sst s21  }
0x28: {  	s14 =	simm.s32 $0x2B00;
	s23 =	sadd.s32 $0xA00, s12;
	[smem:$0x7F9] =	sst s22  }
0x29: {  	s16 =	simm.s32 $0x0;
	s24 =	sadd.s32 $0xF00, s12;
	[smem:$0x7FA] =	sst s23  }
0x2a: {  	s25 =	sadd.s32 $0x1400, s12;
	s26 =	sadd.s32 $0x1900, s12;
	[smem:$0x7FB] =	sst s24  }
0x2b: {  	v3 =	vlaneseq.u32;
	s12 =	simm.s32 $0x180;
	s3 =	sadd.s32 $0x6400, s17;
	[smem:$0x7FC] =	sst s25  }
0x2c: {  	v0 =	vimm.f32 $0.0e+00;
	vm0 =	vmmov $0xffff;
	v2 =	vshrl.u32 v3, $0x3;
	[smem:$0x7FD] =	sst s26;
	s25 =	simm.s32 $0xA300;
	s21 =	simm.s32 $0x1  }
0x2d: {  	v1 =	vand.u32 $0x7, v3;
	v3 =	vor.u32 $0x8, v3;
	v2 =	vmul.u32 $0x8, v2;
	s22 =	simm.s32 $0x28;
	[dreg:$0x18] =	wrdreg s3;
	s3 =	simm.s32 $0x7300  }
.LBB2_1:
0x2e: {  	[smem:$0x7F5] =	sst s16;
	s9 =	simm.s32 $0x0;
	s16 =	simm.s32 $0x200  }
.LBB2_2:
0x2f: {  	p0 =	sne.s32 s16, $0x4E00;
	[tilespmem:s9+$0xA370] =	vst v0  }
0x30: {  	[tilespmem:s9+$0xA300] =	vst v0  }
0x31: {  	[tilespmem:s9+$0xA310] =	vst v0  }
.Ltmp0:
0x32: {  	[tilespmem:s9+$0xA320] =	vst v0;
	(pc) =	sbr.rel @p0 .LBB2_2-.Ltmp0, $4  }
0x33: {  	[tilespmem:s9+$0xA330] =	vst v0  }
0x34: {  	[tilespmem:s9+$0xA340] =	vst v0  }
0x35: {  	[tilespmem:s9+$0xA350] =	vst v0  }
0x36: {  	[tilespmem:s9+$0xA360] =	vst v0;
	s9 =	sshra.s32 s16, $0x2;
	s16 =	sadd.s32 $0x200, s16  }
0x37: {  	[tilespmem:s9+$0xA370] =	vst v0  }
0x38: {  	[tilespmem:s9+$0xA300] =	vst v0  }
0x39: {  	[tilespmem:s9+$0xA310] =	vst v0  }
0x3a: {  	[tilespmem:s9+$0xA320] =	vst v0  }
0x3b: {  	[tilespmem:s9+$0xA330] =	vst v0  }
0x3c: {  	[tilespmem:s9+$0xA340] =	vst v0  }
0x3d: {  	[tilespmem:s9+$0xA350] =	vst v0  }
0x3e: {  	[tilespmem:s9+$0xA360] =	vst v0  }
0x3f: {  	[spmem:s17] =	stream.linear.scatter [tilespmem:s25], [sflag:$0x4], $0x1400, $0x38;
	[tilespmem:$0x1F700] =	vst v63  }
0x40: {  	_ =	swait.ge [sflag:s18], $0x1400  }
0x41: {  	[sflag:s18] =	ssyncset.done $0x0  }
0x42: {  	s23 =	rddreg [dreg:$0x14];
	[sflag:s18] =	ssyncadd.s32 $0xFFFFEC00  }
0x43: {  	[spmem:s23] =	stream.linear.scatter [tilespmem:s25], [sflag:$0x4], $0x1400, $0x38;
	[tilespmem:$0x1F700] =	vst v63  }
0x44: {  	_ =	swait.ge [sflag:s18], $0x1400  }
0x45: {  	[sflag:s18] =	ssyncset.done $0x0  }
0x46: {  	s24 =	rddreg [dreg:$0x15];
	[sflag:s18] =	ssyncadd.s32 $0xFFFFEC00  }
0x47: {  	[spmem:s24] =	stream.linear.scatter [tilespmem:s25], [sflag:$0x4], $0x1400, $0x38;
	[tilespmem:$0x1F700] =	vst v63  }
0x48: {  	_ =	swait.ge [sflag:s18], $0x1400  }
0x49: {  	[sflag:s18] =	ssyncset.done $0x0  }
0x4a: {  	s26 =	rddreg [dreg:$0x16];
	[sflag:s18] =	ssyncadd.s32 $0xFFFFEC00  }
0x4b: {  	[spmem:s26] =	stream.linear.scatter [tilespmem:s25], [sflag:$0x4], $0x1400, $0x38;
	[tilespmem:$0x1F700] =	vst v63  }
0x4c: {  	_ =	swait.ge [sflag:s18], $0x1400  }
0x4d: {  	[sflag:s18] =	ssyncset.done $0x0  }
0x4e: {  	s16 =	rddreg [dreg:$0x17];
	[sflag:s18] =	ssyncadd.s32 $0xFFFFEC00  }
0x4f: {  	[spmem:s16] =	stream.linear.scatter [tilespmem:s25], [sflag:$0x4], $0x1400, $0x38;
	[tilespmem:$0x1F700] =	vst v63  }
0x50: {  	_ =	swait.ge [sflag:s18], $0x1400  }
0x51: {  	[sflag:s18] =	ssyncset.done $0x0  }
0x52: {  	s17 =	rddreg [dreg:$0x18];
	[sflag:s18] =	ssyncadd.s32 $0xFFFFEC00  }
0x53: {  	[spmem:s17] =	stream.linear.scatter [tilespmem:s25], [sflag:$0x4], $0x1400, $0x38;
	[tilespmem:$0x1F700] =	vst v63  }
0x54: {  	_ =	swait.ge [sflag:s18], $0x1400  }
0x55: {  	[sflag:s18] =	ssyncset.done $0x0  }
0x56: {  	s19 =	rddreg [dreg:$0x19];
	[sflag:s18] =	ssyncadd.s32 $0xFFFFEC00  }
0x57: {  	[spmem:s19] =	stream.linear.scatter [tilespmem:s25], [sflag:$0x4], $0x1400, $0x38;
	[tilespmem:$0x1F700] =	vst v63  }
0x58: {  	_ =	swait.ge [sflag:s18], $0x1400  }
0x59: {  	[sflag:s18] =	ssyncset.done $0x0  }
0x5a: {  	s20 =	rddreg [dreg:$0x1a];
	[sflag:s18] =	ssyncadd.s32 $0xFFFFEC00  }
0x5b: {  	[spmem:s20] =	stream.linear.scatter [tilespmem:s25], [sflag:$0x4], $0x1400, $0x38;
	[tilespmem:$0x1F700] =	vst v63  }
0x5c: {  	_ =	swait.ge [sflag:s18], $0x1400  }
0x5d: {  	[sflag:s18] =	ssyncset.done $0x0  }
0x5e: {  	s23 =	rddreg [dreg:$0x1b];
	[sflag:s18] =	ssyncadd.s32 $0xFFFFEC00  }
0x5f: {  	[spmem:s23] =	stream.linear.scatter [tilespmem:s25], [sflag:$0x4], $0x1400, $0x38;
	[tilespmem:$0x1F700] =	vst v63  }
0x60: {  	_ =	swait.ge [sflag:s18], $0x1400  }
0x61: {  	[sflag:s18] =	ssyncset.done $0x0  }
0x62: {  	s24 =	rddreg [dreg:$0x1c];
	[sflag:s18] =	ssyncadd.s32 $0xFFFFEC00  }
0x63: {  	[spmem:s24] =	stream.linear.scatter [tilespmem:s25], [sflag:$0x4], $0x1400, $0x38;
	[tilespmem:$0x1F700] =	vst v63  }
0x64: {  	_ =	swait.ge [sflag:s18], $0x1400  }
0x65: {  	[sflag:s18] =	ssyncset.done $0x0  }
0x66: {  	s26 =	rddreg [dreg:$0x1d];
	[sflag:s18] =	ssyncadd.s32 $0xFFFFEC00  }
0x67: {  	[spmem:s26] =	stream.linear.scatter [tilespmem:s25], [sflag:$0x4], $0x1400, $0x38;
	[tilespmem:$0x1F700] =	vst v63  }
0x68: {  	_ =	swait.ge [sflag:s18], $0x1400  }
0x69: {  	[sflag:s18] =	ssyncset.done $0x0  }
0x6a: {  	s16 =	rddreg [dreg:$0x1e];
	[sflag:s18] =	ssyncadd.s32 $0xFFFFEC00  }
0x6b: {  	[spmem:s16] =	stream.linear.scatter [tilespmem:s25], [sflag:$0x4], $0x1400, $0x38;
	[tilespmem:$0x1F700] =	vst v63  }
0x6c: {  	_ =	swait.ge [sflag:s18], $0x1400  }
0x6d: {  	[sflag:s18] =	ssyncset.done $0x0  }
0x6e: {  	s17 =	rddreg [dreg:$0x1f];
	[sflag:s18] =	ssyncadd.s32 $0xFFFFEC00  }
0x6f: {  	[spmem:s17] =	stream.linear.scatter [tilespmem:s25], [sflag:$0x4], $0x1400, $0x38;
	[tilespmem:$0x1F700] =	vst v63  }
0x70: {  	_ =	swait.ge [sflag:s18], $0x1400  }
0x71: {  	s19 =	sld [smem:$0x7F6]  }
0x72: {  	[sflag:s18] =	ssyncset.done $0x0  }
0x73: {  	[sflag:s18] =	ssyncadd.s32 $0xFFFFEC00  }
0x74: {  	[spmem:s19] =	stream.linear.scatter [tilespmem:s25], [sflag:$0x4], $0x1400, $0x38;
	[tilespmem:$0x1F700] =	vst v63  }
0x75: {  	_ =	swait.ge [sflag:s18], $0x1400  }
0x76: {  	s20 =	sld [smem:$0x7F7]  }
0x77: {  	[sflag:s18] =	ssyncset.done $0x0  }
0x78: {  	[sflag:s18] =	ssyncadd.s32 $0xFFFFEC00  }
0x79: {  	[spmem:s20] =	stream.linear.scatter [tilespmem:s25], [sflag:$0x4], $0x1400, $0x38;
	[tilespmem:$0x1F700] =	vst v63  }
0x7a: {  	_ =	swait.ge [sflag:s18], $0x1400  }
0x7b: {  	s23 =	sld [smem:$0x7F8]  }
0x7c: {  	[sflag:s18] =	ssyncset.done $0x0  }
0x7d: {  	[sflag:s18] =	ssyncadd.s32 $0xFFFFEC00  }
0x7e: {  	[spmem:s23] =	stream.linear.scatter [tilespmem:s25], [sflag:$0x4], $0x1400, $0x38;
	[tilespmem:$0x1F700] =	vst v63  }
0x7f: {  	_ =	swait.ge [sflag:s18], $0x1400  }
0x80: {  	[sflag:s18] =	ssyncset.done $0x0  }
0x81: {  	[sflag:s18] =	ssyncadd.s32 $0xFFFFEC00  }
0x82: {  	[bflag:$0x0] =	sbarrier.arrive $0xFFFF  }
0x83: {  	s16 =	simm.s32 $0x0;
	s24 =	rddreg [dreg:$0x5]  }
0x84: {  	[tilespmem:s16], [sflag:$0x4] =	stream.linear.gather [hbm4b:s24+s16], $0x80, $0x38;
	[tilespmem:$0x1F700] =	vst v63  }
0x85: {  	_ =	swait.ge [sflag:s18], $0x80  }
0x86: {  	[sflag:s18] =	ssyncset.done $0x0  }
0x87: {  	s26 =	rddreg [dreg:$0x6];
	[sflag:s18] =	ssyncadd.s32 $0xFFFFFF80  }
0x88: {  	[tilespmem:s28], [sflag:$0x4] =	stream.linear.gather [hbm4b:s26+s16], $0x80, $0x38;
	[tilespmem:$0x1F700] =	vst v63  }
0x89: {  	_ =	swait.ge [sflag:s18], $0x80  }
0x8a: {  	[sflag:s18] =	ssyncset.done $0x0  }
0x8b: {  	s26 =	simm.s32 $0x300;
	s17 =	rddreg [dreg:$0x7];
	[sflag:s18] =	ssyncadd.s32 $0xFFFFFF80  }
0x8c: {  	[tilespmem:s26], [sflag:$0x4] =	stream.linear.gather [hbm4b:s17+s16], $0x2800, $0x38;
	[tilespmem:$0x1F700] =	vst v63  }
0x8d: {  	_ =	swait.ge [sflag:s18], $0x2800  }
0x8e: {  	[sflag:s18] =	ssyncset.done $0x0  }
0x8f: {  	[sflag:s18] =	ssyncadd.s32 $0xFFFFD800  }
0x90: {  	v4 =	vld [tilespmem:$0x0];
	_ =	sdelay $0x4  }
0x91: {  	v5 =	vshll.u32 v4, $0x1  }
0x92: {  	v4 =	vand.u32 $0x7, v4;
	v5 =	vand.u32 $0xFFFFFFF0, v5  }
0x93: {  	v4 =	vor.u32 v4, v5  }
0x94: {  	v5 =	vperm.xlane v4, v1;
	_ =	sdelay $0x1  }
0x95: {  	v4 =	vperm.xlane v4, v3;
	v5 =	vadd.s32 v2, v5;
	_ =	sdelay $0x1  }
0x96: {  	v4 =	vadd.s32 v2, v4;
	_ =	sdelay $0x2  }
0x97: {  	[tilespmem:s29], [sflag:$0x1] =	stream.indirect_vreg.gather [hbm4b:s5+s16], $0x80, v5, vm0, $0xb8;
	[tilespmem:$0x1F700] =	vst v63  }
0x98: {  	_ = 	snop  }
0x99: {  	[tilespmem:s30], [sflag:$0x1] =	stream.indirect_vreg.gather [hbm4b:s5+s16], $0x80, v4, vm0, $0xb8;
	[tilespmem:$0x1F700] =	vst v63  }
0x9a: {  	v4 =	vld.msk [tilespmem:$0x10], $0xff;
	_ =	sdelay $0x4  }
0x9b: {  	v5 =	vshll.u32 v4, $0x1  }
0x9c: {  	v4 =	vand.u32 $0x7, v4;
	v5 =	vand.u32 $0xFFFFFFF0, v5  }
0x9d: {  	v4 =	vor.u32 v4, v5  }
0x9e: {  	v4 =	vperm.xlane v4, v1;
	_ =	sdelay $0x1  }
0x9f: {  	v4 =	vadd.s32 v2, v4;
	_ =	sdelay $0x4  }
0xa0: {  	[tilespmem:s31], [sflag:$0x1] =	stream.indirect_vreg.gather [hbm4b:s5+s16], $0x80, v4, vm0, $0xb8;
	[tilespmem:$0x1F700] =	vst v63  }
0xa1: {  	v4 =	vld [tilespmem:$0x18];
	_ =	sdelay $0x4  }
0xa2: {  	v5 =	vshll.u32 v4, $0x1  }
0xa3: {  	v4 =	vand.u32 $0x7, v4;
	v5 =	vand.u32 $0xFFFFFFF0, v5  }
0xa4: {  	v4 =	vor.u32 v4, v5  }
0xa5: {  	v5 =	vperm.xlane v4, v1;
	_ =	sdelay $0x1  }
0xa6: {  	v4 =	vperm.xlane v4, v3;
	v5 =	vadd.s32 v2, v5;
	_ =	sdelay $0x1  }
0xa7: {  	v4 =	vadd.s32 v2, v4;
	_ =	sdelay $0x2  }
0xa8: {  	[tilespmem:s0], [sflag:$0x1] =	stream.indirect_vreg.gather [hbm4b:s5+s16], $0x80, v5, vm0, $0xb8;
	[tilespmem:$0x1F700] =	vst v63  }
0xa9: {  	s19 =	rddreg [dreg:$0x8]  }
0xaa: {  	[tilespmem:s3], [sflag:$0x1] =	stream.indirect_vreg.gather [hbm4b:s5+s16], $0x80, v4, vm0, $0xb8;
	[tilespmem:$0x1F700] =	vst v63  }
0xab: {  	s20 =	rddreg [dreg:$0x9]  }
0xac: {  	[tilespmem:s11], [sflag:$0x2] =	stream.linear.gather [hbm4b:s19+s16], $0x80, $0x38;
	[tilespmem:$0x1F700] =	vst v63  }
0xad: {  	s23 =	sld [smem:$0x7F9]  }
0xae: {  	[tilespmem:s12], [sflag:$0x2] =	stream.linear.gather [hbm4b:s20+s16], $0x80, $0x38;
	[tilespmem:$0x1F700] =	vst v63  }
0xaf: {  	_ = 	snop  }
0xb0: {  	[tilespmem:s14], [sflag:$0x2] =	stream.linear.gather [hbm4b:s23+s16], $0x2800, $0x38;
	[tilespmem:$0x1F700] =	vst v63  }
0xb1: {  	_ =	swait.ge [sflag:s15], $0x80  }
0xb2: {  	[sflag:s15] =	ssyncset.done $0x0  }
0xb3: {  	[sflag:s15] =	ssyncadd.s32 $0xFFFFFF80  }
0xb4: {  	_ =	swait.ge [sflag:s15], $0x80  }
0xb5: {  	[sflag:s15] =	ssyncset.done $0x0  }
0xb6: {  	[sflag:s15] =	ssyncadd.s32 $0xFFFFFF80  }
0xb7: {  	_ =	swait.ge [sflag:s15], $0x2800  }
0xb8: {  	[sflag:s15] =	ssyncset.done $0x0  }
0xb9: {  	[sflag:s15] =	ssyncadd.s32 $0xFFFFD800  }
0xba: {  	v4 =	vld [tilespmem:$0x80];
	_ =	sdelay $0x4  }
0xbb: {  	v5 =	vshll.u32 v4, $0x1  }
0xbc: {  	v4 =	vand.u32 $0x7, v4;
	v5 =	vand.u32 $0xFFFFFFF0, v5  }
0xbd: {  	v4 =	vor.u32 v4, v5  }
0xbe: {  	v5 =	vperm.xlane v4, v1;
	_ =	sdelay $0x1  }
0xbf: {  	v4 =	vperm.xlane v4, v3;
	v5 =	vadd.s32 v2, v5;
	_ =	sdelay $0x1  }
0xc0: {  	v4 =	vadd.s32 v2, v4;
	_ =	sdelay $0x1  }
0xc1: {  	s24 =	simm.s32 $0x7B00  }
0xc2: {  	[tilespmem:s24], [sflag:$0x1] =	stream.indirect_vreg.gather [hbm4b:s5+s16], $0x80, v5, vm0, $0xb8;
	[tilespmem:$0x1F700] =	vst v63  }
0xc3: {  	s17 =	simm.s32 $0x8300  }
0xc4: {  	[tilespmem:s17], [sflag:$0x1] =	stream.indirect_vreg.gather [hbm4b:s5+s16], $0x80, v4, vm0, $0xb8;
	[tilespmem:$0x1F700] =	vst v63  }
0xc5: {  	v4 =	vld.msk [tilespmem:$0x90], $0xff;
	_ =	sdelay $0x4  }
0xc6: {  	v5 =	vshll.u32 v4, $0x1  }
0xc7: {  	v4 =	vand.u32 $0x7, v4;
	v5 =	vand.u32 $0xFFFFFFF0, v5  }
0xc8: {  	v4 =	vor.u32 v4, v5  }
0xc9: {  	v4 =	vperm.xlane v4, v1;
	_ =	sdelay $0x1  }
0xca: {  	v4 =	vadd.s32 v2, v4;
	_ =	sdelay $0x3  }
0xcb: {  	s18 =	simm.s32 $0x8B00  }
0xcc: {  	[tilespmem:s18], [sflag:$0x1] =	stream.indirect_vreg.gather [hbm4b:s5+s16], $0x80, v4, vm0, $0xb8;
	[tilespmem:$0x1F700] =	vst v63  }
0xcd: {  	v4 =	vld [tilespmem:$0x98];
	_ =	sdelay $0x4  }
0xce: {  	v5 =	vshll.u32 v4, $0x1  }
0xcf: {  	v4 =	vand.u32 $0x7, v4;
	v5 =	vand.u32 $0xFFFFFFF0, v5  }
0xd0: {  	v4 =	vor.u32 v4, v5  }
0xd1: {  	v5 =	vperm.xlane v4, v1;
	_ =	sdelay $0x1  }
0xd2: {  	v4 =	vperm.xlane v4, v3;
	v5 =	vadd.s32 v2, v5;
	_ =	sdelay $0x1  }
0xd3: {  	v4 =	vadd.s32 v2, v4;
	_ =	sdelay $0x1  }
0xd4: {  	s19 =	simm.s32 $0x9300  }
0xd5: {  	[tilespmem:s19], [sflag:$0x1] =	stream.indirect_vreg.gather [hbm4b:s5+s16], $0x80, v5, vm0, $0xb8;
	[tilespmem:$0x1F700] =	vst v63  }
0xd6: {  	s20 =	simm.s32 $0x9B00  }
0xd7: {  	[tilespmem:s20], [sflag:$0x1] =	stream.indirect_vreg.gather [hbm4b:s5+s16], $0x80, v4, vm0, $0xb8;
	[tilespmem:$0x1F700] =	vst v63  }
0xd8: {  	_ =	swait.ge [sflag:s21], $0x1800  }
0xd9: {  	[sflag:s21] =	ssyncset.done $0x0  }
0xda: {  	[sflag:s21] =	ssyncadd.s32 $0xFFFFE800  }
0xdb: {  	_ =	swait.ge [sflag:s21], $0x1000  }
0xdc: {  	[sflag:s21] =	ssyncset.done $0x0  }
0xdd: {  	[sflag:s21] =	ssyncadd.s32 $0xFFFFF000  }
0xde: {  	s23 =	sand.u32 $0x3800, s16;
	s24 =	sand.u32 $0x380, s16;
	v4 =	vld [tilespmem:s26+$0x0]  }
0xdf: {  	s9 =	sor.u32 s24, s23;
	v5 =	vld [tilespmem:s26+$0x1400]  }
0xe0: {  	v6 =	vld [tilespmem:s9+$0x5300]  }
0xe1: {  	v7 =	vld [tilespmem:s9+$0x5700];
	_ =	sdelay $0x4  }
0xe2: {  	v6 =	vmul.f32 v6, v4;
	v7 =	vmul.f32 v7, v5;
	_ =	sdelay $0x1  }
0xe3: {  	v6 =	vadd.f32 v7, v6  }
0xe4: {  	s17 =	simm.s32 $0xA340  }
0xe5: {  	[tilespmem:s17+$0xFFFFFFC0] =	vst v6  }
0xe6: {  	v6 =	vld [tilespmem:s9+$0x5310]  }
0xe7: {  	v7 =	vld [tilespmem:s9+$0x5710];
	_ =	sdelay $0x4  }
0xe8: {  	v6 =	vmul.f32 v6, v4;
	v7 =	vmul.f32 v7, v5;
	_ =	sdelay $0x1  }
0xe9: {  	v6 =	vadd.f32 v7, v6;
	_ =	sdelay $0x1  }
0xea: {  	[tilespmem:s17+$0xFFFFFFD0] =	vst v6  }
0xeb: {  	v6 =	vld [tilespmem:s9+$0x5320]  }
0xec: {  	v7 =	vld [tilespmem:s9+$0x5720];
	_ =	sdelay $0x4  }
0xed: {  	v6 =	vmul.f32 v6, v4;
	v7 =	vmul.f32 v7, v5;
	_ =	sdelay $0x1  }
0xee: {  	v6 =	vadd.f32 v7, v6;
	_ =	sdelay $0x1  }
0xef: {  	[tilespmem:s17+$0xFFFFFFE0] =	vst v6  }
0xf0: {  	v6 =	vld [tilespmem:s9+$0x5330]  }
0xf1: {  	v7 =	vld [tilespmem:s9+$0x5730];
	_ =	sdelay $0x4  }
0xf2: {  	v6 =	vmul.f32 v6, v4;
	v7 =	vmul.f32 v7, v5;
	_ =	sdelay $0x1  }
0xf3: {  	v6 =	vadd.f32 v7, v6;
	_ =	sdelay $0x1  }
0xf4: {  	[tilespmem:s17+$0xFFFFFFF0] =	vst v6  }
0xf5: {  	v6 =	vld [tilespmem:s9+$0x5340]  }
0xf6: {  	v7 =	vld [tilespmem:s9+$0x5740];
	_ =	sdelay $0x4  }
0xf7: {  	v6 =	vmul.f32 v6, v4;
	v7 =	vmul.f32 v7, v5;
	_ =	sdelay $0x1  }
0xf8: {  	v6 =	vadd.f32 v7, v6;
	_ =	sdelay $0x1  }
0xf9: {  	[tilespmem:s17+$0x0] =	vst v6  }
0xfa: {  	v6 =	vld [tilespmem:s9+$0x5350]  }
0xfb: {  	v7 =	vld [tilespmem:s9+$0x5750];
	_ =	sdelay $0x4  }
0xfc: {  	v6 =	vmul.f32 v6, v4;
	v7 =	vmul.f32 v7, v5;
	_ =	sdelay $0x1  }
0xfd: {  	v6 =	vadd.f32 v7, v6;
	_ =	sdelay $0x1  }
0xfe: {  	[tilespmem:s17+$0x10] =	vst v6  }
0xff: {  	v6 =	vld [tilespmem:s9+$0x5360]  }
0x100: {  	v7 =	vld [tilespmem:s9+$0x5760];
	_ =	sdelay $0x4  }
0x101: {  	v6 =	vmul.f32 v6, v4;
	v7 =	vmul.f32 v7, v5;
	_ =	sdelay $0x1  }
0x102: {  	v6 =	vadd.f32 v7, v6;
	_ =	sdelay $0x1  }
0x103: {  	[tilespmem:s17+$0x20] =	vst v6  }
0x104: {  	v6 =	vld [tilespmem:s9+$0x5370]  }
0x105: {  	s18 =	simm.s32 $0xA340;
	s19 =	simm.s32 $0x80;
	v7 =	vld [tilespmem:s9+$0x5770]  }
.LBB2_4:
0x106: {  	s16 =	sadd.s32 $0x100, s16;
	s17 =	sadd.s32 $0x80, s17;
	s26 =	sadd.s32 $0x80, s26  }
0x107: {  	p0 =	sne.s32 s19, $0x1380;
	s9 =	smov.u32 s19;
	s19 =	sadd.s32 $0x80, s19  }
0x108: {  	_ = 	snop  }
0x109: {  	v4 =	vmul.f32 v6, v4  }
0x10a: {  	v5 =	vmul.f32 v7, v5;
	_ =	sdelay $0x1  }
0x10b: {  	v4 =	vadd.f32 v5, v4;
	_ =	sdelay $0x1  }
0x10c: {  	[tilespmem:s18+$0x30] =	vst v4;
	s18 =	smov.u32 s17  }
0x10d: {  	s20 =	sand.u32 $0x3800, s16;
	s9 =	sand.u32 $0x380, s9;
	v4 =	vld [tilespmem:s26+$0x0]  }
0x10e: {  	s20 =	sor.u32 s9, s20;
	v5 =	vld [tilespmem:s26+$0x1400]  }
0x10f: {  	v6 =	vld [tilespmem:s20+$0x5300]  }
0x110: {  	v7 =	vld [tilespmem:s20+$0x5700];
	_ =	sdelay $0x3  }
0x111: {  	v6 =	vmul.f32 v6, v4  }
0x112: {  	v7 =	vmul.f32 v7, v5;
	_ =	sdelay $0x1  }
0x113: {  	v6 =	vadd.f32 v7, v6;
	_ =	sdelay $0x1  }
0x114: {  	[tilespmem:s17+$0xFFFFFFC0] =	vst v6  }
0x115: {  	v6 =	vld [tilespmem:s20+$0x5310]  }
0x116: {  	v7 =	vld [tilespmem:s20+$0x5710];
	_ =	sdelay $0x3  }
0x117: {  	v6 =	vmul.f32 v6, v4  }
0x118: {  	v7 =	vmul.f32 v7, v5;
	_ =	sdelay $0x1  }
0x119: {  	v6 =	vadd.f32 v7, v6;
	_ =	sdelay $0x1  }
0x11a: {  	[tilespmem:s17+$0xFFFFFFD0] =	vst v6  }
0x11b: {  	v6 =	vld [tilespmem:s20+$0x5320]  }
0x11c: {  	v7 =	vld [tilespmem:s20+$0x5720];
	_ =	sdelay $0x3  }
0x11d: {  	v6 =	vmul.f32 v6, v4  }
0x11e: {  	v7 =	vmul.f32 v7, v5;
	_ =	sdelay $0x1  }
0x11f: {  	v6 =	vadd.f32 v7, v6;
	_ =	sdelay $0x1  }
0x120: {  	[tilespmem:s17+$0xFFFFFFE0] =	vst v6  }
0x121: {  	v6 =	vld [tilespmem:s20+$0x5330]  }
0x122: {  	v7 =	vld [tilespmem:s20+$0x5730];
	_ =	sdelay $0x3  }
0x123: {  	v6 =	vmul.f32 v6, v4  }
0x124: {  	v7 =	vmul.f32 v7, v5;
	_ =	sdelay $0x1  }
0x125: {  	v6 =	vadd.f32 v7, v6;
	_ =	sdelay $0x1  }
0x126: {  	[tilespmem:s17+$0xFFFFFFF0] =	vst v6  }
0x127: {  	v6 =	vld [tilespmem:s20+$0x5340]  }
0x128: {  	v7 =	vld [tilespmem:s20+$0x5740];
	_ =	sdelay $0x3  }
0x129: {  	v6 =	vmul.f32 v6, v4  }
0x12a: {  	v7 =	vmul.f32 v7, v5;
	_ =	sdelay $0x1  }
0x12b: {  	v6 =	vadd.f32 v7, v6;
	_ =	sdelay $0x1  }
0x12c: {  	[tilespmem:s17+$0x0] =	vst v6  }
0x12d: {  	v6 =	vld [tilespmem:s20+$0x5350]  }
0x12e: {  	v7 =	vld [tilespmem:s20+$0x5750];
	_ =	sdelay $0x3  }
0x12f: {  	v6 =	vmul.f32 v6, v4  }
0x130: {  	v7 =	vmul.f32 v7, v5;
	_ =	sdelay $0x1  }
0x131: {  	v6 =	vadd.f32 v7, v6;
	_ =	sdelay $0x1  }
0x132: {  	[tilespmem:s17+$0x10] =	vst v6  }
0x133: {  	v6 =	vld [tilespmem:s20+$0x5360]  }
0x134: {  	v7 =	vld [tilespmem:s20+$0x5760];
	_ =	sdelay $0x3  }
0x135: {  	v6 =	vmul.f32 v6, v4  }
0x136: {  	v7 =	vmul.f32 v7, v5;
	_ =	sdelay $0x1  }
.Ltmp1:
0x137: {  	v6 =	vadd.f32 v7, v6;
	(pc) =	sbr.rel @p0 .LBB2_4-.Ltmp1, $4  }
0x138: {  	_ = 	snop  }
0x139: {  	[tilespmem:s17+$0x20] =	vst v6  }
0x13a: {  	v6 =	vld [tilespmem:s20+$0x5370]  }
0x13b: {  	v7 =	vld [tilespmem:s20+$0x5770]  }
0x13c: {  	_ =	sdelay $0x3  }
0x13d: {  	v4 =	vmul.f32 v6, v4;
	v5 =	vmul.f32 v7, v5;
	_ =	sdelay $0x1  }
0x13e: {  	v4 =	vadd.f32 v5, v4;
	_ =	sdelay $0x1  }
0x13f: {  	s9 =	rddreg [dreg:$0xa];
	[tilespmem:s18+$0x30] =	vst v4  }
0x140: {  	[spmem:s2] =	stream.indirect.scatter.add.f32 [tilespmem:s25], [sflag:$0x3], $0x80, s28, s22, $0xb8;
	[tilespmem:$0x1F700] =	vst v63  }
0x141: {  	s16 =	simm.s32 $0x0;
	s19 =	rddreg [dreg:$0xb]  }
0x142: {  	[tilespmem:s16], [sflag:$0x2] =	stream.linear.gather [hbm4b:s9+s16], $0x80, $0x38;
	[tilespmem:$0x1F700] =	vst v63  }
0x143: {  	s17 =	simm.s32 $0x200;
	s20 =	sld [smem:$0x7FA]  }
0x144: {  	[tilespmem:s17], [sflag:$0x2] =	stream.linear.gather [hbm4b:s19+s16], $0x80, $0x38;
	[tilespmem:$0x1F700] =	vst v63  }
0x145: {  	s23 =	simm.s32 $0x300  }
0x146: {  	[tilespmem:s23], [sflag:$0x2] =	stream.linear.gather [hbm4b:s20+s16], $0x2800, $0x38;
	[tilespmem:$0x1F700] =	vst v63  }
0x147: {  	_ =	swait.ge [sflag:s15], $0x80  }
0x148: {  	[sflag:s15] =	ssyncset.done $0x0  }
0x149: {  	[sflag:s15] =	ssyncadd.s32 $0xFFFFFF80  }
0x14a: {  	_ =	swait.ge [sflag:s15], $0x80  }
0x14b: {  	[sflag:s15] =	ssyncset.done $0x0  }
0x14c: {  	[sflag:s15] =	ssyncadd.s32 $0xFFFFFF80  }
0x14d: {  	_ =	swait.ge [sflag:s15], $0x2800  }
0x14e: {  	[sflag:s15] =	ssyncset.done $0x0  }
0x14f: {  	[sflag:s15] =	ssyncadd.s32 $0xFFFFD800  }
0x150: {  	v4 =	vld [tilespmem:$0x0];
	_ =	sdelay $0x4  }
0x151: {  	v5 =	vshll.u32 v4, $0x1  }
0x152: {  	v4 =	vand.u32 $0x7, v4;
	v5 =	vand.u32 $0xFFFFFFF0, v5  }
0x153: {  	v4 =	vor.u32 v4, v5  }
0x154: {  	v5 =	vperm.xlane v4, v1;
	_ =	sdelay $0x1  }
0x155: {  	v4 =	vperm.xlane v4, v3;
	v5 =	vadd.s32 v2, v5;
	_ =	sdelay $0x1  }
0x156: {  	v4 =	vadd.s32 v2, v4;
	_ =	sdelay $0x2  }
0x157: {  	[tilespmem:s29], [sflag:$0x1] =	stream.indirect_vreg.gather [hbm4b:s5+s16], $0x80, v5, vm0, $0xb8;
	[tilespmem:$0x1F700] =	vst v63  }
0x158: {  	_ = 	snop  }
0x159: {  	[tilespmem:s30], [sflag:$0x1] =	stream.indirect_vreg.gather [hbm4b:s5+s16], $0x80, v4, vm0, $0xb8;
	[tilespmem:$0x1F700] =	vst v63  }
0x15a: {  	v4 =	vld.msk [tilespmem:$0x10], $0xff;
	_ =	sdelay $0x4  }
0x15b: {  	v5 =	vshll.u32 v4, $0x1  }
0x15c: {  	v4 =	vand.u32 $0x7, v4;
	v5 =	vand.u32 $0xFFFFFFF0, v5  }
0x15d: {  	v4 =	vor.u32 v4, v5  }
0x15e: {  	v4 =	vperm.xlane v4, v1;
	_ =	sdelay $0x1  }
0x15f: {  	v4 =	vadd.s32 v2, v4;
	_ =	sdelay $0x4  }
0x160: {  	[tilespmem:s31], [sflag:$0x1] =	stream.indirect_vreg.gather [hbm4b:s5+s16], $0x80, v4, vm0, $0xb8;
	[tilespmem:$0x1F700] =	vst v63  }
0x161: {  	v4 =	vld [tilespmem:$0x18];
	_ =	sdelay $0x4  }
0x162: {  	v5 =	vshll.u32 v4, $0x1  }
0x163: {  	v4 =	vand.u32 $0x7, v4;
	v5 =	vand.u32 $0xFFFFFFF0, v5  }
0x164: {  	v4 =	vor.u32 v4, v5  }
0x165: {  	v5 =	vperm.xlane v4, v1;
	_ =	sdelay $0x1  }
0x166: {  	v4 =	vperm.xlane v4, v3;
	v5 =	vadd.s32 v2, v5;
	_ =	sdelay $0x1  }
0x167: {  	v4 =	vadd.s32 v2, v4;
	_ =	sdelay $0x2  }
0x168: {  	[tilespmem:s0], [sflag:$0x1] =	stream.indirect_vreg.gather [hbm4b:s5+s16], $0x80, v5, vm0, $0xb8;
	[tilespmem:$0x1F700] =	vst v63  }
0x169: {  	_ = 	snop  }
0x16a: {  	[tilespmem:s3], [sflag:$0x1] =	stream.indirect_vreg.gather [hbm4b:s5+s16], $0x80, v4, vm0, $0xb8;
	[tilespmem:$0x1F700] =	vst v63  }
0x16b: {  	_ =	swait.ge [sflag:s21], $0x1800  }
0x16c: {  	[sflag:s21] =	ssyncset.done $0x0  }
0x16d: {  	[sflag:s21] =	ssyncadd.s32 $0xFFFFE800  }
0x16e: {  	_ =	swait.ge [sflag:s21], $0x1000  }
0x16f: {  	[sflag:s21] =	ssyncset.done $0x0  }
0x170: {  	[sflag:s21] =	ssyncadd.s32 $0xFFFFF000  }
0x171: {  	_ =	swait.ge [sflag:s13], $0x1400  }
0x172: {  	[sflag:s13] =	ssyncset.done $0x0  }
0x173: {  	s17 =	simm.s32 $0x2B00;
	[sflag:s13] =	ssyncadd.s32 $0xFFFFEC00  }
0x174: {  	s24 =	sand.u32 $0x3800, s16;
	s26 =	sand.u32 $0x380, s16;
	v4 =	vld [tilespmem:s17+$0x0]  }
0x175: {  	s9 =	sor.u32 s26, s24;
	v5 =	vld [tilespmem:s17+$0x1400]  }
0x176: {  	v6 =	vld [tilespmem:s9+$0x7B00]  }
0x177: {  	v7 =	vld [tilespmem:s9+$0x7F00];
	_ =	sdelay $0x4  }
0x178: {  	v6 =	vmul.f32 v6, v4;
	v7 =	vmul.f32 v7, v5;
	_ =	sdelay $0x1  }
0x179: {  	v6 =	vadd.f32 v7, v6  }
0x17a: {  	s18 =	simm.s32 $0xA340  }
0x17b: {  	[tilespmem:s18+$0xFFFFFFC0] =	vst v6  }
0x17c: {  	v6 =	vld [tilespmem:s9+$0x7B10]  }
0x17d: {  	v7 =	vld [tilespmem:s9+$0x7F10];
	_ =	sdelay $0x4  }
0x17e: {  	v6 =	vmul.f32 v6, v4;
	v7 =	vmul.f32 v7, v5;
	_ =	sdelay $0x1  }
0x17f: {  	v6 =	vadd.f32 v7, v6;
	_ =	sdelay $0x1  }
0x180: {  	[tilespmem:s18+$0xFFFFFFD0] =	vst v6  }
0x181: {  	v6 =	vld [tilespmem:s9+$0x7B20]  }
0x182: {  	v7 =	vld [tilespmem:s9+$0x7F20];
	_ =	sdelay $0x4  }
0x183: {  	v6 =	vmul.f32 v6, v4;
	v7 =	vmul.f32 v7, v5;
	_ =	sdelay $0x1  }
0x184: {  	v6 =	vadd.f32 v7, v6;
	_ =	sdelay $0x1  }
0x185: {  	[tilespmem:s18+$0xFFFFFFE0] =	vst v6  }
0x186: {  	v6 =	vld [tilespmem:s9+$0x7B30]  }
0x187: {  	v7 =	vld [tilespmem:s9+$0x7F30];
	_ =	sdelay $0x4  }
0x188: {  	v6 =	vmul.f32 v6, v4;
	v7 =	vmul.f32 v7, v5;
	_ =	sdelay $0x1  }
0x189: {  	v6 =	vadd.f32 v7, v6;
	_ =	sdelay $0x1  }
0x18a: {  	[tilespmem:s18+$0xFFFFFFF0] =	vst v6  }
0x18b: {  	v6 =	vld [tilespmem:s9+$0x7B40]  }
0x18c: {  	v7 =	vld [tilespmem:s9+$0x7F40];
	_ =	sdelay $0x4  }
0x18d: {  	v6 =	vmul.f32 v6, v4;
	v7 =	vmul.f32 v7, v5;
	_ =	sdelay $0x1  }
0x18e: {  	v6 =	vadd.f32 v7, v6;
	_ =	sdelay $0x1  }
0x18f: {  	[tilespmem:s18+$0x0] =	vst v6  }
0x190: {  	v6 =	vld [tilespmem:s9+$0x7B50]  }
0x191: {  	v7 =	vld [tilespmem:s9+$0x7F50];
	_ =	sdelay $0x4  }
0x192: {  	v6 =	vmul.f32 v6, v4;
	v7 =	vmul.f32 v7, v5;
	_ =	sdelay $0x1  }
0x193: {  	v6 =	vadd.f32 v7, v6;
	_ =	sdelay $0x1  }
0x194: {  	[tilespmem:s18+$0x10] =	vst v6  }
0x195: {  	v6 =	vld [tilespmem:s9+$0x7B60]  }
0x196: {  	v7 =	vld [tilespmem:s9+$0x7F60];
	_ =	sdelay $0x4  }
0x197: {  	v6 =	vmul.f32 v6, v4;
	v7 =	vmul.f32 v7, v5;
	_ =	sdelay $0x1  }
0x198: {  	v6 =	vadd.f32 v7, v6;
	_ =	sdelay $0x1  }
0x199: {  	[tilespmem:s18+$0x20] =	vst v6  }
0x19a: {  	v6 =	vld [tilespmem:s9+$0x7B70]  }
0x19b: {  	s19 =	simm.s32 $0xA340;
	s20 =	simm.s32 $0x80;
	v7 =	vld [tilespmem:s9+$0x7F70]  }
.LBB2_6:
0x19c: {  	s16 =	sadd.s32 $0x100, s16;
	s18 =	sadd.s32 $0x80, s18;
	s17 =	sadd.s32 $0x80, s17  }
0x19d: {  	p0 =	sne.s32 s20, $0x1380;
	s9 =	smov.u32 s20;
	s20 =	sadd.s32 $0x80, s20  }
0x19e: {  	_ = 	snop  }
0x19f: {  	v4 =	vmul.f32 v6, v4  }
0x1a0: {  	v5 =	vmul.f32 v7, v5;
	_ =	sdelay $0x1  }
0x1a1: {  	v4 =	vadd.f32 v5, v4;
	_ =	sdelay $0x1  }
0x1a2: {  	[tilespmem:s19+$0x30] =	vst v4;
	s19 =	smov.u32 s18  }
0x1a3: {  	s23 =	sand.u32 $0x3800, s16;
	s9 =	sand.u32 $0x380, s9;
	v4 =	vld [tilespmem:s17+$0x0]  }
0x1a4: {  	s23 =	sor.u32 s9, s23;
	v5 =	vld [tilespmem:s17+$0x1400]  }
0x1a5: {  	v6 =	vld [tilespmem:s23+$0x7B00]  }
0x1a6: {  	v7 =	vld [tilespmem:s23+$0x7F00];
	_ =	sdelay $0x3  }
0x1a7: {  	v6 =	vmul.f32 v6, v4  }
0x1a8: {  	v7 =	vmul.f32 v7, v5;
	_ =	sdelay $0x1  }
0x1a9: {  	v6 =	vadd.f32 v7, v6;
	_ =	sdelay $0x1  }
0x1aa: {  	[tilespmem:s18+$0xFFFFFFC0] =	vst v6  }
0x1ab: {  	v6 =	vld [tilespmem:s23+$0x7B10]  }
0x1ac: {  	v7 =	vld [tilespmem:s23+$0x7F10];
	_ =	sdelay $0x3  }
0x1ad: {  	v6 =	vmul.f32 v6, v4  }
0x1ae: {  	v7 =	vmul.f32 v7, v5;
	_ =	sdelay $0x1  }
0x1af: {  	v6 =	vadd.f32 v7, v6;
	_ =	sdelay $0x1  }
0x1b0: {  	[tilespmem:s18+$0xFFFFFFD0] =	vst v6  }
0x1b1: {  	v6 =	vld [tilespmem:s23+$0x7B20]  }
0x1b2: {  	v7 =	vld [tilespmem:s23+$0x7F20];
	_ =	sdelay $0x3  }
0x1b3: {  	v6 =	vmul.f32 v6, v4  }
0x1b4: {  	v7 =	vmul.f32 v7, v5;
	_ =	sdelay $0x1  }
0x1b5: {  	v6 =	vadd.f32 v7, v6;
	_ =	sdelay $0x1  }
0x1b6: {  	[tilespmem:s18+$0xFFFFFFE0] =	vst v6  }
0x1b7: {  	v6 =	vld [tilespmem:s23+$0x7B30]  }
0x1b8: {  	v7 =	vld [tilespmem:s23+$0x7F30];
	_ =	sdelay $0x3  }
0x1b9: {  	v6 =	vmul.f32 v6, v4  }
0x1ba: {  	v7 =	vmul.f32 v7, v5;
	_ =	sdelay $0x1  }
0x1bb: {  	v6 =	vadd.f32 v7, v6;
	_ =	sdelay $0x1  }
0x1bc: {  	[tilespmem:s18+$0xFFFFFFF0] =	vst v6  }
0x1bd: {  	v6 =	vld [tilespmem:s23+$0x7B40]  }
0x1be: {  	v7 =	vld [tilespmem:s23+$0x7F40];
	_ =	sdelay $0x3  }
0x1bf: {  	v6 =	vmul.f32 v6, v4  }
0x1c0: {  	v7 =	vmul.f32 v7, v5;
	_ =	sdelay $0x1  }
0x1c1: {  	v6 =	vadd.f32 v7, v6;
	_ =	sdelay $0x1  }
0x1c2: {  	[tilespmem:s18+$0x0] =	vst v6  }
0x1c3: {  	v6 =	vld [tilespmem:s23+$0x7B50]  }
0x1c4: {  	v7 =	vld [tilespmem:s23+$0x7F50];
	_ =	sdelay $0x3  }
0x1c5: {  	v6 =	vmul.f32 v6, v4  }
0x1c6: {  	v7 =	vmul.f32 v7, v5;
	_ =	sdelay $0x1  }
0x1c7: {  	v6 =	vadd.f32 v7, v6;
	_ =	sdelay $0x1  }
0x1c8: {  	[tilespmem:s18+$0x10] =	vst v6  }
0x1c9: {  	v6 =	vld [tilespmem:s23+$0x7B60]  }
0x1ca: {  	v7 =	vld [tilespmem:s23+$0x7F60];
	_ =	sdelay $0x3  }
0x1cb: {  	v6 =	vmul.f32 v6, v4  }
0x1cc: {  	v7 =	vmul.f32 v7, v5;
	_ =	sdelay $0x1  }
.Ltmp2:
0x1cd: {  	v6 =	vadd.f32 v7, v6;
	(pc) =	sbr.rel @p0 .LBB2_6-.Ltmp2, $4  }
0x1ce: {  	_ = 	snop  }
0x1cf: {  	[tilespmem:s18+$0x20] =	vst v6  }
0x1d0: {  	v6 =	vld [tilespmem:s23+$0x7B70]  }
0x1d1: {  	v7 =	vld [tilespmem:s23+$0x7F70]  }
0x1d2: {  	_ =	sdelay $0x3  }
0x1d3: {  	v4 =	vmul.f32 v6, v4;
	v5 =	vmul.f32 v7, v5;
	_ =	sdelay $0x1  }
0x1d4: {  	v4 =	vadd.f32 v5, v4;
	_ =	sdelay $0x1  }
0x1d5: {  	[tilespmem:s19+$0x30] =	vst v4  }
0x1d6: {  	[spmem:s2] =	stream.indirect.scatter.add.f32 [tilespmem:s25], [sflag:$0x3], $0x80, s12, s22, $0xb8;
	[tilespmem:$0x1F700] =	vst v63  }
0x1d7: {  	s16 =	simm.s32 $0x0;
	s9 =	rddreg [dreg:$0xc]  }
0x1d8: {  	[tilespmem:s11], [sflag:$0x2] =	stream.linear.gather [hbm4b:s9+s16], $0x80, $0x38;
	[tilespmem:$0x1F700] =	vst v63  }
0x1d9: {  	s26 =	rddreg [dreg:$0xd];
	s17 =	simm.s32 $0x280  }
0x1da: {  	[tilespmem:s17], [sflag:$0x2] =	stream.linear.gather [hbm4b:s26+s16], $0x80, $0x38;
	[tilespmem:$0x1F700] =	vst v63  }
0x1db: {  	s17 =	sld [smem:$0x7FB];
	_ =	sdelay $0x2  }
0x1dc: {  	[tilespmem:s14], [sflag:$0x2] =	stream.linear.gather [hbm4b:s17+s16], $0x2800, $0x38;
	[tilespmem:$0x1F700] =	vst v63  }
0x1dd: {  	_ =	swait.ge [sflag:s15], $0x80  }
0x1de: {  	[sflag:s15] =	ssyncset.done $0x0  }
0x1df: {  	[sflag:s15] =	ssyncadd.s32 $0xFFFFFF80  }
0x1e0: {  	_ =	swait.ge [sflag:s15], $0x80  }
0x1e1: {  	[sflag:s15] =	ssyncset.done $0x0  }
0x1e2: {  	[sflag:s15] =	ssyncadd.s32 $0xFFFFFF80  }
0x1e3: {  	_ =	swait.ge [sflag:s15], $0x2800  }
0x1e4: {  	[sflag:s15] =	ssyncset.done $0x0  }
0x1e5: {  	[sflag:s15] =	ssyncadd.s32 $0xFFFFD800  }
0x1e6: {  	v4 =	vld [tilespmem:$0x80];
	_ =	sdelay $0x4  }
0x1e7: {  	v5 =	vshll.u32 v4, $0x1  }
0x1e8: {  	v4 =	vand.u32 $0x7, v4;
	v5 =	vand.u32 $0xFFFFFFF0, v5  }
0x1e9: {  	v4 =	vor.u32 v4, v5  }
0x1ea: {  	v5 =	vperm.xlane v4, v1;
	_ =	sdelay $0x1  }
0x1eb: {  	v4 =	vperm.xlane v4, v3;
	v5 =	vadd.s32 v2, v5;
	_ =	sdelay $0x1  }
0x1ec: {  	v4 =	vadd.s32 v2, v4;
	_ =	sdelay $0x1  }
0x1ed: {  	s18 =	simm.s32 $0x7B00  }
0x1ee: {  	[tilespmem:s18], [sflag:$0x1] =	stream.indirect_vreg.gather [hbm4b:s5+s16], $0x80, v5, vm0, $0xb8;
	[tilespmem:$0x1F700] =	vst v63  }
0x1ef: {  	s19 =	simm.s32 $0x8300  }
0x1f0: {  	[tilespmem:s19], [sflag:$0x1] =	stream.indirect_vreg.gather [hbm4b:s5+s16], $0x80, v4, vm0, $0xb8;
	[tilespmem:$0x1F700] =	vst v63  }
0x1f1: {  	v4 =	vld.msk [tilespmem:$0x90], $0xff;
	_ =	sdelay $0x4  }
0x1f2: {  	v5 =	vshll.u32 v4, $0x1  }
0x1f3: {  	v4 =	vand.u32 $0x7, v4;
	v5 =	vand.u32 $0xFFFFFFF0, v5  }
0x1f4: {  	v4 =	vor.u32 v4, v5  }
0x1f5: {  	v4 =	vperm.xlane v4, v1;
	_ =	sdelay $0x1  }
0x1f6: {  	v4 =	vadd.s32 v2, v4;
	_ =	sdelay $0x3  }
0x1f7: {  	s20 =	simm.s32 $0x8B00  }
0x1f8: {  	[tilespmem:s20], [sflag:$0x1] =	stream.indirect_vreg.gather [hbm4b:s5+s16], $0x80, v4, vm0, $0xb8;
	[tilespmem:$0x1F700] =	vst v63  }
0x1f9: {  	v4 =	vld [tilespmem:$0x98];
	_ =	sdelay $0x4  }
0x1fa: {  	v5 =	vshll.u32 v4, $0x1  }
0x1fb: {  	v4 =	vand.u32 $0x7, v4;
	v5 =	vand.u32 $0xFFFFFFF0, v5  }
0x1fc: {  	v4 =	vor.u32 v4, v5  }
0x1fd: {  	v5 =	vperm.xlane v4, v1;
	_ =	sdelay $0x1  }
0x1fe: {  	v4 =	vperm.xlane v4, v3;
	v5 =	vadd.s32 v2, v5;
	_ =	sdelay $0x1  }
0x1ff: {  	v4 =	vadd.s32 v2, v4;
	_ =	sdelay $0x1  }
0x200: {  	s23 =	simm.s32 $0x9300  }
0x201: {  	[tilespmem:s23], [sflag:$0x1] =	stream.indirect_vreg.gather [hbm4b:s5+s16], $0x80, v5, vm0, $0xb8;
	[tilespmem:$0x1F700] =	vst v63  }
0x202: {  	s24 =	simm.s32 $0x9B00  }
0x203: {  	[tilespmem:s24], [sflag:$0x1] =	stream.indirect_vreg.gather [hbm4b:s5+s16], $0x80, v4, vm0, $0xb8;
	[tilespmem:$0x1F700] =	vst v63  }
0x204: {  	_ =	swait.ge [sflag:s21], $0x1800  }
0x205: {  	[sflag:s21] =	ssyncset.done $0x0  }
0x206: {  	[sflag:s21] =	ssyncadd.s32 $0xFFFFE800  }
0x207: {  	_ =	swait.ge [sflag:s21], $0x1000  }
0x208: {  	[sflag:s21] =	ssyncset.done $0x0  }
0x209: {  	[sflag:s21] =	ssyncadd.s32 $0xFFFFF000  }
0x20a: {  	_ =	swait.ge [sflag:s13], $0x1400  }
0x20b: {  	[sflag:s13] =	ssyncset.done $0x0  }
0x20c: {  	s17 =	simm.s32 $0x300;
	[sflag:s13] =	ssyncadd.s32 $0xFFFFEC00  }
0x20d: {  	s26 =	sand.u32 $0x3800, s16;
	s18 =	sand.u32 $0x380, s16;
	v4 =	vld [tilespmem:s17+$0x0]  }
0x20e: {  	s9 =	sor.u32 s18, s26;
	v5 =	vld [tilespmem:s17+$0x1400]  }
0x20f: {  	v6 =	vld [tilespmem:s9+$0x5300]  }
0x210: {  	v7 =	vld [tilespmem:s9+$0x5700];
	_ =	sdelay $0x4  }
0x211: {  	v6 =	vmul.f32 v6, v4;
	v7 =	vmul.f32 v7, v5;
	_ =	sdelay $0x1  }
0x212: {  	v6 =	vadd.f32 v7, v6  }
0x213: {  	s18 =	simm.s32 $0xA340  }
0x214: {  	[tilespmem:s18+$0xFFFFFFC0] =	vst v6  }
0x215: {  	v6 =	vld [tilespmem:s9+$0x5310]  }
0x216: {  	v7 =	vld [tilespmem:s9+$0x5710];
	_ =	sdelay $0x4  }
0x217: {  	v6 =	vmul.f32 v6, v4;
	v7 =	vmul.f32 v7, v5;
	_ =	sdelay $0x1  }
0x218: {  	v6 =	vadd.f32 v7, v6;
	_ =	sdelay $0x1  }
0x219: {  	[tilespmem:s18+$0xFFFFFFD0] =	vst v6  }
0x21a: {  	v6 =	vld [tilespmem:s9+$0x5320]  }
0x21b: {  	v7 =	vld [tilespmem:s9+$0x5720];
	_ =	sdelay $0x4  }
0x21c: {  	v6 =	vmul.f32 v6, v4;
	v7 =	vmul.f32 v7, v5;
	_ =	sdelay $0x1  }
0x21d: {  	v6 =	vadd.f32 v7, v6;
	_ =	sdelay $0x1  }
0x21e: {  	[tilespmem:s18+$0xFFFFFFE0] =	vst v6  }
0x21f: {  	v6 =	vld [tilespmem:s9+$0x5330]  }
0x220: {  	v7 =	vld [tilespmem:s9+$0x5730];
	_ =	sdelay $0x4  }
0x221: {  	v6 =	vmul.f32 v6, v4;
	v7 =	vmul.f32 v7, v5;
	_ =	sdelay $0x1  }
0x222: {  	v6 =	vadd.f32 v7, v6;
	_ =	sdelay $0x1  }
0x223: {  	[tilespmem:s18+$0xFFFFFFF0] =	vst v6  }
0x224: {  	v6 =	vld [tilespmem:s9+$0x5340]  }
0x225: {  	v7 =	vld [tilespmem:s9+$0x5740];
	_ =	sdelay $0x4  }
0x226: {  	v6 =	vmul.f32 v6, v4;
	v7 =	vmul.f32 v7, v5;
	_ =	sdelay $0x1  }
0x227: {  	v6 =	vadd.f32 v7, v6;
	_ =	sdelay $0x1  }
0x228: {  	[tilespmem:s18+$0x0] =	vst v6  }
0x229: {  	v6 =	vld [tilespmem:s9+$0x5350]  }
0x22a: {  	v7 =	vld [tilespmem:s9+$0x5750];
	_ =	sdelay $0x4  }
0x22b: {  	v6 =	vmul.f32 v6, v4;
	v7 =	vmul.f32 v7, v5;
	_ =	sdelay $0x1  }
0x22c: {  	v6 =	vadd.f32 v7, v6;
	_ =	sdelay $0x1  }
0x22d: {  	[tilespmem:s18+$0x10] =	vst v6  }
0x22e: {  	v6 =	vld [tilespmem:s9+$0x5360]  }
0x22f: {  	v7 =	vld [tilespmem:s9+$0x5760];
	_ =	sdelay $0x4  }
0x230: {  	v6 =	vmul.f32 v6, v4;
	v7 =	vmul.f32 v7, v5;
	_ =	sdelay $0x1  }
0x231: {  	v6 =	vadd.f32 v7, v6;
	_ =	sdelay $0x1  }
0x232: {  	[tilespmem:s18+$0x20] =	vst v6  }
0x233: {  	v6 =	vld [tilespmem:s9+$0x5370]  }
0x234: {  	s19 =	simm.s32 $0xA340;
	s20 =	simm.s32 $0x80;
	v7 =	vld [tilespmem:s9+$0x5770]  }
.LBB2_8:
0x235: {  	s16 =	sadd.s32 $0x100, s16;
	s18 =	sadd.s32 $0x80, s18;
	s17 =	sadd.s32 $0x80, s17  }
0x236: {  	p0 =	sne.s32 s20, $0x1380;
	s9 =	smov.u32 s20;
	s20 =	sadd.s32 $0x80, s20  }
0x237: {  	_ = 	snop  }
0x238: {  	v4 =	vmul.f32 v6, v4  }
0x239: {  	v5 =	vmul.f32 v7, v5;
	_ =	sdelay $0x1  }
0x23a: {  	v4 =	vadd.f32 v5, v4;
	_ =	sdelay $0x1  }
0x23b: {  	[tilespmem:s19+$0x30] =	vst v4;
	s19 =	smov.u32 s18  }
0x23c: {  	s23 =	sand.u32 $0x3800, s16;
	s9 =	sand.u32 $0x380, s9;
	v4 =	vld [tilespmem:s17+$0x0]  }
0x23d: {  	s23 =	sor.u32 s9, s23;
	v5 =	vld [tilespmem:s17+$0x1400]  }
0x23e: {  	v6 =	vld [tilespmem:s23+$0x5300]  }
0x23f: {  	v7 =	vld [tilespmem:s23+$0x5700];
	_ =	sdelay $0x3  }
0x240: {  	v6 =	vmul.f32 v6, v4  }
0x241: {  	v7 =	vmul.f32 v7, v5;
	_ =	sdelay $0x1  }
0x242: {  	v6 =	vadd.f32 v7, v6;
	_ =	sdelay $0x1  }
0x243: {  	[tilespmem:s18+$0xFFFFFFC0] =	vst v6  }
0x244: {  	v6 =	vld [tilespmem:s23+$0x5310]  }
0x245: {  	v7 =	vld [tilespmem:s23+$0x5710];
	_ =	sdelay $0x3  }
0x246: {  	v6 =	vmul.f32 v6, v4  }
0x247: {  	v7 =	vmul.f32 v7, v5;
	_ =	sdelay $0x1  }
0x248: {  	v6 =	vadd.f32 v7, v6;
	_ =	sdelay $0x1  }
0x249: {  	[tilespmem:s18+$0xFFFFFFD0] =	vst v6  }
0x24a: {  	v6 =	vld [tilespmem:s23+$0x5320]  }
0x24b: {  	v7 =	vld [tilespmem:s23+$0x5720];
	_ =	sdelay $0x3  }
0x24c: {  	v6 =	vmul.f32 v6, v4  }
0x24d: {  	v7 =	vmul.f32 v7, v5;
	_ =	sdelay $0x1  }
0x24e: {  	v6 =	vadd.f32 v7, v6;
	_ =	sdelay $0x1  }
0x24f: {  	[tilespmem:s18+$0xFFFFFFE0] =	vst v6  }
0x250: {  	v6 =	vld [tilespmem:s23+$0x5330]  }
0x251: {  	v7 =	vld [tilespmem:s23+$0x5730];
	_ =	sdelay $0x3  }
0x252: {  	v6 =	vmul.f32 v6, v4  }
0x253: {  	v7 =	vmul.f32 v7, v5;
	_ =	sdelay $0x1  }
0x254: {  	v6 =	vadd.f32 v7, v6;
	_ =	sdelay $0x1  }
0x255: {  	[tilespmem:s18+$0xFFFFFFF0] =	vst v6  }
0x256: {  	v6 =	vld [tilespmem:s23+$0x5340]  }
0x257: {  	v7 =	vld [tilespmem:s23+$0x5740];
	_ =	sdelay $0x3  }
0x258: {  	v6 =	vmul.f32 v6, v4  }
0x259: {  	v7 =	vmul.f32 v7, v5;
	_ =	sdelay $0x1  }
0x25a: {  	v6 =	vadd.f32 v7, v6;
	_ =	sdelay $0x1  }
0x25b: {  	[tilespmem:s18+$0x0] =	vst v6  }
0x25c: {  	v6 =	vld [tilespmem:s23+$0x5350]  }
0x25d: {  	v7 =	vld [tilespmem:s23+$0x5750];
	_ =	sdelay $0x3  }
0x25e: {  	v6 =	vmul.f32 v6, v4  }
0x25f: {  	v7 =	vmul.f32 v7, v5;
	_ =	sdelay $0x1  }
0x260: {  	v6 =	vadd.f32 v7, v6;
	_ =	sdelay $0x1  }
0x261: {  	[tilespmem:s18+$0x10] =	vst v6  }
0x262: {  	v6 =	vld [tilespmem:s23+$0x5360]  }
0x263: {  	v7 =	vld [tilespmem:s23+$0x5760];
	_ =	sdelay $0x3  }
0x264: {  	v6 =	vmul.f32 v6, v4  }
0x265: {  	v7 =	vmul.f32 v7, v5;
	_ =	sdelay $0x1  }
.Ltmp3:
0x266: {  	v6 =	vadd.f32 v7, v6;
	(pc) =	sbr.rel @p0 .LBB2_8-.Ltmp3, $4  }
0x267: {  	_ = 	snop  }
0x268: {  	[tilespmem:s18+$0x20] =	vst v6  }
0x269: {  	v6 =	vld [tilespmem:s23+$0x5370]  }
0x26a: {  	v7 =	vld [tilespmem:s23+$0x5770]  }
0x26b: {  	_ =	sdelay $0x3  }
0x26c: {  	v4 =	vmul.f32 v6, v4;
	v5 =	vmul.f32 v7, v5;
	_ =	sdelay $0x1  }
0x26d: {  	v4 =	vadd.f32 v5, v4;
	_ =	sdelay $0x1  }
0x26e: {  	s9 =	simm.s32 $0x200;
	s20 =	rddreg [dreg:$0xe];
	[tilespmem:s19+$0x30] =	vst v4  }
0x26f: {  	[spmem:s2] =	stream.indirect.scatter.add.f32 [tilespmem:s25], [sflag:$0x3], $0x80, s9, s22, $0xb8;
	[tilespmem:$0x1F700] =	vst v63  }
0x270: {  	s16 =	simm.s32 $0x0;
	s23 =	rddreg [dreg:$0xf]  }
0x271: {  	[tilespmem:s16], [sflag:$0x2] =	stream.linear.gather [hbm4b:s20+s16], $0x80, $0x38;
	[tilespmem:$0x1F700] =	vst v63  }
0x272: {  	s24 =	sld [smem:$0x7FC]  }
0x273: {  	[tilespmem:s28], [sflag:$0x2] =	stream.linear.gather [hbm4b:s23+s16], $0x80, $0x38;
	[tilespmem:$0x1F700] =	vst v63  }
0x274: {  	s17 =	simm.s32 $0x300  }
0x275: {  	[tilespmem:s17], [sflag:$0x2] =	stream.linear.gather [hbm4b:s24+s16], $0x2800, $0x38;
	[tilespmem:$0x1F700] =	vst v63  }
0x276: {  	_ =	swait.ge [sflag:s15], $0x80  }
0x277: {  	[sflag:s15] =	ssyncset.done $0x0  }
0x278: {  	[sflag:s15] =	ssyncadd.s32 $0xFFFFFF80  }
0x279: {  	_ =	swait.ge [sflag:s15], $0x80  }
0x27a: {  	[sflag:s15] =	ssyncset.done $0x0  }
0x27b: {  	[sflag:s15] =	ssyncadd.s32 $0xFFFFFF80  }
0x27c: {  	_ =	swait.ge [sflag:s15], $0x2800  }
0x27d: {  	[sflag:s15] =	ssyncset.done $0x0  }
0x27e: {  	[sflag:s15] =	ssyncadd.s32 $0xFFFFD800  }
0x27f: {  	v4 =	vld [tilespmem:$0x0];
	_ =	sdelay $0x4  }
0x280: {  	v5 =	vshll.u32 v4, $0x1  }
0x281: {  	v4 =	vand.u32 $0x7, v4;
	v5 =	vand.u32 $0xFFFFFFF0, v5  }
0x282: {  	v4 =	vor.u32 v4, v5  }
0x283: {  	v5 =	vperm.xlane v4, v1;
	_ =	sdelay $0x1  }
0x284: {  	v4 =	vperm.xlane v4, v3;
	v5 =	vadd.s32 v2, v5;
	_ =	sdelay $0x1  }
0x285: {  	v4 =	vadd.s32 v2, v4;
	_ =	sdelay $0x2  }
0x286: {  	[tilespmem:s29], [sflag:$0x1] =	stream.indirect_vreg.gather [hbm4b:s5+s16], $0x80, v5, vm0, $0xb8;
	[tilespmem:$0x1F700] =	vst v63  }
0x287: {  	_ = 	snop  }
0x288: {  	[tilespmem:s30], [sflag:$0x1] =	stream.indirect_vreg.gather [hbm4b:s5+s16], $0x80, v4, vm0, $0xb8;
	[tilespmem:$0x1F700] =	vst v63  }
0x289: {  	v4 =	vld.msk [tilespmem:$0x10], $0xff;
	_ =	sdelay $0x4  }
0x28a: {  	v5 =	vshll.u32 v4, $0x1  }
0x28b: {  	v4 =	vand.u32 $0x7, v4;
	v5 =	vand.u32 $0xFFFFFFF0, v5  }
0x28c: {  	v4 =	vor.u32 v4, v5  }
0x28d: {  	v4 =	vperm.xlane v4, v1;
	_ =	sdelay $0x1  }
0x28e: {  	v4 =	vadd.s32 v2, v4;
	_ =	sdelay $0x4  }
0x28f: {  	[tilespmem:s31], [sflag:$0x1] =	stream.indirect_vreg.gather [hbm4b:s5+s16], $0x80, v4, vm0, $0xb8;
	[tilespmem:$0x1F700] =	vst v63  }
0x290: {  	v4 =	vld [tilespmem:$0x18];
	_ =	sdelay $0x4  }
0x291: {  	v5 =	vshll.u32 v4, $0x1  }
0x292: {  	v4 =	vand.u32 $0x7, v4;
	v5 =	vand.u32 $0xFFFFFFF0, v5  }
0x293: {  	v4 =	vor.u32 v4, v5  }
0x294: {  	v5 =	vperm.xlane v4, v1;
	_ =	sdelay $0x1  }
0x295: {  	v4 =	vperm.xlane v4, v3;
	v5 =	vadd.s32 v2, v5;
	_ =	sdelay $0x1  }
0x296: {  	v4 =	vadd.s32 v2, v4;
	_ =	sdelay $0x2  }
0x297: {  	[tilespmem:s0], [sflag:$0x1] =	stream.indirect_vreg.gather [hbm4b:s5+s16], $0x80, v5, vm0, $0xb8;
	[tilespmem:$0x1F700] =	vst v63  }
0x298: {  	_ = 	snop  }
0x299: {  	[tilespmem:s3], [sflag:$0x1] =	stream.indirect_vreg.gather [hbm4b:s5+s16], $0x80, v4, vm0, $0xb8;
	[tilespmem:$0x1F700] =	vst v63  }
0x29a: {  	_ =	swait.ge [sflag:s21], $0x1800  }
0x29b: {  	[sflag:s21] =	ssyncset.done $0x0  }
0x29c: {  	[sflag:s21] =	ssyncadd.s32 $0xFFFFE800  }
0x29d: {  	_ =	swait.ge [sflag:s21], $0x1000  }
0x29e: {  	[sflag:s21] =	ssyncset.done $0x0  }
0x29f: {  	[sflag:s21] =	ssyncadd.s32 $0xFFFFF000  }
0x2a0: {  	_ =	swait.ge [sflag:s13], $0x1400  }
0x2a1: {  	[sflag:s13] =	ssyncset.done $0x0  }
0x2a2: {  	s17 =	simm.s32 $0x2B00;
	[sflag:s13] =	ssyncadd.s32 $0xFFFFEC00  }
0x2a3: {  	s26 =	sand.u32 $0x3800, s16;
	s18 =	sand.u32 $0x380, s16;
	v4 =	vld [tilespmem:s17+$0x0]  }
0x2a4: {  	s9 =	sor.u32 s18, s26;
	v5 =	vld [tilespmem:s17+$0x1400]  }
0x2a5: {  	v6 =	vld [tilespmem:s9+$0x7B00]  }
0x2a6: {  	v7 =	vld [tilespmem:s9+$0x7F00];
	_ =	sdelay $0x4  }
0x2a7: {  	v6 =	vmul.f32 v6, v4;
	v7 =	vmul.f32 v7, v5;
	_ =	sdelay $0x1  }
0x2a8: {  	v6 =	vadd.f32 v7, v6  }
0x2a9: {  	s18 =	simm.s32 $0xA340  }
0x2aa: {  	[tilespmem:s18+$0xFFFFFFC0] =	vst v6  }
0x2ab: {  	v6 =	vld [tilespmem:s9+$0x7B10]  }
0x2ac: {  	v7 =	vld [tilespmem:s9+$0x7F10];
	_ =	sdelay $0x4  }
0x2ad: {  	v6 =	vmul.f32 v6, v4;
	v7 =	vmul.f32 v7, v5;
	_ =	sdelay $0x1  }
0x2ae: {  	v6 =	vadd.f32 v7, v6;
	_ =	sdelay $0x1  }
0x2af: {  	[tilespmem:s18+$0xFFFFFFD0] =	vst v6  }
0x2b0: {  	v6 =	vld [tilespmem:s9+$0x7B20]  }
0x2b1: {  	v7 =	vld [tilespmem:s9+$0x7F20];
	_ =	sdelay $0x4  }
0x2b2: {  	v6 =	vmul.f32 v6, v4;
	v7 =	vmul.f32 v7, v5;
	_ =	sdelay $0x1  }
0x2b3: {  	v6 =	vadd.f32 v7, v6;
	_ =	sdelay $0x1  }
0x2b4: {  	[tilespmem:s18+$0xFFFFFFE0] =	vst v6  }
0x2b5: {  	v6 =	vld [tilespmem:s9+$0x7B30]  }
0x2b6: {  	v7 =	vld [tilespmem:s9+$0x7F30];
	_ =	sdelay $0x4  }
0x2b7: {  	v6 =	vmul.f32 v6, v4;
	v7 =	vmul.f32 v7, v5;
	_ =	sdelay $0x1  }
0x2b8: {  	v6 =	vadd.f32 v7, v6;
	_ =	sdelay $0x1  }
0x2b9: {  	[tilespmem:s18+$0xFFFFFFF0] =	vst v6  }
0x2ba: {  	v6 =	vld [tilespmem:s9+$0x7B40]  }
0x2bb: {  	v7 =	vld [tilespmem:s9+$0x7F40];
	_ =	sdelay $0x4  }
0x2bc: {  	v6 =	vmul.f32 v6, v4;
	v7 =	vmul.f32 v7, v5;
	_ =	sdelay $0x1  }
0x2bd: {  	v6 =	vadd.f32 v7, v6;
	_ =	sdelay $0x1  }
0x2be: {  	[tilespmem:s18+$0x0] =	vst v6  }
0x2bf: {  	v6 =	vld [tilespmem:s9+$0x7B50]  }
0x2c0: {  	v7 =	vld [tilespmem:s9+$0x7F50];
	_ =	sdelay $0x4  }
0x2c1: {  	v6 =	vmul.f32 v6, v4;
	v7 =	vmul.f32 v7, v5;
	_ =	sdelay $0x1  }
0x2c2: {  	v6 =	vadd.f32 v7, v6;
	_ =	sdelay $0x1  }
0x2c3: {  	[tilespmem:s18+$0x10] =	vst v6  }
0x2c4: {  	v6 =	vld [tilespmem:s9+$0x7B60]  }
0x2c5: {  	v7 =	vld [tilespmem:s9+$0x7F60];
	_ =	sdelay $0x4  }
0x2c6: {  	v6 =	vmul.f32 v6, v4;
	v7 =	vmul.f32 v7, v5;
	_ =	sdelay $0x1  }
0x2c7: {  	v6 =	vadd.f32 v7, v6;
	_ =	sdelay $0x1  }
0x2c8: {  	[tilespmem:s18+$0x20] =	vst v6  }
0x2c9: {  	v6 =	vld [tilespmem:s9+$0x7B70]  }
0x2ca: {  	s19 =	simm.s32 $0xA340;
	s20 =	simm.s32 $0x80;
	v7 =	vld [tilespmem:s9+$0x7F70]  }
.LBB2_10:
0x2cb: {  	s16 =	sadd.s32 $0x100, s16;
	s18 =	sadd.s32 $0x80, s18;
	s17 =	sadd.s32 $0x80, s17  }
0x2cc: {  	p0 =	sne.s32 s20, $0x1380;
	s9 =	smov.u32 s20;
	s20 =	sadd.s32 $0x80, s20  }
0x2cd: {  	_ = 	snop  }
0x2ce: {  	v4 =	vmul.f32 v6, v4  }
0x2cf: {  	v5 =	vmul.f32 v7, v5;
	_ =	sdelay $0x1  }
0x2d0: {  	v4 =	vadd.f32 v5, v4;
	_ =	sdelay $0x1  }
0x2d1: {  	[tilespmem:s19+$0x30] =	vst v4;
	s19 =	smov.u32 s18  }
0x2d2: {  	s23 =	sand.u32 $0x3800, s16;
	s9 =	sand.u32 $0x380, s9;
	v4 =	vld [tilespmem:s17+$0x0]  }
0x2d3: {  	s23 =	sor.u32 s9, s23;
	v5 =	vld [tilespmem:s17+$0x1400]  }
0x2d4: {  	v6 =	vld [tilespmem:s23+$0x7B00]  }
0x2d5: {  	v7 =	vld [tilespmem:s23+$0x7F00];
	_ =	sdelay $0x3  }
0x2d6: {  	v6 =	vmul.f32 v6, v4  }
0x2d7: {  	v7 =	vmul.f32 v7, v5;
	_ =	sdelay $0x1  }
0x2d8: {  	v6 =	vadd.f32 v7, v6;
	_ =	sdelay $0x1  }
0x2d9: {  	[tilespmem:s18+$0xFFFFFFC0] =	vst v6  }
0x2da: {  	v6 =	vld [tilespmem:s23+$0x7B10]  }
0x2db: {  	v7 =	vld [tilespmem:s23+$0x7F10];
	_ =	sdelay $0x3  }
0x2dc: {  	v6 =	vmul.f32 v6, v4  }
0x2dd: {  	v7 =	vmul.f32 v7, v5;
	_ =	sdelay $0x1  }
0x2de: {  	v6 =	vadd.f32 v7, v6;
	_ =	sdelay $0x1  }
0x2df: {  	[tilespmem:s18+$0xFFFFFFD0] =	vst v6  }
0x2e0: {  	v6 =	vld [tilespmem:s23+$0x7B20]  }
0x2e1: {  	v7 =	vld [tilespmem:s23+$0x7F20];
	_ =	sdelay $0x3  }
0x2e2: {  	v6 =	vmul.f32 v6, v4  }
0x2e3: {  	v7 =	vmul.f32 v7, v5;
	_ =	sdelay $0x1  }
0x2e4: {  	v6 =	vadd.f32 v7, v6;
	_ =	sdelay $0x1  }
0x2e5: {  	[tilespmem:s18+$0xFFFFFFE0] =	vst v6  }
0x2e6: {  	v6 =	vld [tilespmem:s23+$0x7B30]  }
0x2e7: {  	v7 =	vld [tilespmem:s23+$0x7F30];
	_ =	sdelay $0x3  }
0x2e8: {  	v6 =	vmul.f32 v6, v4  }
0x2e9: {  	v7 =	vmul.f32 v7, v5;
	_ =	sdelay $0x1  }
0x2ea: {  	v6 =	vadd.f32 v7, v6;
	_ =	sdelay $0x1  }
0x2eb: {  	[tilespmem:s18+$0xFFFFFFF0] =	vst v6  }
0x2ec: {  	v6 =	vld [tilespmem:s23+$0x7B40]  }
0x2ed: {  	v7 =	vld [tilespmem:s23+$0x7F40];
	_ =	sdelay $0x3  }
0x2ee: {  	v6 =	vmul.f32 v6, v4  }
0x2ef: {  	v7 =	vmul.f32 v7, v5;
	_ =	sdelay $0x1  }
0x2f0: {  	v6 =	vadd.f32 v7, v6;
	_ =	sdelay $0x1  }
0x2f1: {  	[tilespmem:s18+$0x0] =	vst v6  }
0x2f2: {  	v6 =	vld [tilespmem:s23+$0x7B50]  }
0x2f3: {  	v7 =	vld [tilespmem:s23+$0x7F50];
	_ =	sdelay $0x3  }
0x2f4: {  	v6 =	vmul.f32 v6, v4  }
0x2f5: {  	v7 =	vmul.f32 v7, v5;
	_ =	sdelay $0x1  }
0x2f6: {  	v6 =	vadd.f32 v7, v6;
	_ =	sdelay $0x1  }
0x2f7: {  	[tilespmem:s18+$0x10] =	vst v6  }
0x2f8: {  	v6 =	vld [tilespmem:s23+$0x7B60]  }
0x2f9: {  	v7 =	vld [tilespmem:s23+$0x7F60];
	_ =	sdelay $0x3  }
0x2fa: {  	v6 =	vmul.f32 v6, v4  }
0x2fb: {  	v7 =	vmul.f32 v7, v5;
	_ =	sdelay $0x1  }
.Ltmp4:
0x2fc: {  	v6 =	vadd.f32 v7, v6;
	(pc) =	sbr.rel @p0 .LBB2_10-.Ltmp4, $4  }
0x2fd: {  	_ = 	snop  }
0x2fe: {  	[tilespmem:s18+$0x20] =	vst v6  }
0x2ff: {  	v6 =	vld [tilespmem:s23+$0x7B70]  }
0x300: {  	v7 =	vld [tilespmem:s23+$0x7F70]  }
0x301: {  	_ =	sdelay $0x3  }
0x302: {  	v4 =	vmul.f32 v6, v4;
	v5 =	vmul.f32 v7, v5;
	_ =	sdelay $0x1  }
0x303: {  	v4 =	vadd.f32 v5, v4;
	_ =	sdelay $0x1  }
0x304: {  	s9 =	simm.s32 $0x280;
	s23 =	rddreg [dreg:$0x10];
	[tilespmem:s19+$0x30] =	vst v4  }
0x305: {  	[spmem:s2] =	stream.indirect.scatter.add.f32 [tilespmem:s25], [sflag:$0x3], $0x80, s9, s22, $0xb8;
	[tilespmem:$0x1F700] =	vst v63  }
0x306: {  	s24 =	rddreg [dreg:$0x11]  }
0x307: {  	[tilespmem:s11], [sflag:$0x2] =	stream.linear.gather [hbm4b:s23+s4], $0x80, $0x38;
	[tilespmem:$0x1F700] =	vst v63  }
0x308: {  	s26 =	sld [smem:$0x7FD]  }
0x309: {  	[tilespmem:s12], [sflag:$0x2] =	stream.linear.gather [hbm4b:s24+s4], $0x80, $0x38;
	[tilespmem:$0x1F700] =	vst v63  }
0x30a: {  	_ = 	snop  }
0x30b: {  	[tilespmem:s14], [sflag:$0x2] =	stream.linear.gather [hbm4b:s26+s4], $0x2800, $0x38;
	[tilespmem:$0x1F700] =	vst v63  }
0x30c: {  	s26 =	simm.s32 $0x1  }
.LBB2_12:
0x30d: {  	_ =	swait.ge [sflag:s15], $0x80  }
0x30e: {  	[sflag:s15] =	ssyncset.done $0x0  }
0x30f: {  	[sflag:s15] =	ssyncadd.s32 $0xFFFFFF80  }
0x310: {  	_ =	swait.ge [sflag:s15], $0x80  }
0x311: {  	[sflag:s15] =	ssyncset.done $0x0  }
0x312: {  	[sflag:s15] =	ssyncadd.s32 $0xFFFFFF80  }
0x313: {  	_ =	swait.ge [sflag:s15], $0x2800  }
0x314: {  	[sflag:s15] =	ssyncset.done $0x0  }
0x315: {  	[sflag:s15] =	ssyncadd.s32 $0xFFFFD800  }
0x316: {  	v4 =	vld [tilespmem:$0x80];
	_ =	sdelay $0x4  }
0x317: {  	v5 =	vshll.u32 v4, $0x1  }
0x318: {  	v4 =	vand.u32 $0x7, v4;
	v5 =	vand.u32 $0xFFFFFFF0, v5  }
0x319: {  	v4 =	vor.u32 v4, v5  }
0x31a: {  	v5 =	vperm.xlane v4, v1;
	_ =	sdelay $0x1  }
0x31b: {  	v4 =	vperm.xlane v4, v3;
	v5 =	vadd.s32 v2, v5;
	_ =	sdelay $0x1  }
0x31c: {  	v4 =	vadd.s32 v2, v4;
	_ =	sdelay $0x1  }
0x31d: {  	s16 =	simm.s32 $0x0;
	s9 =	simm.s32 $0x7B00  }
0x31e: {  	[tilespmem:s9], [sflag:$0x1] =	stream.indirect_vreg.gather [hbm4b:s5+s16], $0x80, v5, vm0, $0xb8;
	[tilespmem:$0x1F700] =	vst v63  }
0x31f: {  	s18 =	simm.s32 $0x8300  }
0x320: {  	[tilespmem:s18], [sflag:$0x1] =	stream.indirect_vreg.gather [hbm4b:s5+s16], $0x80, v4, vm0, $0xb8;
	[tilespmem:$0x1F700] =	vst v63  }
0x321: {  	v4 =	vld.msk [tilespmem:$0x90], $0xff;
	_ =	sdelay $0x4  }
0x322: {  	v5 =	vshll.u32 v4, $0x1  }
0x323: {  	v4 =	vand.u32 $0x7, v4;
	v5 =	vand.u32 $0xFFFFFFF0, v5  }
0x324: {  	v4 =	vor.u32 v4, v5  }
0x325: {  	v4 =	vperm.xlane v4, v1;
	_ =	sdelay $0x1  }
0x326: {  	v4 =	vadd.s32 v2, v4;
	_ =	sdelay $0x3  }
0x327: {  	s19 =	simm.s32 $0x8B00  }
0x328: {  	[tilespmem:s19], [sflag:$0x1] =	stream.indirect_vreg.gather [hbm4b:s5+s16], $0x80, v4, vm0, $0xb8;
	[tilespmem:$0x1F700] =	vst v63  }
0x329: {  	v4 =	vld [tilespmem:$0x98];
	_ =	sdelay $0x4  }
0x32a: {  	v5 =	vshll.u32 v4, $0x1  }
0x32b: {  	v4 =	vand.u32 $0x7, v4;
	v5 =	vand.u32 $0xFFFFFFF0, v5  }
0x32c: {  	v4 =	vor.u32 v4, v5  }
0x32d: {  	v5 =	vperm.xlane v4, v1;
	_ =	sdelay $0x1  }
0x32e: {  	v4 =	vperm.xlane v4, v3;
	v5 =	vadd.s32 v2, v5;
	_ =	sdelay $0x1  }
0x32f: {  	v4 =	vadd.s32 v2, v4;
	_ =	sdelay $0x1  }
0x330: {  	s20 =	simm.s32 $0x9300  }
0x331: {  	[tilespmem:s20], [sflag:$0x1] =	stream.indirect_vreg.gather [hbm4b:s5+s16], $0x80, v5, vm0, $0xb8;
	[tilespmem:$0x1F700] =	vst v63  }
0x332: {  	s23 =	simm.s32 $0x9B00  }
0x333: {  	[tilespmem:s23], [sflag:$0x1] =	stream.indirect_vreg.gather [hbm4b:s5+s16], $0x80, v4, vm0, $0xb8;
	[tilespmem:$0x1F700] =	vst v63  }
0x334: {  	_ =	swait.ge [sflag:s21], $0x1800  }
0x335: {  	[sflag:s21] =	ssyncset.done $0x0  }
0x336: {  	[sflag:s21] =	ssyncadd.s32 $0xFFFFE800  }
0x337: {  	_ =	swait.ge [sflag:s21], $0x1000  }
0x338: {  	[sflag:s21] =	ssyncset.done $0x0  }
0x339: {  	[sflag:s21] =	ssyncadd.s32 $0xFFFFF000  }
0x33a: {  	_ =	swait.ge [sflag:s13], $0x1400  }
0x33b: {  	[sflag:s13] =	ssyncset.done $0x0  }
0x33c: {  	s17 =	simm.s32 $0x300;
	[sflag:s13] =	ssyncadd.s32 $0xFFFFEC00  }
0x33d: {  	s24 =	sand.u32 $0x3800, s16;
	s18 =	sand.u32 $0x380, s16;
	v4 =	vld [tilespmem:s17+$0x0]  }
0x33e: {  	s9 =	sor.u32 s18, s24;
	v5 =	vld [tilespmem:s17+$0x1400]  }
0x33f: {  	v6 =	vld [tilespmem:s9+$0x5300]  }
0x340: {  	v7 =	vld [tilespmem:s9+$0x5700];
	_ =	sdelay $0x4  }
0x341: {  	v6 =	vmul.f32 v6, v4;
	v7 =	vmul.f32 v7, v5;
	_ =	sdelay $0x1  }
0x342: {  	v6 =	vadd.f32 v7, v6  }
0x343: {  	s18 =	simm.s32 $0xA340  }
0x344: {  	[tilespmem:s18+$0xFFFFFFC0] =	vst v6  }
0x345: {  	v6 =	vld [tilespmem:s9+$0x5310]  }
0x346: {  	v7 =	vld [tilespmem:s9+$0x5710];
	_ =	sdelay $0x4  }
0x347: {  	v6 =	vmul.f32 v6, v4;
	v7 =	vmul.f32 v7, v5;
	_ =	sdelay $0x1  }
0x348: {  	v6 =	vadd.f32 v7, v6;
	_ =	sdelay $0x1  }
0x349: {  	[tilespmem:s18+$0xFFFFFFD0] =	vst v6  }
0x34a: {  	v6 =	vld [tilespmem:s9+$0x5320]  }
0x34b: {  	v7 =	vld [tilespmem:s9+$0x5720];
	_ =	sdelay $0x4  }
0x34c: {  	v6 =	vmul.f32 v6, v4;
	v7 =	vmul.f32 v7, v5;
	_ =	sdelay $0x1  }
0x34d: {  	v6 =	vadd.f32 v7, v6;
	_ =	sdelay $0x1  }
0x34e: {  	[tilespmem:s18+$0xFFFFFFE0] =	vst v6  }
0x34f: {  	v6 =	vld [tilespmem:s9+$0x5330]  }
0x350: {  	v7 =	vld [tilespmem:s9+$0x5730];
	_ =	sdelay $0x4  }
0x351: {  	v6 =	vmul.f32 v6, v4;
	v7 =	vmul.f32 v7, v5;
	_ =	sdelay $0x1  }
0x352: {  	v6 =	vadd.f32 v7, v6;
	_ =	sdelay $0x1  }
0x353: {  	[tilespmem:s18+$0xFFFFFFF0] =	vst v6  }
0x354: {  	v6 =	vld [tilespmem:s9+$0x5340]  }
0x355: {  	v7 =	vld [tilespmem:s9+$0x5740];
	_ =	sdelay $0x4  }
0x356: {  	v6 =	vmul.f32 v6, v4;
	v7 =	vmul.f32 v7, v5;
	_ =	sdelay $0x1  }
0x357: {  	v6 =	vadd.f32 v7, v6;
	_ =	sdelay $0x1  }
0x358: {  	[tilespmem:s18+$0x0] =	vst v6  }
0x359: {  	v6 =	vld [tilespmem:s9+$0x5350]  }
0x35a: {  	v7 =	vld [tilespmem:s9+$0x5750];
	_ =	sdelay $0x4  }
0x35b: {  	v6 =	vmul.f32 v6, v4;
	v7 =	vmul.f32 v7, v5;
	_ =	sdelay $0x1  }
0x35c: {  	v6 =	vadd.f32 v7, v6;
	_ =	sdelay $0x1  }
0x35d: {  	[tilespmem:s18+$0x10] =	vst v6  }
0x35e: {  	v6 =	vld [tilespmem:s9+$0x5360]  }
0x35f: {  	v7 =	vld [tilespmem:s9+$0x5760];
	_ =	sdelay $0x4  }
0x360: {  	v6 =	vmul.f32 v6, v4;
	v7 =	vmul.f32 v7, v5;
	_ =	sdelay $0x1  }
0x361: {  	v6 =	vadd.f32 v7, v6;
	_ =	sdelay $0x1  }
0x362: {  	[tilespmem:s18+$0x20] =	vst v6  }
0x363: {  	v6 =	vld [tilespmem:s9+$0x5370]  }
0x364: {  	s19 =	simm.s32 $0xA340;
	s20 =	simm.s32 $0x80;
	v7 =	vld [tilespmem:s9+$0x5770]  }
.LBB2_13:
0x365: {  	s16 =	sadd.s32 $0x100, s16;
	s18 =	sadd.s32 $0x80, s18;
	s17 =	sadd.s32 $0x80, s17  }
0x366: {  	p0 =	sne.s32 s20, $0x1380;
	s9 =	smov.u32 s20;
	s20 =	sadd.s32 $0x80, s20  }
0x367: {  	_ = 	snop  }
0x368: {  	v4 =	vmul.f32 v6, v4  }
0x369: {  	v5 =	vmul.f32 v7, v5;
	_ =	sdelay $0x1  }
0x36a: {  	v4 =	vadd.f32 v5, v4;
	_ =	sdelay $0x1  }
0x36b: {  	[tilespmem:s19+$0x30] =	vst v4;
	s19 =	smov.u32 s18  }
0x36c: {  	s23 =	sand.u32 $0x3800, s16;
	s9 =	sand.u32 $0x380, s9;
	v4 =	vld [tilespmem:s17+$0x0]  }
0x36d: {  	s23 =	sor.u32 s9, s23;
	v5 =	vld [tilespmem:s17+$0x1400]  }
0x36e: {  	v6 =	vld [tilespmem:s23+$0x5300]  }
0x36f: {  	v7 =	vld [tilespmem:s23+$0x5700];
	_ =	sdelay $0x3  }
0x370: {  	v6 =	vmul.f32 v6, v4  }
0x371: {  	v7 =	vmul.f32 v7, v5;
	_ =	sdelay $0x1  }
0x372: {  	v6 =	vadd.f32 v7, v6;
	_ =	sdelay $0x1  }
0x373: {  	[tilespmem:s18+$0xFFFFFFC0] =	vst v6  }
0x374: {  	v6 =	vld [tilespmem:s23+$0x5310]  }
0x375: {  	v7 =	vld [tilespmem:s23+$0x5710];
	_ =	sdelay $0x3  }
0x376: {  	v6 =	vmul.f32 v6, v4  }
0x377: {  	v7 =	vmul.f32 v7, v5;
	_ =	sdelay $0x1  }
0x378: {  	v6 =	vadd.f32 v7, v6;
	_ =	sdelay $0x1  }
0x379: {  	[tilespmem:s18+$0xFFFFFFD0] =	vst v6  }
0x37a: {  	v6 =	vld [tilespmem:s23+$0x5320]  }
0x37b: {  	v7 =	vld [tilespmem:s23+$0x5720];
	_ =	sdelay $0x3  }
0x37c: {  	v6 =	vmul.f32 v6, v4  }
0x37d: {  	v7 =	vmul.f32 v7, v5;
	_ =	sdelay $0x1  }
0x37e: {  	v6 =	vadd.f32 v7, v6;
	_ =	sdelay $0x1  }
0x37f: {  	[tilespmem:s18+$0xFFFFFFE0] =	vst v6  }
0x380: {  	v6 =	vld [tilespmem:s23+$0x5330]  }
0x381: {  	v7 =	vld [tilespmem:s23+$0x5730];
	_ =	sdelay $0x3  }
0x382: {  	v6 =	vmul.f32 v6, v4  }
0x383: {  	v7 =	vmul.f32 v7, v5;
	_ =	sdelay $0x1  }
0x384: {  	v6 =	vadd.f32 v7, v6;
	_ =	sdelay $0x1  }
0x385: {  	[tilespmem:s18+$0xFFFFFFF0] =	vst v6  }
0x386: {  	v6 =	vld [tilespmem:s23+$0x5340]  }
0x387: {  	v7 =	vld [tilespmem:s23+$0x5740];
	_ =	sdelay $0x3  }
0x388: {  	v6 =	vmul.f32 v6, v4  }
0x389: {  	v7 =	vmul.f32 v7, v5;
	_ =	sdelay $0x1  }
0x38a: {  	v6 =	vadd.f32 v7, v6;
	_ =	sdelay $0x1  }
0x38b: {  	[tilespmem:s18+$0x0] =	vst v6  }
0x38c: {  	v6 =	vld [tilespmem:s23+$0x5350]  }
0x38d: {  	v7 =	vld [tilespmem:s23+$0x5750];
	_ =	sdelay $0x3  }
0x38e: {  	v6 =	vmul.f32 v6, v4  }
0x38f: {  	v7 =	vmul.f32 v7, v5;
	_ =	sdelay $0x1  }
0x390: {  	v6 =	vadd.f32 v7, v6;
	_ =	sdelay $0x1  }
0x391: {  	[tilespmem:s18+$0x10] =	vst v6  }
0x392: {  	v6 =	vld [tilespmem:s23+$0x5360]  }
0x393: {  	v7 =	vld [tilespmem:s23+$0x5760];
	_ =	sdelay $0x3  }
0x394: {  	v6 =	vmul.f32 v6, v4  }
0x395: {  	v7 =	vmul.f32 v7, v5;
	_ =	sdelay $0x1  }
.Ltmp5:
0x396: {  	v6 =	vadd.f32 v7, v6;
	(pc) =	sbr.rel @p0 .LBB2_13-.Ltmp5, $4  }
0x397: {  	_ = 	snop  }
0x398: {  	[tilespmem:s18+$0x20] =	vst v6  }
0x399: {  	v6 =	vld [tilespmem:s23+$0x5370]  }
0x39a: {  	v7 =	vld [tilespmem:s23+$0x5770]  }
0x39b: {  	_ =	sdelay $0x1  }
0x39c: {  	s16 =	sshll.u32 s26, $0x2  }
0x39d: {  	s9 =	sor.u32 $0x2, s16  }
0x39e: {  	s17 =	sshll.u32 s9, $0x7;
	v4 =	vmul.f32 v6, v4;
	v5 =	vmul.f32 v7, v5  }
0x39f: {  	s23 =	sshll.u32 s26, $0x9;
	s18 =	sand.u32 $0x300, s17  }
0x3a0: {  	s17 =	sand.u32 $0x7C00, s23;
	s18 =	sor.u32 s18, s10;
	v4 =	vadd.f32 v5, v4  }
0x3a1: {  	s18 =	sor.u32 s17, s18  }
0x3a2: {  	s9 =	smul.u32 $0x2800, s9;
	s24 =	sshrl.u32 s18, $0x3;
	[tilespmem:s19+$0x30] =	vst v4  }
0x3a3: {  	[spmem:s2] =	stream.indirect.scatter.add.f32 [tilespmem:s25], [sflag:$0x3], $0x80, s28, s22, $0xb8;
	[tilespmem:$0x1F700] =	vst v63  }
0x3a4: {  	s9 =	sadd.s32 s8, s9;
	s18 =	simm.s32 $0x0;
	s20 =	sadd.s32 s1, s24  }
0x3a5: {  	[tilespmem:s18], [sflag:$0x2] =	stream.linear.gather [hbm4b:s20+s18], $0x80, $0x38;
	[tilespmem:$0x1F700] =	vst v63  }
0x3a6: {  	s9 =	sshrl.u32 s9, $0x3;
	s19 =	sadd.s32 s6, s24;
	s28 =	simm.s32 $0x200  }
0x3a7: {  	[tilespmem:s28], [sflag:$0x2] =	stream.linear.gather [hbm4b:s19+s18], $0x80, $0x38;
	[tilespmem:$0x1F700] =	vst v63  }
0x3a8: {  	s23 =	simm.s32 $0x300;
	s9 =	sadd.s32 s7, s9  }
0x3a9: {  	[tilespmem:s23], [sflag:$0x2] =	stream.linear.gather [hbm4b:s9+s18], $0x2800, $0x38;
	[tilespmem:$0x1F700] =	vst v63  }
0x3aa: {  	_ =	swait.ge [sflag:s15], $0x80  }
0x3ab: {  	[sflag:s15] =	ssyncset.done $0x0  }
0x3ac: {  	[sflag:s15] =	ssyncadd.s32 $0xFFFFFF80  }
0x3ad: {  	_ =	swait.ge [sflag:s15], $0x80  }
0x3ae: {  	[sflag:s15] =	ssyncset.done $0x0  }
0x3af: {  	[sflag:s15] =	ssyncadd.s32 $0xFFFFFF80  }
0x3b0: {  	_ =	swait.ge [sflag:s15], $0x2800  }
0x3b1: {  	[sflag:s15] =	ssyncset.done $0x0  }
0x3b2: {  	[sflag:s15] =	ssyncadd.s32 $0xFFFFD800  }
0x3b3: {  	v4 =	vld [tilespmem:$0x0];
	_ =	sdelay $0x4  }
0x3b4: {  	v5 =	vshll.u32 v4, $0x1  }
0x3b5: {  	v4 =	vand.u32 $0x7, v4;
	v5 =	vand.u32 $0xFFFFFFF0, v5  }
0x3b6: {  	v4 =	vor.u32 v4, v5  }
0x3b7: {  	v5 =	vperm.xlane v4, v1;
	_ =	sdelay $0x1  }
0x3b8: {  	v4 =	vperm.xlane v4, v3;
	v5 =	vadd.s32 v2, v5;
	_ =	sdelay $0x1  }
0x3b9: {  	v4 =	vadd.s32 v2, v4;
	_ =	sdelay $0x2  }
0x3ba: {  	[tilespmem:s29], [sflag:$0x1] =	stream.indirect_vreg.gather [hbm4b:s5+s18], $0x80, v5, vm0, $0xb8;
	[tilespmem:$0x1F700] =	vst v63  }
0x3bb: {  	_ = 	snop  }
0x3bc: {  	[tilespmem:s30], [sflag:$0x1] =	stream.indirect_vreg.gather [hbm4b:s5+s18], $0x80, v4, vm0, $0xb8;
	[tilespmem:$0x1F700] =	vst v63  }
0x3bd: {  	v4 =	vld.msk [tilespmem:$0x10], $0xff;
	_ =	sdelay $0x4  }
0x3be: {  	v5 =	vshll.u32 v4, $0x1  }
0x3bf: {  	v4 =	vand.u32 $0x7, v4;
	v5 =	vand.u32 $0xFFFFFFF0, v5  }
0x3c0: {  	v4 =	vor.u32 v4, v5  }
0x3c1: {  	v4 =	vperm.xlane v4, v1;
	_ =	sdelay $0x1  }
0x3c2: {  	v4 =	vadd.s32 v2, v4;
	_ =	sdelay $0x4  }
0x3c3: {  	[tilespmem:s31], [sflag:$0x1] =	stream.indirect_vreg.gather [hbm4b:s5+s18], $0x80, v4, vm0, $0xb8;
	[tilespmem:$0x1F700] =	vst v63  }
0x3c4: {  	v4 =	vld [tilespmem:$0x18];
	_ =	sdelay $0x4  }
0x3c5: {  	v5 =	vshll.u32 v4, $0x1  }
0x3c6: {  	v4 =	vand.u32 $0x7, v4;
	v5 =	vand.u32 $0xFFFFFFF0, v5  }
0x3c7: {  	v4 =	vor.u32 v4, v5  }
0x3c8: {  	v5 =	vperm.xlane v4, v1;
	_ =	sdelay $0x1  }
0x3c9: {  	v4 =	vperm.xlane v4, v3;
	v5 =	vadd.s32 v2, v5;
	_ =	sdelay $0x1  }
0x3ca: {  	v4 =	vadd.s32 v2, v4;
	_ =	sdelay $0x2  }
0x3cb: {  	[tilespmem:s0], [sflag:$0x1] =	stream.indirect_vreg.gather [hbm4b:s5+s18], $0x80, v5, vm0, $0xb8;
	[tilespmem:$0x1F700] =	vst v63  }
0x3cc: {  	_ = 	snop  }
0x3cd: {  	[tilespmem:s3], [sflag:$0x1] =	stream.indirect_vreg.gather [hbm4b:s5+s18], $0x80, v4, vm0, $0xb8;
	[tilespmem:$0x1F700] =	vst v63  }
0x3ce: {  	_ =	swait.ge [sflag:s21], $0x1800  }
0x3cf: {  	[sflag:s21] =	ssyncset.done $0x0  }
0x3d0: {  	[sflag:s21] =	ssyncadd.s32 $0xFFFFE800  }
0x3d1: {  	_ =	swait.ge [sflag:s21], $0x1000  }
0x3d2: {  	[sflag:s21] =	ssyncset.done $0x0  }
0x3d3: {  	[sflag:s21] =	ssyncadd.s32 $0xFFFFF000  }
0x3d4: {  	_ =	swait.ge [sflag:s13], $0x1400  }
0x3d5: {  	[sflag:s13] =	ssyncset.done $0x0  }
0x3d6: {  	s19 =	simm.s32 $0x2B00;
	[sflag:s13] =	ssyncadd.s32 $0xFFFFEC00  }
0x3d7: {  	s24 =	sand.u32 $0x3800, s18;
	s28 =	sand.u32 $0x380, s18;
	v4 =	vld [tilespmem:s19+$0x0]  }
0x3d8: {  	s9 =	sor.u32 s28, s24;
	v5 =	vld [tilespmem:s19+$0x1400]  }
0x3d9: {  	v6 =	vld [tilespmem:s9+$0x7B00]  }
0x3da: {  	v7 =	vld [tilespmem:s9+$0x7F00];
	_ =	sdelay $0x4  }
0x3db: {  	v6 =	vmul.f32 v6, v4;
	v7 =	vmul.f32 v7, v5;
	_ =	sdelay $0x1  }
0x3dc: {  	v6 =	vadd.f32 v7, v6  }
0x3dd: {  	s20 =	simm.s32 $0xA340  }
0x3de: {  	[tilespmem:s20+$0xFFFFFFC0] =	vst v6  }
0x3df: {  	v6 =	vld [tilespmem:s9+$0x7B10]  }
0x3e0: {  	v7 =	vld [tilespmem:s9+$0x7F10];
	_ =	sdelay $0x4  }
0x3e1: {  	v6 =	vmul.f32 v6, v4;
	v7 =	vmul.f32 v7, v5;
	_ =	sdelay $0x1  }
0x3e2: {  	v6 =	vadd.f32 v7, v6;
	_ =	sdelay $0x1  }
0x3e3: {  	[tilespmem:s20+$0xFFFFFFD0] =	vst v6  }
0x3e4: {  	v6 =	vld [tilespmem:s9+$0x7B20]  }
0x3e5: {  	v7 =	vld [tilespmem:s9+$0x7F20];
	_ =	sdelay $0x4  }
0x3e6: {  	v6 =	vmul.f32 v6, v4;
	v7 =	vmul.f32 v7, v5;
	_ =	sdelay $0x1  }
0x3e7: {  	v6 =	vadd.f32 v7, v6;
	_ =	sdelay $0x1  }
0x3e8: {  	[tilespmem:s20+$0xFFFFFFE0] =	vst v6  }
0x3e9: {  	v6 =	vld [tilespmem:s9+$0x7B30]  }
0x3ea: {  	v7 =	vld [tilespmem:s9+$0x7F30];
	_ =	sdelay $0x4  }
0x3eb: {  	v6 =	vmul.f32 v6, v4;
	v7 =	vmul.f32 v7, v5;
	_ =	sdelay $0x1  }
0x3ec: {  	v6 =	vadd.f32 v7, v6;
	_ =	sdelay $0x1  }
0x3ed: {  	[tilespmem:s20+$0xFFFFFFF0] =	vst v6  }
0x3ee: {  	v6 =	vld [tilespmem:s9+$0x7B40]  }
0x3ef: {  	v7 =	vld [tilespmem:s9+$0x7F40];
	_ =	sdelay $0x4  }
0x3f0: {  	v6 =	vmul.f32 v6, v4;
	v7 =	vmul.f32 v7, v5;
	_ =	sdelay $0x1  }
0x3f1: {  	v6 =	vadd.f32 v7, v6;
	_ =	sdelay $0x1  }
0x3f2: {  	[tilespmem:s20+$0x0] =	vst v6  }
0x3f3: {  	v6 =	vld [tilespmem:s9+$0x7B50]  }
0x3f4: {  	v7 =	vld [tilespmem:s9+$0x7F50];
	_ =	sdelay $0x4  }
0x3f5: {  	v6 =	vmul.f32 v6, v4;
	v7 =	vmul.f32 v7, v5;
	_ =	sdelay $0x1  }
0x3f6: {  	v6 =	vadd.f32 v7, v6;
	_ =	sdelay $0x1  }
0x3f7: {  	[tilespmem:s20+$0x10] =	vst v6  }
0x3f8: {  	v6 =	vld [tilespmem:s9+$0x7B60]  }
0x3f9: {  	v7 =	vld [tilespmem:s9+$0x7F60];
	_ =	sdelay $0x4  }
0x3fa: {  	v6 =	vmul.f32 v6, v4;
	v7 =	vmul.f32 v7, v5;
	_ =	sdelay $0x1  }
0x3fb: {  	v6 =	vadd.f32 v7, v6;
	_ =	sdelay $0x1  }
0x3fc: {  	[tilespmem:s20+$0x20] =	vst v6  }
0x3fd: {  	v6 =	vld [tilespmem:s9+$0x7B70]  }
0x3fe: {  	s24 =	simm.s32 $0x80;
	s23 =	simm.s32 $0xA340;
	v7 =	vld [tilespmem:s9+$0x7F70]  }
.LBB2_15:
0x3ff: {  	s18 =	sadd.s32 $0x100, s18;
	s20 =	sadd.s32 $0x80, s20;
	s19 =	sadd.s32 $0x80, s19  }
0x400: {  	p0 =	sne.s32 s24, $0x1380;
	s9 =	smov.u32 s24;
	s24 =	sadd.s32 $0x80, s24  }
0x401: {  	_ = 	snop  }
0x402: {  	v4 =	vmul.f32 v6, v4  }
0x403: {  	v5 =	vmul.f32 v7, v5;
	_ =	sdelay $0x1  }
0x404: {  	v4 =	vadd.f32 v5, v4;
	_ =	sdelay $0x1  }
0x405: {  	[tilespmem:s23+$0x30] =	vst v4;
	s23 =	smov.u32 s20  }
0x406: {  	s28 =	sand.u32 $0x3800, s18;
	s9 =	sand.u32 $0x380, s9;
	v4 =	vld [tilespmem:s19+$0x0]  }
0x407: {  	s9 =	sor.u32 s9, s28;
	v5 =	vld [tilespmem:s19+$0x1400]  }
0x408: {  	v6 =	vld [tilespmem:s9+$0x7B00]  }
0x409: {  	v7 =	vld [tilespmem:s9+$0x7F00];
	_ =	sdelay $0x3  }
0x40a: {  	v6 =	vmul.f32 v6, v4  }
0x40b: {  	v7 =	vmul.f32 v7, v5;
	_ =	sdelay $0x1  }
0x40c: {  	v6 =	vadd.f32 v7, v6;
	_ =	sdelay $0x1  }
0x40d: {  	[tilespmem:s20+$0xFFFFFFC0] =	vst v6  }
0x40e: {  	v6 =	vld [tilespmem:s9+$0x7B10]  }
0x40f: {  	v7 =	vld [tilespmem:s9+$0x7F10];
	_ =	sdelay $0x3  }
0x410: {  	v6 =	vmul.f32 v6, v4  }
0x411: {  	v7 =	vmul.f32 v7, v5;
	_ =	sdelay $0x1  }
0x412: {  	v6 =	vadd.f32 v7, v6;
	_ =	sdelay $0x1  }
0x413: {  	[tilespmem:s20+$0xFFFFFFD0] =	vst v6  }
0x414: {  	v6 =	vld [tilespmem:s9+$0x7B20]  }
0x415: {  	v7 =	vld [tilespmem:s9+$0x7F20];
	_ =	sdelay $0x3  }
0x416: {  	v6 =	vmul.f32 v6, v4  }
0x417: {  	v7 =	vmul.f32 v7, v5;
	_ =	sdelay $0x1  }
0x418: {  	v6 =	vadd.f32 v7, v6;
	_ =	sdelay $0x1  }
0x419: {  	[tilespmem:s20+$0xFFFFFFE0] =	vst v6  }
0x41a: {  	v6 =	vld [tilespmem:s9+$0x7B30]  }
0x41b: {  	v7 =	vld [tilespmem:s9+$0x7F30];
	_ =	sdelay $0x3  }
0x41c: {  	v6 =	vmul.f32 v6, v4  }
0x41d: {  	v7 =	vmul.f32 v7, v5;
	_ =	sdelay $0x1  }
0x41e: {  	v6 =	vadd.f32 v7, v6;
	_ =	sdelay $0x1  }
0x41f: {  	[tilespmem:s20+$0xFFFFFFF0] =	vst v6  }
0x420: {  	v6 =	vld [tilespmem:s9+$0x7B40]  }
0x421: {  	v7 =	vld [tilespmem:s9+$0x7F40];
	_ =	sdelay $0x3  }
0x422: {  	v6 =	vmul.f32 v6, v4  }
0x423: {  	v7 =	vmul.f32 v7, v5;
	_ =	sdelay $0x1  }
0x424: {  	v6 =	vadd.f32 v7, v6;
	_ =	sdelay $0x1  }
0x425: {  	[tilespmem:s20+$0x0] =	vst v6  }
0x426: {  	v6 =	vld [tilespmem:s9+$0x7B50]  }
0x427: {  	v7 =	vld [tilespmem:s9+$0x7F50];
	_ =	sdelay $0x3  }
0x428: {  	v6 =	vmul.f32 v6, v4  }
0x429: {  	v7 =	vmul.f32 v7, v5;
	_ =	sdelay $0x1  }
0x42a: {  	v6 =	vadd.f32 v7, v6;
	_ =	sdelay $0x1  }
0x42b: {  	[tilespmem:s20+$0x10] =	vst v6  }
0x42c: {  	v6 =	vld [tilespmem:s9+$0x7B60]  }
0x42d: {  	v7 =	vld [tilespmem:s9+$0x7F60];
	_ =	sdelay $0x3  }
0x42e: {  	v6 =	vmul.f32 v6, v4  }
0x42f: {  	v7 =	vmul.f32 v7, v5;
	_ =	sdelay $0x1  }
.Ltmp6:
0x430: {  	v6 =	vadd.f32 v7, v6;
	(pc) =	sbr.rel @p0 .LBB2_15-.Ltmp6, $4  }
0x431: {  	_ = 	snop  }
0x432: {  	[tilespmem:s20+$0x20] =	vst v6  }
0x433: {  	v6 =	vld [tilespmem:s9+$0x7B70]  }
0x434: {  	v7 =	vld [tilespmem:s9+$0x7F70]  }
0x435: {  	_ =	sdelay $0x2  }
0x436: {  	s9 =	sor.u32 $0x3, s16  }
0x437: {  	s18 =	sshll.u32 s9, $0x7;
	v4 =	vmul.f32 v6, v4;
	v5 =	vmul.f32 v7, v5  }
0x438: {  	s18 =	sand.u32 $0x380, s18  }
0x439: {  	s18 =	sor.u32 s18, s10;
	v4 =	vadd.f32 v5, v4  }
0x43a: {  	s17 =	sor.u32 s17, s18  }
0x43b: {  	s9 =	smul.u32 $0x2800, s9;
	s18 =	sshrl.u32 s17, $0x3;
	[tilespmem:s23+$0x30] =	vst v4  }
0x43c: {  	[spmem:s2] =	stream.indirect.scatter.add.f32 [tilespmem:s25], [sflag:$0x3], $0x80, s12, s22, $0xb8;
	[tilespmem:$0x1F700] =	vst v63  }
0x43d: {  	s9 =	sadd.s32 s8, s9;
	s17 =	simm.s32 $0x0;
	s19 =	sadd.s32 s1, s18  }
0x43e: {  	[tilespmem:s11], [sflag:$0x2] =	stream.linear.gather [hbm4b:s19+s17], $0x80, $0x38;
	[tilespmem:$0x1F700] =	vst v63  }
0x43f: {  	s24 =	simm.s32 $0x280;
	s9 =	sshrl.u32 s9, $0x3;
	s18 =	sadd.s32 s6, s18  }
0x440: {  	[tilespmem:s24], [sflag:$0x2] =	stream.linear.gather [hbm4b:s18+s17], $0x80, $0x38;
	[tilespmem:$0x1F700] =	vst v63  }
0x441: {  	s9 =	sadd.s32 s7, s9  }
0x442: {  	[tilespmem:s14], [sflag:$0x2] =	stream.linear.gather [hbm4b:s9+s17], $0x2800, $0x38;
	[tilespmem:$0x1F700] =	vst v63  }
0x443: {  	_ =	swait.ge [sflag:s15], $0x80  }
0x444: {  	[sflag:s15] =	ssyncset.done $0x0  }
0x445: {  	[sflag:s15] =	ssyncadd.s32 $0xFFFFFF80  }
0x446: {  	_ =	swait.ge [sflag:s15], $0x80  }
0x447: {  	[sflag:s15] =	ssyncset.done $0x0  }
0x448: {  	[sflag:s15] =	ssyncadd.s32 $0xFFFFFF80  }
0x449: {  	_ =	swait.ge [sflag:s15], $0x2800  }
0x44a: {  	[sflag:s15] =	ssyncset.done $0x0  }
0x44b: {  	[sflag:s15] =	ssyncadd.s32 $0xFFFFD800  }
0x44c: {  	v4 =	vld [tilespmem:$0x80];
	_ =	sdelay $0x4  }
0x44d: {  	v5 =	vshll.u32 v4, $0x1  }
0x44e: {  	v4 =	vand.u32 $0x7, v4;
	v5 =	vand.u32 $0xFFFFFFF0, v5  }
0x44f: {  	v4 =	vor.u32 v4, v5  }
0x450: {  	v5 =	vperm.xlane v4, v1;
	_ =	sdelay $0x1  }
0x451: {  	v4 =	vperm.xlane v4, v3;
	v5 =	vadd.s32 v2, v5;
	_ =	sdelay $0x1  }
0x452: {  	v4 =	vadd.s32 v2, v4;
	_ =	sdelay $0x1  }
0x453: {  	s28 =	simm.s32 $0x7B00  }
0x454: {  	[tilespmem:s28], [sflag:$0x1] =	stream.indirect_vreg.gather [hbm4b:s5+s17], $0x80, v5, vm0, $0xb8;
	[tilespmem:$0x1F700] =	vst v63  }
0x455: {  	s18 =	simm.s32 $0x8300  }
0x456: {  	[tilespmem:s18], [sflag:$0x1] =	stream.indirect_vreg.gather [hbm4b:s5+s17], $0x80, v4, vm0, $0xb8;
	[tilespmem:$0x1F700] =	vst v63  }
0x457: {  	v4 =	vld.msk [tilespmem:$0x90], $0xff;
	_ =	sdelay $0x4  }
0x458: {  	v5 =	vshll.u32 v4, $0x1  }
0x459: {  	v4 =	vand.u32 $0x7, v4;
	v5 =	vand.u32 $0xFFFFFFF0, v5  }
0x45a: {  	v4 =	vor.u32 v4, v5  }
0x45b: {  	v4 =	vperm.xlane v4, v1;
	_ =	sdelay $0x1  }
0x45c: {  	v4 =	vadd.s32 v2, v4;
	_ =	sdelay $0x3  }
0x45d: {  	s19 =	simm.s32 $0x8B00  }
0x45e: {  	[tilespmem:s19], [sflag:$0x1] =	stream.indirect_vreg.gather [hbm4b:s5+s17], $0x80, v4, vm0, $0xb8;
	[tilespmem:$0x1F700] =	vst v63  }
0x45f: {  	v4 =	vld [tilespmem:$0x98];
	_ =	sdelay $0x4  }
0x460: {  	v5 =	vshll.u32 v4, $0x1  }
0x461: {  	v4 =	vand.u32 $0x7, v4;
	v5 =	vand.u32 $0xFFFFFFF0, v5  }
0x462: {  	v4 =	vor.u32 v4, v5  }
0x463: {  	v5 =	vperm.xlane v4, v1;
	_ =	sdelay $0x1  }
0x464: {  	v4 =	vperm.xlane v4, v3;
	v5 =	vadd.s32 v2, v5;
	_ =	sdelay $0x1  }
0x465: {  	v4 =	vadd.s32 v2, v4;
	_ =	sdelay $0x1  }
0x466: {  	s20 =	simm.s32 $0x9300  }
0x467: {  	[tilespmem:s20], [sflag:$0x1] =	stream.indirect_vreg.gather [hbm4b:s5+s17], $0x80, v5, vm0, $0xb8;
	[tilespmem:$0x1F700] =	vst v63  }
0x468: {  	s23 =	simm.s32 $0x9B00  }
0x469: {  	[tilespmem:s23], [sflag:$0x1] =	stream.indirect_vreg.gather [hbm4b:s5+s17], $0x80, v4, vm0, $0xb8;
	[tilespmem:$0x1F700] =	vst v63  }
0x46a: {  	_ =	swait.ge [sflag:s21], $0x1800  }
0x46b: {  	[sflag:s21] =	ssyncset.done $0x0  }
0x46c: {  	[sflag:s21] =	ssyncadd.s32 $0xFFFFE800  }
0x46d: {  	_ =	swait.ge [sflag:s21], $0x1000  }
0x46e: {  	[sflag:s21] =	ssyncset.done $0x0  }
0x46f: {  	[sflag:s21] =	ssyncadd.s32 $0xFFFFF000  }
0x470: {  	_ =	swait.ge [sflag:s13], $0x1400  }
0x471: {  	[sflag:s13] =	ssyncset.done $0x0  }
0x472: {  	s18 =	simm.s32 $0x300;
	[sflag:s13] =	ssyncadd.s32 $0xFFFFEC00  }
0x473: {  	s24 =	sand.u32 $0x3800, s17;
	s28 =	sand.u32 $0x380, s17;
	v4 =	vld [tilespmem:s18+$0x0]  }
0x474: {  	s9 =	sor.u32 s28, s24;
	v5 =	vld [tilespmem:s18+$0x1400]  }
0x475: {  	v6 =	vld [tilespmem:s9+$0x5300]  }
0x476: {  	v7 =	vld [tilespmem:s9+$0x5700];
	_ =	sdelay $0x4  }
0x477: {  	v6 =	vmul.f32 v6, v4;
	v7 =	vmul.f32 v7, v5;
	_ =	sdelay $0x1  }
0x478: {  	v6 =	vadd.f32 v7, v6  }
0x479: {  	s19 =	simm.s32 $0xA340  }
0x47a: {  	[tilespmem:s19+$0xFFFFFFC0] =	vst v6  }
0x47b: {  	v6 =	vld [tilespmem:s9+$0x5310]  }
0x47c: {  	v7 =	vld [tilespmem:s9+$0x5710];
	_ =	sdelay $0x4  }
0x47d: {  	v6 =	vmul.f32 v6, v4;
	v7 =	vmul.f32 v7, v5;
	_ =	sdelay $0x1  }
0x47e: {  	v6 =	vadd.f32 v7, v6;
	_ =	sdelay $0x1  }
0x47f: {  	[tilespmem:s19+$0xFFFFFFD0] =	vst v6  }
0x480: {  	v6 =	vld [tilespmem:s9+$0x5320]  }
0x481: {  	v7 =	vld [tilespmem:s9+$0x5720];
	_ =	sdelay $0x4  }
0x482: {  	v6 =	vmul.f32 v6, v4;
	v7 =	vmul.f32 v7, v5;
	_ =	sdelay $0x1  }
0x483: {  	v6 =	vadd.f32 v7, v6;
	_ =	sdelay $0x1  }
0x484: {  	[tilespmem:s19+$0xFFFFFFE0] =	vst v6  }
0x485: {  	v6 =	vld [tilespmem:s9+$0x5330]  }
0x486: {  	v7 =	vld [tilespmem:s9+$0x5730];
	_ =	sdelay $0x4  }
0x487: {  	v6 =	vmul.f32 v6, v4;
	v7 =	vmul.f32 v7, v5;
	_ =	sdelay $0x1  }
0x488: {  	v6 =	vadd.f32 v7, v6;
	_ =	sdelay $0x1  }
0x489: {  	[tilespmem:s19+$0xFFFFFFF0] =	vst v6  }
0x48a: {  	v6 =	vld [tilespmem:s9+$0x5340]  }
0x48b: {  	v7 =	vld [tilespmem:s9+$0x5740];
	_ =	sdelay $0x4  }
0x48c: {  	v6 =	vmul.f32 v6, v4;
	v7 =	vmul.f32 v7, v5;
	_ =	sdelay $0x1  }
0x48d: {  	v6 =	vadd.f32 v7, v6;
	_ =	sdelay $0x1  }
0x48e: {  	[tilespmem:s19+$0x0] =	vst v6  }
0x48f: {  	v6 =	vld [tilespmem:s9+$0x5350]  }
0x490: {  	v7 =	vld [tilespmem:s9+$0x5750];
	_ =	sdelay $0x4  }
0x491: {  	v6 =	vmul.f32 v6, v4;
	v7 =	vmul.f32 v7, v5;
	_ =	sdelay $0x1  }
0x492: {  	v6 =	vadd.f32 v7, v6;
	_ =	sdelay $0x1  }
0x493: {  	[tilespmem:s19+$0x10] =	vst v6  }
0x494: {  	v6 =	vld [tilespmem:s9+$0x5360]  }
0x495: {  	v7 =	vld [tilespmem:s9+$0x5760];
	_ =	sdelay $0x4  }
0x496: {  	v6 =	vmul.f32 v6, v4;
	v7 =	vmul.f32 v7, v5;
	_ =	sdelay $0x1  }
0x497: {  	v6 =	vadd.f32 v7, v6;
	_ =	sdelay $0x1  }
0x498: {  	[tilespmem:s19+$0x20] =	vst v6  }
0x499: {  	v6 =	vld [tilespmem:s9+$0x5370]  }
0x49a: {  	s20 =	simm.s32 $0xA340;
	s23 =	simm.s32 $0x80;
	v7 =	vld [tilespmem:s9+$0x5770]  }
.LBB2_17:
0x49b: {  	s17 =	sadd.s32 $0x100, s17;
	s19 =	sadd.s32 $0x80, s19;
	s18 =	sadd.s32 $0x80, s18  }
0x49c: {  	p0 =	sne.s32 s23, $0x1380;
	s9 =	smov.u32 s23;
	s23 =	sadd.s32 $0x80, s23  }
0x49d: {  	_ = 	snop  }
0x49e: {  	v4 =	vmul.f32 v6, v4  }
0x49f: {  	v5 =	vmul.f32 v7, v5;
	_ =	sdelay $0x1  }
0x4a0: {  	v4 =	vadd.f32 v5, v4;
	_ =	sdelay $0x1  }
0x4a1: {  	[tilespmem:s20+$0x30] =	vst v4;
	s20 =	smov.u32 s19  }
0x4a2: {  	s24 =	sand.u32 $0x3800, s17;
	s9 =	sand.u32 $0x380, s9;
	v4 =	vld [tilespmem:s18+$0x0]  }
0x4a3: {  	s9 =	sor.u32 s9, s24;
	v5 =	vld [tilespmem:s18+$0x1400]  }
0x4a4: {  	v6 =	vld [tilespmem:s9+$0x5300]  }
0x4a5: {  	v7 =	vld [tilespmem:s9+$0x5700];
	_ =	sdelay $0x3  }
0x4a6: {  	v6 =	vmul.f32 v6, v4  }
0x4a7: {  	v7 =	vmul.f32 v7, v5;
	_ =	sdelay $0x1  }
0x4a8: {  	v6 =	vadd.f32 v7, v6;
	_ =	sdelay $0x1  }
0x4a9: {  	[tilespmem:s19+$0xFFFFFFC0] =	vst v6  }
0x4aa: {  	v6 =	vld [tilespmem:s9+$0x5310]  }
0x4ab: {  	v7 =	vld [tilespmem:s9+$0x5710];
	_ =	sdelay $0x3  }
0x4ac: {  	v6 =	vmul.f32 v6, v4  }
0x4ad: {  	v7 =	vmul.f32 v7, v5;
	_ =	sdelay $0x1  }
0x4ae: {  	v6 =	vadd.f32 v7, v6;
	_ =	sdelay $0x1  }
0x4af: {  	[tilespmem:s19+$0xFFFFFFD0] =	vst v6  }
0x4b0: {  	v6 =	vld [tilespmem:s9+$0x5320]  }
0x4b1: {  	v7 =	vld [tilespmem:s9+$0x5720];
	_ =	sdelay $0x3  }
0x4b2: {  	v6 =	vmul.f32 v6, v4  }
0x4b3: {  	v7 =	vmul.f32 v7, v5;
	_ =	sdelay $0x1  }
0x4b4: {  	v6 =	vadd.f32 v7, v6;
	_ =	sdelay $0x1  }
0x4b5: {  	[tilespmem:s19+$0xFFFFFFE0] =	vst v6  }
0x4b6: {  	v6 =	vld [tilespmem:s9+$0x5330]  }
0x4b7: {  	v7 =	vld [tilespmem:s9+$0x5730];
	_ =	sdelay $0x3  }
0x4b8: {  	v6 =	vmul.f32 v6, v4  }
0x4b9: {  	v7 =	vmul.f32 v7, v5;
	_ =	sdelay $0x1  }
0x4ba: {  	v6 =	vadd.f32 v7, v6;
	_ =	sdelay $0x1  }
0x4bb: {  	[tilespmem:s19+$0xFFFFFFF0] =	vst v6  }
0x4bc: {  	v6 =	vld [tilespmem:s9+$0x5340]  }
0x4bd: {  	v7 =	vld [tilespmem:s9+$0x5740];
	_ =	sdelay $0x3  }
0x4be: {  	v6 =	vmul.f32 v6, v4  }
0x4bf: {  	v7 =	vmul.f32 v7, v5;
	_ =	sdelay $0x1  }
0x4c0: {  	v6 =	vadd.f32 v7, v6;
	_ =	sdelay $0x1  }
0x4c1: {  	[tilespmem:s19+$0x0] =	vst v6  }
0x4c2: {  	v6 =	vld [tilespmem:s9+$0x5350]  }
0x4c3: {  	v7 =	vld [tilespmem:s9+$0x5750];
	_ =	sdelay $0x3  }
0x4c4: {  	v6 =	vmul.f32 v6, v4  }
0x4c5: {  	v7 =	vmul.f32 v7, v5;
	_ =	sdelay $0x1  }
0x4c6: {  	v6 =	vadd.f32 v7, v6;
	_ =	sdelay $0x1  }
0x4c7: {  	[tilespmem:s19+$0x10] =	vst v6  }
0x4c8: {  	v6 =	vld [tilespmem:s9+$0x5360]  }
0x4c9: {  	v7 =	vld [tilespmem:s9+$0x5760];
	_ =	sdelay $0x3  }
0x4ca: {  	v6 =	vmul.f32 v6, v4  }
0x4cb: {  	v7 =	vmul.f32 v7, v5;
	_ =	sdelay $0x1  }
.Ltmp7:
0x4cc: {  	v6 =	vadd.f32 v7, v6;
	(pc) =	sbr.rel @p0 .LBB2_17-.Ltmp7, $4  }
0x4cd: {  	_ = 	snop  }
0x4ce: {  	[tilespmem:s19+$0x20] =	vst v6  }
0x4cf: {  	v6 =	vld [tilespmem:s9+$0x5370]  }
0x4d0: {  	v7 =	vld [tilespmem:s9+$0x5770]  }
0x4d1: {  	_ =	sdelay $0x2  }
0x4d2: {  	s24 =	sadd.s32 $0x4, s16  }
0x4d3: {  	s17 =	sshll.u32 s24, $0x7;
	v4 =	vmul.f32 v6, v4;
	v5 =	vmul.f32 v7, v5  }
0x4d4: {  	s18 =	sand.u32 $0xFC00, s17  }
0x4d5: {  	s17 =	sand.u32 $0x200, s17;
	s18 =	sadd.s32 s10, s18;
	v4 =	vadd.f32 v5, v4  }
0x4d6: {  	s17 =	sor.u32 s17, s18  }
0x4d7: {  	s9 =	simm.s32 $0x200;
	s18 =	sshrl.u32 s17, $0x3;
	[tilespmem:s20+$0x30] =	vst v4  }
0x4d8: {  	[spmem:s2] =	stream.indirect.scatter.add.f32 [tilespmem:s25], [sflag:$0x3], $0x80, s9, s22, $0xb8;
	[tilespmem:$0x1F700] =	vst v63  }
0x4d9: {  	s17 =	simm.s32 $0x0;
	s19 =	sadd.s32 s1, s18;
	s9 =	smul.u32 $0x2800, s24  }
0x4da: {  	[tilespmem:s17], [sflag:$0x2] =	stream.linear.gather [hbm4b:s19+s17], $0x80, $0x38;
	[tilespmem:$0x1F700] =	vst v63  }
0x4db: {  	s9 =	sadd.s32 s8, s9  }
0x4dc: {  	s28 =	simm.s32 $0x100;
	s18 =	sadd.s32 s6, s18;
	s9 =	sshrl.u32 s9, $0x3  }
0x4dd: {  	[tilespmem:s28], [sflag:$0x2] =	stream.linear.gather [hbm4b:s18+s17], $0x80, $0x38;
	[tilespmem:$0x1F700] =	vst v63  }
0x4de: {  	s20 =	simm.s32 $0x300;
	s9 =	sadd.s32 s7, s9  }
0x4df: {  	[tilespmem:s20], [sflag:$0x2] =	stream.linear.gather [hbm4b:s9+s17], $0x2800, $0x38;
	[tilespmem:$0x1F700] =	vst v63  }
0x4e0: {  	_ =	swait.ge [sflag:s15], $0x80  }
0x4e1: {  	[sflag:s15] =	ssyncset.done $0x0  }
0x4e2: {  	[sflag:s15] =	ssyncadd.s32 $0xFFFFFF80  }
0x4e3: {  	_ =	swait.ge [sflag:s15], $0x80  }
0x4e4: {  	[sflag:s15] =	ssyncset.done $0x0  }
0x4e5: {  	[sflag:s15] =	ssyncadd.s32 $0xFFFFFF80  }
0x4e6: {  	_ =	swait.ge [sflag:s15], $0x2800  }
0x4e7: {  	[sflag:s15] =	ssyncset.done $0x0  }
0x4e8: {  	[sflag:s15] =	ssyncadd.s32 $0xFFFFD800  }
0x4e9: {  	v4 =	vld [tilespmem:$0x0];
	_ =	sdelay $0x4  }
0x4ea: {  	v5 =	vshll.u32 v4, $0x1  }
0x4eb: {  	v4 =	vand.u32 $0x7, v4;
	v5 =	vand.u32 $0xFFFFFFF0, v5  }
0x4ec: {  	v4 =	vor.u32 v4, v5  }
0x4ed: {  	v5 =	vperm.xlane v4, v1;
	_ =	sdelay $0x1  }
0x4ee: {  	v4 =	vperm.xlane v4, v3;
	v5 =	vadd.s32 v2, v5;
	_ =	sdelay $0x1  }
0x4ef: {  	v4 =	vadd.s32 v2, v4;
	_ =	sdelay $0x2  }
0x4f0: {  	[tilespmem:s29], [sflag:$0x1] =	stream.indirect_vreg.gather [hbm4b:s5+s17], $0x80, v5, vm0, $0xb8;
	[tilespmem:$0x1F700] =	vst v63  }
0x4f1: {  	_ = 	snop  }
0x4f2: {  	[tilespmem:s30], [sflag:$0x1] =	stream.indirect_vreg.gather [hbm4b:s5+s17], $0x80, v4, vm0, $0xb8;
	[tilespmem:$0x1F700] =	vst v63  }
0x4f3: {  	v4 =	vld.msk [tilespmem:$0x10], $0xff;
	_ =	sdelay $0x4  }
0x4f4: {  	v5 =	vshll.u32 v4, $0x1  }
0x4f5: {  	v4 =	vand.u32 $0x7, v4;
	v5 =	vand.u32 $0xFFFFFFF0, v5  }
0x4f6: {  	v4 =	vor.u32 v4, v5  }
0x4f7: {  	v4 =	vperm.xlane v4, v1;
	_ =	sdelay $0x1  }
0x4f8: {  	v4 =	vadd.s32 v2, v4;
	_ =	sdelay $0x4  }
0x4f9: {  	[tilespmem:s31], [sflag:$0x1] =	stream.indirect_vreg.gather [hbm4b:s5+s17], $0x80, v4, vm0, $0xb8;
	[tilespmem:$0x1F700] =	vst v63  }
0x4fa: {  	v4 =	vld [tilespmem:$0x18];
	_ =	sdelay $0x4  }
0x4fb: {  	v5 =	vshll.u32 v4, $0x1  }
0x4fc: {  	v4 =	vand.u32 $0x7, v4;
	v5 =	vand.u32 $0xFFFFFFF0, v5  }
0x4fd: {  	v4 =	vor.u32 v4, v5  }
0x4fe: {  	v5 =	vperm.xlane v4, v1;
	_ =	sdelay $0x1  }
0x4ff: {  	v4 =	vperm.xlane v4, v3;
	v5 =	vadd.s32 v2, v5;
	_ =	sdelay $0x1  }
0x500: {  	v4 =	vadd.s32 v2, v4;
	_ =	sdelay $0x2  }
0x501: {  	[tilespmem:s0], [sflag:$0x1] =	stream.indirect_vreg.gather [hbm4b:s5+s17], $0x80, v5, vm0, $0xb8;
	[tilespmem:$0x1F700] =	vst v63  }
0x502: {  	_ = 	snop  }
0x503: {  	[tilespmem:s3], [sflag:$0x1] =	stream.indirect_vreg.gather [hbm4b:s5+s17], $0x80, v4, vm0, $0xb8;
	[tilespmem:$0x1F700] =	vst v63  }
0x504: {  	_ =	swait.ge [sflag:s21], $0x1800  }
0x505: {  	[sflag:s21] =	ssyncset.done $0x0  }
0x506: {  	[sflag:s21] =	ssyncadd.s32 $0xFFFFE800  }
0x507: {  	_ =	swait.ge [sflag:s21], $0x1000  }
0x508: {  	[sflag:s21] =	ssyncset.done $0x0  }
0x509: {  	[sflag:s21] =	ssyncadd.s32 $0xFFFFF000  }
0x50a: {  	_ =	swait.ge [sflag:s13], $0x1400  }
0x50b: {  	[sflag:s13] =	ssyncset.done $0x0  }
0x50c: {  	s18 =	simm.s32 $0x2B00;
	[sflag:s13] =	ssyncadd.s32 $0xFFFFEC00  }
0x50d: {  	s23 =	sand.u32 $0x3800, s17;
	s24 =	sand.u32 $0x380, s17;
	v4 =	vld [tilespmem:s18+$0x0]  }
0x50e: {  	s9 =	sor.u32 s24, s23;
	v5 =	vld [tilespmem:s18+$0x1400]  }
0x50f: {  	v6 =	vld [tilespmem:s9+$0x7B00]  }
0x510: {  	v7 =	vld [tilespmem:s9+$0x7F00];
	_ =	sdelay $0x4  }
0x511: {  	v6 =	vmul.f32 v6, v4;
	v7 =	vmul.f32 v7, v5;
	_ =	sdelay $0x1  }
0x512: {  	v6 =	vadd.f32 v7, v6  }
0x513: {  	s19 =	simm.s32 $0xA340  }
0x514: {  	[tilespmem:s19+$0xFFFFFFC0] =	vst v6  }
0x515: {  	v6 =	vld [tilespmem:s9+$0x7B10]  }
0x516: {  	v7 =	vld [tilespmem:s9+$0x7F10];
	_ =	sdelay $0x4  }
0x517: {  	v6 =	vmul.f32 v6, v4;
	v7 =	vmul.f32 v7, v5;
	_ =	sdelay $0x1  }
0x518: {  	v6 =	vadd.f32 v7, v6;
	_ =	sdelay $0x1  }
0x519: {  	[tilespmem:s19+$0xFFFFFFD0] =	vst v6  }
0x51a: {  	v6 =	vld [tilespmem:s9+$0x7B20]  }
0x51b: {  	v7 =	vld [tilespmem:s9+$0x7F20];
	_ =	sdelay $0x4  }
0x51c: {  	v6 =	vmul.f32 v6, v4;
	v7 =	vmul.f32 v7, v5;
	_ =	sdelay $0x1  }
0x51d: {  	v6 =	vadd.f32 v7, v6;
	_ =	sdelay $0x1  }
0x51e: {  	[tilespmem:s19+$0xFFFFFFE0] =	vst v6  }
0x51f: {  	v6 =	vld [tilespmem:s9+$0x7B30]  }
0x520: {  	v7 =	vld [tilespmem:s9+$0x7F30];
	_ =	sdelay $0x4  }
0x521: {  	v6 =	vmul.f32 v6, v4;
	v7 =	vmul.f32 v7, v5;
	_ =	sdelay $0x1  }
0x522: {  	v6 =	vadd.f32 v7, v6;
	_ =	sdelay $0x1  }
0x523: {  	[tilespmem:s19+$0xFFFFFFF0] =	vst v6  }
0x524: {  	v6 =	vld [tilespmem:s9+$0x7B40]  }
0x525: {  	v7 =	vld [tilespmem:s9+$0x7F40];
	_ =	sdelay $0x4  }
0x526: {  	v6 =	vmul.f32 v6, v4;
	v7 =	vmul.f32 v7, v5;
	_ =	sdelay $0x1  }
0x527: {  	v6 =	vadd.f32 v7, v6;
	_ =	sdelay $0x1  }
0x528: {  	[tilespmem:s19+$0x0] =	vst v6  }
0x529: {  	v6 =	vld [tilespmem:s9+$0x7B50]  }
0x52a: {  	v7 =	vld [tilespmem:s9+$0x7F50];
	_ =	sdelay $0x4  }
0x52b: {  	v6 =	vmul.f32 v6, v4;
	v7 =	vmul.f32 v7, v5;
	_ =	sdelay $0x1  }
0x52c: {  	v6 =	vadd.f32 v7, v6;
	_ =	sdelay $0x1  }
0x52d: {  	[tilespmem:s19+$0x10] =	vst v6  }
0x52e: {  	v6 =	vld [tilespmem:s9+$0x7B60]  }
0x52f: {  	v7 =	vld [tilespmem:s9+$0x7F60];
	_ =	sdelay $0x4  }
0x530: {  	v6 =	vmul.f32 v6, v4;
	v7 =	vmul.f32 v7, v5;
	_ =	sdelay $0x1  }
0x531: {  	v6 =	vadd.f32 v7, v6;
	_ =	sdelay $0x1  }
0x532: {  	[tilespmem:s19+$0x20] =	vst v6  }
0x533: {  	v6 =	vld [tilespmem:s9+$0x7B70]  }
0x534: {  	s23 =	simm.s32 $0x80;
	s20 =	simm.s32 $0xA340;
	v7 =	vld [tilespmem:s9+$0x7F70]  }
.LBB2_19:
0x535: {  	s17 =	sadd.s32 $0x100, s17;
	s19 =	sadd.s32 $0x80, s19;
	s18 =	sadd.s32 $0x80, s18  }
0x536: {  	p0 =	sne.s32 s23, $0x1380;
	s9 =	smov.u32 s23;
	s23 =	sadd.s32 $0x80, s23  }
0x537: {  	_ = 	snop  }
0x538: {  	v4 =	vmul.f32 v6, v4  }
0x539: {  	v5 =	vmul.f32 v7, v5;
	_ =	sdelay $0x1  }
0x53a: {  	v4 =	vadd.f32 v5, v4;
	_ =	sdelay $0x1  }
0x53b: {  	[tilespmem:s20+$0x30] =	vst v4;
	s20 =	smov.u32 s19  }
0x53c: {  	s24 =	sand.u32 $0x3800, s17;
	s9 =	sand.u32 $0x380, s9;
	v4 =	vld [tilespmem:s18+$0x0]  }
0x53d: {  	s9 =	sor.u32 s9, s24;
	v5 =	vld [tilespmem:s18+$0x1400]  }
0x53e: {  	v6 =	vld [tilespmem:s9+$0x7B00]  }
0x53f: {  	v7 =	vld [tilespmem:s9+$0x7F00];
	_ =	sdelay $0x3  }
0x540: {  	v6 =	vmul.f32 v6, v4  }
0x541: {  	v7 =	vmul.f32 v7, v5;
	_ =	sdelay $0x1  }
0x542: {  	v6 =	vadd.f32 v7, v6;
	_ =	sdelay $0x1  }
0x543: {  	[tilespmem:s19+$0xFFFFFFC0] =	vst v6  }
0x544: {  	v6 =	vld [tilespmem:s9+$0x7B10]  }
0x545: {  	v7 =	vld [tilespmem:s9+$0x7F10];
	_ =	sdelay $0x3  }
0x546: {  	v6 =	vmul.f32 v6, v4  }
0x547: {  	v7 =	vmul.f32 v7, v5;
	_ =	sdelay $0x1  }
0x548: {  	v6 =	vadd.f32 v7, v6;
	_ =	sdelay $0x1  }
0x549: {  	[tilespmem:s19+$0xFFFFFFD0] =	vst v6  }
0x54a: {  	v6 =	vld [tilespmem:s9+$0x7B20]  }
0x54b: {  	v7 =	vld [tilespmem:s9+$0x7F20];
	_ =	sdelay $0x3  }
0x54c: {  	v6 =	vmul.f32 v6, v4  }
0x54d: {  	v7 =	vmul.f32 v7, v5;
	_ =	sdelay $0x1  }
0x54e: {  	v6 =	vadd.f32 v7, v6;
	_ =	sdelay $0x1  }
0x54f: {  	[tilespmem:s19+$0xFFFFFFE0] =	vst v6  }
0x550: {  	v6 =	vld [tilespmem:s9+$0x7B30]  }
0x551: {  	v7 =	vld [tilespmem:s9+$0x7F30];
	_ =	sdelay $0x3  }
0x552: {  	v6 =	vmul.f32 v6, v4  }
0x553: {  	v7 =	vmul.f32 v7, v5;
	_ =	sdelay $0x1  }
0x554: {  	v6 =	vadd.f32 v7, v6;
	_ =	sdelay $0x1  }
0x555: {  	[tilespmem:s19+$0xFFFFFFF0] =	vst v6  }
0x556: {  	v6 =	vld [tilespmem:s9+$0x7B40]  }
0x557: {  	v7 =	vld [tilespmem:s9+$0x7F40];
	_ =	sdelay $0x3  }
0x558: {  	v6 =	vmul.f32 v6, v4  }
0x559: {  	v7 =	vmul.f32 v7, v5;
	_ =	sdelay $0x1  }
0x55a: {  	v6 =	vadd.f32 v7, v6;
	_ =	sdelay $0x1  }
0x55b: {  	[tilespmem:s19+$0x0] =	vst v6  }
0x55c: {  	v6 =	vld [tilespmem:s9+$0x7B50]  }
0x55d: {  	v7 =	vld [tilespmem:s9+$0x7F50];
	_ =	sdelay $0x3  }
0x55e: {  	v6 =	vmul.f32 v6, v4  }
0x55f: {  	v7 =	vmul.f32 v7, v5;
	_ =	sdelay $0x1  }
0x560: {  	v6 =	vadd.f32 v7, v6;
	_ =	sdelay $0x1  }
0x561: {  	[tilespmem:s19+$0x10] =	vst v6  }
0x562: {  	v6 =	vld [tilespmem:s9+$0x7B60]  }
0x563: {  	v7 =	vld [tilespmem:s9+$0x7F60];
	_ =	sdelay $0x3  }
0x564: {  	v6 =	vmul.f32 v6, v4  }
0x565: {  	v7 =	vmul.f32 v7, v5;
	_ =	sdelay $0x1  }
.Ltmp8:
0x566: {  	v6 =	vadd.f32 v7, v6;
	(pc) =	sbr.rel @p0 .LBB2_19-.Ltmp8, $4  }
0x567: {  	_ = 	snop  }
0x568: {  	[tilespmem:s19+$0x20] =	vst v6  }
0x569: {  	v6 =	vld [tilespmem:s9+$0x7B70]  }
0x56a: {  	v7 =	vld [tilespmem:s9+$0x7F70]  }
0x56b: {  	_ =	sdelay $0x2  }
0x56c: {  	s23 =	sadd.s32 $0x5, s16  }
0x56d: {  	s16 =	sshll.u32 s23, $0x7;
	v4 =	vmul.f32 v6, v4;
	v5 =	vmul.f32 v7, v5  }
0x56e: {  	s17 =	sand.u32 $0xFC00, s16  }
0x56f: {  	s16 =	sand.u32 $0x280, s16;
	s17 =	sadd.s32 s10, s17;
	v4 =	vadd.f32 v5, v4  }
0x570: {  	s16 =	sor.u32 s16, s17  }
0x571: {  	s9 =	simm.s32 $0x280;
	s26 =	sadd.s32 $0x1, s26;
	s16 =	sshrl.u32 s16, $0x3;
	[tilespmem:s20+$0x30] =	vst v4  }
0x572: {  	[spmem:s2] =	stream.indirect.scatter.add.f32 [tilespmem:s25], [sflag:$0x3], $0x80, s9, s22, $0xb8;
	[tilespmem:$0x1F700] =	vst v63  }
0x573: {  	p0 =	sne.s32 s26, $0x3F;
	s24 =	sadd.s32 s1, s16;
	s9 =	smul.u32 $0x2800, s23  }
0x574: {  	[tilespmem:s11], [sflag:$0x2] =	stream.linear.gather [hbm4b:s24+s4], $0x80, $0x38;
	[tilespmem:$0x1F700] =	vst v63  }
.Ltmp9:
0x575: {  	s9 =	sadd.s32 s8, s9;
	(pc) =	sbr.rel @p0 .LBB2_12-.Ltmp9, $4  }
0x576: {  	s16 =	sadd.s32 s6, s16;
	s9 =	sshrl.u32 s9, $0x3  }
0x577: {  	[tilespmem:s12], [sflag:$0x2] =	stream.linear.gather [hbm4b:s16+s4], $0x80, $0x38;
	[tilespmem:$0x1F700] =	vst v63  }
0x578: {  	s9 =	sadd.s32 s7, s9  }
0x579: {  	[tilespmem:s14], [sflag:$0x2] =	stream.linear.gather [hbm4b:s9+s4], $0x2800, $0x38;
	[tilespmem:$0x1F700] =	vst v63  }
0x57a: {  	_ =	swait.ge [sflag:s21], $0x1800  }
0x57b: {  	[sflag:s21] =	ssyncset.done $0x0  }
0x57c: {  	[sflag:s21] =	ssyncadd.s32 $0xFFFFE800  }
0x57d: {  	_ =	swait.ge [sflag:s21], $0x1000  }
0x57e: {  	[sflag:s21] =	ssyncset.done $0x0  }
0x57f: {  	[sflag:s21] =	ssyncadd.s32 $0xFFFFF000  }
0x580: {  	_ =	swait.ge [sflag:s15], $0x80  }
0x581: {  	[sflag:s15] =	ssyncset.done $0x0  }
0x582: {  	[sflag:s15] =	ssyncadd.s32 $0xFFFFFF80  }
0x583: {  	_ =	swait.ge [sflag:s15], $0x80  }
0x584: {  	[sflag:s15] =	ssyncset.done $0x0  }
0x585: {  	[sflag:s15] =	ssyncadd.s32 $0xFFFFFF80  }
0x586: {  	_ =	swait.ge [sflag:s15], $0x2800  }
0x587: {  	[sflag:s15] =	ssyncset.done $0x0  }
0x588: {  	[sflag:s15] =	ssyncadd.s32 $0xFFFFD800  }
0x589: {  	_ =	swait.ge [sflag:s13], $0x1400  }
0x58a: {  	[sflag:s13] =	ssyncset.done $0x0  }
0x58b: {  	[sflag:s13] =	ssyncadd.s32 $0xFFFFEC00  }
0x58c: {  	s9 =	stileid.u32;
	[bflag:$0x0] =	sbarrier.arrive $0xFFFF  }
0x58d: {  	s9 =	sshll.u32 s9, $0x6;
	s17 =	rddreg [dreg:$0x4]  }
0x58e: {  	s9 =	sor.u32 $0x1C04, s9;
	s18 =	rddreg [dreg:$0x12];
	s16 =	sshrl.u32 s17, $0x3  }
0x58f: {  	[hbm:s18], [sflag:s9] =	dma.local [spmem:s16], $0x2800  }
0x590: {  	s18 =	simm.s32 $0x4  }
0x591: {  	_ =	swait.ge [sflag:s18], $0x2800  }
0x592: {  	s24 =	sld [smem:$0x7F5];
	_ =	sdelay $0x2  }
0x593: {  	s26 =	rddreg [dreg:$0x13];
	s16 =	sadd.s32 $0x1, s24  }
0x594: {  	p0 =	sne.s32 s16, s26  }
.Ltmp10:
0x595: {  	_ = 	snop;
	(pc) =	sbr.rel @p0 .LBB2_1-.Ltmp10, $3  }
0x596: {  	_ =	sdelay $0x1  }
0x597: {  	[sflag:s18] =	ssyncset.done $0x0  }
0x598: {  	[sflag:s18] =	ssyncadd.s32 $0xFFFFD800  }
0x599: {  	_ =	sfence.sel $0x180000  }
0x59a: {  	[bflag:$0x0] =	sbarrier.arrive $0xFFFF  }
0x59b: {  	_ =	strace $0x90000047  }
0x59c: {  	s0 =	stileid.u32;
	[bflag:$0x2] =	sbarrier.arrive $0xFFFF  }
0x59d: {  	p0 =	sne.s32 s0, $0x0;
	s0 =	rddreg [dreg:$0x3]  }
0x59e: {  	s0 =	sadd.s32 @!p0 $0x100000, s0  }
0x59f: {  	[sflag:s0] =	ssyncadd.tile.s32 @!p0 $0x1;
	_ =	shalt  }
.Lfunc_end2:
_tile_overlayer_lowered:
.L_overlay_start_2:
0x5a0: {  	(tag) =	ssettag $0x2  }
0x5a1: {  	s0 =	rddreg [dreg:$0x0];
	s2 =	stileid.u32  }
0x5a2: {  	s1 =	rddreg [dreg:$0x1];
	p0 =	sne.s32 s2, $0x0  }
0x5a3: {  	s3 =	rddreg [dreg:$0x2];
	[bflag:$0x3] =	sbarrier.arrive $0xFFFF;
	s2 =	simm.s32 @!p0 $0x1C04  }
0x5a4: {  	[timem:s3], [sflag:s2] =	dma.local @!p0 [hbm:s0], s1  }
0x5a5: {  	s0 =	simm.s32 @!p0 $0x4  }
0x5a6: {  	_ =	swait.ge @!p0 [sflag:s0], s1  }
0x5a7: {  	s1 =	ssub.s32 @!p0 $0x0, s1;
	[sflag:s0] =	ssyncset.done @!p0 $0x0  }
0x5a8: {  	[sflag:s0] =	ssyncadd.s32 @!p0 s1  }
0x5a9: {  	[bflag:$0x3] =	sbarrier.arrive $0xFFFF  }
0x5aa: {  	_ =	shalt  }

</sc_bundles>
